<compile_context>
chip_gen: v7x
topology: tpu7x:2x2x1
jax: 0.10.2.dev20260603
libtpu: 0.0.44.dev20260713+nightly
codegen_flags: <defaults>
</compile_context>

<pallas_src>
import functools

import jax
import jax.numpy as jnp
from jax import lax
from jax.experimental import pallas as pl
from jax.experimental.pallas import tpu as pltpu
from jax.experimental.pallas import tpu_sc as plsc

EMB = 32
HIDDEN = 128
B = 16384

NC = 2
NS = 16
NW = NC * NS
B_PER_W = B // NW
CH = 8
N_CH = B_PER_W // CH


def _make_gather():
    mesh = plsc.VectorSubcoreMesh(core_axis_name="c", subcore_axis_name="s")

    @functools.partial(
        pl.kernel,
        out_type=[
            jax.ShapeDtypeStruct((EMB, B), jnp.float32),
            jax.ShapeDtypeStruct((EMB, B), jnp.float32),
        ],
        mesh=mesh,
        scratch_types=[
            pltpu.VMEM((B_PER_W,), jnp.int32),
            pltpu.VMEM((B_PER_W,), jnp.int32),
            pltpu.VMEM((CH * EMB, 128), jnp.float32),
            pltpu.VMEM((CH * EMB, 128), jnp.float32),
            pltpu.VMEM((CH * 8, EMB), jnp.float32),
            pltpu.VMEM((CH * 8, EMB), jnp.float32),
            pltpu.VMEM((EMB, B_PER_W), jnp.float32),
            pltpu.VMEM((EMB, B_PER_W), jnp.float32),
            pltpu.SemaphoreType.DMA,
            pltpu.SemaphoreType.DMA,
            pltpu.SemaphoreType.DMA,
            pltpu.SemaphoreType.DMA,
        ],
        compiler_params=pltpu.CompilerParams(needs_layout_passes=False),
    )
    def gather_k(uid_hbm, mid_hbm, ut_hbm, memb_hbm, uout_hbm, mout_hbm,
                 uid_v, mid_v, ub0, ub1, mb0, mb1, ucols_v, mcols_v,
                 us0, us1, ms0, ms1):
        wid = lax.axis_index("s") * NC + lax.axis_index("c")
        base = pl.multiple_of(wid * B_PER_W, B_PER_W)
        pltpu.sync_copy(uid_hbm.at[pl.ds(base, B_PER_W)], uid_v)
        pltpu.sync_copy(mid_hbm.at[pl.ds(base, B_PER_W)], mid_v)
        iota = lax.iota(jnp.int32, 16)

        def fire(c, ub, mb, usem, msem):
            gidx = jnp.full((16,), c * CH, jnp.int32) + iota
            uvec = plsc.load_gather(uid_v, [gidx])
            mvec = plsc.load_gather(mid_v, [gidx])
            for l in range(CH):
                ui = uvec[l]
                mi = mvec[l]
                col0 = pl.multiple_of((ui >> 7) * 128, 128)
                pltpu.make_async_copy(
                    ut_hbm.at[:, pl.ds(col0, 128)],
                    ub.at[pl.ds(l * EMB, EMB), :], usem).start()
                mr0 = pl.multiple_of((mi >> 3) * 8, 8)
                pltpu.make_async_copy(
                    memb_hbm.at[pl.ds(mr0, 8), :],
                    mb.at[pl.ds(l * 8, 8), :], msem).start()
            return uvec, mvec

        def drain_extract(c, ub, mb, usem, msem, uvec, mvec):
            for l in range(CH):
                pltpu.make_async_copy(
                    ut_hbm.at[:, pl.ds(0, 128)],
                    ub.at[pl.ds(l * EMB, EMB), :], usem).wait()
            pltpu.make_async_copy(
                memb_hbm.at[pl.ds(0, CH * 8), :], mb, msem).wait()
            for l in range(CH):
                ui = uvec[l]
                mi = mvec[l]
                lane = jnp.full((16,), ui & 127, jnp.int32)
                mrow = jnp.full((16,), l * 8 + (mi & 7), jnp.int32)
                col = jnp.full((16,), c * CH + l, jnp.int32)
                for half in range(2):
                    out_rows = iota + half * 16
                    rows = jnp.full((16,), l * EMB + half * 16,
                                    jnp.int32) + iota
                    uvals = plsc.load_gather(ub, [rows, lane])
                    plsc.store_scatter(ucols_v, [out_rows, col], uvals)
                    mvals = plsc.load_gather(mb, [mrow, out_rows])
                    plsc.store_scatter(mcols_v, [out_rows, col], mvals)

        uv0, mv0 = fire(0, ub0, mb0, us0, ms0)

        def body(c2, carry):
            uva, mva = carry
            ca = 2 * c2
            uvb, mvb = fire(ca + 1, ub1, mb1, us1, ms1)
            drain_extract(ca, ub0, mb0, us0, ms0, uva, mva)
            uvc, mvc = fire(ca + 2, ub0, mb0, us0, ms0)
            drain_extract(ca + 1, ub1, mb1, us1, ms1, uvb, mvb)
            return (uvc, mvc)

        uvl, mvl = lax.fori_loop(0, N_CH // 2 - 1, body, (uv0, mv0))
        uvz, mvz = fire(N_CH - 1, ub1, mb1, us1, ms1)
        drain_extract(N_CH - 2, ub0, mb0, us0, ms0, uvl, mvl)
        drain_extract(N_CH - 1, ub1, mb1, us1, ms1, uvz, mvz)

        pltpu.sync_copy(ucols_v, uout_hbm.at[:, pl.ds(base, B_PER_W)])
        pltpu.sync_copy(mcols_v, mout_hbm.at[:, pl.ds(base, B_PER_W)])

    return gather_k


_gather = _make_gather()

_BLK = 4096


def _mlp_body(ut_ref, mt_ref, w1u_ref, w1m_ref, b1_ref, w2_ref, b2_ref,
              o_ref):
    dn = (((0,), (0,)), ((), ()))
    h = (lax.dot_general(ut_ref[...], w1u_ref[...], dn,
                         preferred_element_type=jnp.float32)
         + lax.dot_general(mt_ref[...], w1m_ref[...], dn,
                           preferred_element_type=jnp.float32)
         + b1_ref[...])
    h = jnp.maximum(h, 0.0)
    o_ref[...] = jnp.sum(h * w2_ref[...], axis=1) + b2_ref[0, 0]


def _mlp(ut, mt, w1u, w1m, b1, w2, b2):
    return pl.pallas_call(
        _mlp_body,
        grid=(B // _BLK,),
        in_specs=[
            pl.BlockSpec((EMB, _BLK), lambda i: (0, i)),
            pl.BlockSpec((EMB, _BLK), lambda i: (0, i)),
            pl.BlockSpec((EMB, HIDDEN), lambda i: (0, 0)),
            pl.BlockSpec((EMB, HIDDEN), lambda i: (0, 0)),
            pl.BlockSpec((1, HIDDEN), lambda i: (0, 0)),
            pl.BlockSpec((1, HIDDEN), lambda i: (0, 0)),
            pl.BlockSpec((1, 1), lambda i: (0, 0)),
        ],
        out_specs=pl.BlockSpec((_BLK,), lambda i: (i,)),
        out_shape=jax.ShapeDtypeStruct((B,), jnp.float32),
    )(ut, mt, w1u, w1m, b1, w2, b2)


def kernel(user_ids, movie_ids, user_emb, movie_emb, W1, b1, W2, b2):
    uid = user_ids.astype(jnp.int32)
    mid = movie_ids.astype(jnp.int32)
    ut, mt = _gather(uid, mid, user_emb.T, movie_emb)
    y = _mlp(ut, mt, W1[:EMB], W1[EMB:], b1.reshape(1, HIDDEN),
             W2.reshape(1, HIDDEN), b2.reshape(1, 1))
    return y

# --- scband reference (transcript-rebuilt; emitter-appended) ---
"""Pipeline reference for scband-recommender-80324478370091 (READ-ONLY COPY).

The authoritative reference and input builder live on the scoring server;
editing this copy changes nothing except your own understanding.
"""

import jax, jax.numpy as jnp
import numpy as np

N_USERS = 1000000
N_MOVIES = 100000
EMB = 32
HIDDEN = 128
B = 16384


def setup_inputs(seed: int = 0) -> dict:
    key = jax.random.key(seed)
    ks = jax.random.split(key, 8)
    user_ids = jax.random.randint(ks[0], (B,), 0, N_USERS, dtype=jnp.int64) if jax.config.jax_enable_x64 else jax.random.randint(ks[0], (B,), 0, N_USERS)
    movie_ids = jax.random.randint(ks[1], (B,), 0, N_MOVIES)
    user_emb = jax.random.normal(ks[2], (N_USERS, EMB), dtype=jnp.float32) * 0.02
    movie_emb = jax.random.normal(ks[3], (N_MOVIES, EMB), dtype=jnp.float32) * 0.02
    W1 = jax.random.normal(ks[4], (2 * EMB, HIDDEN), dtype=jnp.float32) * 0.05
    b1 = jnp.zeros((HIDDEN,), dtype=jnp.float32)
    W2 = jax.random.normal(ks[5], (HIDDEN, 1), dtype=jnp.float32) * 0.05
    b2 = jnp.zeros((1,), dtype=jnp.float32)
    return {
        "user_ids": user_ids,
        "movie_ids": movie_ids,
        "user_emb": user_emb,
        "movie_emb": movie_emb,
        "W1": W1,
        "b1": b1,
        "W2": W2,
        "b2": b2,
    }


def reference(user_ids, movie_ids, user_emb, movie_emb, W1, b1, W2, b2):
    user_vec = jnp.take(user_emb, user_ids, axis=0)
    movie_vec = jnp.take(movie_emb, movie_ids, axis=0)
    x = jnp.concatenate([user_vec, movie_vec], axis=1)
    x = jax.nn.relu(x @ W1 + b1)
    x = x @ W2 + b2
    return x.reshape(-1)

if __name__ == "__main__":
    import jax
    _d = setup_inputs()
    print(jax.jit(kernel)(*tuple(_d.values())))

</pallas_src>

<mosaic_0001>
#map = affine_map<(d0, d1) -> (0)>
#map1 = affine_map<(d0, d1) -> (0, 0)>
module attributes {stable_mosaic.version = 14 : i64} {
  func.func @gather_k(%arg0: i32, %arg1: i32, %arg2: memref<16384xi32, #tpu.memory_space<hbm>>, %arg3: memref<16384xi32, #tpu.memory_space<hbm>>, %arg4: memref<32x1000000xf32, #tpu.memory_space<hbm>>, %arg5: memref<100000x32xf32, #tpu.memory_space<hbm>>, %arg6: memref<32x16384xf32, #tpu.memory_space<hbm>>, %arg7: memref<32x16384xf32, #tpu.memory_space<hbm>>, %arg8: memref<512xi32, #tpu.memory_space<vmem>>, %arg9: memref<512xi32, #tpu.memory_space<vmem>>, %arg10: memref<256x128xf32, #tpu.memory_space<vmem>>, %arg11: memref<256x128xf32, #tpu.memory_space<vmem>>, %arg12: memref<64x32xf32, #tpu.memory_space<vmem>>, %arg13: memref<64x32xf32, #tpu.memory_space<vmem>>, %arg14: memref<32x512xf32, #tpu.memory_space<vmem>>, %arg15: memref<32x512xf32, #tpu.memory_space<vmem>>, %arg16: memref<!tpu.dma_semaphore, #tpu.memory_space<semaphore_mem>>, %arg17: memref<!tpu.dma_semaphore, #tpu.memory_space<semaphore_mem>>, %arg18: memref<!tpu.dma_semaphore, #tpu.memory_space<semaphore_mem>>, %arg19: memref<!tpu.dma_semaphore, #tpu.memory_space<semaphore_mem>>) attributes {dimension_semantics = [#tpu.dimension_semantics<core_parallel>, #tpu.dimension_semantics<subcore_parallel>], iteration_bounds = array<i64: 2, 16>, scalar_prefetch = 0 : i64, scratch_operands = 12 : i64, tpu.core_type = #tpu.core_type<sc_vector_subcore>, window_params = [{transform_indices = #map}, {transform_indices = #map}, {transform_indices = #map1}, {transform_indices = #map1}, {transform_indices = #map1}, {transform_indices = #map1}]} {
    %mul3A = arith.constant 2 : i32
    %mul3A_0 = arith.muli %arg1, %mul3A : i32
    %add3A = arith.addi %mul3A_0, %arg0 : i32
    %mul3A_1 = arith.constant 512 : i32
    %mul3A_2 = arith.muli %add3A, %mul3A_1 : i32
    %multiple_of3A = tpu.assume_multiple %mul3A_2, 512 : i32
    "tpu.region"() ({
      %run_scoped3A = tpu.sem_alloc : memref<!tpu.dma_semaphore, #tpu.memory_space<semaphore_mem>>
      %dma_start3A_1238 = tpu.memref_slice %arg2[%multiple_of3A] : memref<16384xi32, #tpu.memory_space<hbm>> -> memref<512xi32, #tpu.memory_space<hbm>>
      %dma_start3A_1239 = tpu.memref_slice %arg2[%multiple_of3A] : memref<16384xi32, #tpu.memory_space<hbm>> -> memref<512xi32, #tpu.memory_space<hbm>>
      tpu.enqueue_dma source(%dma_start3A_1239 : memref<512xi32, #tpu.memory_space<hbm>>) target(%arg8 : memref<512xi32, #tpu.memory_space<vmem>>) target_semaphore(%run_scoped3A : memref<!tpu.dma_semaphore, #tpu.memory_space<semaphore_mem>>)
      %dma_wait3A_1240 = tpu.memref_slice %arg2[%multiple_of3A] : memref<16384xi32, #tpu.memory_space<hbm>> -> memref<512xi32, #tpu.memory_space<hbm>>
      %dma_wait3A_1241 = tpu.memref_slice %arg2[%multiple_of3A] : memref<16384xi32, #tpu.memory_space<hbm>> -> memref<512xi32, #tpu.memory_space<hbm>>
      tpu.wait_dma2 semaphore(%run_scoped3A : memref<!tpu.dma_semaphore, #tpu.memory_space<semaphore_mem>>) src(%dma_wait3A_1241 : memref<512xi32, #tpu.memory_space<hbm>>) dst(%arg8 : memref<512xi32, #tpu.memory_space<vmem>>)
      tpu.yield
    }) : () -> ()
    "tpu.region"() ({
      %run_scoped3A = tpu.sem_alloc : memref<!tpu.dma_semaphore, #tpu.memory_space<semaphore_mem>>
      %dma_start3A_1238 = tpu.memref_slice %arg3[%multiple_of3A] : memref<16384xi32, #tpu.memory_space<hbm>> -> memref<512xi32, #tpu.memory_space<hbm>>
      %dma_start3A_1239 = tpu.memref_slice %arg3[%multiple_of3A] : memref<16384xi32, #tpu.memory_space<hbm>> -> memref<512xi32, #tpu.memory_space<hbm>>
      tpu.enqueue_dma source(%dma_start3A_1239 : memref<512xi32, #tpu.memory_space<hbm>>) target(%arg9 : memref<512xi32, #tpu.memory_space<vmem>>) target_semaphore(%run_scoped3A : memref<!tpu.dma_semaphore, #tpu.memory_space<semaphore_mem>>)
      %dma_wait3A_1240 = tpu.memref_slice %arg3[%multiple_of3A] : memref<16384xi32, #tpu.memory_space<hbm>> -> memref<512xi32, #tpu.memory_space<hbm>>
      %dma_wait3A_1241 = tpu.memref_slice %arg3[%multiple_of3A] : memref<16384xi32, #tpu.memory_space<hbm>> -> memref<512xi32, #tpu.memory_space<hbm>>
      tpu.wait_dma2 semaphore(%run_scoped3A : memref<!tpu.dma_semaphore, #tpu.memory_space<semaphore_mem>>) src(%dma_wait3A_1241 : memref<512xi32, #tpu.memory_space<hbm>>) dst(%arg9 : memref<512xi32, #tpu.memory_space<vmem>>)
      tpu.yield
    }) : () -> ()
    %iota3A = tpu.iota {dimensions = array<i32: 0>} : vector<16xi32>
    %broadcast_in_dim3A = arith.constant 0 : i32
    %broadcast_in_dim3A_3 = vector.broadcast %broadcast_in_dim3A : i32 to vector<16xi32>
    %add3A_4 = arith.addi %broadcast_in_dim3A_3, %iota3A : vector<16xi32>
    %gather3A = tpu.vector_load_idx %arg8[%add3A_4] : memref<512xi32, #tpu.memory_space<vmem>>[vector<16xi32>], vector<16xi32>,
    %gather3A_5 = tpu.vector_load_idx %arg9[%add3A_4] : memref<512xi32, #tpu.memory_space<vmem>>[vector<16xi32>], vector<16xi32>,
    %slice3A = vector.extract_strided_slice %gather3A {offsets = [0], sizes = [1], strides = [1]} : vector<16xi32> to vector<1xi32>
    %squeeze3A = vector.extract %slice3A[0] : i32 from vector<1xi32>
    %slice3A_6 = vector.extract_strided_slice %gather3A_5 {offsets = [0], sizes = [1], strides = [1]} : vector<16xi32> to vector<1xi32>
    %squeeze3A_7 = vector.extract %slice3A_6[0] : i32 from vector<1xi32>
    %shift_right_arithmetic3A = arith.constant 7 : i32
    %shift_right_arithmetic3A_8 = arith.shrsi %squeeze3A, %shift_right_arithmetic3A : i32
    %mul3A_9 = arith.constant 128 : i32
    %mul3A_10 = arith.muli %shift_right_arithmetic3A_8, %mul3A_9 : i32
    %multiple_of3A_11 = tpu.assume_multiple %mul3A_10, 128 : i32
    %dma_start3A = arith.constant 0 : i32
    %dma_start3A_12 = arith.constant 0 : i32
    %dma_start3A_13 = tpu.memref_slice %arg10[%dma_start3A, %dma_start3A_12] : memref<256x128xf32, #tpu.memory_space<vmem>> -> memref<32x128xf32, #tpu.memory_space<vmem>>
    %dma_start3A_14 = arith.constant 0 : i32
    %dma_start3A_15 = tpu.memref_slice %arg4[%dma_start3A_14, %multiple_of3A_11] : memref<32x1000000xf32, #tpu.memory_space<hbm>> -> memref<32x128xf32, #tpu.memory_space<hbm>>
    %dma_start3A_16 = arith.constant 0 : i32
    %dma_start3A_17 = arith.constant 0 : i32
    %dma_start3A_18 = tpu.memref_slice %arg10[%dma_start3A_16, %dma_start3A_17] : memref<256x128xf32, #tpu.memory_space<vmem>> -> memref<32x128xf32, #tpu.memory_space<vmem>>
    %dma_start3A_19 = arith.constant 0 : i32
    %dma_start3A_20 = tpu.memref_slice %arg4[%dma_start3A_19, %multiple_of3A_11] : memref<32x1000000xf32, #tpu.memory_space<hbm>> -> memref<32x128xf32, #tpu.memory_space<hbm>>
    tpu.enqueue_dma source(%dma_start3A_20 : memref<32x128xf32, #tpu.memory_space<hbm>>) target(%dma_start3A_18 : memref<32x128xf32, #tpu.memory_space<vmem>>) target_semaphore(%arg16 : memref<!tpu.dma_semaphore, #tpu.memory_space<semaphore_mem>>)
    %shift_right_arithmetic3A_21 = arith.constant 3 : i32
    %shift_right_arithmetic3A_22 = arith.shrsi %squeeze3A_7, %shift_right_arithmetic3A_21 : i32
    %mul3A_23 = arith.constant 8 : i32
    %mul3A_24 = arith.muli %shift_right_arithmetic3A_22, %mul3A_23 : i32
    %multiple_of3A_25 = tpu.assume_multiple %mul3A_24, 8 : i32
    %dma_start3A_26 = arith.constant 0 : i32
    %dma_start3A_27 = arith.constant 0 : i32
    %dma_start3A_28 = tpu.memref_slice %arg12[%dma_start3A_26, %dma_start3A_27] : memref<64x32xf32, #tpu.memory_space<vmem>> -> memref<8x32xf32, #tpu.memory_space<vmem>>
    %dma_start3A_29 = arith.constant 0 : i32
    %dma_start3A_30 = tpu.memref_slice %arg5[%multiple_of3A_25, %dma_start3A_29] : memref<100000x32xf32, #tpu.memory_space<hbm>> -> memref<8x32xf32, #tpu.memory_space<hbm>>
    %dma_start3A_31 = arith.constant 0 : i32
    %dma_start3A_32 = arith.constant 0 : i32
    %dma_start3A_33 = tpu.memref_slice %arg12[%dma_start3A_31, %dma_start3A_32] : memref<64x32xf32, #tpu.memory_space<vmem>> -> memref<8x32xf32, #tpu.memory_space<vmem>>
    %dma_start3A_34 = arith.constant 0 : i32
    %dma_start3A_35 = tpu.memref_slice %arg5[%multiple_of3A_25, %dma_start3A_34] : memref<100000x32xf32, #tpu.memory_space<hbm>> -> memref<8x32xf32, #tpu.memory_space<hbm>>
    tpu.enqueue_dma source(%dma_start3A_35 : memref<8x32xf32, #tpu.memory_space<hbm>>) target(%dma_start3A_33 : memref<8x32xf32, #tpu.memory_space<vmem>>) target_semaphore(%arg18 : memref<!tpu.dma_semaphore, #tpu.memory_space<semaphore_mem>>)
    %slice3A_36 = vector.extract_strided_slice %gather3A {offsets = [1], sizes = [1], strides = [1]} : vector<16xi32> to vector<1xi32>
    %squeeze3A_37 = vector.extract %slice3A_36[0] : i32 from vector<1xi32>
    %slice3A_38 = vector.extract_strided_slice %gather3A_5 {offsets = [1], sizes = [1], strides = [1]} : vector<16xi32> to vector<1xi32>
    %squeeze3A_39 = vector.extract %slice3A_38[0] : i32 from vector<1xi32>
    %shift_right_arithmetic3A_40 = arith.constant 7 : i32
    %shift_right_arithmetic3A_41 = arith.shrsi %squeeze3A_37, %shift_right_arithmetic3A_40 : i32
    %mul3A_42 = arith.constant 128 : i32
    %mul3A_43 = arith.muli %shift_right_arithmetic3A_41, %mul3A_42 : i32
    %multiple_of3A_44 = tpu.assume_multiple %mul3A_43, 128 : i32
    %dma_start3A_45 = arith.constant 32 : i32
    %dma_start3A_46 = arith.constant 0 : i32
    %dma_start3A_47 = tpu.memref_slice %arg10[%dma_start3A_45, %dma_start3A_46] : memref<256x128xf32, #tpu.memory_space<vmem>> -> memref<32x128xf32, #tpu.memory_space<vmem>>
    %dma_start3A_48 = arith.constant 0 : i32
    %dma_start3A_49 = tpu.memref_slice %arg4[%dma_start3A_48, %multiple_of3A_44] : memref<32x1000000xf32, #tpu.memory_space<hbm>> -> memref<32x128xf32, #tpu.memory_space<hbm>>
    %dma_start3A_50 = arith.constant 32 : i32
    %dma_start3A_51 = arith.constant 0 : i32
    %dma_start3A_52 = tpu.memref_slice %arg10[%dma_start3A_50, %dma_start3A_51] : memref<256x128xf32, #tpu.memory_space<vmem>> -> memref<32x128xf32, #tpu.memory_space<vmem>>
    %dma_start3A_53 = arith.constant 0 : i32
    %dma_start3A_54 = tpu.memref_slice %arg4[%dma_start3A_53, %multiple_of3A_44] : memref<32x1000000xf32, #tpu.memory_space<hbm>> -> memref<32x128xf32, #tpu.memory_space<hbm>>
    tpu.enqueue_dma source(%dma_start3A_54 : memref<32x128xf32, #tpu.memory_space<hbm>>) target(%dma_start3A_52 : memref<32x128xf32, #tpu.memory_space<vmem>>) target_semaphore(%arg16 : memref<!tpu.dma_semaphore, #tpu.memory_space<semaphore_mem>>)
    %shift_right_arithmetic3A_55 = arith.constant 3 : i32
    %shift_right_arithmetic3A_56 = arith.shrsi %squeeze3A_39, %shift_right_arithmetic3A_55 : i32
    %mul3A_57 = arith.constant 8 : i32
    %mul3A_58 = arith.muli %shift_right_arithmetic3A_56, %mul3A_57 : i32
    %multiple_of3A_59 = tpu.assume_multiple %mul3A_58, 8 : i32
    %dma_start3A_60 = arith.constant 8 : i32
    %dma_start3A_61 = arith.constant 0 : i32
    %dma_start3A_62 = tpu.memref_slice %arg12[%dma_start3A_60, %dma_start3A_61] : memref<64x32xf32, #tpu.memory_space<vmem>> -> memref<8x32xf32, #tpu.memory_space<vmem>>
    %dma_start3A_63 = arith.constant 0 : i32
    %dma_start3A_64 = tpu.memref_slice %arg5[%multiple_of3A_59, %dma_start3A_63] : memref<100000x32xf32, #tpu.memory_space<hbm>> -> memref<8x32xf32, #tpu.memory_space<hbm>>
    %dma_start3A_65 = arith.constant 8 : i32
    %dma_start3A_66 = arith.constant 0 : i32
    %dma_start3A_67 = tpu.memref_slice %arg12[%dma_start3A_65, %dma_start3A_66] : memref<64x32xf32, #tpu.memory_space<vmem>> -> memref<8x32xf32, #tpu.memory_space<vmem>>
    %dma_start3A_68 = arith.constant 0 : i32
    %dma_start3A_69 = tpu.memref_slice %arg5[%multiple_of3A_59, %dma_start3A_68] : memref<100000x32xf32, #tpu.memory_space<hbm>> -> memref<8x32xf32, #tpu.memory_space<hbm>>
    tpu.enqueue_dma source(%dma_start3A_69 : memref<8x32xf32, #tpu.memory_space<hbm>>) target(%dma_start3A_67 : memref<8x32xf32, #tpu.memory_space<vmem>>) target_semaphore(%arg18 : memref<!tpu.dma_semaphore, #tpu.memory_space<semaphore_mem>>)
    %slice3A_70 = vector.extract_strided_slice %gather3A {offsets = [2], sizes = [1], strides = [1]} : vector<16xi32> to vector<1xi32>
    %squeeze3A_71 = vector.extract %slice3A_70[0] : i32 from vector<1xi32>
    %slice3A_72 = vector.extract_strided_slice %gather3A_5 {offsets = [2], sizes = [1], strides = [1]} : vector<16xi32> to vector<1xi32>
    %squeeze3A_73 = vector.extract %slice3A_72[0] : i32 from vector<1xi32>
    %shift_right_arithmetic3A_74 = arith.constant 7 : i32
    %shift_right_arithmetic3A_75 = arith.shrsi %squeeze3A_71, %shift_right_arithmetic3A_74 : i32
    %mul3A_76 = arith.constant 128 : i32
    %mul3A_77 = arith.muli %shift_right_arithmetic3A_75, %mul3A_76 : i32
    %multiple_of3A_78 = tpu.assume_multiple %mul3A_77, 128 : i32
    %dma_start3A_79 = arith.constant 64 : i32
    %dma_start3A_80 = arith.constant 0 : i32
    %dma_start3A_81 = tpu.memref_slice %arg10[%dma_start3A_79, %dma_start3A_80] : memref<256x128xf32, #tpu.memory_space<vmem>> -> memref<32x128xf32, #tpu.memory_space<vmem>>
    %dma_start3A_82 = arith.constant 0 : i32
    %dma_start3A_83 = tpu.memref_slice %arg4[%dma_start3A_82, %multiple_of3A_78] : memref<32x1000000xf32, #tpu.memory_space<hbm>> -> memref<32x128xf32, #tpu.memory_space<hbm>>
    %dma_start3A_84 = arith.constant 64 : i32
    %dma_start3A_85 = arith.constant 0 : i32
    %dma_start3A_86 = tpu.memref_slice %arg10[%dma_start3A_84, %dma_start3A_85] : memref<256x128xf32, #tpu.memory_space<vmem>> -> memref<32x128xf32, #tpu.memory_space<vmem>>
    %dma_start3A_87 = arith.constant 0 : i32
    %dma_start3A_88 = tpu.memref_slice %arg4[%dma_start3A_87, %multiple_of3A_78] : memref<32x1000000xf32, #tpu.memory_space<hbm>> -> memref<32x128xf32, #tpu.memory_space<hbm>>
    tpu.enqueue_dma source(%dma_start3A_88 : memref<32x128xf32, #tpu.memory_space<hbm>>) target(%dma_start3A_86 : memref<32x128xf32, #tpu.memory_space<vmem>>) target_semaphore(%arg16 : memref<!tpu.dma_semaphore, #tpu.memory_space<semaphore_mem>>)
    %shift_right_arithmetic3A_89 = arith.constant 3 : i32
    %shift_right_arithmetic3A_90 = arith.shrsi %squeeze3A_73, %shift_right_arithmetic3A_89 : i32
    %mul3A_91 = arith.constant 8 : i32
    %mul3A_92 = arith.muli %shift_right_arithmetic3A_90, %mul3A_91 : i32
    %multiple_of3A_93 = tpu.assume_multiple %mul3A_92, 8 : i32
    %dma_start3A_94 = arith.constant 16 : i32
    %dma_start3A_95 = arith.constant 0 : i32
    %dma_start3A_96 = tpu.memref_slice %arg12[%dma_start3A_94, %dma_start3A_95] : memref<64x32xf32, #tpu.memory_space<vmem>> -> memref<8x32xf32, #tpu.memory_space<vmem>>
    %dma_start3A_97 = arith.constant 0 : i32
    %dma_start3A_98 = tpu.memref_slice %arg5[%multiple_of3A_93, %dma_start3A_97] : memref<100000x32xf32, #tpu.memory_space<hbm>> -> memref<8x32xf32, #tpu.memory_space<hbm>>
    %dma_start3A_99 = arith.constant 16 : i32
    %dma_start3A_100 = arith.constant 0 : i32
    %dma_start3A_101 = tpu.memref_slice %arg12[%dma_start3A_99, %dma_start3A_100] : memref<64x32xf32, #tpu.memory_space<vmem>> -> memref<8x32xf32, #tpu.memory_space<vmem>>
    %dma_start3A_102 = arith.constant 0 : i32
    %dma_start3A_103 = tpu.memref_slice %arg5[%multiple_of3A_93, %dma_start3A_102] : memref<100000x32xf32, #tpu.memory_space<hbm>> -> memref<8x32xf32, #tpu.memory_space<hbm>>
    tpu.enqueue_dma source(%dma_start3A_103 : memref<8x32xf32, #tpu.memory_space<hbm>>) target(%dma_start3A_101 : memref<8x32xf32, #tpu.memory_space<vmem>>) target_semaphore(%arg18 : memref<!tpu.dma_semaphore, #tpu.memory_space<semaphore_mem>>)
    %slice3A_104 = vector.extract_strided_slice %gather3A {offsets = [3], sizes = [1], strides = [1]} : vector<16xi32> to vector<1xi32>
    %squeeze3A_105 = vector.extract %slice3A_104[0] : i32 from vector<1xi32>
    %slice3A_106 = vector.extract_strided_slice %gather3A_5 {offsets = [3], sizes = [1], strides = [1]} : vector<16xi32> to vector<1xi32>
    %squeeze3A_107 = vector.extract %slice3A_106[0] : i32 from vector<1xi32>
    %shift_right_arithmetic3A_108 = arith.constant 7 : i32
    %shift_right_arithmetic3A_109 = arith.shrsi %squeeze3A_105, %shift_right_arithmetic3A_108 : i32
    %mul3A_110 = arith.constant 128 : i32
    %mul3A_111 = arith.muli %shift_right_arithmetic3A_109, %mul3A_110 : i32
    %multiple_of3A_112 = tpu.assume_multiple %mul3A_111, 128 : i32
    %dma_start3A_113 = arith.constant 96 : i32
    %dma_start3A_114 = arith.constant 0 : i32
    %dma_start3A_115 = tpu.memref_slice %arg10[%dma_start3A_113, %dma_start3A_114] : memref<256x128xf32, #tpu.memory_space<vmem>> -> memref<32x128xf32, #tpu.memory_space<vmem>>
    %dma_start3A_116 = arith.constant 0 : i32
    %dma_start3A_117 = tpu.memref_slice %arg4[%dma_start3A_116, %multiple_of3A_112] : memref<32x1000000xf32, #tpu.memory_space<hbm>> -> memref<32x128xf32, #tpu.memory_space<hbm>>
    %dma_start3A_118 = arith.constant 96 : i32
    %dma_start3A_119 = arith.constant 0 : i32
    %dma_start3A_120 = tpu.memref_slice %arg10[%dma_start3A_118, %dma_start3A_119] : memref<256x128xf32, #tpu.memory_space<vmem>> -> memref<32x128xf32, #tpu.memory_space<vmem>>
    %dma_start3A_121 = arith.constant 0 : i32
    %dma_start3A_122 = tpu.memref_slice %arg4[%dma_start3A_121, %multiple_of3A_112] : memref<32x1000000xf32, #tpu.memory_space<hbm>> -> memref<32x128xf32, #tpu.memory_space<hbm>>
    tpu.enqueue_dma source(%dma_start3A_122 : memref<32x128xf32, #tpu.memory_space<hbm>>) target(%dma_start3A_120 : memref<32x128xf32, #tpu.memory_space<vmem>>) target_semaphore(%arg16 : memref<!tpu.dma_semaphore, #tpu.memory_space<semaphore_mem>>)
    %shift_right_arithmetic3A_123 = arith.constant 3 : i32
    %shift_right_arithmetic3A_124 = arith.shrsi %squeeze3A_107, %shift_right_arithmetic3A_123 : i32
    %mul3A_125 = arith.constant 8 : i32
    %mul3A_126 = arith.muli %shift_right_arithmetic3A_124, %mul3A_125 : i32
    %multiple_of3A_127 = tpu.assume_multiple %mul3A_126, 8 : i32
    %dma_start3A_128 = arith.constant 24 : i32
    %dma_start3A_129 = arith.constant 0 : i32
    %dma_start3A_130 = tpu.memref_slice %arg12[%dma_start3A_128, %dma_start3A_129] : memref<64x32xf32, #tpu.memory_space<vmem>> -> memref<8x32xf32, #tpu.memory_space<vmem>>
    %dma_start3A_131 = arith.constant 0 : i32
    %dma_start3A_132 = tpu.memref_slice %arg5[%multiple_of3A_127, %dma_start3A_131] : memref<100000x32xf32, #tpu.memory_space<hbm>> -> memref<8x32xf32, #tpu.memory_space<hbm>>
    %dma_start3A_133 = arith.constant 24 : i32
    %dma_start3A_134 = arith.constant 0 : i32
    %dma_start3A_135 = tpu.memref_slice %arg12[%dma_start3A_133, %dma_start3A_134] : memref<64x32xf32, #tpu.memory_space<vmem>> -> memref<8x32xf32, #tpu.memory_space<vmem>>
    %dma_start3A_136 = arith.constant 0 : i32
    %dma_start3A_137 = tpu.memref_slice %arg5[%multiple_of3A_127, %dma_start3A_136] : memref<100000x32xf32, #tpu.memory_space<hbm>> -> memref<8x32xf32, #tpu.memory_space<hbm>>
    tpu.enqueue_dma source(%dma_start3A_137 : memref<8x32xf32, #tpu.memory_space<hbm>>) target(%dma_start3A_135 : memref<8x32xf32, #tpu.memory_space<vmem>>) target_semaphore(%arg18 : memref<!tpu.dma_semaphore, #tpu.memory_space<semaphore_mem>>)
    %slice3A_138 = vector.extract_strided_slice %gather3A {offsets = [4], sizes = [1], strides = [1]} : vector<16xi32> to vector<1xi32>
    %squeeze3A_139 = vector.extract %slice3A_138[0] : i32 from vector<1xi32>
    %slice3A_140 = vector.extract_strided_slice %gather3A_5 {offsets = [4], sizes = [1], strides = [1]} : vector<16xi32> to vector<1xi32>
    %squeeze3A_141 = vector.extract %slice3A_140[0] : i32 from vector<1xi32>
    %shift_right_arithmetic3A_142 = arith.constant 7 : i32
    %shift_right_arithmetic3A_143 = arith.shrsi %squeeze3A_139, %shift_right_arithmetic3A_142 : i32
    %mul3A_144 = arith.constant 128 : i32
    %mul3A_145 = arith.muli %shift_right_arithmetic3A_143, %mul3A_144 : i32
    %multiple_of3A_146 = tpu.assume_multiple %mul3A_145, 128 : i32
    %dma_start3A_147 = arith.constant 128 : i32
    %dma_start3A_148 = arith.constant 0 : i32
    %dma_start3A_149 = tpu.memref_slice %arg10[%dma_start3A_147, %dma_start3A_148] : memref<256x128xf32, #tpu.memory_space<vmem>> -> memref<32x128xf32, #tpu.memory_space<vmem>>
    %dma_start3A_150 = arith.constant 0 : i32
    %dma_start3A_151 = tpu.memref_slice %arg4[%dma_start3A_150, %multiple_of3A_146] : memref<32x1000000xf32, #tpu.memory_space<hbm>> -> memref<32x128xf32, #tpu.memory_space<hbm>>
    %dma_start3A_152 = arith.constant 128 : i32
    %dma_start3A_153 = arith.constant 0 : i32
    %dma_start3A_154 = tpu.memref_slice %arg10[%dma_start3A_152, %dma_start3A_153] : memref<256x128xf32, #tpu.memory_space<vmem>> -> memref<32x128xf32, #tpu.memory_space<vmem>>
    %dma_start3A_155 = arith.constant 0 : i32
    %dma_start3A_156 = tpu.memref_slice %arg4[%dma_start3A_155, %multiple_of3A_146] : memref<32x1000000xf32, #tpu.memory_space<hbm>> -> memref<32x128xf32, #tpu.memory_space<hbm>>
    tpu.enqueue_dma source(%dma_start3A_156 : memref<32x128xf32, #tpu.memory_space<hbm>>) target(%dma_start3A_154 : memref<32x128xf32, #tpu.memory_space<vmem>>) target_semaphore(%arg16 : memref<!tpu.dma_semaphore, #tpu.memory_space<semaphore_mem>>)
    %shift_right_arithmetic3A_157 = arith.constant 3 : i32
    %shift_right_arithmetic3A_158 = arith.shrsi %squeeze3A_141, %shift_right_arithmetic3A_157 : i32
    %mul3A_159 = arith.constant 8 : i32
    %mul3A_160 = arith.muli %shift_right_arithmetic3A_158, %mul3A_159 : i32
    %multiple_of3A_161 = tpu.assume_multiple %mul3A_160, 8 : i32
    %dma_start3A_162 = arith.constant 32 : i32
    %dma_start3A_163 = arith.constant 0 : i32
    %dma_start3A_164 = tpu.memref_slice %arg12[%dma_start3A_162, %dma_start3A_163] : memref<64x32xf32, #tpu.memory_space<vmem>> -> memref<8x32xf32, #tpu.memory_space<vmem>>
    %dma_start3A_165 = arith.constant 0 : i32
    %dma_start3A_166 = tpu.memref_slice %arg5[%multiple_of3A_161, %dma_start3A_165] : memref<100000x32xf32, #tpu.memory_space<hbm>> -> memref<8x32xf32, #tpu.memory_space<hbm>>
    %dma_start3A_167 = arith.constant 32 : i32
    %dma_start3A_168 = arith.constant 0 : i32
    %dma_start3A_169 = tpu.memref_slice %arg12[%dma_start3A_167, %dma_start3A_168] : memref<64x32xf32, #tpu.memory_space<vmem>> -> memref<8x32xf32, #tpu.memory_space<vmem>>
    %dma_start3A_170 = arith.constant 0 : i32
    %dma_start3A_171 = tpu.memref_slice %arg5[%multiple_of3A_161, %dma_start3A_170] : memref<100000x32xf32, #tpu.memory_space<hbm>> -> memref<8x32xf32, #tpu.memory_space<hbm>>
    tpu.enqueue_dma source(%dma_start3A_171 : memref<8x32xf32, #tpu.memory_space<hbm>>) target(%dma_start3A_169 : memref<8x32xf32, #tpu.memory_space<vmem>>) target_semaphore(%arg18 : memref<!tpu.dma_semaphore, #tpu.memory_space<semaphore_mem>>)
    %slice3A_172 = vector.extract_strided_slice %gather3A {offsets = [5], sizes = [1], strides = [1]} : vector<16xi32> to vector<1xi32>
    %squeeze3A_173 = vector.extract %slice3A_172[0] : i32 from vector<1xi32>
    %slice3A_174 = vector.extract_strided_slice %gather3A_5 {offsets = [5], sizes = [1], strides = [1]} : vector<16xi32> to vector<1xi32>
    %squeeze3A_175 = vector.extract %slice3A_174[0] : i32 from vector<1xi32>
    %shift_right_arithmetic3A_176 = arith.constant 7 : i32
    %shift_right_arithmetic3A_177 = arith.shrsi %squeeze3A_173, %shift_right_arithmetic3A_176 : i32
    %mul3A_178 = arith.constant 128 : i32
    %mul3A_179 = arith.muli %shift_right_arithmetic3A_177, %mul3A_178 : i32
    %multiple_of3A_180 = tpu.assume_multiple %mul3A_179, 128 : i32
    %dma_start3A_181 = arith.constant 160 : i32
    %dma_start3A_182 = arith.constant 0 : i32
    %dma_start3A_183 = tpu.memref_slice %arg10[%dma_start3A_181, %dma_start3A_182] : memref<256x128xf32, #tpu.memory_space<vmem>> -> memref<32x128xf32, #tpu.memory_space<vmem>>
    %dma_start3A_184 = arith.constant 0 : i32
    %dma_start3A_185 = tpu.memref_slice %arg4[%dma_start3A_184, %multiple_of3A_180] : memref<32x1000000xf32, #tpu.memory_space<hbm>> -> memref<32x128xf32, #tpu.memory_space<hbm>>
    %dma_start3A_186 = arith.constant 160 : i32
    %dma_start3A_187 = arith.constant 0 : i32
    %dma_start3A_188 = tpu.memref_slice %arg10[%dma_start3A_186, %dma_start3A_187] : memref<256x128xf32, #tpu.memory_space<vmem>> -> memref<32x128xf32, #tpu.memory_space<vmem>>
    %dma_start3A_189 = arith.constant 0 : i32
    %dma_start3A_190 = tpu.memref_slice %arg4[%dma_start3A_189, %multiple_of3A_180] : memref<32x1000000xf32, #tpu.memory_space<hbm>> -> memref<32x128xf32, #tpu.memory_space<hbm>>
    tpu.enqueue_dma source(%dma_start3A_190 : memref<32x128xf32, #tpu.memory_space<hbm>>) target(%dma_start3A_188 : memref<32x128xf32, #tpu.memory_space<vmem>>) target_semaphore(%arg16 : memref<!tpu.dma_semaphore, #tpu.memory_space<semaphore_mem>>)
    %shift_right_arithmetic3A_191 = arith.constant 3 : i32
    %shift_right_arithmetic3A_192 = arith.shrsi %squeeze3A_175, %shift_right_arithmetic3A_191 : i32
    %mul3A_193 = arith.constant 8 : i32
    %mul3A_194 = arith.muli %shift_right_arithmetic3A_192, %mul3A_193 : i32
    %multiple_of3A_195 = tpu.assume_multiple %mul3A_194, 8 : i32
    %dma_start3A_196 = arith.constant 40 : i32
    %dma_start3A_197 = arith.constant 0 : i32
    %dma_start3A_198 = tpu.memref_slice %arg12[%dma_start3A_196, %dma_start3A_197] : memref<64x32xf32, #tpu.memory_space<vmem>> -> memref<8x32xf32, #tpu.memory_space<vmem>>
    %dma_start3A_199 = arith.constant 0 : i32
    %dma_start3A_200 = tpu.memref_slice %arg5[%multiple_of3A_195, %dma_start3A_199] : memref<100000x32xf32, #tpu.memory_space<hbm>> -> memref<8x32xf32, #tpu.memory_space<hbm>>
    %dma_start3A_201 = arith.constant 40 : i32
    %dma_start3A_202 = arith.constant 0 : i32
    %dma_start3A_203 = tpu.memref_slice %arg12[%dma_start3A_201, %dma_start3A_202] : memref<64x32xf32, #tpu.memory_space<vmem>> -> memref<8x32xf32, #tpu.memory_space<vmem>>
    %dma_start3A_204 = arith.constant 0 : i32
    %dma_start3A_205 = tpu.memref_slice %arg5[%multiple_of3A_195, %dma_start3A_204] : memref<100000x32xf32, #tpu.memory_space<hbm>> -> memref<8x32xf32, #tpu.memory_space<hbm>>
    tpu.enqueue_dma source(%dma_start3A_205 : memref<8x32xf32, #tpu.memory_space<hbm>>) target(%dma_start3A_203 : memref<8x32xf32, #tpu.memory_space<vmem>>) target_semaphore(%arg18 : memref<!tpu.dma_semaphore, #tpu.memory_space<semaphore_mem>>)
    %slice3A_206 = vector.extract_strided_slice %gather3A {offsets = [6], sizes = [1], strides = [1]} : vector<16xi32> to vector<1xi32>
    %squeeze3A_207 = vector.extract %slice3A_206[0] : i32 from vector<1xi32>
    %slice3A_208 = vector.extract_strided_slice %gather3A_5 {offsets = [6], sizes = [1], strides = [1]} : vector<16xi32> to vector<1xi32>
    %squeeze3A_209 = vector.extract %slice3A_208[0] : i32 from vector<1xi32>
    %shift_right_arithmetic3A_210 = arith.constant 7 : i32
    %shift_right_arithmetic3A_211 = arith.shrsi %squeeze3A_207, %shift_right_arithmetic3A_210 : i32
    %mul3A_212 = arith.constant 128 : i32
    %mul3A_213 = arith.muli %shift_right_arithmetic3A_211, %mul3A_212 : i32
    %multiple_of3A_214 = tpu.assume_multiple %mul3A_213, 128 : i32
    %dma_start3A_215 = arith.constant 192 : i32
    %dma_start3A_216 = arith.constant 0 : i32
    %dma_start3A_217 = tpu.memref_slice %arg10[%dma_start3A_215, %dma_start3A_216] : memref<256x128xf32, #tpu.memory_space<vmem>> -> memref<32x128xf32, #tpu.memory_space<vmem>>
    %dma_start3A_218 = arith.constant 0 : i32
    %dma_start3A_219 = tpu.memref_slice %arg4[%dma_start3A_218, %multiple_of3A_214] : memref<32x1000000xf32, #tpu.memory_space<hbm>> -> memref<32x128xf32, #tpu.memory_space<hbm>>
    %dma_start3A_220 = arith.constant 192 : i32
    %dma_start3A_221 = arith.constant 0 : i32
    %dma_start3A_222 = tpu.memref_slice %arg10[%dma_start3A_220, %dma_start3A_221] : memref<256x128xf32, #tpu.memory_space<vmem>> -> memref<32x128xf32, #tpu.memory_space<vmem>>
    %dma_start3A_223 = arith.constant 0 : i32
    %dma_start3A_224 = tpu.memref_slice %arg4[%dma_start3A_223, %multiple_of3A_214] : memref<32x1000000xf32, #tpu.memory_space<hbm>> -> memref<32x128xf32, #tpu.memory_space<hbm>>
    tpu.enqueue_dma source(%dma_start3A_224 : memref<32x128xf32, #tpu.memory_space<hbm>>) target(%dma_start3A_222 : memref<32x128xf32, #tpu.memory_space<vmem>>) target_semaphore(%arg16 : memref<!tpu.dma_semaphore, #tpu.memory_space<semaphore_mem>>)
    %shift_right_arithmetic3A_225 = arith.constant 3 : i32
    %shift_right_arithmetic3A_226 = arith.shrsi %squeeze3A_209, %shift_right_arithmetic3A_225 : i32
    %mul3A_227 = arith.constant 8 : i32
    %mul3A_228 = arith.muli %shift_right_arithmetic3A_226, %mul3A_227 : i32
    %multiple_of3A_229 = tpu.assume_multiple %mul3A_228, 8 : i32
    %dma_start3A_230 = arith.constant 48 : i32
    %dma_start3A_231 = arith.constant 0 : i32
    %dma_start3A_232 = tpu.memref_slice %arg12[%dma_start3A_230, %dma_start3A_231] : memref<64x32xf32, #tpu.memory_space<vmem>> -> memref<8x32xf32, #tpu.memory_space<vmem>>
    %dma_start3A_233 = arith.constant 0 : i32
    %dma_start3A_234 = tpu.memref_slice %arg5[%multiple_of3A_229, %dma_start3A_233] : memref<100000x32xf32, #tpu.memory_space<hbm>> -> memref<8x32xf32, #tpu.memory_space<hbm>>
    %dma_start3A_235 = arith.constant 48 : i32
    %dma_start3A_236 = arith.constant 0 : i32
    %dma_start3A_237 = tpu.memref_slice %arg12[%dma_start3A_235, %dma_start3A_236] : memref<64x32xf32, #tpu.memory_space<vmem>> -> memref<8x32xf32, #tpu.memory_space<vmem>>
    %dma_start3A_238 = arith.constant 0 : i32
    %dma_start3A_239 = tpu.memref_slice %arg5[%multiple_of3A_229, %dma_start3A_238] : memref<100000x32xf32, #tpu.memory_space<hbm>> -> memref<8x32xf32, #tpu.memory_space<hbm>>
    tpu.enqueue_dma source(%dma_start3A_239 : memref<8x32xf32, #tpu.memory_space<hbm>>) target(%dma_start3A_237 : memref<8x32xf32, #tpu.memory_space<vmem>>) target_semaphore(%arg18 : memref<!tpu.dma_semaphore, #tpu.memory_space<semaphore_mem>>)
    %slice3A_240 = vector.extract_strided_slice %gather3A {offsets = [7], sizes = [1], strides = [1]} : vector<16xi32> to vector<1xi32>
    %squeeze3A_241 = vector.extract %slice3A_240[0] : i32 from vector<1xi32>
    %slice3A_242 = vector.extract_strided_slice %gather3A_5 {offsets = [7], sizes = [1], strides = [1]} : vector<16xi32> to vector<1xi32>
    %squeeze3A_243 = vector.extract %slice3A_242[0] : i32 from vector<1xi32>
    %shift_right_arithmetic3A_244 = arith.constant 7 : i32
    %shift_right_arithmetic3A_245 = arith.shrsi %squeeze3A_241, %shift_right_arithmetic3A_244 : i32
    %mul3A_246 = arith.constant 128 : i32
    %mul3A_247 = arith.muli %shift_right_arithmetic3A_245, %mul3A_246 : i32
    %multiple_of3A_248 = tpu.assume_multiple %mul3A_247, 128 : i32
    %dma_start3A_249 = arith.constant 224 : i32
    %dma_start3A_250 = arith.constant 0 : i32
    %dma_start3A_251 = tpu.memref_slice %arg10[%dma_start3A_249, %dma_start3A_250] : memref<256x128xf32, #tpu.memory_space<vmem>> -> memref<32x128xf32, #tpu.memory_space<vmem>>
    %dma_start3A_252 = arith.constant 0 : i32
    %dma_start3A_253 = tpu.memref_slice %arg4[%dma_start3A_252, %multiple_of3A_248] : memref<32x1000000xf32, #tpu.memory_space<hbm>> -> memref<32x128xf32, #tpu.memory_space<hbm>>
    %dma_start3A_254 = arith.constant 224 : i32
    %dma_start3A_255 = arith.constant 0 : i32
    %dma_start3A_256 = tpu.memref_slice %arg10[%dma_start3A_254, %dma_start3A_255] : memref<256x128xf32, #tpu.memory_space<vmem>> -> memref<32x128xf32, #tpu.memory_space<vmem>>
    %dma_start3A_257 = arith.constant 0 : i32
    %dma_start3A_258 = tpu.memref_slice %arg4[%dma_start3A_257, %multiple_of3A_248] : memref<32x1000000xf32, #tpu.memory_space<hbm>> -> memref<32x128xf32, #tpu.memory_space<hbm>>
    tpu.enqueue_dma source(%dma_start3A_258 : memref<32x128xf32, #tpu.memory_space<hbm>>) target(%dma_start3A_256 : memref<32x128xf32, #tpu.memory_space<vmem>>) target_semaphore(%arg16 : memref<!tpu.dma_semaphore, #tpu.memory_space<semaphore_mem>>)
    %shift_right_arithmetic3A_259 = arith.constant 3 : i32
    %shift_right_arithmetic3A_260 = arith.shrsi %squeeze3A_243, %shift_right_arithmetic3A_259 : i32
    %mul3A_261 = arith.constant 8 : i32
    %mul3A_262 = arith.muli %shift_right_arithmetic3A_260, %mul3A_261 : i32
    %multiple_of3A_263 = tpu.assume_multiple %mul3A_262, 8 : i32
    %dma_start3A_264 = arith.constant 56 : i32
    %dma_start3A_265 = arith.constant 0 : i32
    %dma_start3A_266 = tpu.memref_slice %arg12[%dma_start3A_264, %dma_start3A_265] : memref<64x32xf32, #tpu.memory_space<vmem>> -> memref<8x32xf32, #tpu.memory_space<vmem>>
    %dma_start3A_267 = arith.constant 0 : i32
    %dma_start3A_268 = tpu.memref_slice %arg5[%multiple_of3A_263, %dma_start3A_267] : memref<100000x32xf32, #tpu.memory_space<hbm>> -> memref<8x32xf32, #tpu.memory_space<hbm>>
    %dma_start3A_269 = arith.constant 56 : i32
    %dma_start3A_270 = arith.constant 0 : i32
    %dma_start3A_271 = tpu.memref_slice %arg12[%dma_start3A_269, %dma_start3A_270] : memref<64x32xf32, #tpu.memory_space<vmem>> -> memref<8x32xf32, #tpu.memory_space<vmem>>
    %dma_start3A_272 = arith.constant 0 : i32
    %dma_start3A_273 = tpu.memref_slice %arg5[%multiple_of3A_263, %dma_start3A_272] : memref<100000x32xf32, #tpu.memory_space<hbm>> -> memref<8x32xf32, #tpu.memory_space<hbm>>
    tpu.enqueue_dma source(%dma_start3A_273 : memref<8x32xf32, #tpu.memory_space<hbm>>) target(%dma_start3A_271 : memref<8x32xf32, #tpu.memory_space<vmem>>) target_semaphore(%arg18 : memref<!tpu.dma_semaphore, #tpu.memory_space<semaphore_mem>>)
    %scan3A = arith.constant 0 : i32
    %scan3A_274 = arith.constant 31 : i32
    %scan3A_275 = arith.addi %scan3A, %scan3A_274 : i32
    %scan3A_276 = arith.constant 1 : i32
    %scan3A_277:2 = scf.for %scan3A_1238 = %scan3A to %scan3A_275 step %scan3A_276 iter_args(%scan3A_1239 = %gather3A, %scan3A_1240 = %gather3A_5) -> (vector<16xi32>, vector<16xi32>)  : i32 {
      %mul3A_1241 = arith.constant 2 : i32
      %mul3A_1242 = arith.muli %mul3A_1241, %scan3A_1238 : i32
      %add3A_1243 = arith.constant 1 : i32
      %add3A_1244 = arith.addi %mul3A_1242, %add3A_1243 : i32
      %mul3A_1245 = arith.constant 8 : i32
      %mul3A_1246 = arith.muli %add3A_1244, %mul3A_1245 : i32
      %broadcast_in_dim3A_1247 = vector.broadcast %mul3A_1246 : i32 to vector<16xi32>
      %add3A_1248 = arith.addi %broadcast_in_dim3A_1247, %iota3A : vector<16xi32>
      %gather3A_1249 = tpu.vector_load_idx %arg8[%add3A_1248] : memref<512xi32, #tpu.memory_space<vmem>>[vector<16xi32>], vector<16xi32>,
      %gather3A_1250 = tpu.vector_load_idx %arg9[%add3A_1248] : memref<512xi32, #tpu.memory_space<vmem>>[vector<16xi32>], vector<16xi32>,
      %slice3A_1251 = vector.extract_strided_slice %gather3A_1249 {offsets = [0], sizes = [1], strides = [1]} : vector<16xi32> to vector<1xi32>
      %squeeze3A_1252 = vector.extract %slice3A_1251[0] : i32 from vector<1xi32>
      %slice3A_1253 = vector.extract_strided_slice %gather3A_1250 {offsets = [0], sizes = [1], strides = [1]} : vector<16xi32> to vector<1xi32>
      %squeeze3A_1254 = vector.extract %slice3A_1253[0] : i32 from vector<1xi32>
      %shift_right_arithmetic3A_1255 = arith.constant 7 : i32
      %shift_right_arithmetic3A_1256 = arith.shrsi %squeeze3A_1252, %shift_right_arithmetic3A_1255 : i32
      %mul3A_1257 = arith.constant 128 : i32
      %mul3A_1258 = arith.muli %shift_right_arithmetic3A_1256, %mul3A_1257 : i32
      %multiple_of3A_1259 = tpu.assume_multiple %mul3A_1258, 128 : i32
      %dma_start3A_1260 = arith.constant 0 : i32
      %dma_start3A_1261 = arith.constant 0 : i32
      %dma_start3A_1262 = tpu.memref_slice %arg11[%dma_start3A_1260, %dma_start3A_1261] : memref<256x128xf32, #tpu.memory_space<vmem>> -> memref<32x128xf32, #tpu.memory_space<vmem>>
      %dma_start3A_1263 = arith.constant 0 : i32
      %dma_start3A_1264 = tpu.memref_slice %arg4[%dma_start3A_1263, %multiple_of3A_1259] : memref<32x1000000xf32, #tpu.memory_space<hbm>> -> memref<32x128xf32, #tpu.memory_space<hbm>>
      %dma_start3A_1265 = arith.constant 0 : i32
      %dma_start3A_1266 = arith.constant 0 : i32
      %dma_start3A_1267 = tpu.memref_slice %arg11[%dma_start3A_1265, %dma_start3A_1266] : memref<256x128xf32, #tpu.memory_space<vmem>> -> memref<32x128xf32, #tpu.memory_space<vmem>>
      %dma_start3A_1268 = arith.constant 0 : i32
      %dma_start3A_1269 = tpu.memref_slice %arg4[%dma_start3A_1268, %multiple_of3A_1259] : memref<32x1000000xf32, #tpu.memory_space<hbm>> -> memref<32x128xf32, #tpu.memory_space<hbm>>
      tpu.enqueue_dma source(%dma_start3A_1269 : memref<32x128xf32, #tpu.memory_space<hbm>>) target(%dma_start3A_1267 : memref<32x128xf32, #tpu.memory_space<vmem>>) target_semaphore(%arg17 : memref<!tpu.dma_semaphore, #tpu.memory_space<semaphore_mem>>)
      %shift_right_arithmetic3A_1270 = arith.constant 3 : i32
      %shift_right_arithmetic3A_1271 = arith.shrsi %squeeze3A_1254, %shift_right_arithmetic3A_1270 : i32
      %mul3A_1272 = arith.constant 8 : i32
      %mul3A_1273 = arith.muli %shift_right_arithmetic3A_1271, %mul3A_1272 : i32
      %multiple_of3A_1274 = tpu.assume_multiple %mul3A_1273, 8 : i32
      %dma_start3A_1275 = arith.constant 0 : i32
      %dma_start3A_1276 = arith.constant 0 : i32
      %dma_start3A_1277 = tpu.memref_slice %arg13[%dma_start3A_1275, %dma_start3A_1276] : memref<64x32xf32, #tpu.memory_space<vmem>> -> memref<8x32xf32, #tpu.memory_space<vmem>>
      %dma_start3A_1278 = arith.constant 0 : i32
      %dma_start3A_1279 = tpu.memref_slice %arg5[%multiple_of3A_1274, %dma_start3A_1278] : memref<100000x32xf32, #tpu.memory_space<hbm>> -> memref<8x32xf32, #tpu.memory_space<hbm>>
      %dma_start3A_1280 = arith.constant 0 : i32
      %dma_start3A_1281 = arith.constant 0 : i32
      %dma_start3A_1282 = tpu.memref_slice %arg13[%dma_start3A_1280, %dma_start3A_1281] : memref<64x32xf32, #tpu.memory_space<vmem>> -> memref<8x32xf32, #tpu.memory_space<vmem>>
      %dma_start3A_1283 = arith.constant 0 : i32
      %dma_start3A_1284 = tpu.memref_slice %arg5[%multiple_of3A_1274, %dma_start3A_1283] : memref<100000x32xf32, #tpu.memory_space<hbm>> -> memref<8x32xf32, #tpu.memory_space<hbm>>
      tpu.enqueue_dma source(%dma_start3A_1284 : memref<8x32xf32, #tpu.memory_space<hbm>>) target(%dma_start3A_1282 : memref<8x32xf32, #tpu.memory_space<vmem>>) target_semaphore(%arg19 : memref<!tpu.dma_semaphore, #tpu.memory_space<semaphore_mem>>)
      %slice3A_1285 = vector.extract_strided_slice %gather3A_1249 {offsets = [1], sizes = [1], strides = [1]} : vector<16xi32> to vector<1xi32>
      %squeeze3A_1286 = vector.extract %slice3A_1285[0] : i32 from vector<1xi32>
      %slice3A_1287 = vector.extract_strided_slice %gather3A_1250 {offsets = [1], sizes = [1], strides = [1]} : vector<16xi32> to vector<1xi32>
      %squeeze3A_1288 = vector.extract %slice3A_1287[0] : i32 from vector<1xi32>
      %shift_right_arithmetic3A_1289 = arith.constant 7 : i32
      %shift_right_arithmetic3A_1290 = arith.shrsi %squeeze3A_1286, %shift_right_arithmetic3A_1289 : i32
      %mul3A_1291 = arith.constant 128 : i32
      %mul3A_1292 = arith.muli %shift_right_arithmetic3A_1290, %mul3A_1291 : i32
      %multiple_of3A_1293 = tpu.assume_multiple %mul3A_1292, 128 : i32
      %dma_start3A_1294 = arith.constant 32 : i32
      %dma_start3A_1295 = arith.constant 0 : i32
      %dma_start3A_1296 = tpu.memref_slice %arg11[%dma_start3A_1294, %dma_start3A_1295] : memref<256x128xf32, #tpu.memory_space<vmem>> -> memref<32x128xf32, #tpu.memory_space<vmem>>
      %dma_start3A_1297 = arith.constant 0 : i32
      %dma_start3A_1298 = tpu.memref_slice %arg4[%dma_start3A_1297, %multiple_of3A_1293] : memref<32x1000000xf32, #tpu.memory_space<hbm>> -> memref<32x128xf32, #tpu.memory_space<hbm>>
      %dma_start3A_1299 = arith.constant 32 : i32
      %dma_start3A_1300 = arith.constant 0 : i32
      %dma_start3A_1301 = tpu.memref_slice %arg11[%dma_start3A_1299, %dma_start3A_1300] : memref<256x128xf32, #tpu.memory_space<vmem>> -> memref<32x128xf32, #tpu.memory_space<vmem>>
      %dma_start3A_1302 = arith.constant 0 : i32
      %dma_start3A_1303 = tpu.memref_slice %arg4[%dma_start3A_1302, %multiple_of3A_1293] : memref<32x1000000xf32, #tpu.memory_space<hbm>> -> memref<32x128xf32, #tpu.memory_space<hbm>>
      tpu.enqueue_dma source(%dma_start3A_1303 : memref<32x128xf32, #tpu.memory_space<hbm>>) target(%dma_start3A_1301 : memref<32x128xf32, #tpu.memory_space<vmem>>) target_semaphore(%arg17 : memref<!tpu.dma_semaphore, #tpu.memory_space<semaphore_mem>>)
      %shift_right_arithmetic3A_1304 = arith.constant 3 : i32
      %shift_right_arithmetic3A_1305 = arith.shrsi %squeeze3A_1288, %shift_right_arithmetic3A_1304 : i32
      %mul3A_1306 = arith.constant 8 : i32
      %mul3A_1307 = arith.muli %shift_right_arithmetic3A_1305, %mul3A_1306 : i32
      %multiple_of3A_1308 = tpu.assume_multiple %mul3A_1307, 8 : i32
      %dma_start3A_1309 = arith.constant 8 : i32
      %dma_start3A_1310 = arith.constant 0 : i32
      %dma_start3A_1311 = tpu.memref_slice %arg13[%dma_start3A_1309, %dma_start3A_1310] : memref<64x32xf32, #tpu.memory_space<vmem>> -> memref<8x32xf32, #tpu.memory_space<vmem>>
      %dma_start3A_1312 = arith.constant 0 : i32
      %dma_start3A_1313 = tpu.memref_slice %arg5[%multiple_of3A_1308, %dma_start3A_1312] : memref<100000x32xf32, #tpu.memory_space<hbm>> -> memref<8x32xf32, #tpu.memory_space<hbm>>
      %dma_start3A_1314 = arith.constant 8 : i32
      %dma_start3A_1315 = arith.constant 0 : i32
      %dma_start3A_1316 = tpu.memref_slice %arg13[%dma_start3A_1314, %dma_start3A_1315] : memref<64x32xf32, #tpu.memory_space<vmem>> -> memref<8x32xf32, #tpu.memory_space<vmem>>
      %dma_start3A_1317 = arith.constant 0 : i32
      %dma_start3A_1318 = tpu.memref_slice %arg5[%multiple_of3A_1308, %dma_start3A_1317] : memref<100000x32xf32, #tpu.memory_space<hbm>> -> memref<8x32xf32, #tpu.memory_space<hbm>>
      tpu.enqueue_dma source(%dma_start3A_1318 : memref<8x32xf32, #tpu.memory_space<hbm>>) target(%dma_start3A_1316 : memref<8x32xf32, #tpu.memory_space<vmem>>) target_semaphore(%arg19 : memref<!tpu.dma_semaphore, #tpu.memory_space<semaphore_mem>>)
      %slice3A_1319 = vector.extract_strided_slice %gather3A_1249 {offsets = [2], sizes = [1], strides = [1]} : vector<16xi32> to vector<1xi32>
      %squeeze3A_1320 = vector.extract %slice3A_1319[0] : i32 from vector<1xi32>
      %slice3A_1321 = vector.extract_strided_slice %gather3A_1250 {offsets = [2], sizes = [1], strides = [1]} : vector<16xi32> to vector<1xi32>
      %squeeze3A_1322 = vector.extract %slice3A_1321[0] : i32 from vector<1xi32>
      %shift_right_arithmetic3A_1323 = arith.constant 7 : i32
      %shift_right_arithmetic3A_1324 = arith.shrsi %squeeze3A_1320, %shift_right_arithmetic3A_1323 : i32
      %mul3A_1325 = arith.constant 128 : i32
      %mul3A_1326 = arith.muli %shift_right_arithmetic3A_1324, %mul3A_1325 : i32
      %multiple_of3A_1327 = tpu.assume_multiple %mul3A_1326, 128 : i32
      %dma_start3A_1328 = arith.constant 64 : i32
      %dma_start3A_1329 = arith.constant 0 : i32
      %dma_start3A_1330 = tpu.memref_slice %arg11[%dma_start3A_1328, %dma_start3A_1329] : memref<256x128xf32, #tpu.memory_space<vmem>> -> memref<32x128xf32, #tpu.memory_space<vmem>>
      %dma_start3A_1331 = arith.constant 0 : i32
      %dma_start3A_1332 = tpu.memref_slice %arg4[%dma_start3A_1331, %multiple_of3A_1327] : memref<32x1000000xf32, #tpu.memory_space<hbm>> -> memref<32x128xf32, #tpu.memory_space<hbm>>
      %dma_start3A_1333 = arith.constant 64 : i32
      %dma_start3A_1334 = arith.constant 0 : i32
      %dma_start3A_1335 = tpu.memref_slice %arg11[%dma_start3A_1333, %dma_start3A_1334] : memref<256x128xf32, #tpu.memory_space<vmem>> -> memref<32x128xf32, #tpu.memory_space<vmem>>
      %dma_start3A_1336 = arith.constant 0 : i32
      %dma_start3A_1337 = tpu.memref_slice %arg4[%dma_start3A_1336, %multiple_of3A_1327] : memref<32x1000000xf32, #tpu.memory_space<hbm>> -> memref<32x128xf32, #tpu.memory_space<hbm>>
      tpu.enqueue_dma source(%dma_start3A_1337 : memref<32x128xf32, #tpu.memory_space<hbm>>) target(%dma_start3A_1335 : memref<32x128xf32, #tpu.memory_space<vmem>>) target_semaphore(%arg17 : memref<!tpu.dma_semaphore, #tpu.memory_space<semaphore_mem>>)
      %shift_right_arithmetic3A_1338 = arith.constant 3 : i32
      %shift_right_arithmetic3A_1339 = arith.shrsi %squeeze3A_1322, %shift_right_arithmetic3A_1338 : i32
      %mul3A_1340 = arith.constant 8 : i32
      %mul3A_1341 = arith.muli %shift_right_arithmetic3A_1339, %mul3A_1340 : i32
      %multiple_of3A_1342 = tpu.assume_multiple %mul3A_1341, 8 : i32
      %dma_start3A_1343 = arith.constant 16 : i32
      %dma_start3A_1344 = arith.constant 0 : i32
      %dma_start3A_1345 = tpu.memref_slice %arg13[%dma_start3A_1343, %dma_start3A_1344] : memref<64x32xf32, #tpu.memory_space<vmem>> -> memref<8x32xf32, #tpu.memory_space<vmem>>
      %dma_start3A_1346 = arith.constant 0 : i32
      %dma_start3A_1347 = tpu.memref_slice %arg5[%multiple_of3A_1342, %dma_start3A_1346] : memref<100000x32xf32, #tpu.memory_space<hbm>> -> memref<8x32xf32, #tpu.memory_space<hbm>>
      %dma_start3A_1348 = arith.constant 16 : i32
      %dma_start3A_1349 = arith.constant 0 : i32
      %dma_start3A_1350 = tpu.memref_slice %arg13[%dma_start3A_1348, %dma_start3A_1349] : memref<64x32xf32, #tpu.memory_space<vmem>> -> memref<8x32xf32, #tpu.memory_space<vmem>>
      %dma_start3A_1351 = arith.constant 0 : i32
      %dma_start3A_1352 = tpu.memref_slice %arg5[%multiple_of3A_1342, %dma_start3A_1351] : memref<100000x32xf32, #tpu.memory_space<hbm>> -> memref<8x32xf32, #tpu.memory_space<hbm>>
      tpu.enqueue_dma source(%dma_start3A_1352 : memref<8x32xf32, #tpu.memory_space<hbm>>) target(%dma_start3A_1350 : memref<8x32xf32, #tpu.memory_space<vmem>>) target_semaphore(%arg19 : memref<!tpu.dma_semaphore, #tpu.memory_space<semaphore_mem>>)
      %slice3A_1353 = vector.extract_strided_slice %gather3A_1249 {offsets = [3], sizes = [1], strides = [1]} : vector<16xi32> to vector<1xi32>
      %squeeze3A_1354 = vector.extract %slice3A_1353[0] : i32 from vector<1xi32>
      %slice3A_1355 = vector.extract_strided_slice %gather3A_1250 {offsets = [3], sizes = [1], strides = [1]} : vector<16xi32> to vector<1xi32>
      %squeeze3A_1356 = vector.extract %slice3A_1355[0] : i32 from vector<1xi32>
      %shift_right_arithmetic3A_1357 = arith.constant 7 : i32
      %shift_right_arithmetic3A_1358 = arith.shrsi %squeeze3A_1354, %shift_right_arithmetic3A_1357 : i32
      %mul3A_1359 = arith.constant 128 : i32
      %mul3A_1360 = arith.muli %shift_right_arithmetic3A_1358, %mul3A_1359 : i32
      %multiple_of3A_1361 = tpu.assume_multiple %mul3A_1360, 128 : i32
      %dma_start3A_1362 = arith.constant 96 : i32
      %dma_start3A_1363 = arith.constant 0 : i32
      %dma_start3A_1364 = tpu.memref_slice %arg11[%dma_start3A_1362, %dma_start3A_1363] : memref<256x128xf32, #tpu.memory_space<vmem>> -> memref<32x128xf32, #tpu.memory_space<vmem>>
      %dma_start3A_1365 = arith.constant 0 : i32
      %dma_start3A_1366 = tpu.memref_slice %arg4[%dma_start3A_1365, %multiple_of3A_1361] : memref<32x1000000xf32, #tpu.memory_space<hbm>> -> memref<32x128xf32, #tpu.memory_space<hbm>>
      %dma_start3A_1367 = arith.constant 96 : i32
      %dma_start3A_1368 = arith.constant 0 : i32
      %dma_start3A_1369 = tpu.memref_slice %arg11[%dma_start3A_1367, %dma_start3A_1368] : memref<256x128xf32, #tpu.memory_space<vmem>> -> memref<32x128xf32, #tpu.memory_space<vmem>>
      %dma_start3A_1370 = arith.constant 0 : i32
      %dma_start3A_1371 = tpu.memref_slice %arg4[%dma_start3A_1370, %multiple_of3A_1361] : memref<32x1000000xf32, #tpu.memory_space<hbm>> -> memref<32x128xf32, #tpu.memory_space<hbm>>
      tpu.enqueue_dma source(%dma_start3A_1371 : memref<32x128xf32, #tpu.memory_space<hbm>>) target(%dma_start3A_1369 : memref<32x128xf32, #tpu.memory_space<vmem>>) target_semaphore(%arg17 : memref<!tpu.dma_semaphore, #tpu.memory_space<semaphore_mem>>)
      %shift_right_arithmetic3A_1372 = arith.constant 3 : i32
      %shift_right_arithmetic3A_1373 = arith.shrsi %squeeze3A_1356, %shift_right_arithmetic3A_1372 : i32
      %mul3A_1374 = arith.constant 8 : i32
      %mul3A_1375 = arith.muli %shift_right_arithmetic3A_1373, %mul3A_1374 : i32
      %multiple_of3A_1376 = tpu.assume_multiple %mul3A_1375, 8 : i32
      %dma_start3A_1377 = arith.constant 24 : i32
      %dma_start3A_1378 = arith.constant 0 : i32
      %dma_start3A_1379 = tpu.memref_slice %arg13[%dma_start3A_1377, %dma_start3A_1378] : memref<64x32xf32, #tpu.memory_space<vmem>> -> memref<8x32xf32, #tpu.memory_space<vmem>>
      %dma_start3A_1380 = arith.constant 0 : i32
      %dma_start3A_1381 = tpu.memref_slice %arg5[%multiple_of3A_1376, %dma_start3A_1380] : memref<100000x32xf32, #tpu.memory_space<hbm>> -> memref<8x32xf32, #tpu.memory_space<hbm>>
      %dma_start3A_1382 = arith.constant 24 : i32
      %dma_start3A_1383 = arith.constant 0 : i32
      %dma_start3A_1384 = tpu.memref_slice %arg13[%dma_start3A_1382, %dma_start3A_1383] : memref<64x32xf32, #tpu.memory_space<vmem>> -> memref<8x32xf32, #tpu.memory_space<vmem>>
      %dma_start3A_1385 = arith.constant 0 : i32
      %dma_start3A_1386 = tpu.memref_slice %arg5[%multiple_of3A_1376, %dma_start3A_1385] : memref<100000x32xf32, #tpu.memory_space<hbm>> -> memref<8x32xf32, #tpu.memory_space<hbm>>
      tpu.enqueue_dma source(%dma_start3A_1386 : memref<8x32xf32, #tpu.memory_space<hbm>>) target(%dma_start3A_1384 : memref<8x32xf32, #tpu.memory_space<vmem>>) target_semaphore(%arg19 : memref<!tpu.dma_semaphore, #tpu.memory_space<semaphore_mem>>)
      %slice3A_1387 = vector.extract_strided_slice %gather3A_1249 {offsets = [4], sizes = [1], strides = [1]} : vector<16xi32> to vector<1xi32>
      %squeeze3A_1388 = vector.extract %slice3A_1387[0] : i32 from vector<1xi32>
      %slice3A_1389 = vector.extract_strided_slice %gather3A_1250 {offsets = [4], sizes = [1], strides = [1]} : vector<16xi32> to vector<1xi32>
      %squeeze3A_1390 = vector.extract %slice3A_1389[0] : i32 from vector<1xi32>
      %shift_right_arithmetic3A_1391 = arith.constant 7 : i32
      %shift_right_arithmetic3A_1392 = arith.shrsi %squeeze3A_1388, %shift_right_arithmetic3A_1391 : i32
      %mul3A_1393 = arith.constant 128 : i32
      %mul3A_1394 = arith.muli %shift_right_arithmetic3A_1392, %mul3A_1393 : i32
      %multiple_of3A_1395 = tpu.assume_multiple %mul3A_1394, 128 : i32
      %dma_start3A_1396 = arith.constant 128 : i32
      %dma_start3A_1397 = arith.constant 0 : i32
      %dma_start3A_1398 = tpu.memref_slice %arg11[%dma_start3A_1396, %dma_start3A_1397] : memref<256x128xf32, #tpu.memory_space<vmem>> -> memref<32x128xf32, #tpu.memory_space<vmem>>
      %dma_start3A_1399 = arith.constant 0 : i32
      %dma_start3A_1400 = tpu.memref_slice %arg4[%dma_start3A_1399, %multiple_of3A_1395] : memref<32x1000000xf32, #tpu.memory_space<hbm>> -> memref<32x128xf32, #tpu.memory_space<hbm>>
      %dma_start3A_1401 = arith.constant 128 : i32
      %dma_start3A_1402 = arith.constant 0 : i32
      %dma_start3A_1403 = tpu.memref_slice %arg11[%dma_start3A_1401, %dma_start3A_1402] : memref<256x128xf32, #tpu.memory_space<vmem>> -> memref<32x128xf32, #tpu.memory_space<vmem>>
      %dma_start3A_1404 = arith.constant 0 : i32
      %dma_start3A_1405 = tpu.memref_slice %arg4[%dma_start3A_1404, %multiple_of3A_1395] : memref<32x1000000xf32, #tpu.memory_space<hbm>> -> memref<32x128xf32, #tpu.memory_space<hbm>>
      tpu.enqueue_dma source(%dma_start3A_1405 : memref<32x128xf32, #tpu.memory_space<hbm>>) target(%dma_start3A_1403 : memref<32x128xf32, #tpu.memory_space<vmem>>) target_semaphore(%arg17 : memref<!tpu.dma_semaphore, #tpu.memory_space<semaphore_mem>>)
      %shift_right_arithmetic3A_1406 = arith.constant 3 : i32
      %shift_right_arithmetic3A_1407 = arith.shrsi %squeeze3A_1390, %shift_right_arithmetic3A_1406 : i32
      %mul3A_1408 = arith.constant 8 : i32
      %mul3A_1409 = arith.muli %shift_right_arithmetic3A_1407, %mul3A_1408 : i32
      %multiple_of3A_1410 = tpu.assume_multiple %mul3A_1409, 8 : i32
      %dma_start3A_1411 = arith.constant 32 : i32
      %dma_start3A_1412 = arith.constant 0 : i32
      %dma_start3A_1413 = tpu.memref_slice %arg13[%dma_start3A_1411, %dma_start3A_1412] : memref<64x32xf32, #tpu.memory_space<vmem>> -> memref<8x32xf32, #tpu.memory_space<vmem>>
      %dma_start3A_1414 = arith.constant 0 : i32
      %dma_start3A_1415 = tpu.memref_slice %arg5[%multiple_of3A_1410, %dma_start3A_1414] : memref<100000x32xf32, #tpu.memory_space<hbm>> -> memref<8x32xf32, #tpu.memory_space<hbm>>
      %dma_start3A_1416 = arith.constant 32 : i32
      %dma_start3A_1417 = arith.constant 0 : i32
      %dma_start3A_1418 = tpu.memref_slice %arg13[%dma_start3A_1416, %dma_start3A_1417] : memref<64x32xf32, #tpu.memory_space<vmem>> -> memref<8x32xf32, #tpu.memory_space<vmem>>
      %dma_start3A_1419 = arith.constant 0 : i32
      %dma_start3A_1420 = tpu.memref_slice %arg5[%multiple_of3A_1410, %dma_start3A_1419] : memref<100000x32xf32, #tpu.memory_space<hbm>> -> memref<8x32xf32, #tpu.memory_space<hbm>>
      tpu.enqueue_dma source(%dma_start3A_1420 : memref<8x32xf32, #tpu.memory_space<hbm>>) target(%dma_start3A_1418 : memref<8x32xf32, #tpu.memory_space<vmem>>) target_semaphore(%arg19 : memref<!tpu.dma_semaphore, #tpu.memory_space<semaphore_mem>>)
      %slice3A_1421 = vector.extract_strided_slice %gather3A_1249 {offsets = [5], sizes = [1], strides = [1]} : vector<16xi32> to vector<1xi32>
      %squeeze3A_1422 = vector.extract %slice3A_1421[0] : i32 from vector<1xi32>
      %slice3A_1423 = vector.extract_strided_slice %gather3A_1250 {offsets = [5], sizes = [1], strides = [1]} : vector<16xi32> to vector<1xi32>
      %squeeze3A_1424 = vector.extract %slice3A_1423[0] : i32 from vector<1xi32>
      %shift_right_arithmetic3A_1425 = arith.constant 7 : i32
      %shift_right_arithmetic3A_1426 = arith.shrsi %squeeze3A_1422, %shift_right_arithmetic3A_1425 : i32
      %mul3A_1427 = arith.constant 128 : i32
      %mul3A_1428 = arith.muli %shift_right_arithmetic3A_1426, %mul3A_1427 : i32
      %multiple_of3A_1429 = tpu.assume_multiple %mul3A_1428, 128 : i32
      %dma_start3A_1430 = arith.constant 160 : i32
      %dma_start3A_1431 = arith.constant 0 : i32
      %dma_start3A_1432 = tpu.memref_slice %arg11[%dma_start3A_1430, %dma_start3A_1431] : memref<256x128xf32, #tpu.memory_space<vmem>> -> memref<32x128xf32, #tpu.memory_space<vmem>>
      %dma_start3A_1433 = arith.constant 0 : i32
      %dma_start3A_1434 = tpu.memref_slice %arg4[%dma_start3A_1433, %multiple_of3A_1429] : memref<32x1000000xf32, #tpu.memory_space<hbm>> -> memref<32x128xf32, #tpu.memory_space<hbm>>
      %dma_start3A_1435 = arith.constant 160 : i32
      %dma_start3A_1436 = arith.constant 0 : i32
      %dma_start3A_1437 = tpu.memref_slice %arg11[%dma_start3A_1435, %dma_start3A_1436] : memref<256x128xf32, #tpu.memory_space<vmem>> -> memref<32x128xf32, #tpu.memory_space<vmem>>
      %dma_start3A_1438 = arith.constant 0 : i32
      %dma_start3A_1439 = tpu.memref_slice %arg4[%dma_start3A_1438, %multiple_of3A_1429] : memref<32x1000000xf32, #tpu.memory_space<hbm>> -> memref<32x128xf32, #tpu.memory_space<hbm>>
      tpu.enqueue_dma source(%dma_start3A_1439 : memref<32x128xf32, #tpu.memory_space<hbm>>) target(%dma_start3A_1437 : memref<32x128xf32, #tpu.memory_space<vmem>>) target_semaphore(%arg17 : memref<!tpu.dma_semaphore, #tpu.memory_space<semaphore_mem>>)
      %shift_right_arithmetic3A_1440 = arith.constant 3 : i32
      %shift_right_arithmetic3A_1441 = arith.shrsi %squeeze3A_1424, %shift_right_arithmetic3A_1440 : i32
      %mul3A_1442 = arith.constant 8 : i32
      %mul3A_1443 = arith.muli %shift_right_arithmetic3A_1441, %mul3A_1442 : i32
      %multiple_of3A_1444 = tpu.assume_multiple %mul3A_1443, 8 : i32
      %dma_start3A_1445 = arith.constant 40 : i32
      %dma_start3A_1446 = arith.constant 0 : i32
      %dma_start3A_1447 = tpu.memref_slice %arg13[%dma_start3A_1445, %dma_start3A_1446] : memref<64x32xf32, #tpu.memory_space<vmem>> -> memref<8x32xf32, #tpu.memory_space<vmem>>
      %dma_start3A_1448 = arith.constant 0 : i32
      %dma_start3A_1449 = tpu.memref_slice %arg5[%multiple_of3A_1444, %dma_start3A_1448] : memref<100000x32xf32, #tpu.memory_space<hbm>> -> memref<8x32xf32, #tpu.memory_space<hbm>>
      %dma_start3A_1450 = arith.constant 40 : i32
      %dma_start3A_1451 = arith.constant 0 : i32
      %dma_start3A_1452 = tpu.memref_slice %arg13[%dma_start3A_1450, %dma_start3A_1451] : memref<64x32xf32, #tpu.memory_space<vmem>> -> memref<8x32xf32, #tpu.memory_space<vmem>>
      %dma_start3A_1453 = arith.constant 0 : i32
      %dma_start3A_1454 = tpu.memref_slice %arg5[%multiple_of3A_1444, %dma_start3A_1453] : memref<100000x32xf32, #tpu.memory_space<hbm>> -> memref<8x32xf32, #tpu.memory_space<hbm>>
      tpu.enqueue_dma source(%dma_start3A_1454 : memref<8x32xf32, #tpu.memory_space<hbm>>) target(%dma_start3A_1452 : memref<8x32xf32, #tpu.memory_space<vmem>>) target_semaphore(%arg19 : memref<!tpu.dma_semaphore, #tpu.memory_space<semaphore_mem>>)
      %slice3A_1455 = vector.extract_strided_slice %gather3A_1249 {offsets = [6], sizes = [1], strides = [1]} : vector<16xi32> to vector<1xi32>
      %squeeze3A_1456 = vector.extract %slice3A_1455[0] : i32 from vector<1xi32>
      %slice3A_1457 = vector.extract_strided_slice %gather3A_1250 {offsets = [6], sizes = [1], strides = [1]} : vector<16xi32> to vector<1xi32>
      %squeeze3A_1458 = vector.extract %slice3A_1457[0] : i32 from vector<1xi32>
      %shift_right_arithmetic3A_1459 = arith.constant 7 : i32
      %shift_right_arithmetic3A_1460 = arith.shrsi %squeeze3A_1456, %shift_right_arithmetic3A_1459 : i32
      %mul3A_1461 = arith.constant 128 : i32
      %mul3A_1462 = arith.muli %shift_right_arithmetic3A_1460, %mul3A_1461 : i32
      %multiple_of3A_1463 = tpu.assume_multiple %mul3A_1462, 128 : i32
      %dma_start3A_1464 = arith.constant 192 : i32
      %dma_start3A_1465 = arith.constant 0 : i32
      %dma_start3A_1466 = tpu.memref_slice %arg11[%dma_start3A_1464, %dma_start3A_1465] : memref<256x128xf32, #tpu.memory_space<vmem>> -> memref<32x128xf32, #tpu.memory_space<vmem>>
      %dma_start3A_1467 = arith.constant 0 : i32
      %dma_start3A_1468 = tpu.memref_slice %arg4[%dma_start3A_1467, %multiple_of3A_1463] : memref<32x1000000xf32, #tpu.memory_space<hbm>> -> memref<32x128xf32, #tpu.memory_space<hbm>>
      %dma_start3A_1469 = arith.constant 192 : i32
      %dma_start3A_1470 = arith.constant 0 : i32
      %dma_start3A_1471 = tpu.memref_slice %arg11[%dma_start3A_1469, %dma_start3A_1470] : memref<256x128xf32, #tpu.memory_space<vmem>> -> memref<32x128xf32, #tpu.memory_space<vmem>>
      %dma_start3A_1472 = arith.constant 0 : i32
      %dma_start3A_1473 = tpu.memref_slice %arg4[%dma_start3A_1472, %multiple_of3A_1463] : memref<32x1000000xf32, #tpu.memory_space<hbm>> -> memref<32x128xf32, #tpu.memory_space<hbm>>
      tpu.enqueue_dma source(%dma_start3A_1473 : memref<32x128xf32, #tpu.memory_space<hbm>>) target(%dma_start3A_1471 : memref<32x128xf32, #tpu.memory_space<vmem>>) target_semaphore(%arg17 : memref<!tpu.dma_semaphore, #tpu.memory_space<semaphore_mem>>)
      %shift_right_arithmetic3A_1474 = arith.constant 3 : i32
      %shift_right_arithmetic3A_1475 = arith.shrsi %squeeze3A_1458, %shift_right_arithmetic3A_1474 : i32
      %mul3A_1476 = arith.constant 8 : i32
      %mul3A_1477 = arith.muli %shift_right_arithmetic3A_1475, %mul3A_1476 : i32
      %multiple_of3A_1478 = tpu.assume_multiple %mul3A_1477, 8 : i32
      %dma_start3A_1479 = arith.constant 48 : i32
      %dma_start3A_1480 = arith.constant 0 : i32
      %dma_start3A_1481 = tpu.memref_slice %arg13[%dma_start3A_1479, %dma_start3A_1480] : memref<64x32xf32, #tpu.memory_space<vmem>> -> memref<8x32xf32, #tpu.memory_space<vmem>>
      %dma_start3A_1482 = arith.constant 0 : i32
      %dma_start3A_1483 = tpu.memref_slice %arg5[%multiple_of3A_1478, %dma_start3A_1482] : memref<100000x32xf32, #tpu.memory_space<hbm>> -> memref<8x32xf32, #tpu.memory_space<hbm>>
      %dma_start3A_1484 = arith.constant 48 : i32
      %dma_start3A_1485 = arith.constant 0 : i32
      %dma_start3A_1486 = tpu.memref_slice %arg13[%dma_start3A_1484, %dma_start3A_1485] : memref<64x32xf32, #tpu.memory_space<vmem>> -> memref<8x32xf32, #tpu.memory_space<vmem>>
      %dma_start3A_1487 = arith.constant 0 : i32
      %dma_start3A_1488 = tpu.memref_slice %arg5[%multiple_of3A_1478, %dma_start3A_1487] : memref<100000x32xf32, #tpu.memory_space<hbm>> -> memref<8x32xf32, #tpu.memory_space<hbm>>
      tpu.enqueue_dma source(%dma_start3A_1488 : memref<8x32xf32, #tpu.memory_space<hbm>>) target(%dma_start3A_1486 : memref<8x32xf32, #tpu.memory_space<vmem>>) target_semaphore(%arg19 : memref<!tpu.dma_semaphore, #tpu.memory_space<semaphore_mem>>)
      %slice3A_1489 = vector.extract_strided_slice %gather3A_1249 {offsets = [7], sizes = [1], strides = [1]} : vector<16xi32> to vector<1xi32>
      %squeeze3A_1490 = vector.extract %slice3A_1489[0] : i32 from vector<1xi32>
      %slice3A_1491 = vector.extract_strided_slice %gather3A_1250 {offsets = [7], sizes = [1], strides = [1]} : vector<16xi32> to vector<1xi32>
      %squeeze3A_1492 = vector.extract %slice3A_1491[0] : i32 from vector<1xi32>
      %shift_right_arithmetic3A_1493 = arith.constant 7 : i32
      %shift_right_arithmetic3A_1494 = arith.shrsi %squeeze3A_1490, %shift_right_arithmetic3A_1493 : i32
      %mul3A_1495 = arith.constant 128 : i32
      %mul3A_1496 = arith.muli %shift_right_arithmetic3A_1494, %mul3A_1495 : i32
      %multiple_of3A_1497 = tpu.assume_multiple %mul3A_1496, 128 : i32
      %dma_start3A_1498 = arith.constant 224 : i32
      %dma_start3A_1499 = arith.constant 0 : i32
      %dma_start3A_1500 = tpu.memref_slice %arg11[%dma_start3A_1498, %dma_start3A_1499] : memref<256x128xf32, #tpu.memory_space<vmem>> -> memref<32x128xf32, #tpu.memory_space<vmem>>
      %dma_start3A_1501 = arith.constant 0 : i32
      %dma_start3A_1502 = tpu.memref_slice %arg4[%dma_start3A_1501, %multiple_of3A_1497] : memref<32x1000000xf32, #tpu.memory_space<hbm>> -> memref<32x128xf32, #tpu.memory_space<hbm>>
      %dma_start3A_1503 = arith.constant 224 : i32
      %dma_start3A_1504 = arith.constant 0 : i32
      %dma_start3A_1505 = tpu.memref_slice %arg11[%dma_start3A_1503, %dma_start3A_1504] : memref<256x128xf32, #tpu.memory_space<vmem>> -> memref<32x128xf32, #tpu.memory_space<vmem>>
      %dma_start3A_1506 = arith.constant 0 : i32
      %dma_start3A_1507 = tpu.memref_slice %arg4[%dma_start3A_1506, %multiple_of3A_1497] : memref<32x1000000xf32, #tpu.memory_space<hbm>> -> memref<32x128xf32, #tpu.memory_space<hbm>>
      tpu.enqueue_dma source(%dma_start3A_1507 : memref<32x128xf32, #tpu.memory_space<hbm>>) target(%dma_start3A_1505 : memref<32x128xf32, #tpu.memory_space<vmem>>) target_semaphore(%arg17 : memref<!tpu.dma_semaphore, #tpu.memory_space<semaphore_mem>>)
      %shift_right_arithmetic3A_1508 = arith.constant 3 : i32
      %shift_right_arithmetic3A_1509 = arith.shrsi %squeeze3A_1492, %shift_right_arithmetic3A_1508 : i32
      %mul3A_1510 = arith.constant 8 : i32
      %mul3A_1511 = arith.muli %shift_right_arithmetic3A_1509, %mul3A_1510 : i32
      %multiple_of3A_1512 = tpu.assume_multiple %mul3A_1511, 8 : i32
      %dma_start3A_1513 = arith.constant 56 : i32
      %dma_start3A_1514 = arith.constant 0 : i32
      %dma_start3A_1515 = tpu.memref_slice %arg13[%dma_start3A_1513, %dma_start3A_1514] : memref<64x32xf32, #tpu.memory_space<vmem>> -> memref<8x32xf32, #tpu.memory_space<vmem>>
      %dma_start3A_1516 = arith.constant 0 : i32
      %dma_start3A_1517 = tpu.memref_slice %arg5[%multiple_of3A_1512, %dma_start3A_1516] : memref<100000x32xf32, #tpu.memory_space<hbm>> -> memref<8x32xf32, #tpu.memory_space<hbm>>
      %dma_start3A_1518 = arith.constant 56 : i32
      %dma_start3A_1519 = arith.constant 0 : i32
      %dma_start3A_1520 = tpu.memref_slice %arg13[%dma_start3A_1518, %dma_start3A_1519] : memref<64x32xf32, #tpu.memory_space<vmem>> -> memref<8x32xf32, #tpu.memory_space<vmem>>
      %dma_start3A_1521 = arith.constant 0 : i32
      %dma_start3A_1522 = tpu.memref_slice %arg5[%multiple_of3A_1512, %dma_start3A_1521] : memref<100000x32xf32, #tpu.memory_space<hbm>> -> memref<8x32xf32, #tpu.memory_space<hbm>>
      tpu.enqueue_dma source(%dma_start3A_1522 : memref<8x32xf32, #tpu.memory_space<hbm>>) target(%dma_start3A_1520 : memref<8x32xf32, #tpu.memory_space<vmem>>) target_semaphore(%arg19 : memref<!tpu.dma_semaphore, #tpu.memory_space<semaphore_mem>>)
      %dma_wait3A_1523 = arith.constant 0 : i32
      %dma_wait3A_1524 = arith.constant 0 : i32
      %dma_wait3A_1525 = tpu.memref_slice %arg10[%dma_wait3A_1523, %dma_wait3A_1524] : memref<256x128xf32, #tpu.memory_space<vmem>> -> memref<32x128xf32, #tpu.memory_space<vmem>>
      %dma_wait3A_1526 = arith.constant 0 : i32
      %dma_wait3A_1527 = arith.constant 0 : i32
      %dma_wait3A_1528 = tpu.memref_slice %arg4[%dma_wait3A_1526, %dma_wait3A_1527] : memref<32x1000000xf32, #tpu.memory_space<hbm>> -> memref<32x128xf32, #tpu.memory_space<hbm>>
      %dma_wait3A_1529 = arith.constant 0 : i32
      %dma_wait3A_1530 = arith.constant 0 : i32
      %dma_wait3A_1531 = tpu.memref_slice %arg10[%dma_wait3A_1529, %dma_wait3A_1530] : memref<256x128xf32, #tpu.memory_space<vmem>> -> memref<32x128xf32, #tpu.memory_space<vmem>>
      %dma_wait3A_1532 = arith.constant 0 : i32
      %dma_wait3A_1533 = arith.constant 0 : i32
      %dma_wait3A_1534 = tpu.memref_slice %arg4[%dma_wait3A_1532, %dma_wait3A_1533] : memref<32x1000000xf32, #tpu.memory_space<hbm>> -> memref<32x128xf32, #tpu.memory_space<hbm>>
      tpu.wait_dma2 semaphore(%arg16 : memref<!tpu.dma_semaphore, #tpu.memory_space<semaphore_mem>>) src(%dma_wait3A_1534 : memref<32x128xf32, #tpu.memory_space<hbm>>) dst(%dma_wait3A_1531 : memref<32x128xf32, #tpu.memory_space<vmem>>)
      %dma_wait3A_1535 = arith.constant 32 : i32
      %dma_wait3A_1536 = arith.constant 0 : i32
      %dma_wait3A_1537 = tpu.memref_slice %arg10[%dma_wait3A_1535, %dma_wait3A_1536] : memref<256x128xf32, #tpu.memory_space<vmem>> -> memref<32x128xf32, #tpu.memory_space<vmem>>
      %dma_wait3A_1538 = arith.constant 0 : i32
      %dma_wait3A_1539 = arith.constant 0 : i32
      %dma_wait3A_1540 = tpu.memref_slice %arg4[%dma_wait3A_1538, %dma_wait3A_1539] : memref<32x1000000xf32, #tpu.memory_space<hbm>> -> memref<32x128xf32, #tpu.memory_space<hbm>>
      %dma_wait3A_1541 = arith.constant 32 : i32
      %dma_wait3A_1542 = arith.constant 0 : i32
      %dma_wait3A_1543 = tpu.memref_slice %arg10[%dma_wait3A_1541, %dma_wait3A_1542] : memref<256x128xf32, #tpu.memory_space<vmem>> -> memref<32x128xf32, #tpu.memory_space<vmem>>
      %dma_wait3A_1544 = arith.constant 0 : i32
      %dma_wait3A_1545 = arith.constant 0 : i32
      %dma_wait3A_1546 = tpu.memref_slice %arg4[%dma_wait3A_1544, %dma_wait3A_1545] : memref<32x1000000xf32, #tpu.memory_space<hbm>> -> memref<32x128xf32, #tpu.memory_space<hbm>>
      tpu.wait_dma2 semaphore(%arg16 : memref<!tpu.dma_semaphore, #tpu.memory_space<semaphore_mem>>) src(%dma_wait3A_1546 : memref<32x128xf32, #tpu.memory_space<hbm>>) dst(%dma_wait3A_1543 : memref<32x128xf32, #tpu.memory_space<vmem>>)
      %dma_wait3A_1547 = arith.constant 64 : i32
      %dma_wait3A_1548 = arith.constant 0 : i32
      %dma_wait3A_1549 = tpu.memref_slice %arg10[%dma_wait3A_1547, %dma_wait3A_1548] : memref<256x128xf32, #tpu.memory_space<vmem>> -> memref<32x128xf32, #tpu.memory_space<vmem>>
      %dma_wait3A_1550 = arith.constant 0 : i32
      %dma_wait3A_1551 = arith.constant 0 : i32
      %dma_wait3A_1552 = tpu.memref_slice %arg4[%dma_wait3A_1550, %dma_wait3A_1551] : memref<32x1000000xf32, #tpu.memory_space<hbm>> -> memref<32x128xf32, #tpu.memory_space<hbm>>
      %dma_wait3A_1553 = arith.constant 64 : i32
      %dma_wait3A_1554 = arith.constant 0 : i32
      %dma_wait3A_1555 = tpu.memref_slice %arg10[%dma_wait3A_1553, %dma_wait3A_1554] : memref<256x128xf32, #tpu.memory_space<vmem>> -> memref<32x128xf32, #tpu.memory_space<vmem>>
      %dma_wait3A_1556 = arith.constant 0 : i32
      %dma_wait3A_1557 = arith.constant 0 : i32
      %dma_wait3A_1558 = tpu.memref_slice %arg4[%dma_wait3A_1556, %dma_wait3A_1557] : memref<32x1000000xf32, #tpu.memory_space<hbm>> -> memref<32x128xf32, #tpu.memory_space<hbm>>
      tpu.wait_dma2 semaphore(%arg16 : memref<!tpu.dma_semaphore, #tpu.memory_space<semaphore_mem>>) src(%dma_wait3A_1558 : memref<32x128xf32, #tpu.memory_space<hbm>>) dst(%dma_wait3A_1555 : memref<32x128xf32, #tpu.memory_space<vmem>>)
      %dma_wait3A_1559 = arith.constant 96 : i32
      %dma_wait3A_1560 = arith.constant 0 : i32
      %dma_wait3A_1561 = tpu.memref_slice %arg10[%dma_wait3A_1559, %dma_wait3A_1560] : memref<256x128xf32, #tpu.memory_space<vmem>> -> memref<32x128xf32, #tpu.memory_space<vmem>>
      %dma_wait3A_1562 = arith.constant 0 : i32
      %dma_wait3A_1563 = arith.constant 0 : i32
      %dma_wait3A_1564 = tpu.memref_slice %arg4[%dma_wait3A_1562, %dma_wait3A_1563] : memref<32x1000000xf32, #tpu.memory_space<hbm>> -> memref<32x128xf32, #tpu.memory_space<hbm>>
      %dma_wait3A_1565 = arith.constant 96 : i32
      %dma_wait3A_1566 = arith.constant 0 : i32
      %dma_wait3A_1567 = tpu.memref_slice %arg10[%dma_wait3A_1565, %dma_wait3A_1566] : memref<256x128xf32, #tpu.memory_space<vmem>> -> memref<32x128xf32, #tpu.memory_space<vmem>>
      %dma_wait3A_1568 = arith.constant 0 : i32
      %dma_wait3A_1569 = arith.constant 0 : i32
      %dma_wait3A_1570 = tpu.memref_slice %arg4[%dma_wait3A_1568, %dma_wait3A_1569] : memref<32x1000000xf32, #tpu.memory_space<hbm>> -> memref<32x128xf32, #tpu.memory_space<hbm>>
      tpu.wait_dma2 semaphore(%arg16 : memref<!tpu.dma_semaphore, #tpu.memory_space<semaphore_mem>>) src(%dma_wait3A_1570 : memref<32x128xf32, #tpu.memory_space<hbm>>) dst(%dma_wait3A_1567 : memref<32x128xf32, #tpu.memory_space<vmem>>)
      %dma_wait3A_1571 = arith.constant 128 : i32
      %dma_wait3A_1572 = arith.constant 0 : i32
      %dma_wait3A_1573 = tpu.memref_slice %arg10[%dma_wait3A_1571, %dma_wait3A_1572] : memref<256x128xf32, #tpu.memory_space<vmem>> -> memref<32x128xf32, #tpu.memory_space<vmem>>
      %dma_wait3A_1574 = arith.constant 0 : i32
      %dma_wait3A_1575 = arith.constant 0 : i32
      %dma_wait3A_1576 = tpu.memref_slice %arg4[%dma_wait3A_1574, %dma_wait3A_1575] : memref<32x1000000xf32, #tpu.memory_space<hbm>> -> memref<32x128xf32, #tpu.memory_space<hbm>>
      %dma_wait3A_1577 = arith.constant 128 : i32
      %dma_wait3A_1578 = arith.constant 0 : i32
      %dma_wait3A_1579 = tpu.memref_slice %arg10[%dma_wait3A_1577, %dma_wait3A_1578] : memref<256x128xf32, #tpu.memory_space<vmem>> -> memref<32x128xf32, #tpu.memory_space<vmem>>
      %dma_wait3A_1580 = arith.constant 0 : i32
      %dma_wait3A_1581 = arith.constant 0 : i32
      %dma_wait3A_1582 = tpu.memref_slice %arg4[%dma_wait3A_1580, %dma_wait3A_1581] : memref<32x1000000xf32, #tpu.memory_space<hbm>> -> memref<32x128xf32, #tpu.memory_space<hbm>>
      tpu.wait_dma2 semaphore(%arg16 : memref<!tpu.dma_semaphore, #tpu.memory_space<semaphore_mem>>) src(%dma_wait3A_1582 : memref<32x128xf32, #tpu.memory_space<hbm>>) dst(%dma_wait3A_1579 : memref<32x128xf32, #tpu.memory_space<vmem>>)
      %dma_wait3A_1583 = arith.constant 160 : i32
      %dma_wait3A_1584 = arith.constant 0 : i32
      %dma_wait3A_1585 = tpu.memref_slice %arg10[%dma_wait3A_1583, %dma_wait3A_1584] : memref<256x128xf32, #tpu.memory_space<vmem>> -> memref<32x128xf32, #tpu.memory_space<vmem>>
      %dma_wait3A_1586 = arith.constant 0 : i32
      %dma_wait3A_1587 = arith.constant 0 : i32
      %dma_wait3A_1588 = tpu.memref_slice %arg4[%dma_wait3A_1586, %dma_wait3A_1587] : memref<32x1000000xf32, #tpu.memory_space<hbm>> -> memref<32x128xf32, #tpu.memory_space<hbm>>
      %dma_wait3A_1589 = arith.constant 160 : i32
      %dma_wait3A_1590 = arith.constant 0 : i32
      %dma_wait3A_1591 = tpu.memref_slice %arg10[%dma_wait3A_1589, %dma_wait3A_1590] : memref<256x128xf32, #tpu.memory_space<vmem>> -> memref<32x128xf32, #tpu.memory_space<vmem>>
      %dma_wait3A_1592 = arith.constant 0 : i32
      %dma_wait3A_1593 = arith.constant 0 : i32
      %dma_wait3A_1594 = tpu.memref_slice %arg4[%dma_wait3A_1592, %dma_wait3A_1593] : memref<32x1000000xf32, #tpu.memory_space<hbm>> -> memref<32x128xf32, #tpu.memory_space<hbm>>
      tpu.wait_dma2 semaphore(%arg16 : memref<!tpu.dma_semaphore, #tpu.memory_space<semaphore_mem>>) src(%dma_wait3A_1594 : memref<32x128xf32, #tpu.memory_space<hbm>>) dst(%dma_wait3A_1591 : memref<32x128xf32, #tpu.memory_space<vmem>>)
      %dma_wait3A_1595 = arith.constant 192 : i32
      %dma_wait3A_1596 = arith.constant 0 : i32
      %dma_wait3A_1597 = tpu.memref_slice %arg10[%dma_wait3A_1595, %dma_wait3A_1596] : memref<256x128xf32, #tpu.memory_space<vmem>> -> memref<32x128xf32, #tpu.memory_space<vmem>>
      %dma_wait3A_1598 = arith.constant 0 : i32
      %dma_wait3A_1599 = arith.constant 0 : i32
      %dma_wait3A_1600 = tpu.memref_slice %arg4[%dma_wait3A_1598, %dma_wait3A_1599] : memref<32x1000000xf32, #tpu.memory_space<hbm>> -> memref<32x128xf32, #tpu.memory_space<hbm>>
      %dma_wait3A_1601 = arith.constant 192 : i32
      %dma_wait3A_1602 = arith.constant 0 : i32
      %dma_wait3A_1603 = tpu.memref_slice %arg10[%dma_wait3A_1601, %dma_wait3A_1602] : memref<256x128xf32, #tpu.memory_space<vmem>> -> memref<32x128xf32, #tpu.memory_space<vmem>>
      %dma_wait3A_1604 = arith.constant 0 : i32
      %dma_wait3A_1605 = arith.constant 0 : i32
      %dma_wait3A_1606 = tpu.memref_slice %arg4[%dma_wait3A_1604, %dma_wait3A_1605] : memref<32x1000000xf32, #tpu.memory_space<hbm>> -> memref<32x128xf32, #tpu.memory_space<hbm>>
      tpu.wait_dma2 semaphore(%arg16 : memref<!tpu.dma_semaphore, #tpu.memory_space<semaphore_mem>>) src(%dma_wait3A_1606 : memref<32x128xf32, #tpu.memory_space<hbm>>) dst(%dma_wait3A_1603 : memref<32x128xf32, #tpu.memory_space<vmem>>)
      %dma_wait3A_1607 = arith.constant 224 : i32
      %dma_wait3A_1608 = arith.constant 0 : i32
      %dma_wait3A_1609 = tpu.memref_slice %arg10[%dma_wait3A_1607, %dma_wait3A_1608] : memref<256x128xf32, #tpu.memory_space<vmem>> -> memref<32x128xf32, #tpu.memory_space<vmem>>
      %dma_wait3A_1610 = arith.constant 0 : i32
      %dma_wait3A_1611 = arith.constant 0 : i32
      %dma_wait3A_1612 = tpu.memref_slice %arg4[%dma_wait3A_1610, %dma_wait3A_1611] : memref<32x1000000xf32, #tpu.memory_space<hbm>> -> memref<32x128xf32, #tpu.memory_space<hbm>>
      %dma_wait3A_1613 = arith.constant 224 : i32
      %dma_wait3A_1614 = arith.constant 0 : i32
      %dma_wait3A_1615 = tpu.memref_slice %arg10[%dma_wait3A_1613, %dma_wait3A_1614] : memref<256x128xf32, #tpu.memory_space<vmem>> -> memref<32x128xf32, #tpu.memory_space<vmem>>
      %dma_wait3A_1616 = arith.constant 0 : i32
      %dma_wait3A_1617 = arith.constant 0 : i32
      %dma_wait3A_1618 = tpu.memref_slice %arg4[%dma_wait3A_1616, %dma_wait3A_1617] : memref<32x1000000xf32, #tpu.memory_space<hbm>> -> memref<32x128xf32, #tpu.memory_space<hbm>>
      tpu.wait_dma2 semaphore(%arg16 : memref<!tpu.dma_semaphore, #tpu.memory_space<semaphore_mem>>) src(%dma_wait3A_1618 : memref<32x128xf32, #tpu.memory_space<hbm>>) dst(%dma_wait3A_1615 : memref<32x128xf32, #tpu.memory_space<vmem>>)
      %dma_wait3A_1619 = arith.constant 0 : i32
      %dma_wait3A_1620 = arith.constant 0 : i32
      %dma_wait3A_1621 = tpu.memref_slice %arg5[%dma_wait3A_1619, %dma_wait3A_1620] : memref<100000x32xf32, #tpu.memory_space<hbm>> -> memref<64x32xf32, #tpu.memory_space<hbm>>
      %dma_wait3A_1622 = arith.constant 0 : i32
      %dma_wait3A_1623 = arith.constant 0 : i32
      %dma_wait3A_1624 = tpu.memref_slice %arg5[%dma_wait3A_1622, %dma_wait3A_1623] : memref<100000x32xf32, #tpu.memory_space<hbm>> -> memref<64x32xf32, #tpu.memory_space<hbm>>
      tpu.wait_dma2 semaphore(%arg18 : memref<!tpu.dma_semaphore, #tpu.memory_space<semaphore_mem>>) src(%dma_wait3A_1624 : memref<64x32xf32, #tpu.memory_space<hbm>>) dst(%arg12 : memref<64x32xf32, #tpu.memory_space<vmem>>)
      %slice3A_1625 = vector.extract_strided_slice %scan3A_1239 {offsets = [0], sizes = [1], strides = [1]} : vector<16xi32> to vector<1xi32>
      %squeeze3A_1626 = vector.extract %slice3A_1625[0] : i32 from vector<1xi32>
      %slice3A_1627 = vector.extract_strided_slice %scan3A_1240 {offsets = [0], sizes = [1], strides = [1]} : vector<16xi32> to vector<1xi32>
      %squeeze3A_1628 = vector.extract %slice3A_1627[0] : i32 from vector<1xi32>
      %and3A_1629 = arith.constant 127 : i32
      %and3A_1630 = arith.andi %squeeze3A_1626, %and3A_1629 : i32
      %broadcast_in_dim3A_1631 = vector.broadcast %and3A_1630 : i32 to vector<16xi32>
      %and3A_1632 = arith.constant 7 : i32
      %and3A_1633 = arith.andi %squeeze3A_1628, %and3A_1632 : i32
      %add3A_1634 = arith.constant 0 : i32
      %add3A_1635 = arith.addi %add3A_1634, %and3A_1633 : i32
      %broadcast_in_dim3A_1636 = vector.broadcast %add3A_1635 : i32 to vector<16xi32>
      %mul3A_1637 = arith.constant 8 : i32
      %mul3A_1638 = arith.muli %mul3A_1242, %mul3A_1637 : i32
      %add3A_1639 = arith.constant 0 : i32
      %add3A_1640 = arith.addi %mul3A_1638, %add3A_1639 : i32
      %broadcast_in_dim3A_1641 = vector.broadcast %add3A_1640 : i32 to vector<16xi32>
      %add3A_1642 = arith.constant 0 : i32
      %add3A_1643 = vector.broadcast %add3A_1642 : i32 to vector<16xi32>
      %add3A_1644 = arith.addi %iota3A, %add3A_1643 : vector<16xi32>
      %broadcast_in_dim3A_1645 = arith.constant 0 : i32
      %broadcast_in_dim3A_1646 = vector.broadcast %broadcast_in_dim3A_1645 : i32 to vector<16xi32>
      %add3A_1647 = arith.addi %broadcast_in_dim3A_1646, %iota3A : vector<16xi32>
      %gather3A_1648 = tpu.vector_load_idx %arg10[%add3A_1647, %broadcast_in_dim3A_1631] : memref<256x128xf32, #tpu.memory_space<vmem>>[vector<16xi32>, vector<16xi32>], vector<16xf32>,
      tpu.vector_store_idx %arg14[%add3A_1644, %broadcast_in_dim3A_1641], %gather3A_1648 : memref<32x512xf32, #tpu.memory_space<vmem>>[vector<16xi32>, vector<16xi32>], vector<16xf32>,
      %gather3A_1649 = tpu.vector_load_idx %arg12[%broadcast_in_dim3A_1636, %add3A_1644] : memref<64x32xf32, #tpu.memory_space<vmem>>[vector<16xi32>, vector<16xi32>], vector<16xf32>,
      tpu.vector_store_idx %arg15[%add3A_1644, %broadcast_in_dim3A_1641], %gather3A_1649 : memref<32x512xf32, #tpu.memory_space<vmem>>[vector<16xi32>, vector<16xi32>], vector<16xf32>,
      %add3A_1650 = arith.constant 16 : i32
      %add3A_1651 = vector.broadcast %add3A_1650 : i32 to vector<16xi32>
      %add3A_1652 = arith.addi %iota3A, %add3A_1651 : vector<16xi32>
      %broadcast_in_dim3A_1653 = arith.constant 16 : i32
      %broadcast_in_dim3A_1654 = vector.broadcast %broadcast_in_dim3A_1653 : i32 to vector<16xi32>
      %add3A_1655 = arith.addi %broadcast_in_dim3A_1654, %iota3A : vector<16xi32>
      %gather3A_1656 = tpu.vector_load_idx %arg10[%add3A_1655, %broadcast_in_dim3A_1631] : memref<256x128xf32, #tpu.memory_space<vmem>>[vector<16xi32>, vector<16xi32>], vector<16xf32>,
      tpu.vector_store_idx %arg14[%add3A_1652, %broadcast_in_dim3A_1641], %gather3A_1656 : memref<32x512xf32, #tpu.memory_space<vmem>>[vector<16xi32>, vector<16xi32>], vector<16xf32>,
      %gather3A_1657 = tpu.vector_load_idx %arg12[%broadcast_in_dim3A_1636, %add3A_1652] : memref<64x32xf32, #tpu.memory_space<vmem>>[vector<16xi32>, vector<16xi32>], vector<16xf32>,
      tpu.vector_store_idx %arg15[%add3A_1652, %broadcast_in_dim3A_1641], %gather3A_1657 : memref<32x512xf32, #tpu.memory_space<vmem>>[vector<16xi32>, vector<16xi32>], vector<16xf32>,
      %slice3A_1658 = vector.extract_strided_slice %scan3A_1239 {offsets = [1], sizes = [1], strides = [1]} : vector<16xi32> to vector<1xi32>
      %squeeze3A_1659 = vector.extract %slice3A_1658[0] : i32 from vector<1xi32>
      %slice3A_1660 = vector.extract_strided_slice %scan3A_1240 {offsets = [1], sizes = [1], strides = [1]} : vector<16xi32> to vector<1xi32>
      %squeeze3A_1661 = vector.extract %slice3A_1660[0] : i32 from vector<1xi32>
      %and3A_1662 = arith.constant 127 : i32
      %and3A_1663 = arith.andi %squeeze3A_1659, %and3A_1662 : i32
      %broadcast_in_dim3A_1664 = vector.broadcast %and3A_1663 : i32 to vector<16xi32>
      %and3A_1665 = arith.constant 7 : i32
      %and3A_1666 = arith.andi %squeeze3A_1661, %and3A_1665 : i32
      %add3A_1667 = arith.constant 8 : i32
      %add3A_1668 = arith.addi %add3A_1667, %and3A_1666 : i32
      %broadcast_in_dim3A_1669 = vector.broadcast %add3A_1668 : i32 to vector<16xi32>
      %mul3A_1670 = arith.constant 8 : i32
      %mul3A_1671 = arith.muli %mul3A_1242, %mul3A_1670 : i32
      %add3A_1672 = arith.constant 1 : i32
      %add3A_1673 = arith.addi %mul3A_1671, %add3A_1672 : i32
      %broadcast_in_dim3A_1674 = vector.broadcast %add3A_1673 : i32 to vector<16xi32>
      %add3A_1675 = arith.constant 0 : i32
      %add3A_1676 = vector.broadcast %add3A_1675 : i32 to vector<16xi32>
      %add3A_1677 = arith.addi %iota3A, %add3A_1676 : vector<16xi32>
      %broadcast_in_dim3A_1678 = arith.constant 32 : i32
      %broadcast_in_dim3A_1679 = vector.broadcast %broadcast_in_dim3A_1678 : i32 to vector<16xi32>
      %add3A_1680 = arith.addi %broadcast_in_dim3A_1679, %iota3A : vector<16xi32>
      %gather3A_1681 = tpu.vector_load_idx %arg10[%add3A_1680, %broadcast_in_dim3A_1664] : memref<256x128xf32, #tpu.memory_space<vmem>>[vector<16xi32>, vector<16xi32>], vector<16xf32>,
      tpu.vector_store_idx %arg14[%add3A_1677, %broadcast_in_dim3A_1674], %gather3A_1681 : memref<32x512xf32, #tpu.memory_space<vmem>>[vector<16xi32>, vector<16xi32>], vector<16xf32>,
      %gather3A_1682 = tpu.vector_load_idx %arg12[%broadcast_in_dim3A_1669, %add3A_1677] : memref<64x32xf32, #tpu.memory_space<vmem>>[vector<16xi32>, vector<16xi32>], vector<16xf32>,
      tpu.vector_store_idx %arg15[%add3A_1677, %broadcast_in_dim3A_1674], %gather3A_1682 : memref<32x512xf32, #tpu.memory_space<vmem>>[vector<16xi32>, vector<16xi32>], vector<16xf32>,
      %add3A_1683 = arith.constant 16 : i32
      %add3A_1684 = vector.broadcast %add3A_1683 : i32 to vector<16xi32>
      %add3A_1685 = arith.addi %iota3A, %add3A_1684 : vector<16xi32>
      %broadcast_in_dim3A_1686 = arith.constant 48 : i32
      %broadcast_in_dim3A_1687 = vector.broadcast %broadcast_in_dim3A_1686 : i32 to vector<16xi32>
      %add3A_1688 = arith.addi %broadcast_in_dim3A_1687, %iota3A : vector<16xi32>
      %gather3A_1689 = tpu.vector_load_idx %arg10[%add3A_1688, %broadcast_in_dim3A_1664] : memref<256x128xf32, #tpu.memory_space<vmem>>[vector<16xi32>, vector<16xi32>], vector<16xf32>,
      tpu.vector_store_idx %arg14[%add3A_1685, %broadcast_in_dim3A_1674], %gather3A_1689 : memref<32x512xf32, #tpu.memory_space<vmem>>[vector<16xi32>, vector<16xi32>], vector<16xf32>,
      %gather3A_1690 = tpu.vector_load_idx %arg12[%broadcast_in_dim3A_1669, %add3A_1685] : memref<64x32xf32, #tpu.memory_space<vmem>>[vector<16xi32>, vector<16xi32>], vector<16xf32>,
      tpu.vector_store_idx %arg15[%add3A_1685, %broadcast_in_dim3A_1674], %gather3A_1690 : memref<32x512xf32, #tpu.memory_space<vmem>>[vector<16xi32>, vector<16xi32>], vector<16xf32>,
      %slice3A_1691 = vector.extract_strided_slice %scan3A_1239 {offsets = [2], sizes = [1], strides = [1]} : vector<16xi32> to vector<1xi32>
      %squeeze3A_1692 = vector.extract %slice3A_1691[0] : i32 from vector<1xi32>
      %slice3A_1693 = vector.extract_strided_slice %scan3A_1240 {offsets = [2], sizes = [1], strides = [1]} : vector<16xi32> to vector<1xi32>
      %squeeze3A_1694 = vector.extract %slice3A_1693[0] : i32 from vector<1xi32>
      %and3A_1695 = arith.constant 127 : i32
      %and3A_1696 = arith.andi %squeeze3A_1692, %and3A_1695 : i32
      %broadcast_in_dim3A_1697 = vector.broadcast %and3A_1696 : i32 to vector<16xi32>
      %and3A_1698 = arith.constant 7 : i32
      %and3A_1699 = arith.andi %squeeze3A_1694, %and3A_1698 : i32
      %add3A_1700 = arith.constant 16 : i32
      %add3A_1701 = arith.addi %add3A_1700, %and3A_1699 : i32
      %broadcast_in_dim3A_1702 = vector.broadcast %add3A_1701 : i32 to vector<16xi32>
      %mul3A_1703 = arith.constant 8 : i32
      %mul3A_1704 = arith.muli %mul3A_1242, %mul3A_1703 : i32
      %add3A_1705 = arith.constant 2 : i32
      %add3A_1706 = arith.addi %mul3A_1704, %add3A_1705 : i32
      %broadcast_in_dim3A_1707 = vector.broadcast %add3A_1706 : i32 to vector<16xi32>
      %add3A_1708 = arith.constant 0 : i32
      %add3A_1709 = vector.broadcast %add3A_1708 : i32 to vector<16xi32>
      %add3A_1710 = arith.addi %iota3A, %add3A_1709 : vector<16xi32>
      %broadcast_in_dim3A_1711 = arith.constant 64 : i32
      %broadcast_in_dim3A_1712 = vector.broadcast %broadcast_in_dim3A_1711 : i32 to vector<16xi32>
      %add3A_1713 = arith.addi %broadcast_in_dim3A_1712, %iota3A : vector<16xi32>
      %gather3A_1714 = tpu.vector_load_idx %arg10[%add3A_1713, %broadcast_in_dim3A_1697] : memref<256x128xf32, #tpu.memory_space<vmem>>[vector<16xi32>, vector<16xi32>], vector<16xf32>,
      tpu.vector_store_idx %arg14[%add3A_1710, %broadcast_in_dim3A_1707], %gather3A_1714 : memref<32x512xf32, #tpu.memory_space<vmem>>[vector<16xi32>, vector<16xi32>], vector<16xf32>,
      %gather3A_1715 = tpu.vector_load_idx %arg12[%broadcast_in_dim3A_1702, %add3A_1710] : memref<64x32xf32, #tpu.memory_space<vmem>>[vector<16xi32>, vector<16xi32>], vector<16xf32>,
      tpu.vector_store_idx %arg15[%add3A_1710, %broadcast_in_dim3A_1707], %gather3A_1715 : memref<32x512xf32, #tpu.memory_space<vmem>>[vector<16xi32>, vector<16xi32>], vector<16xf32>,
      %add3A_1716 = arith.constant 16 : i32
      %add3A_1717 = vector.broadcast %add3A_1716 : i32 to vector<16xi32>
      %add3A_1718 = arith.addi %iota3A, %add3A_1717 : vector<16xi32>
      %broadcast_in_dim3A_1719 = arith.constant 80 : i32
      %broadcast_in_dim3A_1720 = vector.broadcast %broadcast_in_dim3A_1719 : i32 to vector<16xi32>
      %add3A_1721 = arith.addi %broadcast_in_dim3A_1720, %iota3A : vector<16xi32>
      %gather3A_1722 = tpu.vector_load_idx %arg10[%add3A_1721, %broadcast_in_dim3A_1697] : memref<256x128xf32, #tpu.memory_space<vmem>>[vector<16xi32>, vector<16xi32>], vector<16xf32>,
      tpu.vector_store_idx %arg14[%add3A_1718, %broadcast_in_dim3A_1707], %gather3A_1722 : memref<32x512xf32, #tpu.memory_space<vmem>>[vector<16xi32>, vector<16xi32>], vector<16xf32>,
      %gather3A_1723 = tpu.vector_load_idx %arg12[%broadcast_in_dim3A_1702, %add3A_1718] : memref<64x32xf32, #tpu.memory_space<vmem>>[vector<16xi32>, vector<16xi32>], vector<16xf32>,
      tpu.vector_store_idx %arg15[%add3A_1718, %broadcast_in_dim3A_1707], %gather3A_1723 : memref<32x512xf32, #tpu.memory_space<vmem>>[vector<16xi32>, vector<16xi32>], vector<16xf32>,
      %slice3A_1724 = vector.extract_strided_slice %scan3A_1239 {offsets = [3], sizes = [1], strides = [1]} : vector<16xi32> to vector<1xi32>
      %squeeze3A_1725 = vector.extract %slice3A_1724[0] : i32 from vector<1xi32>
      %slice3A_1726 = vector.extract_strided_slice %scan3A_1240 {offsets = [3], sizes = [1], strides = [1]} : vector<16xi32> to vector<1xi32>
      %squeeze3A_1727 = vector.extract %slice3A_1726[0] : i32 from vector<1xi32>
      %and3A_1728 = arith.constant 127 : i32
      %and3A_1729 = arith.andi %squeeze3A_1725, %and3A_1728 : i32
      %broadcast_in_dim3A_1730 = vector.broadcast %and3A_1729 : i32 to vector<16xi32>
      %and3A_1731 = arith.constant 7 : i32
      %and3A_1732 = arith.andi %squeeze3A_1727, %and3A_1731 : i32
      %add3A_1733 = arith.constant 24 : i32
      %add3A_1734 = arith.addi %add3A_1733, %and3A_1732 : i32
      %broadcast_in_dim3A_1735 = vector.broadcast %add3A_1734 : i32 to vector<16xi32>
      %mul3A_1736 = arith.constant 8 : i32
      %mul3A_1737 = arith.muli %mul3A_1242, %mul3A_1736 : i32
      %add3A_1738 = arith.constant 3 : i32
      %add3A_1739 = arith.addi %mul3A_1737, %add3A_1738 : i32
      %broadcast_in_dim3A_1740 = vector.broadcast %add3A_1739 : i32 to vector<16xi32>
      %add3A_1741 = arith.constant 0 : i32
      %add3A_1742 = vector.broadcast %add3A_1741 : i32 to vector<16xi32>
      %add3A_1743 = arith.addi %iota3A, %add3A_1742 : vector<16xi32>
      %broadcast_in_dim3A_1744 = arith.constant 96 : i32
      %broadcast_in_dim3A_1745 = vector.broadcast %broadcast_in_dim3A_1744 : i32 to vector<16xi32>
      %add3A_1746 = arith.addi %broadcast_in_dim3A_1745, %iota3A : vector<16xi32>
      %gather3A_1747 = tpu.vector_load_idx %arg10[%add3A_1746, %broadcast_in_dim3A_1730] : memref<256x128xf32, #tpu.memory_space<vmem>>[vector<16xi32>, vector<16xi32>], vector<16xf32>,
      tpu.vector_store_idx %arg14[%add3A_1743, %broadcast_in_dim3A_1740], %gather3A_1747 : memref<32x512xf32, #tpu.memory_space<vmem>>[vector<16xi32>, vector<16xi32>], vector<16xf32>,
      %gather3A_1748 = tpu.vector_load_idx %arg12[%broadcast_in_dim3A_1735, %add3A_1743] : memref<64x32xf32, #tpu.memory_space<vmem>>[vector<16xi32>, vector<16xi32>], vector<16xf32>,
      tpu.vector_store_idx %arg15[%add3A_1743, %broadcast_in_dim3A_1740], %gather3A_1748 : memref<32x512xf32, #tpu.memory_space<vmem>>[vector<16xi32>, vector<16xi32>], vector<16xf32>,
      %add3A_1749 = arith.constant 16 : i32
      %add3A_1750 = vector.broadcast %add3A_1749 : i32 to vector<16xi32>
      %add3A_1751 = arith.addi %iota3A, %add3A_1750 : vector<16xi32>
      %broadcast_in_dim3A_1752 = arith.constant 112 : i32
      %broadcast_in_dim3A_1753 = vector.broadcast %broadcast_in_dim3A_1752 : i32 to vector<16xi32>
      %add3A_1754 = arith.addi %broadcast_in_dim3A_1753, %iota3A : vector<16xi32>
      %gather3A_1755 = tpu.vector_load_idx %arg10[%add3A_1754, %broadcast_in_dim3A_1730] : memref<256x128xf32, #tpu.memory_space<vmem>>[vector<16xi32>, vector<16xi32>], vector<16xf32>,
      tpu.vector_store_idx %arg14[%add3A_1751, %broadcast_in_dim3A_1740], %gather3A_1755 : memref<32x512xf32, #tpu.memory_space<vmem>>[vector<16xi32>, vector<16xi32>], vector<16xf32>,
      %gather3A_1756 = tpu.vector_load_idx %arg12[%broadcast_in_dim3A_1735, %add3A_1751] : memref<64x32xf32, #tpu.memory_space<vmem>>[vector<16xi32>, vector<16xi32>], vector<16xf32>,
      tpu.vector_store_idx %arg15[%add3A_1751, %broadcast_in_dim3A_1740], %gather3A_1756 : memref<32x512xf32, #tpu.memory_space<vmem>>[vector<16xi32>, vector<16xi32>], vector<16xf32>,
      %slice3A_1757 = vector.extract_strided_slice %scan3A_1239 {offsets = [4], sizes = [1], strides = [1]} : vector<16xi32> to vector<1xi32>
      %squeeze3A_1758 = vector.extract %slice3A_1757[0] : i32 from vector<1xi32>
      %slice3A_1759 = vector.extract_strided_slice %scan3A_1240 {offsets = [4], sizes = [1], strides = [1]} : vector<16xi32> to vector<1xi32>
      %squeeze3A_1760 = vector.extract %slice3A_1759[0] : i32 from vector<1xi32>
      %and3A_1761 = arith.constant 127 : i32
      %and3A_1762 = arith.andi %squeeze3A_1758, %and3A_1761 : i32
      %broadcast_in_dim3A_1763 = vector.broadcast %and3A_1762 : i32 to vector<16xi32>
      %and3A_1764 = arith.constant 7 : i32
      %and3A_1765 = arith.andi %squeeze3A_1760, %and3A_1764 : i32
      %add3A_1766 = arith.constant 32 : i32
      %add3A_1767 = arith.addi %add3A_1766, %and3A_1765 : i32
      %broadcast_in_dim3A_1768 = vector.broadcast %add3A_1767 : i32 to vector<16xi32>
      %mul3A_1769 = arith.constant 8 : i32
      %mul3A_1770 = arith.muli %mul3A_1242, %mul3A_1769 : i32
      %add3A_1771 = arith.constant 4 : i32
      %add3A_1772 = arith.addi %mul3A_1770, %add3A_1771 : i32
      %broadcast_in_dim3A_1773 = vector.broadcast %add3A_1772 : i32 to vector<16xi32>
      %add3A_1774 = arith.constant 0 : i32
      %add3A_1775 = vector.broadcast %add3A_1774 : i32 to vector<16xi32>
      %add3A_1776 = arith.addi %iota3A, %add3A_1775 : vector<16xi32>
      %broadcast_in_dim3A_1777 = arith.constant 128 : i32
      %broadcast_in_dim3A_1778 = vector.broadcast %broadcast_in_dim3A_1777 : i32 to vector<16xi32>
      %add3A_1779 = arith.addi %broadcast_in_dim3A_1778, %iota3A : vector<16xi32>
      %gather3A_1780 = tpu.vector_load_idx %arg10[%add3A_1779, %broadcast_in_dim3A_1763] : memref<256x128xf32, #tpu.memory_space<vmem>>[vector<16xi32>, vector<16xi32>], vector<16xf32>,
      tpu.vector_store_idx %arg14[%add3A_1776, %broadcast_in_dim3A_1773], %gather3A_1780 : memref<32x512xf32, #tpu.memory_space<vmem>>[vector<16xi32>, vector<16xi32>], vector<16xf32>,
      %gather3A_1781 = tpu.vector_load_idx %arg12[%broadcast_in_dim3A_1768, %add3A_1776] : memref<64x32xf32, #tpu.memory_space<vmem>>[vector<16xi32>, vector<16xi32>], vector<16xf32>,
      tpu.vector_store_idx %arg15[%add3A_1776, %broadcast_in_dim3A_1773], %gather3A_1781 : memref<32x512xf32, #tpu.memory_space<vmem>>[vector<16xi32>, vector<16xi32>], vector<16xf32>,
      %add3A_1782 = arith.constant 16 : i32
      %add3A_1783 = vector.broadcast %add3A_1782 : i32 to vector<16xi32>
      %add3A_1784 = arith.addi %iota3A, %add3A_1783 : vector<16xi32>
      %broadcast_in_dim3A_1785 = arith.constant 144 : i32
      %broadcast_in_dim3A_1786 = vector.broadcast %broadcast_in_dim3A_1785 : i32 to vector<16xi32>
      %add3A_1787 = arith.addi %broadcast_in_dim3A_1786, %iota3A : vector<16xi32>
      %gather3A_1788 = tpu.vector_load_idx %arg10[%add3A_1787, %broadcast_in_dim3A_1763] : memref<256x128xf32, #tpu.memory_space<vmem>>[vector<16xi32>, vector<16xi32>], vector<16xf32>,
      tpu.vector_store_idx %arg14[%add3A_1784, %broadcast_in_dim3A_1773], %gather3A_1788 : memref<32x512xf32, #tpu.memory_space<vmem>>[vector<16xi32>, vector<16xi32>], vector<16xf32>,
      %gather3A_1789 = tpu.vector_load_idx %arg12[%broadcast_in_dim3A_1768, %add3A_1784] : memref<64x32xf32, #tpu.memory_space<vmem>>[vector<16xi32>, vector<16xi32>], vector<16xf32>,
      tpu.vector_store_idx %arg15[%add3A_1784, %broadcast_in_dim3A_1773], %gather3A_1789 : memref<32x512xf32, #tpu.memory_space<vmem>>[vector<16xi32>, vector<16xi32>], vector<16xf32>,
      %slice3A_1790 = vector.extract_strided_slice %scan3A_1239 {offsets = [5], sizes = [1], strides = [1]} : vector<16xi32> to vector<1xi32>
      %squeeze3A_1791 = vector.extract %slice3A_1790[0] : i32 from vector<1xi32>
      %slice3A_1792 = vector.extract_strided_slice %scan3A_1240 {offsets = [5], sizes = [1], strides = [1]} : vector<16xi32> to vector<1xi32>
      %squeeze3A_1793 = vector.extract %slice3A_1792[0] : i32 from vector<1xi32>
      %and3A_1794 = arith.constant 127 : i32
      %and3A_1795 = arith.andi %squeeze3A_1791, %and3A_1794 : i32
      %broadcast_in_dim3A_1796 = vector.broadcast %and3A_1795 : i32 to vector<16xi32>
      %and3A_1797 = arith.constant 7 : i32
      %and3A_1798 = arith.andi %squeeze3A_1793, %and3A_1797 : i32
      %add3A_1799 = arith.constant 40 : i32
      %add3A_1800 = arith.addi %add3A_1799, %and3A_1798 : i32
      %broadcast_in_dim3A_1801 = vector.broadcast %add3A_1800 : i32 to vector<16xi32>
      %mul3A_1802 = arith.constant 8 : i32
      %mul3A_1803 = arith.muli %mul3A_1242, %mul3A_1802 : i32
      %add3A_1804 = arith.constant 5 : i32
      %add3A_1805 = arith.addi %mul3A_1803, %add3A_1804 : i32
      %broadcast_in_dim3A_1806 = vector.broadcast %add3A_1805 : i32 to vector<16xi32>
      %add3A_1807 = arith.constant 0 : i32
      %add3A_1808 = vector.broadcast %add3A_1807 : i32 to vector<16xi32>
      %add3A_1809 = arith.addi %iota3A, %add3A_1808 : vector<16xi32>
      %broadcast_in_dim3A_1810 = arith.constant 160 : i32
      %broadcast_in_dim3A_1811 = vector.broadcast %broadcast_in_dim3A_1810 : i32 to vector<16xi32>
      %add3A_1812 = arith.addi %broadcast_in_dim3A_1811, %iota3A : vector<16xi32>
      %gather3A_1813 = tpu.vector_load_idx %arg10[%add3A_1812, %broadcast_in_dim3A_1796] : memref<256x128xf32, #tpu.memory_space<vmem>>[vector<16xi32>, vector<16xi32>], vector<16xf32>,
      tpu.vector_store_idx %arg14[%add3A_1809, %broadcast_in_dim3A_1806], %gather3A_1813 : memref<32x512xf32, #tpu.memory_space<vmem>>[vector<16xi32>, vector<16xi32>], vector<16xf32>,
      %gather3A_1814 = tpu.vector_load_idx %arg12[%broadcast_in_dim3A_1801, %add3A_1809] : memref<64x32xf32, #tpu.memory_space<vmem>>[vector<16xi32>, vector<16xi32>], vector<16xf32>,
      tpu.vector_store_idx %arg15[%add3A_1809, %broadcast_in_dim3A_1806], %gather3A_1814 : memref<32x512xf32, #tpu.memory_space<vmem>>[vector<16xi32>, vector<16xi32>], vector<16xf32>,
      %add3A_1815 = arith.constant 16 : i32
      %add3A_1816 = vector.broadcast %add3A_1815 : i32 to vector<16xi32>
      %add3A_1817 = arith.addi %iota3A, %add3A_1816 : vector<16xi32>
      %broadcast_in_dim3A_1818 = arith.constant 176 : i32
      %broadcast_in_dim3A_1819 = vector.broadcast %broadcast_in_dim3A_1818 : i32 to vector<16xi32>
      %add3A_1820 = arith.addi %broadcast_in_dim3A_1819, %iota3A : vector<16xi32>
      %gather3A_1821 = tpu.vector_load_idx %arg10[%add3A_1820, %broadcast_in_dim3A_1796] : memref<256x128xf32, #tpu.memory_space<vmem>>[vector<16xi32>, vector<16xi32>], vector<16xf32>,
      tpu.vector_store_idx %arg14[%add3A_1817, %broadcast_in_dim3A_1806], %gather3A_1821 : memref<32x512xf32, #tpu.memory_space<vmem>>[vector<16xi32>, vector<16xi32>], vector<16xf32>,
      %gather3A_1822 = tpu.vector_load_idx %arg12[%broadcast_in_dim3A_1801, %add3A_1817] : memref<64x32xf32, #tpu.memory_space<vmem>>[vector<16xi32>, vector<16xi32>], vector<16xf32>,
      tpu.vector_store_idx %arg15[%add3A_1817, %broadcast_in_dim3A_1806], %gather3A_1822 : memref<32x512xf32, #tpu.memory_space<vmem>>[vector<16xi32>, vector<16xi32>], vector<16xf32>,
      %slice3A_1823 = vector.extract_strided_slice %scan3A_1239 {offsets = [6], sizes = [1], strides = [1]} : vector<16xi32> to vector<1xi32>
      %squeeze3A_1824 = vector.extract %slice3A_1823[0] : i32 from vector<1xi32>
      %slice3A_1825 = vector.extract_strided_slice %scan3A_1240 {offsets = [6], sizes = [1], strides = [1]} : vector<16xi32> to vector<1xi32>
      %squeeze3A_1826 = vector.extract %slice3A_1825[0] : i32 from vector<1xi32>
      %and3A_1827 = arith.constant 127 : i32
      %and3A_1828 = arith.andi %squeeze3A_1824, %and3A_1827 : i32
      %broadcast_in_dim3A_1829 = vector.broadcast %and3A_1828 : i32 to vector<16xi32>
      %and3A_1830 = arith.constant 7 : i32
      %and3A_1831 = arith.andi %squeeze3A_1826, %and3A_1830 : i32
      %add3A_1832 = arith.constant 48 : i32
      %add3A_1833 = arith.addi %add3A_1832, %and3A_1831 : i32
      %broadcast_in_dim3A_1834 = vector.broadcast %add3A_1833 : i32 to vector<16xi32>
      %mul3A_1835 = arith.constant 8 : i32
      %mul3A_1836 = arith.muli %mul3A_1242, %mul3A_1835 : i32
      %add3A_1837 = arith.constant 6 : i32
      %add3A_1838 = arith.addi %mul3A_1836, %add3A_1837 : i32
      %broadcast_in_dim3A_1839 = vector.broadcast %add3A_1838 : i32 to vector<16xi32>
      %add3A_1840 = arith.constant 0 : i32
      %add3A_1841 = vector.broadcast %add3A_1840 : i32 to vector<16xi32>
      %add3A_1842 = arith.addi %iota3A, %add3A_1841 : vector<16xi32>
      %broadcast_in_dim3A_1843 = arith.constant 192 : i32
      %broadcast_in_dim3A_1844 = vector.broadcast %broadcast_in_dim3A_1843 : i32 to vector<16xi32>
      %add3A_1845 = arith.addi %broadcast_in_dim3A_1844, %iota3A : vector<16xi32>
      %gather3A_1846 = tpu.vector_load_idx %arg10[%add3A_1845, %broadcast_in_dim3A_1829] : memref<256x128xf32, #tpu.memory_space<vmem>>[vector<16xi32>, vector<16xi32>], vector<16xf32>,
      tpu.vector_store_idx %arg14[%add3A_1842, %broadcast_in_dim3A_1839], %gather3A_1846 : memref<32x512xf32, #tpu.memory_space<vmem>>[vector<16xi32>, vector<16xi32>], vector<16xf32>,
      %gather3A_1847 = tpu.vector_load_idx %arg12[%broadcast_in_dim3A_1834, %add3A_1842] : memref<64x32xf32, #tpu.memory_space<vmem>>[vector<16xi32>, vector<16xi32>], vector<16xf32>,
      tpu.vector_store_idx %arg15[%add3A_1842, %broadcast_in_dim3A_1839], %gather3A_1847 : memref<32x512xf32, #tpu.memory_space<vmem>>[vector<16xi32>, vector<16xi32>], vector<16xf32>,
      %add3A_1848 = arith.constant 16 : i32
      %add3A_1849 = vector.broadcast %add3A_1848 : i32 to vector<16xi32>
      %add3A_1850 = arith.addi %iota3A, %add3A_1849 : vector<16xi32>
      %broadcast_in_dim3A_1851 = arith.constant 208 : i32
      %broadcast_in_dim3A_1852 = vector.broadcast %broadcast_in_dim3A_1851 : i32 to vector<16xi32>
      %add3A_1853 = arith.addi %broadcast_in_dim3A_1852, %iota3A : vector<16xi32>
      %gather3A_1854 = tpu.vector_load_idx %arg10[%add3A_1853, %broadcast_in_dim3A_1829] : memref<256x128xf32, #tpu.memory_space<vmem>>[vector<16xi32>, vector<16xi32>], vector<16xf32>,
      tpu.vector_store_idx %arg14[%add3A_1850, %broadcast_in_dim3A_1839], %gather3A_1854 : memref<32x512xf32, #tpu.memory_space<vmem>>[vector<16xi32>, vector<16xi32>], vector<16xf32>,
      %gather3A_1855 = tpu.vector_load_idx %arg12[%broadcast_in_dim3A_1834, %add3A_1850] : memref<64x32xf32, #tpu.memory_space<vmem>>[vector<16xi32>, vector<16xi32>], vector<16xf32>,
      tpu.vector_store_idx %arg15[%add3A_1850, %broadcast_in_dim3A_1839], %gather3A_1855 : memref<32x512xf32, #tpu.memory_space<vmem>>[vector<16xi32>, vector<16xi32>], vector<16xf32>,
      %slice3A_1856 = vector.extract_strided_slice %scan3A_1239 {offsets = [7], sizes = [1], strides = [1]} : vector<16xi32> to vector<1xi32>
      %squeeze3A_1857 = vector.extract %slice3A_1856[0] : i32 from vector<1xi32>
      %slice3A_1858 = vector.extract_strided_slice %scan3A_1240 {offsets = [7], sizes = [1], strides = [1]} : vector<16xi32> to vector<1xi32>
      %squeeze3A_1859 = vector.extract %slice3A_1858[0] : i32 from vector<1xi32>
      %and3A_1860 = arith.constant 127 : i32
      %and3A_1861 = arith.andi %squeeze3A_1857, %and3A_1860 : i32
      %broadcast_in_dim3A_1862 = vector.broadcast %and3A_1861 : i32 to vector<16xi32>
      %and3A_1863 = arith.constant 7 : i32
      %and3A_1864 = arith.andi %squeeze3A_1859, %and3A_1863 : i32
      %add3A_1865 = arith.constant 56 : i32
      %add3A_1866 = arith.addi %add3A_1865, %and3A_1864 : i32
      %broadcast_in_dim3A_1867 = vector.broadcast %add3A_1866 : i32 to vector<16xi32>
      %mul3A_1868 = arith.constant 8 : i32
      %mul3A_1869 = arith.muli %mul3A_1242, %mul3A_1868 : i32
      %add3A_1870 = arith.constant 7 : i32
      %add3A_1871 = arith.addi %mul3A_1869, %add3A_1870 : i32
      %broadcast_in_dim3A_1872 = vector.broadcast %add3A_1871 : i32 to vector<16xi32>
      %add3A_1873 = arith.constant 0 : i32
      %add3A_1874 = vector.broadcast %add3A_1873 : i32 to vector<16xi32>
      %add3A_1875 = arith.addi %iota3A, %add3A_1874 : vector<16xi32>
      %broadcast_in_dim3A_1876 = arith.constant 224 : i32
      %broadcast_in_dim3A_1877 = vector.broadcast %broadcast_in_dim3A_1876 : i32 to vector<16xi32>
      %add3A_1878 = arith.addi %broadcast_in_dim3A_1877, %iota3A : vector<16xi32>
      %gather3A_1879 = tpu.vector_load_idx %arg10[%add3A_1878, %broadcast_in_dim3A_1862] : memref<256x128xf32, #tpu.memory_space<vmem>>[vector<16xi32>, vector<16xi32>], vector<16xf32>,
      tpu.vector_store_idx %arg14[%add3A_1875, %broadcast_in_dim3A_1872], %gather3A_1879 : memref<32x512xf32, #tpu.memory_space<vmem>>[vector<16xi32>, vector<16xi32>], vector<16xf32>,
      %gather3A_1880 = tpu.vector_load_idx %arg12[%broadcast_in_dim3A_1867, %add3A_1875] : memref<64x32xf32, #tpu.memory_space<vmem>>[vector<16xi32>, vector<16xi32>], vector<16xf32>,
      tpu.vector_store_idx %arg15[%add3A_1875, %broadcast_in_dim3A_1872], %gather3A_1880 : memref<32x512xf32, #tpu.memory_space<vmem>>[vector<16xi32>, vector<16xi32>], vector<16xf32>,
      %add3A_1881 = arith.constant 16 : i32
      %add3A_1882 = vector.broadcast %add3A_1881 : i32 to vector<16xi32>
      %add3A_1883 = arith.addi %iota3A, %add3A_1882 : vector<16xi32>
      %broadcast_in_dim3A_1884 = arith.constant 240 : i32
      %broadcast_in_dim3A_1885 = vector.broadcast %broadcast_in_dim3A_1884 : i32 to vector<16xi32>
      %add3A_1886 = arith.addi %broadcast_in_dim3A_1885, %iota3A : vector<16xi32>
      %gather3A_1887 = tpu.vector_load_idx %arg10[%add3A_1886, %broadcast_in_dim3A_1862] : memref<256x128xf32, #tpu.memory_space<vmem>>[vector<16xi32>, vector<16xi32>], vector<16xf32>,
      tpu.vector_store_idx %arg14[%add3A_1883, %broadcast_in_dim3A_1872], %gather3A_1887 : memref<32x512xf32, #tpu.memory_space<vmem>>[vector<16xi32>, vector<16xi32>], vector<16xf32>,
      %gather3A_1888 = tpu.vector_load_idx %arg12[%broadcast_in_dim3A_1867, %add3A_1883] : memref<64x32xf32, #tpu.memory_space<vmem>>[vector<16xi32>, vector<16xi32>], vector<16xf32>,
      tpu.vector_store_idx %arg15[%add3A_1883, %broadcast_in_dim3A_1872], %gather3A_1888 : memref<32x512xf32, #tpu.memory_space<vmem>>[vector<16xi32>, vector<16xi32>], vector<16xf32>,
      %add3A_1889 = arith.constant 2 : i32
      %add3A_1890 = arith.addi %mul3A_1242, %add3A_1889 : i32
      %mul3A_1891 = arith.constant 8 : i32
      %mul3A_1892 = arith.muli %add3A_1890, %mul3A_1891 : i32
      %broadcast_in_dim3A_1893 = vector.broadcast %mul3A_1892 : i32 to vector<16xi32>
      %add3A_1894 = arith.addi %broadcast_in_dim3A_1893, %iota3A : vector<16xi32>
      %gather3A_1895 = tpu.vector_load_idx %arg8[%add3A_1894] : memref<512xi32, #tpu.memory_space<vmem>>[vector<16xi32>], vector<16xi32>,
      %gather3A_1896 = tpu.vector_load_idx %arg9[%add3A_1894] : memref<512xi32, #tpu.memory_space<vmem>>[vector<16xi32>], vector<16xi32>,
      %slice3A_1897 = vector.extract_strided_slice %gather3A_1895 {offsets = [0], sizes = [1], strides = [1]} : vector<16xi32> to vector<1xi32>
      %squeeze3A_1898 = vector.extract %slice3A_1897[0] : i32 from vector<1xi32>
      %slice3A_1899 = vector.extract_strided_slice %gather3A_1896 {offsets = [0], sizes = [1], strides = [1]} : vector<16xi32> to vector<1xi32>
      %squeeze3A_1900 = vector.extract %slice3A_1899[0] : i32 from vector<1xi32>
      %shift_right_arithmetic3A_1901 = arith.constant 7 : i32
      %shift_right_arithmetic3A_1902 = arith.shrsi %squeeze3A_1898, %shift_right_arithmetic3A_1901 : i32
      %mul3A_1903 = arith.constant 128 : i32
      %mul3A_1904 = arith.muli %shift_right_arithmetic3A_1902, %mul3A_1903 : i32
      %multiple_of3A_1905 = tpu.assume_multiple %mul3A_1904, 128 : i32
      %dma_start3A_1906 = arith.constant 0 : i32
      %dma_start3A_1907 = arith.constant 0 : i32
      %dma_start3A_1908 = tpu.memref_slice %arg10[%dma_start3A_1906, %dma_start3A_1907] : memref<256x128xf32, #tpu.memory_space<vmem>> -> memref<32x128xf32, #tpu.memory_space<vmem>>
      %dma_start3A_1909 = arith.constant 0 : i32
      %dma_start3A_1910 = tpu.memref_slice %arg4[%dma_start3A_1909, %multiple_of3A_1905] : memref<32x1000000xf32, #tpu.memory_space<hbm>> -> memref<32x128xf32, #tpu.memory_space<hbm>>
      %dma_start3A_1911 = arith.constant 0 : i32
      %dma_start3A_1912 = arith.constant 0 : i32
      %dma_start3A_1913 = tpu.memref_slice %arg10[%dma_start3A_1911, %dma_start3A_1912] : memref<256x128xf32, #tpu.memory_space<vmem>> -> memref<32x128xf32, #tpu.memory_space<vmem>>
      %dma_start3A_1914 = arith.constant 0 : i32
      %dma_start3A_1915 = tpu.memref_slice %arg4[%dma_start3A_1914, %multiple_of3A_1905] : memref<32x1000000xf32, #tpu.memory_space<hbm>> -> memref<32x128xf32, #tpu.memory_space<hbm>>
      tpu.enqueue_dma source(%dma_start3A_1915 : memref<32x128xf32, #tpu.memory_space<hbm>>) target(%dma_start3A_1913 : memref<32x128xf32, #tpu.memory_space<vmem>>) target_semaphore(%arg16 : memref<!tpu.dma_semaphore, #tpu.memory_space<semaphore_mem>>)
      %shift_right_arithmetic3A_1916 = arith.constant 3 : i32
      %shift_right_arithmetic3A_1917 = arith.shrsi %squeeze3A_1900, %shift_right_arithmetic3A_1916 : i32
      %mul3A_1918 = arith.constant 8 : i32
      %mul3A_1919 = arith.muli %shift_right_arithmetic3A_1917, %mul3A_1918 : i32
      %multiple_of3A_1920 = tpu.assume_multiple %mul3A_1919, 8 : i32
      %dma_start3A_1921 = arith.constant 0 : i32
      %dma_start3A_1922 = arith.constant 0 : i32
      %dma_start3A_1923 = tpu.memref_slice %arg12[%dma_start3A_1921, %dma_start3A_1922] : memref<64x32xf32, #tpu.memory_space<vmem>> -> memref<8x32xf32, #tpu.memory_space<vmem>>
      %dma_start3A_1924 = arith.constant 0 : i32
      %dma_start3A_1925 = tpu.memref_slice %arg5[%multiple_of3A_1920, %dma_start3A_1924] : memref<100000x32xf32, #tpu.memory_space<hbm>> -> memref<8x32xf32, #tpu.memory_space<hbm>>
      %dma_start3A_1926 = arith.constant 0 : i32
      %dma_start3A_1927 = arith.constant 0 : i32
      %dma_start3A_1928 = tpu.memref_slice %arg12[%dma_start3A_1926, %dma_start3A_1927] : memref<64x32xf32, #tpu.memory_space<vmem>> -> memref<8x32xf32, #tpu.memory_space<vmem>>
      %dma_start3A_1929 = arith.constant 0 : i32
      %dma_start3A_1930 = tpu.memref_slice %arg5[%multiple_of3A_1920, %dma_start3A_1929] : memref<100000x32xf32, #tpu.memory_space<hbm>> -> memref<8x32xf32, #tpu.memory_space<hbm>>
      tpu.enqueue_dma source(%dma_start3A_1930 : memref<8x32xf32, #tpu.memory_space<hbm>>) target(%dma_start3A_1928 : memref<8x32xf32, #tpu.memory_space<vmem>>) target_semaphore(%arg18 : memref<!tpu.dma_semaphore, #tpu.memory_space<semaphore_mem>>)
      %slice3A_1931 = vector.extract_strided_slice %gather3A_1895 {offsets = [1], sizes = [1], strides = [1]} : vector<16xi32> to vector<1xi32>
      %squeeze3A_1932 = vector.extract %slice3A_1931[0] : i32 from vector<1xi32>
      %slice3A_1933 = vector.extract_strided_slice %gather3A_1896 {offsets = [1], sizes = [1], strides = [1]} : vector<16xi32> to vector<1xi32>
      %squeeze3A_1934 = vector.extract %slice3A_1933[0] : i32 from vector<1xi32>
      %shift_right_arithmetic3A_1935 = arith.constant 7 : i32
      %shift_right_arithmetic3A_1936 = arith.shrsi %squeeze3A_1932, %shift_right_arithmetic3A_1935 : i32
      %mul3A_1937 = arith.constant 128 : i32
      %mul3A_1938 = arith.muli %shift_right_arithmetic3A_1936, %mul3A_1937 : i32
      %multiple_of3A_1939 = tpu.assume_multiple %mul3A_1938, 128 : i32
      %dma_start3A_1940 = arith.constant 32 : i32
      %dma_start3A_1941 = arith.constant 0 : i32
      %dma_start3A_1942 = tpu.memref_slice %arg10[%dma_start3A_1940, %dma_start3A_1941] : memref<256x128xf32, #tpu.memory_space<vmem>> -> memref<32x128xf32, #tpu.memory_space<vmem>>
      %dma_start3A_1943 = arith.constant 0 : i32
      %dma_start3A_1944 = tpu.memref_slice %arg4[%dma_start3A_1943, %multiple_of3A_1939] : memref<32x1000000xf32, #tpu.memory_space<hbm>> -> memref<32x128xf32, #tpu.memory_space<hbm>>
      %dma_start3A_1945 = arith.constant 32 : i32
      %dma_start3A_1946 = arith.constant 0 : i32
      %dma_start3A_1947 = tpu.memref_slice %arg10[%dma_start3A_1945, %dma_start3A_1946] : memref<256x128xf32, #tpu.memory_space<vmem>> -> memref<32x128xf32, #tpu.memory_space<vmem>>
      %dma_start3A_1948 = arith.constant 0 : i32
      %dma_start3A_1949 = tpu.memref_slice %arg4[%dma_start3A_1948, %multiple_of3A_1939] : memref<32x1000000xf32, #tpu.memory_space<hbm>> -> memref<32x128xf32, #tpu.memory_space<hbm>>
      tpu.enqueue_dma source(%dma_start3A_1949 : memref<32x128xf32, #tpu.memory_space<hbm>>) target(%dma_start3A_1947 : memref<32x128xf32, #tpu.memory_space<vmem>>) target_semaphore(%arg16 : memref<!tpu.dma_semaphore, #tpu.memory_space<semaphore_mem>>)
      %shift_right_arithmetic3A_1950 = arith.constant 3 : i32
      %shift_right_arithmetic3A_1951 = arith.shrsi %squeeze3A_1934, %shift_right_arithmetic3A_1950 : i32
      %mul3A_1952 = arith.constant 8 : i32
      %mul3A_1953 = arith.muli %shift_right_arithmetic3A_1951, %mul3A_1952 : i32
      %multiple_of3A_1954 = tpu.assume_multiple %mul3A_1953, 8 : i32
      %dma_start3A_1955 = arith.constant 8 : i32
      %dma_start3A_1956 = arith.constant 0 : i32
      %dma_start3A_1957 = tpu.memref_slice %arg12[%dma_start3A_1955, %dma_start3A_1956] : memref<64x32xf32, #tpu.memory_space<vmem>> -> memref<8x32xf32, #tpu.memory_space<vmem>>
      %dma_start3A_1958 = arith.constant 0 : i32
      %dma_start3A_1959 = tpu.memref_slice %arg5[%multiple_of3A_1954, %dma_start3A_1958] : memref<100000x32xf32, #tpu.memory_space<hbm>> -> memref<8x32xf32, #tpu.memory_space<hbm>>
      %dma_start3A_1960 = arith.constant 8 : i32
      %dma_start3A_1961 = arith.constant 0 : i32
      %dma_start3A_1962 = tpu.memref_slice %arg12[%dma_start3A_1960, %dma_start3A_1961] : memref<64x32xf32, #tpu.memory_space<vmem>> -> memref<8x32xf32, #tpu.memory_space<vmem>>
      %dma_start3A_1963 = arith.constant 0 : i32
      %dma_start3A_1964 = tpu.memref_slice %arg5[%multiple_of3A_1954, %dma_start3A_1963] : memref<100000x32xf32, #tpu.memory_space<hbm>> -> memref<8x32xf32, #tpu.memory_space<hbm>>
      tpu.enqueue_dma source(%dma_start3A_1964 : memref<8x32xf32, #tpu.memory_space<hbm>>) target(%dma_start3A_1962 : memref<8x32xf32, #tpu.memory_space<vmem>>) target_semaphore(%arg18 : memref<!tpu.dma_semaphore, #tpu.memory_space<semaphore_mem>>)
      %slice3A_1965 = vector.extract_strided_slice %gather3A_1895 {offsets = [2], sizes = [1], strides = [1]} : vector<16xi32> to vector<1xi32>
      %squeeze3A_1966 = vector.extract %slice3A_1965[0] : i32 from vector<1xi32>
      %slice3A_1967 = vector.extract_strided_slice %gather3A_1896 {offsets = [2], sizes = [1], strides = [1]} : vector<16xi32> to vector<1xi32>
      %squeeze3A_1968 = vector.extract %slice3A_1967[0] : i32 from vector<1xi32>
      %shift_right_arithmetic3A_1969 = arith.constant 7 : i32
      %shift_right_arithmetic3A_1970 = arith.shrsi %squeeze3A_1966, %shift_right_arithmetic3A_1969 : i32
      %mul3A_1971 = arith.constant 128 : i32
      %mul3A_1972 = arith.muli %shift_right_arithmetic3A_1970, %mul3A_1971 : i32
      %multiple_of3A_1973 = tpu.assume_multiple %mul3A_1972, 128 : i32
      %dma_start3A_1974 = arith.constant 64 : i32
      %dma_start3A_1975 = arith.constant 0 : i32
      %dma_start3A_1976 = tpu.memref_slice %arg10[%dma_start3A_1974, %dma_start3A_1975] : memref<256x128xf32, #tpu.memory_space<vmem>> -> memref<32x128xf32, #tpu.memory_space<vmem>>
      %dma_start3A_1977 = arith.constant 0 : i32
      %dma_start3A_1978 = tpu.memref_slice %arg4[%dma_start3A_1977, %multiple_of3A_1973] : memref<32x1000000xf32, #tpu.memory_space<hbm>> -> memref<32x128xf32, #tpu.memory_space<hbm>>
      %dma_start3A_1979 = arith.constant 64 : i32
      %dma_start3A_1980 = arith.constant 0 : i32
      %dma_start3A_1981 = tpu.memref_slice %arg10[%dma_start3A_1979, %dma_start3A_1980] : memref<256x128xf32, #tpu.memory_space<vmem>> -> memref<32x128xf32, #tpu.memory_space<vmem>>
      %dma_start3A_1982 = arith.constant 0 : i32
      %dma_start3A_1983 = tpu.memref_slice %arg4[%dma_start3A_1982, %multiple_of3A_1973] : memref<32x1000000xf32, #tpu.memory_space<hbm>> -> memref<32x128xf32, #tpu.memory_space<hbm>>
      tpu.enqueue_dma source(%dma_start3A_1983 : memref<32x128xf32, #tpu.memory_space<hbm>>) target(%dma_start3A_1981 : memref<32x128xf32, #tpu.memory_space<vmem>>) target_semaphore(%arg16 : memref<!tpu.dma_semaphore, #tpu.memory_space<semaphore_mem>>)
      %shift_right_arithmetic3A_1984 = arith.constant 3 : i32
      %shift_right_arithmetic3A_1985 = arith.shrsi %squeeze3A_1968, %shift_right_arithmetic3A_1984 : i32
      %mul3A_1986 = arith.constant 8 : i32
      %mul3A_1987 = arith.muli %shift_right_arithmetic3A_1985, %mul3A_1986 : i32
      %multiple_of3A_1988 = tpu.assume_multiple %mul3A_1987, 8 : i32
      %dma_start3A_1989 = arith.constant 16 : i32
      %dma_start3A_1990 = arith.constant 0 : i32
      %dma_start3A_1991 = tpu.memref_slice %arg12[%dma_start3A_1989, %dma_start3A_1990] : memref<64x32xf32, #tpu.memory_space<vmem>> -> memref<8x32xf32, #tpu.memory_space<vmem>>
      %dma_start3A_1992 = arith.constant 0 : i32
      %dma_start3A_1993 = tpu.memref_slice %arg5[%multiple_of3A_1988, %dma_start3A_1992] : memref<100000x32xf32, #tpu.memory_space<hbm>> -> memref<8x32xf32, #tpu.memory_space<hbm>>
      %dma_start3A_1994 = arith.constant 16 : i32
      %dma_start3A_1995 = arith.constant 0 : i32
      %dma_start3A_1996 = tpu.memref_slice %arg12[%dma_start3A_1994, %dma_start3A_1995] : memref<64x32xf32, #tpu.memory_space<vmem>> -> memref<8x32xf32, #tpu.memory_space<vmem>>
      %dma_start3A_1997 = arith.constant 0 : i32
      %dma_start3A_1998 = tpu.memref_slice %arg5[%multiple_of3A_1988, %dma_start3A_1997] : memref<100000x32xf32, #tpu.memory_space<hbm>> -> memref<8x32xf32, #tpu.memory_space<hbm>>
      tpu.enqueue_dma source(%dma_start3A_1998 : memref<8x32xf32, #tpu.memory_space<hbm>>) target(%dma_start3A_1996 : memref<8x32xf32, #tpu.memory_space<vmem>>) target_semaphore(%arg18 : memref<!tpu.dma_semaphore, #tpu.memory_space<semaphore_mem>>)
      %slice3A_1999 = vector.extract_strided_slice %gather3A_1895 {offsets = [3], sizes = [1], strides = [1]} : vector<16xi32> to vector<1xi32>
      %squeeze3A_2000 = vector.extract %slice3A_1999[0] : i32 from vector<1xi32>
      %slice3A_2001 = vector.extract_strided_slice %gather3A_1896 {offsets = [3], sizes = [1], strides = [1]} : vector<16xi32> to vector<1xi32>
      %squeeze3A_2002 = vector.extract %slice3A_2001[0] : i32 from vector<1xi32>
      %shift_right_arithmetic3A_2003 = arith.constant 7 : i32
      %shift_right_arithmetic3A_2004 = arith.shrsi %squeeze3A_2000, %shift_right_arithmetic3A_2003 : i32
      %mul3A_2005 = arith.constant 128 : i32
      %mul3A_2006 = arith.muli %shift_right_arithmetic3A_2004, %mul3A_2005 : i32
      %multiple_of3A_2007 = tpu.assume_multiple %mul3A_2006, 128 : i32
      %dma_start3A_2008 = arith.constant 96 : i32
      %dma_start3A_2009 = arith.constant 0 : i32
      %dma_start3A_2010 = tpu.memref_slice %arg10[%dma_start3A_2008, %dma_start3A_2009] : memref<256x128xf32, #tpu.memory_space<vmem>> -> memref<32x128xf32, #tpu.memory_space<vmem>>
      %dma_start3A_2011 = arith.constant 0 : i32
      %dma_start3A_2012 = tpu.memref_slice %arg4[%dma_start3A_2011, %multiple_of3A_2007] : memref<32x1000000xf32, #tpu.memory_space<hbm>> -> memref<32x128xf32, #tpu.memory_space<hbm>>
      %dma_start3A_2013 = arith.constant 96 : i32
      %dma_start3A_2014 = arith.constant 0 : i32
      %dma_start3A_2015 = tpu.memref_slice %arg10[%dma_start3A_2013, %dma_start3A_2014] : memref<256x128xf32, #tpu.memory_space<vmem>> -> memref<32x128xf32, #tpu.memory_space<vmem>>
      %dma_start3A_2016 = arith.constant 0 : i32
      %dma_start3A_2017 = tpu.memref_slice %arg4[%dma_start3A_2016, %multiple_of3A_2007] : memref<32x1000000xf32, #tpu.memory_space<hbm>> -> memref<32x128xf32, #tpu.memory_space<hbm>>
      tpu.enqueue_dma source(%dma_start3A_2017 : memref<32x128xf32, #tpu.memory_space<hbm>>) target(%dma_start3A_2015 : memref<32x128xf32, #tpu.memory_space<vmem>>) target_semaphore(%arg16 : memref<!tpu.dma_semaphore, #tpu.memory_space<semaphore_mem>>)
      %shift_right_arithmetic3A_2018 = arith.constant 3 : i32
      %shift_right_arithmetic3A_2019 = arith.shrsi %squeeze3A_2002, %shift_right_arithmetic3A_2018 : i32
      %mul3A_2020 = arith.constant 8 : i32
      %mul3A_2021 = arith.muli %shift_right_arithmetic3A_2019, %mul3A_2020 : i32
      %multiple_of3A_2022 = tpu.assume_multiple %mul3A_2021, 8 : i32
      %dma_start3A_2023 = arith.constant 24 : i32
      %dma_start3A_2024 = arith.constant 0 : i32
      %dma_start3A_2025 = tpu.memref_slice %arg12[%dma_start3A_2023, %dma_start3A_2024] : memref<64x32xf32, #tpu.memory_space<vmem>> -> memref<8x32xf32, #tpu.memory_space<vmem>>
      %dma_start3A_2026 = arith.constant 0 : i32
      %dma_start3A_2027 = tpu.memref_slice %arg5[%multiple_of3A_2022, %dma_start3A_2026] : memref<100000x32xf32, #tpu.memory_space<hbm>> -> memref<8x32xf32, #tpu.memory_space<hbm>>
      %dma_start3A_2028 = arith.constant 24 : i32
      %dma_start3A_2029 = arith.constant 0 : i32
      %dma_start3A_2030 = tpu.memref_slice %arg12[%dma_start3A_2028, %dma_start3A_2029] : memref<64x32xf32, #tpu.memory_space<vmem>> -> memref<8x32xf32, #tpu.memory_space<vmem>>
      %dma_start3A_2031 = arith.constant 0 : i32
      %dma_start3A_2032 = tpu.memref_slice %arg5[%multiple_of3A_2022, %dma_start3A_2031] : memref<100000x32xf32, #tpu.memory_space<hbm>> -> memref<8x32xf32, #tpu.memory_space<hbm>>
      tpu.enqueue_dma source(%dma_start3A_2032 : memref<8x32xf32, #tpu.memory_space<hbm>>) target(%dma_start3A_2030 : memref<8x32xf32, #tpu.memory_space<vmem>>) target_semaphore(%arg18 : memref<!tpu.dma_semaphore, #tpu.memory_space<semaphore_mem>>)
      %slice3A_2033 = vector.extract_strided_slice %gather3A_1895 {offsets = [4], sizes = [1], strides = [1]} : vector<16xi32> to vector<1xi32>
      %squeeze3A_2034 = vector.extract %slice3A_2033[0] : i32 from vector<1xi32>
      %slice3A_2035 = vector.extract_strided_slice %gather3A_1896 {offsets = [4], sizes = [1], strides = [1]} : vector<16xi32> to vector<1xi32>
      %squeeze3A_2036 = vector.extract %slice3A_2035[0] : i32 from vector<1xi32>
      %shift_right_arithmetic3A_2037 = arith.constant 7 : i32
      %shift_right_arithmetic3A_2038 = arith.shrsi %squeeze3A_2034, %shift_right_arithmetic3A_2037 : i32
      %mul3A_2039 = arith.constant 128 : i32
      %mul3A_2040 = arith.muli %shift_right_arithmetic3A_2038, %mul3A_2039 : i32
      %multiple_of3A_2041 = tpu.assume_multiple %mul3A_2040, 128 : i32
      %dma_start3A_2042 = arith.constant 128 : i32
      %dma_start3A_2043 = arith.constant 0 : i32
      %dma_start3A_2044 = tpu.memref_slice %arg10[%dma_start3A_2042, %dma_start3A_2043] : memref<256x128xf32, #tpu.memory_space<vmem>> -> memref<32x128xf32, #tpu.memory_space<vmem>>
      %dma_start3A_2045 = arith.constant 0 : i32
      %dma_start3A_2046 = tpu.memref_slice %arg4[%dma_start3A_2045, %multiple_of3A_2041] : memref<32x1000000xf32, #tpu.memory_space<hbm>> -> memref<32x128xf32, #tpu.memory_space<hbm>>
      %dma_start3A_2047 = arith.constant 128 : i32
      %dma_start3A_2048 = arith.constant 0 : i32
      %dma_start3A_2049 = tpu.memref_slice %arg10[%dma_start3A_2047, %dma_start3A_2048] : memref<256x128xf32, #tpu.memory_space<vmem>> -> memref<32x128xf32, #tpu.memory_space<vmem>>
      %dma_start3A_2050 = arith.constant 0 : i32
      %dma_start3A_2051 = tpu.memref_slice %arg4[%dma_start3A_2050, %multiple_of3A_2041] : memref<32x1000000xf32, #tpu.memory_space<hbm>> -> memref<32x128xf32, #tpu.memory_space<hbm>>
      tpu.enqueue_dma source(%dma_start3A_2051 : memref<32x128xf32, #tpu.memory_space<hbm>>) target(%dma_start3A_2049 : memref<32x128xf32, #tpu.memory_space<vmem>>) target_semaphore(%arg16 : memref<!tpu.dma_semaphore, #tpu.memory_space<semaphore_mem>>)
      %shift_right_arithmetic3A_2052 = arith.constant 3 : i32
      %shift_right_arithmetic3A_2053 = arith.shrsi %squeeze3A_2036, %shift_right_arithmetic3A_2052 : i32
      %mul3A_2054 = arith.constant 8 : i32
      %mul3A_2055 = arith.muli %shift_right_arithmetic3A_2053, %mul3A_2054 : i32
      %multiple_of3A_2056 = tpu.assume_multiple %mul3A_2055, 8 : i32
      %dma_start3A_2057 = arith.constant 32 : i32
      %dma_start3A_2058 = arith.constant 0 : i32
      %dma_start3A_2059 = tpu.memref_slice %arg12[%dma_start3A_2057, %dma_start3A_2058] : memref<64x32xf32, #tpu.memory_space<vmem>> -> memref<8x32xf32, #tpu.memory_space<vmem>>
      %dma_start3A_2060 = arith.constant 0 : i32
      %dma_start3A_2061 = tpu.memref_slice %arg5[%multiple_of3A_2056, %dma_start3A_2060] : memref<100000x32xf32, #tpu.memory_space<hbm>> -> memref<8x32xf32, #tpu.memory_space<hbm>>
      %dma_start3A_2062 = arith.constant 32 : i32
      %dma_start3A_2063 = arith.constant 0 : i32
      %dma_start3A_2064 = tpu.memref_slice %arg12[%dma_start3A_2062, %dma_start3A_2063] : memref<64x32xf32, #tpu.memory_space<vmem>> -> memref<8x32xf32, #tpu.memory_space<vmem>>
      %dma_start3A_2065 = arith.constant 0 : i32
      %dma_start3A_2066 = tpu.memref_slice %arg5[%multiple_of3A_2056, %dma_start3A_2065] : memref<100000x32xf32, #tpu.memory_space<hbm>> -> memref<8x32xf32, #tpu.memory_space<hbm>>
      tpu.enqueue_dma source(%dma_start3A_2066 : memref<8x32xf32, #tpu.memory_space<hbm>>) target(%dma_start3A_2064 : memref<8x32xf32, #tpu.memory_space<vmem>>) target_semaphore(%arg18 : memref<!tpu.dma_semaphore, #tpu.memory_space<semaphore_mem>>)
      %slice3A_2067 = vector.extract_strided_slice %gather3A_1895 {offsets = [5], sizes = [1], strides = [1]} : vector<16xi32> to vector<1xi32>
      %squeeze3A_2068 = vector.extract %slice3A_2067[0] : i32 from vector<1xi32>
      %slice3A_2069 = vector.extract_strided_slice %gather3A_1896 {offsets = [5], sizes = [1], strides = [1]} : vector<16xi32> to vector<1xi32>
      %squeeze3A_2070 = vector.extract %slice3A_2069[0] : i32 from vector<1xi32>
      %shift_right_arithmetic3A_2071 = arith.constant 7 : i32
      %shift_right_arithmetic3A_2072 = arith.shrsi %squeeze3A_2068, %shift_right_arithmetic3A_2071 : i32
      %mul3A_2073 = arith.constant 128 : i32
      %mul3A_2074 = arith.muli %shift_right_arithmetic3A_2072, %mul3A_2073 : i32
      %multiple_of3A_2075 = tpu.assume_multiple %mul3A_2074, 128 : i32
      %dma_start3A_2076 = arith.constant 160 : i32
      %dma_start3A_2077 = arith.constant 0 : i32
      %dma_start3A_2078 = tpu.memref_slice %arg10[%dma_start3A_2076, %dma_start3A_2077] : memref<256x128xf32, #tpu.memory_space<vmem>> -> memref<32x128xf32, #tpu.memory_space<vmem>>
      %dma_start3A_2079 = arith.constant 0 : i32
      %dma_start3A_2080 = tpu.memref_slice %arg4[%dma_start3A_2079, %multiple_of3A_2075] : memref<32x1000000xf32, #tpu.memory_space<hbm>> -> memref<32x128xf32, #tpu.memory_space<hbm>>
      %dma_start3A_2081 = arith.constant 160 : i32
      %dma_start3A_2082 = arith.constant 0 : i32
      %dma_start3A_2083 = tpu.memref_slice %arg10[%dma_start3A_2081, %dma_start3A_2082] : memref<256x128xf32, #tpu.memory_space<vmem>> -> memref<32x128xf32, #tpu.memory_space<vmem>>
      %dma_start3A_2084 = arith.constant 0 : i32
      %dma_start3A_2085 = tpu.memref_slice %arg4[%dma_start3A_2084, %multiple_of3A_2075] : memref<32x1000000xf32, #tpu.memory_space<hbm>> -> memref<32x128xf32, #tpu.memory_space<hbm>>
      tpu.enqueue_dma source(%dma_start3A_2085 : memref<32x128xf32, #tpu.memory_space<hbm>>) target(%dma_start3A_2083 : memref<32x128xf32, #tpu.memory_space<vmem>>) target_semaphore(%arg16 : memref<!tpu.dma_semaphore, #tpu.memory_space<semaphore_mem>>)
      %shift_right_arithmetic3A_2086 = arith.constant 3 : i32
      %shift_right_arithmetic3A_2087 = arith.shrsi %squeeze3A_2070, %shift_right_arithmetic3A_2086 : i32
      %mul3A_2088 = arith.constant 8 : i32
      %mul3A_2089 = arith.muli %shift_right_arithmetic3A_2087, %mul3A_2088 : i32
      %multiple_of3A_2090 = tpu.assume_multiple %mul3A_2089, 8 : i32
      %dma_start3A_2091 = arith.constant 40 : i32
      %dma_start3A_2092 = arith.constant 0 : i32
      %dma_start3A_2093 = tpu.memref_slice %arg12[%dma_start3A_2091, %dma_start3A_2092] : memref<64x32xf32, #tpu.memory_space<vmem>> -> memref<8x32xf32, #tpu.memory_space<vmem>>
      %dma_start3A_2094 = arith.constant 0 : i32
      %dma_start3A_2095 = tpu.memref_slice %arg5[%multiple_of3A_2090, %dma_start3A_2094] : memref<100000x32xf32, #tpu.memory_space<hbm>> -> memref<8x32xf32, #tpu.memory_space<hbm>>
      %dma_start3A_2096 = arith.constant 40 : i32
      %dma_start3A_2097 = arith.constant 0 : i32
      %dma_start3A_2098 = tpu.memref_slice %arg12[%dma_start3A_2096, %dma_start3A_2097] : memref<64x32xf32, #tpu.memory_space<vmem>> -> memref<8x32xf32, #tpu.memory_space<vmem>>
      %dma_start3A_2099 = arith.constant 0 : i32
      %dma_start3A_2100 = tpu.memref_slice %arg5[%multiple_of3A_2090, %dma_start3A_2099] : memref<100000x32xf32, #tpu.memory_space<hbm>> -> memref<8x32xf32, #tpu.memory_space<hbm>>
      tpu.enqueue_dma source(%dma_start3A_2100 : memref<8x32xf32, #tpu.memory_space<hbm>>) target(%dma_start3A_2098 : memref<8x32xf32, #tpu.memory_space<vmem>>) target_semaphore(%arg18 : memref<!tpu.dma_semaphore, #tpu.memory_space<semaphore_mem>>)
      %slice3A_2101 = vector.extract_strided_slice %gather3A_1895 {offsets = [6], sizes = [1], strides = [1]} : vector<16xi32> to vector<1xi32>
      %squeeze3A_2102 = vector.extract %slice3A_2101[0] : i32 from vector<1xi32>
      %slice3A_2103 = vector.extract_strided_slice %gather3A_1896 {offsets = [6], sizes = [1], strides = [1]} : vector<16xi32> to vector<1xi32>
      %squeeze3A_2104 = vector.extract %slice3A_2103[0] : i32 from vector<1xi32>
      %shift_right_arithmetic3A_2105 = arith.constant 7 : i32
      %shift_right_arithmetic3A_2106 = arith.shrsi %squeeze3A_2102, %shift_right_arithmetic3A_2105 : i32
      %mul3A_2107 = arith.constant 128 : i32
      %mul3A_2108 = arith.muli %shift_right_arithmetic3A_2106, %mul3A_2107 : i32
      %multiple_of3A_2109 = tpu.assume_multiple %mul3A_2108, 128 : i32
      %dma_start3A_2110 = arith.constant 192 : i32
      %dma_start3A_2111 = arith.constant 0 : i32
      %dma_start3A_2112 = tpu.memref_slice %arg10[%dma_start3A_2110, %dma_start3A_2111] : memref<256x128xf32, #tpu.memory_space<vmem>> -> memref<32x128xf32, #tpu.memory_space<vmem>>
      %dma_start3A_2113 = arith.constant 0 : i32
      %dma_start3A_2114 = tpu.memref_slice %arg4[%dma_start3A_2113, %multiple_of3A_2109] : memref<32x1000000xf32, #tpu.memory_space<hbm>> -> memref<32x128xf32, #tpu.memory_space<hbm>>
      %dma_start3A_2115 = arith.constant 192 : i32
      %dma_start3A_2116 = arith.constant 0 : i32
      %dma_start3A_2117 = tpu.memref_slice %arg10[%dma_start3A_2115, %dma_start3A_2116] : memref<256x128xf32, #tpu.memory_space<vmem>> -> memref<32x128xf32, #tpu.memory_space<vmem>>
      %dma_start3A_2118 = arith.constant 0 : i32
      %dma_start3A_2119 = tpu.memref_slice %arg4[%dma_start3A_2118, %multiple_of3A_2109] : memref<32x1000000xf32, #tpu.memory_space<hbm>> -> memref<32x128xf32, #tpu.memory_space<hbm>>
      tpu.enqueue_dma source(%dma_start3A_2119 : memref<32x128xf32, #tpu.memory_space<hbm>>) target(%dma_start3A_2117 : memref<32x128xf32, #tpu.memory_space<vmem>>) target_semaphore(%arg16 : memref<!tpu.dma_semaphore, #tpu.memory_space<semaphore_mem>>)
      %shift_right_arithmetic3A_2120 = arith.constant 3 : i32
      %shift_right_arithmetic3A_2121 = arith.shrsi %squeeze3A_2104, %shift_right_arithmetic3A_2120 : i32
      %mul3A_2122 = arith.constant 8 : i32
      %mul3A_2123 = arith.muli %shift_right_arithmetic3A_2121, %mul3A_2122 : i32
      %multiple_of3A_2124 = tpu.assume_multiple %mul3A_2123, 8 : i32
      %dma_start3A_2125 = arith.constant 48 : i32
      %dma_start3A_2126 = arith.constant 0 : i32
      %dma_start3A_2127 = tpu.memref_slice %arg12[%dma_start3A_2125, %dma_start3A_2126] : memref<64x32xf32, #tpu.memory_space<vmem>> -> memref<8x32xf32, #tpu.memory_space<vmem>>
      %dma_start3A_2128 = arith.constant 0 : i32
      %dma_start3A_2129 = tpu.memref_slice %arg5[%multiple_of3A_2124, %dma_start3A_2128] : memref<100000x32xf32, #tpu.memory_space<hbm>> -> memref<8x32xf32, #tpu.memory_space<hbm>>
      %dma_start3A_2130 = arith.constant 48 : i32
      %dma_start3A_2131 = arith.constant 0 : i32
      %dma_start3A_2132 = tpu.memref_slice %arg12[%dma_start3A_2130, %dma_start3A_2131] : memref<64x32xf32, #tpu.memory_space<vmem>> -> memref<8x32xf32, #tpu.memory_space<vmem>>
      %dma_start3A_2133 = arith.constant 0 : i32
      %dma_start3A_2134 = tpu.memref_slice %arg5[%multiple_of3A_2124, %dma_start3A_2133] : memref<100000x32xf32, #tpu.memory_space<hbm>> -> memref<8x32xf32, #tpu.memory_space<hbm>>
      tpu.enqueue_dma source(%dma_start3A_2134 : memref<8x32xf32, #tpu.memory_space<hbm>>) target(%dma_start3A_2132 : memref<8x32xf32, #tpu.memory_space<vmem>>) target_semaphore(%arg18 : memref<!tpu.dma_semaphore, #tpu.memory_space<semaphore_mem>>)
      %slice3A_2135 = vector.extract_strided_slice %gather3A_1895 {offsets = [7], sizes = [1], strides = [1]} : vector<16xi32> to vector<1xi32>
      %squeeze3A_2136 = vector.extract %slice3A_2135[0] : i32 from vector<1xi32>
      %slice3A_2137 = vector.extract_strided_slice %gather3A_1896 {offsets = [7], sizes = [1], strides = [1]} : vector<16xi32> to vector<1xi32>
      %squeeze3A_2138 = vector.extract %slice3A_2137[0] : i32 from vector<1xi32>
      %shift_right_arithmetic3A_2139 = arith.constant 7 : i32
      %shift_right_arithmetic3A_2140 = arith.shrsi %squeeze3A_2136, %shift_right_arithmetic3A_2139 : i32
      %mul3A_2141 = arith.constant 128 : i32
      %mul3A_2142 = arith.muli %shift_right_arithmetic3A_2140, %mul3A_2141 : i32
      %multiple_of3A_2143 = tpu.assume_multiple %mul3A_2142, 128 : i32
      %dma_start3A_2144 = arith.constant 224 : i32
      %dma_start3A_2145 = arith.constant 0 : i32
      %dma_start3A_2146 = tpu.memref_slice %arg10[%dma_start3A_2144, %dma_start3A_2145] : memref<256x128xf32, #tpu.memory_space<vmem>> -> memref<32x128xf32, #tpu.memory_space<vmem>>
      %dma_start3A_2147 = arith.constant 0 : i32
      %dma_start3A_2148 = tpu.memref_slice %arg4[%dma_start3A_2147, %multiple_of3A_2143] : memref<32x1000000xf32, #tpu.memory_space<hbm>> -> memref<32x128xf32, #tpu.memory_space<hbm>>
      %dma_start3A_2149 = arith.constant 224 : i32
      %dma_start3A_2150 = arith.constant 0 : i32
      %dma_start3A_2151 = tpu.memref_slice %arg10[%dma_start3A_2149, %dma_start3A_2150] : memref<256x128xf32, #tpu.memory_space<vmem>> -> memref<32x128xf32, #tpu.memory_space<vmem>>
      %dma_start3A_2152 = arith.constant 0 : i32
      %dma_start3A_2153 = tpu.memref_slice %arg4[%dma_start3A_2152, %multiple_of3A_2143] : memref<32x1000000xf32, #tpu.memory_space<hbm>> -> memref<32x128xf32, #tpu.memory_space<hbm>>
      tpu.enqueue_dma source(%dma_start3A_2153 : memref<32x128xf32, #tpu.memory_space<hbm>>) target(%dma_start3A_2151 : memref<32x128xf32, #tpu.memory_space<vmem>>) target_semaphore(%arg16 : memref<!tpu.dma_semaphore, #tpu.memory_space<semaphore_mem>>)
      %shift_right_arithmetic3A_2154 = arith.constant 3 : i32
      %shift_right_arithmetic3A_2155 = arith.shrsi %squeeze3A_2138, %shift_right_arithmetic3A_2154 : i32
      %mul3A_2156 = arith.constant 8 : i32
      %mul3A_2157 = arith.muli %shift_right_arithmetic3A_2155, %mul3A_2156 : i32
      %multiple_of3A_2158 = tpu.assume_multiple %mul3A_2157, 8 : i32
      %dma_start3A_2159 = arith.constant 56 : i32
      %dma_start3A_2160 = arith.constant 0 : i32
      %dma_start3A_2161 = tpu.memref_slice %arg12[%dma_start3A_2159, %dma_start3A_2160] : memref<64x32xf32, #tpu.memory_space<vmem>> -> memref<8x32xf32, #tpu.memory_space<vmem>>
      %dma_start3A_2162 = arith.constant 0 : i32
      %dma_start3A_2163 = tpu.memref_slice %arg5[%multiple_of3A_2158, %dma_start3A_2162] : memref<100000x32xf32, #tpu.memory_space<hbm>> -> memref<8x32xf32, #tpu.memory_space<hbm>>
      %dma_start3A_2164 = arith.constant 56 : i32
      %dma_start3A_2165 = arith.constant 0 : i32
      %dma_start3A_2166 = tpu.memref_slice %arg12[%dma_start3A_2164, %dma_start3A_2165] : memref<64x32xf32, #tpu.memory_space<vmem>> -> memref<8x32xf32, #tpu.memory_space<vmem>>
      %dma_start3A_2167 = arith.constant 0 : i32
      %dma_start3A_2168 = tpu.memref_slice %arg5[%multiple_of3A_2158, %dma_start3A_2167] : memref<100000x32xf32, #tpu.memory_space<hbm>> -> memref<8x32xf32, #tpu.memory_space<hbm>>
      tpu.enqueue_dma source(%dma_start3A_2168 : memref<8x32xf32, #tpu.memory_space<hbm>>) target(%dma_start3A_2166 : memref<8x32xf32, #tpu.memory_space<vmem>>) target_semaphore(%arg18 : memref<!tpu.dma_semaphore, #tpu.memory_space<semaphore_mem>>)
      %add3A_2169 = arith.constant 1 : i32
      %add3A_2170 = arith.addi %mul3A_1242, %add3A_2169 : i32
      %dma_wait3A_2171 = arith.constant 0 : i32
      %dma_wait3A_2172 = arith.constant 0 : i32
      %dma_wait3A_2173 = tpu.memref_slice %arg11[%dma_wait3A_2171, %dma_wait3A_2172] : memref<256x128xf32, #tpu.memory_space<vmem>> -> memref<32x128xf32, #tpu.memory_space<vmem>>
      %dma_wait3A_2174 = arith.constant 0 : i32
      %dma_wait3A_2175 = arith.constant 0 : i32
      %dma_wait3A_2176 = tpu.memref_slice %arg4[%dma_wait3A_2174, %dma_wait3A_2175] : memref<32x1000000xf32, #tpu.memory_space<hbm>> -> memref<32x128xf32, #tpu.memory_space<hbm>>
      %dma_wait3A_2177 = arith.constant 0 : i32
      %dma_wait3A_2178 = arith.constant 0 : i32
      %dma_wait3A_2179 = tpu.memref_slice %arg11[%dma_wait3A_2177, %dma_wait3A_2178] : memref<256x128xf32, #tpu.memory_space<vmem>> -> memref<32x128xf32, #tpu.memory_space<vmem>>
      %dma_wait3A_2180 = arith.constant 0 : i32
      %dma_wait3A_2181 = arith.constant 0 : i32
      %dma_wait3A_2182 = tpu.memref_slice %arg4[%dma_wait3A_2180, %dma_wait3A_2181] : memref<32x1000000xf32, #tpu.memory_space<hbm>> -> memref<32x128xf32, #tpu.memory_space<hbm>>
      tpu.wait_dma2 semaphore(%arg17 : memref<!tpu.dma_semaphore, #tpu.memory_space<semaphore_mem>>) src(%dma_wait3A_2182 : memref<32x128xf32, #tpu.memory_space<hbm>>) dst(%dma_wait3A_2179 : memref<32x128xf32, #tpu.memory_space<vmem>>)
      %dma_wait3A_2183 = arith.constant 32 : i32
      %dma_wait3A_2184 = arith.constant 0 : i32
      %dma_wait3A_2185 = tpu.memref_slice %arg11[%dma_wait3A_2183, %dma_wait3A_2184] : memref<256x128xf32, #tpu.memory_space<vmem>> -> memref<32x128xf32, #tpu.memory_space<vmem>>
      %dma_wait3A_2186 = arith.constant 0 : i32
      %dma_wait3A_2187 = arith.constant 0 : i32
      %dma_wait3A_2188 = tpu.memref_slice %arg4[%dma_wait3A_2186, %dma_wait3A_2187] : memref<32x1000000xf32, #tpu.memory_space<hbm>> -> memref<32x128xf32, #tpu.memory_space<hbm>>
      %dma_wait3A_2189 = arith.constant 32 : i32
      %dma_wait3A_2190 = arith.constant 0 : i32
      %dma_wait3A_2191 = tpu.memref_slice %arg11[%dma_wait3A_2189, %dma_wait3A_2190] : memref<256x128xf32, #tpu.memory_space<vmem>> -> memref<32x128xf32, #tpu.memory_space<vmem>>
      %dma_wait3A_2192 = arith.constant 0 : i32
      %dma_wait3A_2193 = arith.constant 0 : i32
      %dma_wait3A_2194 = tpu.memref_slice %arg4[%dma_wait3A_2192, %dma_wait3A_2193] : memref<32x1000000xf32, #tpu.memory_space<hbm>> -> memref<32x128xf32, #tpu.memory_space<hbm>>
      tpu.wait_dma2 semaphore(%arg17 : memref<!tpu.dma_semaphore, #tpu.memory_space<semaphore_mem>>) src(%dma_wait3A_2194 : memref<32x128xf32, #tpu.memory_space<hbm>>) dst(%dma_wait3A_2191 : memref<32x128xf32, #tpu.memory_space<vmem>>)
      %dma_wait3A_2195 = arith.constant 64 : i32
      %dma_wait3A_2196 = arith.constant 0 : i32
      %dma_wait3A_2197 = tpu.memref_slice %arg11[%dma_wait3A_2195, %dma_wait3A_2196] : memref<256x128xf32, #tpu.memory_space<vmem>> -> memref<32x128xf32, #tpu.memory_space<vmem>>
      %dma_wait3A_2198 = arith.constant 0 : i32
      %dma_wait3A_2199 = arith.constant 0 : i32
      %dma_wait3A_2200 = tpu.memref_slice %arg4[%dma_wait3A_2198, %dma_wait3A_2199] : memref<32x1000000xf32, #tpu.memory_space<hbm>> -> memref<32x128xf32, #tpu.memory_space<hbm>>
      %dma_wait3A_2201 = arith.constant 64 : i32
      %dma_wait3A_2202 = arith.constant 0 : i32
      %dma_wait3A_2203 = tpu.memref_slice %arg11[%dma_wait3A_2201, %dma_wait3A_2202] : memref<256x128xf32, #tpu.memory_space<vmem>> -> memref<32x128xf32, #tpu.memory_space<vmem>>
      %dma_wait3A_2204 = arith.constant 0 : i32
      %dma_wait3A_2205 = arith.constant 0 : i32
      %dma_wait3A_2206 = tpu.memref_slice %arg4[%dma_wait3A_2204, %dma_wait3A_2205] : memref<32x1000000xf32, #tpu.memory_space<hbm>> -> memref<32x128xf32, #tpu.memory_space<hbm>>
      tpu.wait_dma2 semaphore(%arg17 : memref<!tpu.dma_semaphore, #tpu.memory_space<semaphore_mem>>) src(%dma_wait3A_2206 : memref<32x128xf32, #tpu.memory_space<hbm>>) dst(%dma_wait3A_2203 : memref<32x128xf32, #tpu.memory_space<vmem>>)
      %dma_wait3A_2207 = arith.constant 96 : i32
      %dma_wait3A_2208 = arith.constant 0 : i32
      %dma_wait3A_2209 = tpu.memref_slice %arg11[%dma_wait3A_2207, %dma_wait3A_2208] : memref<256x128xf32, #tpu.memory_space<vmem>> -> memref<32x128xf32, #tpu.memory_space<vmem>>
      %dma_wait3A_2210 = arith.constant 0 : i32
      %dma_wait3A_2211 = arith.constant 0 : i32
      %dma_wait3A_2212 = tpu.memref_slice %arg4[%dma_wait3A_2210, %dma_wait3A_2211] : memref<32x1000000xf32, #tpu.memory_space<hbm>> -> memref<32x128xf32, #tpu.memory_space<hbm>>
      %dma_wait3A_2213 = arith.constant 96 : i32
      %dma_wait3A_2214 = arith.constant 0 : i32
      %dma_wait3A_2215 = tpu.memref_slice %arg11[%dma_wait3A_2213, %dma_wait3A_2214] : memref<256x128xf32, #tpu.memory_space<vmem>> -> memref<32x128xf32, #tpu.memory_space<vmem>>
      %dma_wait3A_2216 = arith.constant 0 : i32
      %dma_wait3A_2217 = arith.constant 0 : i32
      %dma_wait3A_2218 = tpu.memref_slice %arg4[%dma_wait3A_2216, %dma_wait3A_2217] : memref<32x1000000xf32, #tpu.memory_space<hbm>> -> memref<32x128xf32, #tpu.memory_space<hbm>>
      tpu.wait_dma2 semaphore(%arg17 : memref<!tpu.dma_semaphore, #tpu.memory_space<semaphore_mem>>) src(%dma_wait3A_2218 : memref<32x128xf32, #tpu.memory_space<hbm>>) dst(%dma_wait3A_2215 : memref<32x128xf32, #tpu.memory_space<vmem>>)
      %dma_wait3A_2219 = arith.constant 128 : i32
      %dma_wait3A_2220 = arith.constant 0 : i32
      %dma_wait3A_2221 = tpu.memref_slice %arg11[%dma_wait3A_2219, %dma_wait3A_2220] : memref<256x128xf32, #tpu.memory_space<vmem>> -> memref<32x128xf32, #tpu.memory_space<vmem>>
      %dma_wait3A_2222 = arith.constant 0 : i32
      %dma_wait3A_2223 = arith.constant 0 : i32
      %dma_wait3A_2224 = tpu.memref_slice %arg4[%dma_wait3A_2222, %dma_wait3A_2223] : memref<32x1000000xf32, #tpu.memory_space<hbm>> -> memref<32x128xf32, #tpu.memory_space<hbm>>
      %dma_wait3A_2225 = arith.constant 128 : i32
      %dma_wait3A_2226 = arith.constant 0 : i32
      %dma_wait3A_2227 = tpu.memref_slice %arg11[%dma_wait3A_2225, %dma_wait3A_2226] : memref<256x128xf32, #tpu.memory_space<vmem>> -> memref<32x128xf32, #tpu.memory_space<vmem>>
      %dma_wait3A_2228 = arith.constant 0 : i32
      %dma_wait3A_2229 = arith.constant 0 : i32
      %dma_wait3A_2230 = tpu.memref_slice %arg4[%dma_wait3A_2228, %dma_wait3A_2229] : memref<32x1000000xf32, #tpu.memory_space<hbm>> -> memref<32x128xf32, #tpu.memory_space<hbm>>
      tpu.wait_dma2 semaphore(%arg17 : memref<!tpu.dma_semaphore, #tpu.memory_space<semaphore_mem>>) src(%dma_wait3A_2230 : memref<32x128xf32, #tpu.memory_space<hbm>>) dst(%dma_wait3A_2227 : memref<32x128xf32, #tpu.memory_space<vmem>>)
      %dma_wait3A_2231 = arith.constant 160 : i32
      %dma_wait3A_2232 = arith.constant 0 : i32
      %dma_wait3A_2233 = tpu.memref_slice %arg11[%dma_wait3A_2231, %dma_wait3A_2232] : memref<256x128xf32, #tpu.memory_space<vmem>> -> memref<32x128xf32, #tpu.memory_space<vmem>>
      %dma_wait3A_2234 = arith.constant 0 : i32
      %dma_wait3A_2235 = arith.constant 0 : i32
      %dma_wait3A_2236 = tpu.memref_slice %arg4[%dma_wait3A_2234, %dma_wait3A_2235] : memref<32x1000000xf32, #tpu.memory_space<hbm>> -> memref<32x128xf32, #tpu.memory_space<hbm>>
      %dma_wait3A_2237 = arith.constant 160 : i32
      %dma_wait3A_2238 = arith.constant 0 : i32
      %dma_wait3A_2239 = tpu.memref_slice %arg11[%dma_wait3A_2237, %dma_wait3A_2238] : memref<256x128xf32, #tpu.memory_space<vmem>> -> memref<32x128xf32, #tpu.memory_space<vmem>>
      %dma_wait3A_2240 = arith.constant 0 : i32
      %dma_wait3A_2241 = arith.constant 0 : i32
      %dma_wait3A_2242 = tpu.memref_slice %arg4[%dma_wait3A_2240, %dma_wait3A_2241] : memref<32x1000000xf32, #tpu.memory_space<hbm>> -> memref<32x128xf32, #tpu.memory_space<hbm>>
      tpu.wait_dma2 semaphore(%arg17 : memref<!tpu.dma_semaphore, #tpu.memory_space<semaphore_mem>>) src(%dma_wait3A_2242 : memref<32x128xf32, #tpu.memory_space<hbm>>) dst(%dma_wait3A_2239 : memref<32x128xf32, #tpu.memory_space<vmem>>)
      %dma_wait3A_2243 = arith.constant 192 : i32
      %dma_wait3A_2244 = arith.constant 0 : i32
      %dma_wait3A_2245 = tpu.memref_slice %arg11[%dma_wait3A_2243, %dma_wait3A_2244] : memref<256x128xf32, #tpu.memory_space<vmem>> -> memref<32x128xf32, #tpu.memory_space<vmem>>
      %dma_wait3A_2246 = arith.constant 0 : i32
      %dma_wait3A_2247 = arith.constant 0 : i32
      %dma_wait3A_2248 = tpu.memref_slice %arg4[%dma_wait3A_2246, %dma_wait3A_2247] : memref<32x1000000xf32, #tpu.memory_space<hbm>> -> memref<32x128xf32, #tpu.memory_space<hbm>>
      %dma_wait3A_2249 = arith.constant 192 : i32
      %dma_wait3A_2250 = arith.constant 0 : i32
      %dma_wait3A_2251 = tpu.memref_slice %arg11[%dma_wait3A_2249, %dma_wait3A_2250] : memref<256x128xf32, #tpu.memory_space<vmem>> -> memref<32x128xf32, #tpu.memory_space<vmem>>
      %dma_wait3A_2252 = arith.constant 0 : i32
      %dma_wait3A_2253 = arith.constant 0 : i32
      %dma_wait3A_2254 = tpu.memref_slice %arg4[%dma_wait3A_2252, %dma_wait3A_2253] : memref<32x1000000xf32, #tpu.memory_space<hbm>> -> memref<32x128xf32, #tpu.memory_space<hbm>>
      tpu.wait_dma2 semaphore(%arg17 : memref<!tpu.dma_semaphore, #tpu.memory_space<semaphore_mem>>) src(%dma_wait3A_2254 : memref<32x128xf32, #tpu.memory_space<hbm>>) dst(%dma_wait3A_2251 : memref<32x128xf32, #tpu.memory_space<vmem>>)
      %dma_wait3A_2255 = arith.constant 224 : i32
      %dma_wait3A_2256 = arith.constant 0 : i32
      %dma_wait3A_2257 = tpu.memref_slice %arg11[%dma_wait3A_2255, %dma_wait3A_2256] : memref<256x128xf32, #tpu.memory_space<vmem>> -> memref<32x128xf32, #tpu.memory_space<vmem>>
      %dma_wait3A_2258 = arith.constant 0 : i32
      %dma_wait3A_2259 = arith.constant 0 : i32
      %dma_wait3A_2260 = tpu.memref_slice %arg4[%dma_wait3A_2258, %dma_wait3A_2259] : memref<32x1000000xf32, #tpu.memory_space<hbm>> -> memref<32x128xf32, #tpu.memory_space<hbm>>
      %dma_wait3A_2261 = arith.constant 224 : i32
      %dma_wait3A_2262 = arith.constant 0 : i32
      %dma_wait3A_2263 = tpu.memref_slice %arg11[%dma_wait3A_2261, %dma_wait3A_2262] : memref<256x128xf32, #tpu.memory_space<vmem>> -> memref<32x128xf32, #tpu.memory_space<vmem>>
      %dma_wait3A_2264 = arith.constant 0 : i32
      %dma_wait3A_2265 = arith.constant 0 : i32
      %dma_wait3A_2266 = tpu.memref_slice %arg4[%dma_wait3A_2264, %dma_wait3A_2265] : memref<32x1000000xf32, #tpu.memory_space<hbm>> -> memref<32x128xf32, #tpu.memory_space<hbm>>
      tpu.wait_dma2 semaphore(%arg17 : memref<!tpu.dma_semaphore, #tpu.memory_space<semaphore_mem>>) src(%dma_wait3A_2266 : memref<32x128xf32, #tpu.memory_space<hbm>>) dst(%dma_wait3A_2263 : memref<32x128xf32, #tpu.memory_space<vmem>>)
      %dma_wait3A_2267 = arith.constant 0 : i32
      %dma_wait3A_2268 = arith.constant 0 : i32
      %dma_wait3A_2269 = tpu.memref_slice %arg5[%dma_wait3A_2267, %dma_wait3A_2268] : memref<100000x32xf32, #tpu.memory_space<hbm>> -> memref<64x32xf32, #tpu.memory_space<hbm>>
      %dma_wait3A_2270 = arith.constant 0 : i32
      %dma_wait3A_2271 = arith.constant 0 : i32
      %dma_wait3A_2272 = tpu.memref_slice %arg5[%dma_wait3A_2270, %dma_wait3A_2271] : memref<100000x32xf32, #tpu.memory_space<hbm>> -> memref<64x32xf32, #tpu.memory_space<hbm>>
      tpu.wait_dma2 semaphore(%arg19 : memref<!tpu.dma_semaphore, #tpu.memory_space<semaphore_mem>>) src(%dma_wait3A_2272 : memref<64x32xf32, #tpu.memory_space<hbm>>) dst(%arg13 : memref<64x32xf32, #tpu.memory_space<vmem>>)
      %slice3A_2273 = vector.extract_strided_slice %gather3A_1249 {offsets = [0], sizes = [1], strides = [1]} : vector<16xi32> to vector<1xi32>
      %squeeze3A_2274 = vector.extract %slice3A_2273[0] : i32 from vector<1xi32>
      %slice3A_2275 = vector.extract_strided_slice %gather3A_1250 {offsets = [0], sizes = [1], strides = [1]} : vector<16xi32> to vector<1xi32>
      %squeeze3A_2276 = vector.extract %slice3A_2275[0] : i32 from vector<1xi32>
      %and3A_2277 = arith.constant 127 : i32
      %and3A_2278 = arith.andi %squeeze3A_2274, %and3A_2277 : i32
      %broadcast_in_dim3A_2279 = vector.broadcast %and3A_2278 : i32 to vector<16xi32>
      %and3A_2280 = arith.constant 7 : i32
      %and3A_2281 = arith.andi %squeeze3A_2276, %and3A_2280 : i32
      %add3A_2282 = arith.constant 0 : i32
      %add3A_2283 = arith.addi %add3A_2282, %and3A_2281 : i32
      %broadcast_in_dim3A_2284 = vector.broadcast %add3A_2283 : i32 to vector<16xi32>
      %mul3A_2285 = arith.constant 8 : i32
      %mul3A_2286 = arith.muli %add3A_2170, %mul3A_2285 : i32
      %add3A_2287 = arith.constant 0 : i32
      %add3A_2288 = arith.addi %mul3A_2286, %add3A_2287 : i32
      %broadcast_in_dim3A_2289 = vector.broadcast %add3A_2288 : i32 to vector<16xi32>
      %add3A_2290 = arith.constant 0 : i32
      %add3A_2291 = vector.broadcast %add3A_2290 : i32 to vector<16xi32>
      %add3A_2292 = arith.addi %iota3A, %add3A_2291 : vector<16xi32>
      %broadcast_in_dim3A_2293 = arith.constant 0 : i32
      %broadcast_in_dim3A_2294 = vector.broadcast %broadcast_in_dim3A_2293 : i32 to vector<16xi32>
      %add3A_2295 = arith.addi %broadcast_in_dim3A_2294, %iota3A : vector<16xi32>
      %gather3A_2296 = tpu.vector_load_idx %arg11[%add3A_2295, %broadcast_in_dim3A_2279] : memref<256x128xf32, #tpu.memory_space<vmem>>[vector<16xi32>, vector<16xi32>], vector<16xf32>,
      tpu.vector_store_idx %arg14[%add3A_2292, %broadcast_in_dim3A_2289], %gather3A_2296 : memref<32x512xf32, #tpu.memory_space<vmem>>[vector<16xi32>, vector<16xi32>], vector<16xf32>,
      %gather3A_2297 = tpu.vector_load_idx %arg13[%broadcast_in_dim3A_2284, %add3A_2292] : memref<64x32xf32, #tpu.memory_space<vmem>>[vector<16xi32>, vector<16xi32>], vector<16xf32>,
      tpu.vector_store_idx %arg15[%add3A_2292, %broadcast_in_dim3A_2289], %gather3A_2297 : memref<32x512xf32, #tpu.memory_space<vmem>>[vector<16xi32>, vector<16xi32>], vector<16xf32>,
      %add3A_2298 = arith.constant 16 : i32
      %add3A_2299 = vector.broadcast %add3A_2298 : i32 to vector<16xi32>
      %add3A_2300 = arith.addi %iota3A, %add3A_2299 : vector<16xi32>
      %broadcast_in_dim3A_2301 = arith.constant 16 : i32
      %broadcast_in_dim3A_2302 = vector.broadcast %broadcast_in_dim3A_2301 : i32 to vector<16xi32>
      %add3A_2303 = arith.addi %broadcast_in_dim3A_2302, %iota3A : vector<16xi32>
      %gather3A_2304 = tpu.vector_load_idx %arg11[%add3A_2303, %broadcast_in_dim3A_2279] : memref<256x128xf32, #tpu.memory_space<vmem>>[vector<16xi32>, vector<16xi32>], vector<16xf32>,
      tpu.vector_store_idx %arg14[%add3A_2300, %broadcast_in_dim3A_2289], %gather3A_2304 : memref<32x512xf32, #tpu.memory_space<vmem>>[vector<16xi32>, vector<16xi32>], vector<16xf32>,
      %gather3A_2305 = tpu.vector_load_idx %arg13[%broadcast_in_dim3A_2284, %add3A_2300] : memref<64x32xf32, #tpu.memory_space<vmem>>[vector<16xi32>, vector<16xi32>], vector<16xf32>,
      tpu.vector_store_idx %arg15[%add3A_2300, %broadcast_in_dim3A_2289], %gather3A_2305 : memref<32x512xf32, #tpu.memory_space<vmem>>[vector<16xi32>, vector<16xi32>], vector<16xf32>,
      %slice3A_2306 = vector.extract_strided_slice %gather3A_1249 {offsets = [1], sizes = [1], strides = [1]} : vector<16xi32> to vector<1xi32>
      %squeeze3A_2307 = vector.extract %slice3A_2306[0] : i32 from vector<1xi32>
      %slice3A_2308 = vector.extract_strided_slice %gather3A_1250 {offsets = [1], sizes = [1], strides = [1]} : vector<16xi32> to vector<1xi32>
      %squeeze3A_2309 = vector.extract %slice3A_2308[0] : i32 from vector<1xi32>
      %and3A_2310 = arith.constant 127 : i32
      %and3A_2311 = arith.andi %squeeze3A_2307, %and3A_2310 : i32
      %broadcast_in_dim3A_2312 = vector.broadcast %and3A_2311 : i32 to vector<16xi32>
      %and3A_2313 = arith.constant 7 : i32
      %and3A_2314 = arith.andi %squeeze3A_2309, %and3A_2313 : i32
      %add3A_2315 = arith.constant 8 : i32
      %add3A_2316 = arith.addi %add3A_2315, %and3A_2314 : i32
      %broadcast_in_dim3A_2317 = vector.broadcast %add3A_2316 : i32 to vector<16xi32>
      %mul3A_2318 = arith.constant 8 : i32
      %mul3A_2319 = arith.muli %add3A_2170, %mul3A_2318 : i32
      %add3A_2320 = arith.constant 1 : i32
      %add3A_2321 = arith.addi %mul3A_2319, %add3A_2320 : i32
      %broadcast_in_dim3A_2322 = vector.broadcast %add3A_2321 : i32 to vector<16xi32>
      %add3A_2323 = arith.constant 0 : i32
      %add3A_2324 = vector.broadcast %add3A_2323 : i32 to vector<16xi32>
      %add3A_2325 = arith.addi %iota3A, %add3A_2324 : vector<16xi32>
      %broadcast_in_dim3A_2326 = arith.constant 32 : i32
      %broadcast_in_dim3A_2327 = vector.broadcast %broadcast_in_dim3A_2326 : i32 to vector<16xi32>
      %add3A_2328 = arith.addi %broadcast_in_dim3A_2327, %iota3A : vector<16xi32>
      %gather3A_2329 = tpu.vector_load_idx %arg11[%add3A_2328, %broadcast_in_dim3A_2312] : memref<256x128xf32, #tpu.memory_space<vmem>>[vector<16xi32>, vector<16xi32>], vector<16xf32>,
      tpu.vector_store_idx %arg14[%add3A_2325, %broadcast_in_dim3A_2322], %gather3A_2329 : memref<32x512xf32, #tpu.memory_space<vmem>>[vector<16xi32>, vector<16xi32>], vector<16xf32>,
      %gather3A_2330 = tpu.vector_load_idx %arg13[%broadcast_in_dim3A_2317, %add3A_2325] : memref<64x32xf32, #tpu.memory_space<vmem>>[vector<16xi32>, vector<16xi32>], vector<16xf32>,
      tpu.vector_store_idx %arg15[%add3A_2325, %broadcast_in_dim3A_2322], %gather3A_2330 : memref<32x512xf32, #tpu.memory_space<vmem>>[vector<16xi32>, vector<16xi32>], vector<16xf32>,
      %add3A_2331 = arith.constant 16 : i32
      %add3A_2332 = vector.broadcast %add3A_2331 : i32 to vector<16xi32>
      %add3A_2333 = arith.addi %iota3A, %add3A_2332 : vector<16xi32>
      %broadcast_in_dim3A_2334 = arith.constant 48 : i32
      %broadcast_in_dim3A_2335 = vector.broadcast %broadcast_in_dim3A_2334 : i32 to vector<16xi32>
      %add3A_2336 = arith.addi %broadcast_in_dim3A_2335, %iota3A : vector<16xi32>
      %gather3A_2337 = tpu.vector_load_idx %arg11[%add3A_2336, %broadcast_in_dim3A_2312] : memref<256x128xf32, #tpu.memory_space<vmem>>[vector<16xi32>, vector<16xi32>], vector<16xf32>,
      tpu.vector_store_idx %arg14[%add3A_2333, %broadcast_in_dim3A_2322], %gather3A_2337 : memref<32x512xf32, #tpu.memory_space<vmem>>[vector<16xi32>, vector<16xi32>], vector<16xf32>,
      %gather3A_2338 = tpu.vector_load_idx %arg13[%broadcast_in_dim3A_2317, %add3A_2333] : memref<64x32xf32, #tpu.memory_space<vmem>>[vector<16xi32>, vector<16xi32>], vector<16xf32>,
      tpu.vector_store_idx %arg15[%add3A_2333, %broadcast_in_dim3A_2322], %gather3A_2338 : memref<32x512xf32, #tpu.memory_space<vmem>>[vector<16xi32>, vector<16xi32>], vector<16xf32>,
      %slice3A_2339 = vector.extract_strided_slice %gather3A_1249 {offsets = [2], sizes = [1], strides = [1]} : vector<16xi32> to vector<1xi32>
      %squeeze3A_2340 = vector.extract %slice3A_2339[0] : i32 from vector<1xi32>
      %slice3A_2341 = vector.extract_strided_slice %gather3A_1250 {offsets = [2], sizes = [1], strides = [1]} : vector<16xi32> to vector<1xi32>
      %squeeze3A_2342 = vector.extract %slice3A_2341[0] : i32 from vector<1xi32>
      %and3A_2343 = arith.constant 127 : i32
      %and3A_2344 = arith.andi %squeeze3A_2340, %and3A_2343 : i32
      %broadcast_in_dim3A_2345 = vector.broadcast %and3A_2344 : i32 to vector<16xi32>
      %and3A_2346 = arith.constant 7 : i32
      %and3A_2347 = arith.andi %squeeze3A_2342, %and3A_2346 : i32
      %add3A_2348 = arith.constant 16 : i32
      %add3A_2349 = arith.addi %add3A_2348, %and3A_2347 : i32
      %broadcast_in_dim3A_2350 = vector.broadcast %add3A_2349 : i32 to vector<16xi32>
      %mul3A_2351 = arith.constant 8 : i32
      %mul3A_2352 = arith.muli %add3A_2170, %mul3A_2351 : i32
      %add3A_2353 = arith.constant 2 : i32
      %add3A_2354 = arith.addi %mul3A_2352, %add3A_2353 : i32
      %broadcast_in_dim3A_2355 = vector.broadcast %add3A_2354 : i32 to vector<16xi32>
      %add3A_2356 = arith.constant 0 : i32
      %add3A_2357 = vector.broadcast %add3A_2356 : i32 to vector<16xi32>
      %add3A_2358 = arith.addi %iota3A, %add3A_2357 : vector<16xi32>
      %broadcast_in_dim3A_2359 = arith.constant 64 : i32
      %broadcast_in_dim3A_2360 = vector.broadcast %broadcast_in_dim3A_2359 : i32 to vector<16xi32>
      %add3A_2361 = arith.addi %broadcast_in_dim3A_2360, %iota3A : vector<16xi32>
      %gather3A_2362 = tpu.vector_load_idx %arg11[%add3A_2361, %broadcast_in_dim3A_2345] : memref<256x128xf32, #tpu.memory_space<vmem>>[vector<16xi32>, vector<16xi32>], vector<16xf32>,
      tpu.vector_store_idx %arg14[%add3A_2358, %broadcast_in_dim3A_2355], %gather3A_2362 : memref<32x512xf32, #tpu.memory_space<vmem>>[vector<16xi32>, vector<16xi32>], vector<16xf32>,
      %gather3A_2363 = tpu.vector_load_idx %arg13[%broadcast_in_dim3A_2350, %add3A_2358] : memref<64x32xf32, #tpu.memory_space<vmem>>[vector<16xi32>, vector<16xi32>], vector<16xf32>,
      tpu.vector_store_idx %arg15[%add3A_2358, %broadcast_in_dim3A_2355], %gather3A_2363 : memref<32x512xf32, #tpu.memory_space<vmem>>[vector<16xi32>, vector<16xi32>], vector<16xf32>,
      %add3A_2364 = arith.constant 16 : i32
      %add3A_2365 = vector.broadcast %add3A_2364 : i32 to vector<16xi32>
      %add3A_2366 = arith.addi %iota3A, %add3A_2365 : vector<16xi32>
      %broadcast_in_dim3A_2367 = arith.constant 80 : i32
      %broadcast_in_dim3A_2368 = vector.broadcast %broadcast_in_dim3A_2367 : i32 to vector<16xi32>
      %add3A_2369 = arith.addi %broadcast_in_dim3A_2368, %iota3A : vector<16xi32>
      %gather3A_2370 = tpu.vector_load_idx %arg11[%add3A_2369, %broadcast_in_dim3A_2345] : memref<256x128xf32, #tpu.memory_space<vmem>>[vector<16xi32>, vector<16xi32>], vector<16xf32>,
      tpu.vector_store_idx %arg14[%add3A_2366, %broadcast_in_dim3A_2355], %gather3A_2370 : memref<32x512xf32, #tpu.memory_space<vmem>>[vector<16xi32>, vector<16xi32>], vector<16xf32>,
      %gather3A_2371 = tpu.vector_load_idx %arg13[%broadcast_in_dim3A_2350, %add3A_2366] : memref<64x32xf32, #tpu.memory_space<vmem>>[vector<16xi32>, vector<16xi32>], vector<16xf32>,
      tpu.vector_store_idx %arg15[%add3A_2366, %broadcast_in_dim3A_2355], %gather3A_2371 : memref<32x512xf32, #tpu.memory_space<vmem>>[vector<16xi32>, vector<16xi32>], vector<16xf32>,
      %slice3A_2372 = vector.extract_strided_slice %gather3A_1249 {offsets = [3], sizes = [1], strides = [1]} : vector<16xi32> to vector<1xi32>
      %squeeze3A_2373 = vector.extract %slice3A_2372[0] : i32 from vector<1xi32>
      %slice3A_2374 = vector.extract_strided_slice %gather3A_1250 {offsets = [3], sizes = [1], strides = [1]} : vector<16xi32> to vector<1xi32>
      %squeeze3A_2375 = vector.extract %slice3A_2374[0] : i32 from vector<1xi32>
      %and3A_2376 = arith.constant 127 : i32
      %and3A_2377 = arith.andi %squeeze3A_2373, %and3A_2376 : i32
      %broadcast_in_dim3A_2378 = vector.broadcast %and3A_2377 : i32 to vector<16xi32>
      %and3A_2379 = arith.constant 7 : i32
      %and3A_2380 = arith.andi %squeeze3A_2375, %and3A_2379 : i32
      %add3A_2381 = arith.constant 24 : i32
      %add3A_2382 = arith.addi %add3A_2381, %and3A_2380 : i32
      %broadcast_in_dim3A_2383 = vector.broadcast %add3A_2382 : i32 to vector<16xi32>
      %mul3A_2384 = arith.constant 8 : i32
      %mul3A_2385 = arith.muli %add3A_2170, %mul3A_2384 : i32
      %add3A_2386 = arith.constant 3 : i32
      %add3A_2387 = arith.addi %mul3A_2385, %add3A_2386 : i32
      %broadcast_in_dim3A_2388 = vector.broadcast %add3A_2387 : i32 to vector<16xi32>
      %add3A_2389 = arith.constant 0 : i32
      %add3A_2390 = vector.broadcast %add3A_2389 : i32 to vector<16xi32>
      %add3A_2391 = arith.addi %iota3A, %add3A_2390 : vector<16xi32>
      %broadcast_in_dim3A_2392 = arith.constant 96 : i32
      %broadcast_in_dim3A_2393 = vector.broadcast %broadcast_in_dim3A_2392 : i32 to vector<16xi32>
      %add3A_2394 = arith.addi %broadcast_in_dim3A_2393, %iota3A : vector<16xi32>
      %gather3A_2395 = tpu.vector_load_idx %arg11[%add3A_2394, %broadcast_in_dim3A_2378] : memref<256x128xf32, #tpu.memory_space<vmem>>[vector<16xi32>, vector<16xi32>], vector<16xf32>,
      tpu.vector_store_idx %arg14[%add3A_2391, %broadcast_in_dim3A_2388], %gather3A_2395 : memref<32x512xf32, #tpu.memory_space<vmem>>[vector<16xi32>, vector<16xi32>], vector<16xf32>,
      %gather3A_2396 = tpu.vector_load_idx %arg13[%broadcast_in_dim3A_2383, %add3A_2391] : memref<64x32xf32, #tpu.memory_space<vmem>>[vector<16xi32>, vector<16xi32>], vector<16xf32>,
      tpu.vector_store_idx %arg15[%add3A_2391, %broadcast_in_dim3A_2388], %gather3A_2396 : memref<32x512xf32, #tpu.memory_space<vmem>>[vector<16xi32>, vector<16xi32>], vector<16xf32>,
      %add3A_2397 = arith.constant 16 : i32
      %add3A_2398 = vector.broadcast %add3A_2397 : i32 to vector<16xi32>
      %add3A_2399 = arith.addi %iota3A, %add3A_2398 : vector<16xi32>
      %broadcast_in_dim3A_2400 = arith.constant 112 : i32
      %broadcast_in_dim3A_2401 = vector.broadcast %broadcast_in_dim3A_2400 : i32 to vector<16xi32>
      %add3A_2402 = arith.addi %broadcast_in_dim3A_2401, %iota3A : vector<16xi32>
      %gather3A_2403 = tpu.vector_load_idx %arg11[%add3A_2402, %broadcast_in_dim3A_2378] : memref<256x128xf32, #tpu.memory_space<vmem>>[vector<16xi32>, vector<16xi32>], vector<16xf32>,
      tpu.vector_store_idx %arg14[%add3A_2399, %broadcast_in_dim3A_2388], %gather3A_2403 : memref<32x512xf32, #tpu.memory_space<vmem>>[vector<16xi32>, vector<16xi32>], vector<16xf32>,
      %gather3A_2404 = tpu.vector_load_idx %arg13[%broadcast_in_dim3A_2383, %add3A_2399] : memref<64x32xf32, #tpu.memory_space<vmem>>[vector<16xi32>, vector<16xi32>], vector<16xf32>,
      tpu.vector_store_idx %arg15[%add3A_2399, %broadcast_in_dim3A_2388], %gather3A_2404 : memref<32x512xf32, #tpu.memory_space<vmem>>[vector<16xi32>, vector<16xi32>], vector<16xf32>,
      %slice3A_2405 = vector.extract_strided_slice %gather3A_1249 {offsets = [4], sizes = [1], strides = [1]} : vector<16xi32> to vector<1xi32>
      %squeeze3A_2406 = vector.extract %slice3A_2405[0] : i32 from vector<1xi32>
      %slice3A_2407 = vector.extract_strided_slice %gather3A_1250 {offsets = [4], sizes = [1], strides = [1]} : vector<16xi32> to vector<1xi32>
      %squeeze3A_2408 = vector.extract %slice3A_2407[0] : i32 from vector<1xi32>
      %and3A_2409 = arith.constant 127 : i32
      %and3A_2410 = arith.andi %squeeze3A_2406, %and3A_2409 : i32
      %broadcast_in_dim3A_2411 = vector.broadcast %and3A_2410 : i32 to vector<16xi32>
      %and3A_2412 = arith.constant 7 : i32
      %and3A_2413 = arith.andi %squeeze3A_2408, %and3A_2412 : i32
      %add3A_2414 = arith.constant 32 : i32
      %add3A_2415 = arith.addi %add3A_2414, %and3A_2413 : i32
      %broadcast_in_dim3A_2416 = vector.broadcast %add3A_2415 : i32 to vector<16xi32>
      %mul3A_2417 = arith.constant 8 : i32
      %mul3A_2418 = arith.muli %add3A_2170, %mul3A_2417 : i32
      %add3A_2419 = arith.constant 4 : i32
      %add3A_2420 = arith.addi %mul3A_2418, %add3A_2419 : i32
      %broadcast_in_dim3A_2421 = vector.broadcast %add3A_2420 : i32 to vector<16xi32>
      %add3A_2422 = arith.constant 0 : i32
      %add3A_2423 = vector.broadcast %add3A_2422 : i32 to vector<16xi32>
      %add3A_2424 = arith.addi %iota3A, %add3A_2423 : vector<16xi32>
      %broadcast_in_dim3A_2425 = arith.constant 128 : i32
      %broadcast_in_dim3A_2426 = vector.broadcast %broadcast_in_dim3A_2425 : i32 to vector<16xi32>
      %add3A_2427 = arith.addi %broadcast_in_dim3A_2426, %iota3A : vector<16xi32>
      %gather3A_2428 = tpu.vector_load_idx %arg11[%add3A_2427, %broadcast_in_dim3A_2411] : memref<256x128xf32, #tpu.memory_space<vmem>>[vector<16xi32>, vector<16xi32>], vector<16xf32>,
      tpu.vector_store_idx %arg14[%add3A_2424, %broadcast_in_dim3A_2421], %gather3A_2428 : memref<32x512xf32, #tpu.memory_space<vmem>>[vector<16xi32>, vector<16xi32>], vector<16xf32>,
      %gather3A_2429 = tpu.vector_load_idx %arg13[%broadcast_in_dim3A_2416, %add3A_2424] : memref<64x32xf32, #tpu.memory_space<vmem>>[vector<16xi32>, vector<16xi32>], vector<16xf32>,
      tpu.vector_store_idx %arg15[%add3A_2424, %broadcast_in_dim3A_2421], %gather3A_2429 : memref<32x512xf32, #tpu.memory_space<vmem>>[vector<16xi32>, vector<16xi32>], vector<16xf32>,
      %add3A_2430 = arith.constant 16 : i32
      %add3A_2431 = vector.broadcast %add3A_2430 : i32 to vector<16xi32>
      %add3A_2432 = arith.addi %iota3A, %add3A_2431 : vector<16xi32>
      %broadcast_in_dim3A_2433 = arith.constant 144 : i32
      %broadcast_in_dim3A_2434 = vector.broadcast %broadcast_in_dim3A_2433 : i32 to vector<16xi32>
      %add3A_2435 = arith.addi %broadcast_in_dim3A_2434, %iota3A : vector<16xi32>
      %gather3A_2436 = tpu.vector_load_idx %arg11[%add3A_2435, %broadcast_in_dim3A_2411] : memref<256x128xf32, #tpu.memory_space<vmem>>[vector<16xi32>, vector<16xi32>], vector<16xf32>,
      tpu.vector_store_idx %arg14[%add3A_2432, %broadcast_in_dim3A_2421], %gather3A_2436 : memref<32x512xf32, #tpu.memory_space<vmem>>[vector<16xi32>, vector<16xi32>], vector<16xf32>,
      %gather3A_2437 = tpu.vector_load_idx %arg13[%broadcast_in_dim3A_2416, %add3A_2432] : memref<64x32xf32, #tpu.memory_space<vmem>>[vector<16xi32>, vector<16xi32>], vector<16xf32>,
      tpu.vector_store_idx %arg15[%add3A_2432, %broadcast_in_dim3A_2421], %gather3A_2437 : memref<32x512xf32, #tpu.memory_space<vmem>>[vector<16xi32>, vector<16xi32>], vector<16xf32>,
      %slice3A_2438 = vector.extract_strided_slice %gather3A_1249 {offsets = [5], sizes = [1], strides = [1]} : vector<16xi32> to vector<1xi32>
      %squeeze3A_2439 = vector.extract %slice3A_2438[0] : i32 from vector<1xi32>
      %slice3A_2440 = vector.extract_strided_slice %gather3A_1250 {offsets = [5], sizes = [1], strides = [1]} : vector<16xi32> to vector<1xi32>
      %squeeze3A_2441 = vector.extract %slice3A_2440[0] : i32 from vector<1xi32>
      %and3A_2442 = arith.constant 127 : i32
      %and3A_2443 = arith.andi %squeeze3A_2439, %and3A_2442 : i32
      %broadcast_in_dim3A_2444 = vector.broadcast %and3A_2443 : i32 to vector<16xi32>
      %and3A_2445 = arith.constant 7 : i32
      %and3A_2446 = arith.andi %squeeze3A_2441, %and3A_2445 : i32
      %add3A_2447 = arith.constant 40 : i32
      %add3A_2448 = arith.addi %add3A_2447, %and3A_2446 : i32
      %broadcast_in_dim3A_2449 = vector.broadcast %add3A_2448 : i32 to vector<16xi32>
      %mul3A_2450 = arith.constant 8 : i32
      %mul3A_2451 = arith.muli %add3A_2170, %mul3A_2450 : i32
      %add3A_2452 = arith.constant 5 : i32
      %add3A_2453 = arith.addi %mul3A_2451, %add3A_2452 : i32
      %broadcast_in_dim3A_2454 = vector.broadcast %add3A_2453 : i32 to vector<16xi32>
      %add3A_2455 = arith.constant 0 : i32
      %add3A_2456 = vector.broadcast %add3A_2455 : i32 to vector<16xi32>
      %add3A_2457 = arith.addi %iota3A, %add3A_2456 : vector<16xi32>
      %broadcast_in_dim3A_2458 = arith.constant 160 : i32
      %broadcast_in_dim3A_2459 = vector.broadcast %broadcast_in_dim3A_2458 : i32 to vector<16xi32>
      %add3A_2460 = arith.addi %broadcast_in_dim3A_2459, %iota3A : vector<16xi32>
      %gather3A_2461 = tpu.vector_load_idx %arg11[%add3A_2460, %broadcast_in_dim3A_2444] : memref<256x128xf32, #tpu.memory_space<vmem>>[vector<16xi32>, vector<16xi32>], vector<16xf32>,
      tpu.vector_store_idx %arg14[%add3A_2457, %broadcast_in_dim3A_2454], %gather3A_2461 : memref<32x512xf32, #tpu.memory_space<vmem>>[vector<16xi32>, vector<16xi32>], vector<16xf32>,
      %gather3A_2462 = tpu.vector_load_idx %arg13[%broadcast_in_dim3A_2449, %add3A_2457] : memref<64x32xf32, #tpu.memory_space<vmem>>[vector<16xi32>, vector<16xi32>], vector<16xf32>,
      tpu.vector_store_idx %arg15[%add3A_2457, %broadcast_in_dim3A_2454], %gather3A_2462 : memref<32x512xf32, #tpu.memory_space<vmem>>[vector<16xi32>, vector<16xi32>], vector<16xf32>,
      %add3A_2463 = arith.constant 16 : i32
      %add3A_2464 = vector.broadcast %add3A_2463 : i32 to vector<16xi32>
      %add3A_2465 = arith.addi %iota3A, %add3A_2464 : vector<16xi32>
      %broadcast_in_dim3A_2466 = arith.constant 176 : i32
      %broadcast_in_dim3A_2467 = vector.broadcast %broadcast_in_dim3A_2466 : i32 to vector<16xi32>
      %add3A_2468 = arith.addi %broadcast_in_dim3A_2467, %iota3A : vector<16xi32>
      %gather3A_2469 = tpu.vector_load_idx %arg11[%add3A_2468, %broadcast_in_dim3A_2444] : memref<256x128xf32, #tpu.memory_space<vmem>>[vector<16xi32>, vector<16xi32>], vector<16xf32>,
      tpu.vector_store_idx %arg14[%add3A_2465, %broadcast_in_dim3A_2454], %gather3A_2469 : memref<32x512xf32, #tpu.memory_space<vmem>>[vector<16xi32>, vector<16xi32>], vector<16xf32>,
      %gather3A_2470 = tpu.vector_load_idx %arg13[%broadcast_in_dim3A_2449, %add3A_2465] : memref<64x32xf32, #tpu.memory_space<vmem>>[vector<16xi32>, vector<16xi32>], vector<16xf32>,
      tpu.vector_store_idx %arg15[%add3A_2465, %broadcast_in_dim3A_2454], %gather3A_2470 : memref<32x512xf32, #tpu.memory_space<vmem>>[vector<16xi32>, vector<16xi32>], vector<16xf32>,
      %slice3A_2471 = vector.extract_strided_slice %gather3A_1249 {offsets = [6], sizes = [1], strides = [1]} : vector<16xi32> to vector<1xi32>
      %squeeze3A_2472 = vector.extract %slice3A_2471[0] : i32 from vector<1xi32>
      %slice3A_2473 = vector.extract_strided_slice %gather3A_1250 {offsets = [6], sizes = [1], strides = [1]} : vector<16xi32> to vector<1xi32>
      %squeeze3A_2474 = vector.extract %slice3A_2473[0] : i32 from vector<1xi32>
      %and3A_2475 = arith.constant 127 : i32
      %and3A_2476 = arith.andi %squeeze3A_2472, %and3A_2475 : i32
      %broadcast_in_dim3A_2477 = vector.broadcast %and3A_2476 : i32 to vector<16xi32>
      %and3A_2478 = arith.constant 7 : i32
      %and3A_2479 = arith.andi %squeeze3A_2474, %and3A_2478 : i32
      %add3A_2480 = arith.constant 48 : i32
      %add3A_2481 = arith.addi %add3A_2480, %and3A_2479 : i32
      %broadcast_in_dim3A_2482 = vector.broadcast %add3A_2481 : i32 to vector<16xi32>
      %mul3A_2483 = arith.constant 8 : i32
      %mul3A_2484 = arith.muli %add3A_2170, %mul3A_2483 : i32
      %add3A_2485 = arith.constant 6 : i32
      %add3A_2486 = arith.addi %mul3A_2484, %add3A_2485 : i32
      %broadcast_in_dim3A_2487 = vector.broadcast %add3A_2486 : i32 to vector<16xi32>
      %add3A_2488 = arith.constant 0 : i32
      %add3A_2489 = vector.broadcast %add3A_2488 : i32 to vector<16xi32>
      %add3A_2490 = arith.addi %iota3A, %add3A_2489 : vector<16xi32>
      %broadcast_in_dim3A_2491 = arith.constant 192 : i32
      %broadcast_in_dim3A_2492 = vector.broadcast %broadcast_in_dim3A_2491 : i32 to vector<16xi32>
      %add3A_2493 = arith.addi %broadcast_in_dim3A_2492, %iota3A : vector<16xi32>
      %gather3A_2494 = tpu.vector_load_idx %arg11[%add3A_2493, %broadcast_in_dim3A_2477] : memref<256x128xf32, #tpu.memory_space<vmem>>[vector<16xi32>, vector<16xi32>], vector<16xf32>,
      tpu.vector_store_idx %arg14[%add3A_2490, %broadcast_in_dim3A_2487], %gather3A_2494 : memref<32x512xf32, #tpu.memory_space<vmem>>[vector<16xi32>, vector<16xi32>], vector<16xf32>,
      %gather3A_2495 = tpu.vector_load_idx %arg13[%broadcast_in_dim3A_2482, %add3A_2490] : memref<64x32xf32, #tpu.memory_space<vmem>>[vector<16xi32>, vector<16xi32>], vector<16xf32>,
      tpu.vector_store_idx %arg15[%add3A_2490, %broadcast_in_dim3A_2487], %gather3A_2495 : memref<32x512xf32, #tpu.memory_space<vmem>>[vector<16xi32>, vector<16xi32>], vector<16xf32>,
      %add3A_2496 = arith.constant 16 : i32
      %add3A_2497 = vector.broadcast %add3A_2496 : i32 to vector<16xi32>
      %add3A_2498 = arith.addi %iota3A, %add3A_2497 : vector<16xi32>
      %broadcast_in_dim3A_2499 = arith.constant 208 : i32
      %broadcast_in_dim3A_2500 = vector.broadcast %broadcast_in_dim3A_2499 : i32 to vector<16xi32>
      %add3A_2501 = arith.addi %broadcast_in_dim3A_2500, %iota3A : vector<16xi32>
      %gather3A_2502 = tpu.vector_load_idx %arg11[%add3A_2501, %broadcast_in_dim3A_2477] : memref<256x128xf32, #tpu.memory_space<vmem>>[vector<16xi32>, vector<16xi32>], vector<16xf32>,
      tpu.vector_store_idx %arg14[%add3A_2498, %broadcast_in_dim3A_2487], %gather3A_2502 : memref<32x512xf32, #tpu.memory_space<vmem>>[vector<16xi32>, vector<16xi32>], vector<16xf32>,
      %gather3A_2503 = tpu.vector_load_idx %arg13[%broadcast_in_dim3A_2482, %add3A_2498] : memref<64x32xf32, #tpu.memory_space<vmem>>[vector<16xi32>, vector<16xi32>], vector<16xf32>,
      tpu.vector_store_idx %arg15[%add3A_2498, %broadcast_in_dim3A_2487], %gather3A_2503 : memref<32x512xf32, #tpu.memory_space<vmem>>[vector<16xi32>, vector<16xi32>], vector<16xf32>,
      %slice3A_2504 = vector.extract_strided_slice %gather3A_1249 {offsets = [7], sizes = [1], strides = [1]} : vector<16xi32> to vector<1xi32>
      %squeeze3A_2505 = vector.extract %slice3A_2504[0] : i32 from vector<1xi32>
      %slice3A_2506 = vector.extract_strided_slice %gather3A_1250 {offsets = [7], sizes = [1], strides = [1]} : vector<16xi32> to vector<1xi32>
      %squeeze3A_2507 = vector.extract %slice3A_2506[0] : i32 from vector<1xi32>
      %and3A_2508 = arith.constant 127 : i32
      %and3A_2509 = arith.andi %squeeze3A_2505, %and3A_2508 : i32
      %broadcast_in_dim3A_2510 = vector.broadcast %and3A_2509 : i32 to vector<16xi32>
      %and3A_2511 = arith.constant 7 : i32
      %and3A_2512 = arith.andi %squeeze3A_2507, %and3A_2511 : i32
      %add3A_2513 = arith.constant 56 : i32
      %add3A_2514 = arith.addi %add3A_2513, %and3A_2512 : i32
      %broadcast_in_dim3A_2515 = vector.broadcast %add3A_2514 : i32 to vector<16xi32>
      %mul3A_2516 = arith.constant 8 : i32
      %mul3A_2517 = arith.muli %add3A_2170, %mul3A_2516 : i32
      %add3A_2518 = arith.constant 7 : i32
      %add3A_2519 = arith.addi %mul3A_2517, %add3A_2518 : i32
      %broadcast_in_dim3A_2520 = vector.broadcast %add3A_2519 : i32 to vector<16xi32>
      %add3A_2521 = arith.constant 0 : i32
      %add3A_2522 = vector.broadcast %add3A_2521 : i32 to vector<16xi32>
      %add3A_2523 = arith.addi %iota3A, %add3A_2522 : vector<16xi32>
      %broadcast_in_dim3A_2524 = arith.constant 224 : i32
      %broadcast_in_dim3A_2525 = vector.broadcast %broadcast_in_dim3A_2524 : i32 to vector<16xi32>
      %add3A_2526 = arith.addi %broadcast_in_dim3A_2525, %iota3A : vector<16xi32>
      %gather3A_2527 = tpu.vector_load_idx %arg11[%add3A_2526, %broadcast_in_dim3A_2510] : memref<256x128xf32, #tpu.memory_space<vmem>>[vector<16xi32>, vector<16xi32>], vector<16xf32>,
      tpu.vector_store_idx %arg14[%add3A_2523, %broadcast_in_dim3A_2520], %gather3A_2527 : memref<32x512xf32, #tpu.memory_space<vmem>>[vector<16xi32>, vector<16xi32>], vector<16xf32>,
      %gather3A_2528 = tpu.vector_load_idx %arg13[%broadcast_in_dim3A_2515, %add3A_2523] : memref<64x32xf32, #tpu.memory_space<vmem>>[vector<16xi32>, vector<16xi32>], vector<16xf32>,
      tpu.vector_store_idx %arg15[%add3A_2523, %broadcast_in_dim3A_2520], %gather3A_2528 : memref<32x512xf32, #tpu.memory_space<vmem>>[vector<16xi32>, vector<16xi32>], vector<16xf32>,
      %add3A_2529 = arith.constant 16 : i32
      %add3A_2530 = vector.broadcast %add3A_2529 : i32 to vector<16xi32>
      %add3A_2531 = arith.addi %iota3A, %add3A_2530 : vector<16xi32>
      %broadcast_in_dim3A_2532 = arith.constant 240 : i32
      %broadcast_in_dim3A_2533 = vector.broadcast %broadcast_in_dim3A_2532 : i32 to vector<16xi32>
      %add3A_2534 = arith.addi %broadcast_in_dim3A_2533, %iota3A : vector<16xi32>
      %gather3A_2535 = tpu.vector_load_idx %arg11[%add3A_2534, %broadcast_in_dim3A_2510] : memref<256x128xf32, #tpu.memory_space<vmem>>[vector<16xi32>, vector<16xi32>], vector<16xf32>,
      tpu.vector_store_idx %arg14[%add3A_2531, %broadcast_in_dim3A_2520], %gather3A_2535 : memref<32x512xf32, #tpu.memory_space<vmem>>[vector<16xi32>, vector<16xi32>], vector<16xf32>,
      %gather3A_2536 = tpu.vector_load_idx %arg13[%broadcast_in_dim3A_2515, %add3A_2531] : memref<64x32xf32, #tpu.memory_space<vmem>>[vector<16xi32>, vector<16xi32>], vector<16xf32>,
      tpu.vector_store_idx %arg15[%add3A_2531, %broadcast_in_dim3A_2520], %gather3A_2536 : memref<32x512xf32, #tpu.memory_space<vmem>>[vector<16xi32>, vector<16xi32>], vector<16xf32>,
      scf.yield %gather3A_1895, %gather3A_1896 : vector<16xi32>, vector<16xi32>
    }
    %scan3A_278 = arith.constant 31 : i32
    %broadcast_in_dim3A_279 = arith.constant 504 : i32
    %broadcast_in_dim3A_280 = vector.broadcast %broadcast_in_dim3A_279 : i32 to vector<16xi32>
    %add3A_281 = arith.addi %broadcast_in_dim3A_280, %iota3A : vector<16xi32>
    %gather3A_282 = tpu.vector_load_idx %arg8[%add3A_281] : memref<512xi32, #tpu.memory_space<vmem>>[vector<16xi32>], vector<16xi32>,
    %gather3A_283 = tpu.vector_load_idx %arg9[%add3A_281] : memref<512xi32, #tpu.memory_space<vmem>>[vector<16xi32>], vector<16xi32>,
    %slice3A_284 = vector.extract_strided_slice %gather3A_282 {offsets = [0], sizes = [1], strides = [1]} : vector<16xi32> to vector<1xi32>
    %squeeze3A_285 = vector.extract %slice3A_284[0] : i32 from vector<1xi32>
    %slice3A_286 = vector.extract_strided_slice %gather3A_283 {offsets = [0], sizes = [1], strides = [1]} : vector<16xi32> to vector<1xi32>
    %squeeze3A_287 = vector.extract %slice3A_286[0] : i32 from vector<1xi32>
    %shift_right_arithmetic3A_288 = arith.constant 7 : i32
    %shift_right_arithmetic3A_289 = arith.shrsi %squeeze3A_285, %shift_right_arithmetic3A_288 : i32
    %mul3A_290 = arith.constant 128 : i32
    %mul3A_291 = arith.muli %shift_right_arithmetic3A_289, %mul3A_290 : i32
    %multiple_of3A_292 = tpu.assume_multiple %mul3A_291, 128 : i32
    %dma_start3A_293 = arith.constant 0 : i32
    %dma_start3A_294 = arith.constant 0 : i32
    %dma_start3A_295 = tpu.memref_slice %arg11[%dma_start3A_293, %dma_start3A_294] : memref<256x128xf32, #tpu.memory_space<vmem>> -> memref<32x128xf32, #tpu.memory_space<vmem>>
    %dma_start3A_296 = arith.constant 0 : i32
    %dma_start3A_297 = tpu.memref_slice %arg4[%dma_start3A_296, %multiple_of3A_292] : memref<32x1000000xf32, #tpu.memory_space<hbm>> -> memref<32x128xf32, #tpu.memory_space<hbm>>
    %dma_start3A_298 = arith.constant 0 : i32
    %dma_start3A_299 = arith.constant 0 : i32
    %dma_start3A_300 = tpu.memref_slice %arg11[%dma_start3A_298, %dma_start3A_299] : memref<256x128xf32, #tpu.memory_space<vmem>> -> memref<32x128xf32, #tpu.memory_space<vmem>>
    %dma_start3A_301 = arith.constant 0 : i32
    %dma_start3A_302 = tpu.memref_slice %arg4[%dma_start3A_301, %multiple_of3A_292] : memref<32x1000000xf32, #tpu.memory_space<hbm>> -> memref<32x128xf32, #tpu.memory_space<hbm>>
    tpu.enqueue_dma source(%dma_start3A_302 : memref<32x128xf32, #tpu.memory_space<hbm>>) target(%dma_start3A_300 : memref<32x128xf32, #tpu.memory_space<vmem>>) target_semaphore(%arg17 : memref<!tpu.dma_semaphore, #tpu.memory_space<semaphore_mem>>)
    %shift_right_arithmetic3A_303 = arith.constant 3 : i32
    %shift_right_arithmetic3A_304 = arith.shrsi %squeeze3A_287, %shift_right_arithmetic3A_303 : i32
    %mul3A_305 = arith.constant 8 : i32
    %mul3A_306 = arith.muli %shift_right_arithmetic3A_304, %mul3A_305 : i32
    %multiple_of3A_307 = tpu.assume_multiple %mul3A_306, 8 : i32
    %dma_start3A_308 = arith.constant 0 : i32
    %dma_start3A_309 = arith.constant 0 : i32
    %dma_start3A_310 = tpu.memref_slice %arg13[%dma_start3A_308, %dma_start3A_309] : memref<64x32xf32, #tpu.memory_space<vmem>> -> memref<8x32xf32, #tpu.memory_space<vmem>>
    %dma_start3A_311 = arith.constant 0 : i32
    %dma_start3A_312 = tpu.memref_slice %arg5[%multiple_of3A_307, %dma_start3A_311] : memref<100000x32xf32, #tpu.memory_space<hbm>> -> memref<8x32xf32, #tpu.memory_space<hbm>>
    %dma_start3A_313 = arith.constant 0 : i32
    %dma_start3A_314 = arith.constant 0 : i32
    %dma_start3A_315 = tpu.memref_slice %arg13[%dma_start3A_313, %dma_start3A_314] : memref<64x32xf32, #tpu.memory_space<vmem>> -> memref<8x32xf32, #tpu.memory_space<vmem>>
    %dma_start3A_316 = arith.constant 0 : i32
    %dma_start3A_317 = tpu.memref_slice %arg5[%multiple_of3A_307, %dma_start3A_316] : memref<100000x32xf32, #tpu.memory_space<hbm>> -> memref<8x32xf32, #tpu.memory_space<hbm>>
    tpu.enqueue_dma source(%dma_start3A_317 : memref<8x32xf32, #tpu.memory_space<hbm>>) target(%dma_start3A_315 : memref<8x32xf32, #tpu.memory_space<vmem>>) target_semaphore(%arg19 : memref<!tpu.dma_semaphore, #tpu.memory_space<semaphore_mem>>)
    %slice3A_318 = vector.extract_strided_slice %gather3A_282 {offsets = [1], sizes = [1], strides = [1]} : vector<16xi32> to vector<1xi32>
    %squeeze3A_319 = vector.extract %slice3A_318[0] : i32 from vector<1xi32>
    %slice3A_320 = vector.extract_strided_slice %gather3A_283 {offsets = [1], sizes = [1], strides = [1]} : vector<16xi32> to vector<1xi32>
    %squeeze3A_321 = vector.extract %slice3A_320[0] : i32 from vector<1xi32>
    %shift_right_arithmetic3A_322 = arith.constant 7 : i32
    %shift_right_arithmetic3A_323 = arith.shrsi %squeeze3A_319, %shift_right_arithmetic3A_322 : i32
    %mul3A_324 = arith.constant 128 : i32
    %mul3A_325 = arith.muli %shift_right_arithmetic3A_323, %mul3A_324 : i32
    %multiple_of3A_326 = tpu.assume_multiple %mul3A_325, 128 : i32
    %dma_start3A_327 = arith.constant 32 : i32
    %dma_start3A_328 = arith.constant 0 : i32
    %dma_start3A_329 = tpu.memref_slice %arg11[%dma_start3A_327, %dma_start3A_328] : memref<256x128xf32, #tpu.memory_space<vmem>> -> memref<32x128xf32, #tpu.memory_space<vmem>>
    %dma_start3A_330 = arith.constant 0 : i32
    %dma_start3A_331 = tpu.memref_slice %arg4[%dma_start3A_330, %multiple_of3A_326] : memref<32x1000000xf32, #tpu.memory_space<hbm>> -> memref<32x128xf32, #tpu.memory_space<hbm>>
    %dma_start3A_332 = arith.constant 32 : i32
    %dma_start3A_333 = arith.constant 0 : i32
    %dma_start3A_334 = tpu.memref_slice %arg11[%dma_start3A_332, %dma_start3A_333] : memref<256x128xf32, #tpu.memory_space<vmem>> -> memref<32x128xf32, #tpu.memory_space<vmem>>
    %dma_start3A_335 = arith.constant 0 : i32
    %dma_start3A_336 = tpu.memref_slice %arg4[%dma_start3A_335, %multiple_of3A_326] : memref<32x1000000xf32, #tpu.memory_space<hbm>> -> memref<32x128xf32, #tpu.memory_space<hbm>>
    tpu.enqueue_dma source(%dma_start3A_336 : memref<32x128xf32, #tpu.memory_space<hbm>>) target(%dma_start3A_334 : memref<32x128xf32, #tpu.memory_space<vmem>>) target_semaphore(%arg17 : memref<!tpu.dma_semaphore, #tpu.memory_space<semaphore_mem>>)
    %shift_right_arithmetic3A_337 = arith.constant 3 : i32
    %shift_right_arithmetic3A_338 = arith.shrsi %squeeze3A_321, %shift_right_arithmetic3A_337 : i32
    %mul3A_339 = arith.constant 8 : i32
    %mul3A_340 = arith.muli %shift_right_arithmetic3A_338, %mul3A_339 : i32
    %multiple_of3A_341 = tpu.assume_multiple %mul3A_340, 8 : i32
    %dma_start3A_342 = arith.constant 8 : i32
    %dma_start3A_343 = arith.constant 0 : i32
    %dma_start3A_344 = tpu.memref_slice %arg13[%dma_start3A_342, %dma_start3A_343] : memref<64x32xf32, #tpu.memory_space<vmem>> -> memref<8x32xf32, #tpu.memory_space<vmem>>
    %dma_start3A_345 = arith.constant 0 : i32
    %dma_start3A_346 = tpu.memref_slice %arg5[%multiple_of3A_341, %dma_start3A_345] : memref<100000x32xf32, #tpu.memory_space<hbm>> -> memref<8x32xf32, #tpu.memory_space<hbm>>
    %dma_start3A_347 = arith.constant 8 : i32
    %dma_start3A_348 = arith.constant 0 : i32
    %dma_start3A_349 = tpu.memref_slice %arg13[%dma_start3A_347, %dma_start3A_348] : memref<64x32xf32, #tpu.memory_space<vmem>> -> memref<8x32xf32, #tpu.memory_space<vmem>>
    %dma_start3A_350 = arith.constant 0 : i32
    %dma_start3A_351 = tpu.memref_slice %arg5[%multiple_of3A_341, %dma_start3A_350] : memref<100000x32xf32, #tpu.memory_space<hbm>> -> memref<8x32xf32, #tpu.memory_space<hbm>>
    tpu.enqueue_dma source(%dma_start3A_351 : memref<8x32xf32, #tpu.memory_space<hbm>>) target(%dma_start3A_349 : memref<8x32xf32, #tpu.memory_space<vmem>>) target_semaphore(%arg19 : memref<!tpu.dma_semaphore, #tpu.memory_space<semaphore_mem>>)
    %slice3A_352 = vector.extract_strided_slice %gather3A_282 {offsets = [2], sizes = [1], strides = [1]} : vector<16xi32> to vector<1xi32>
    %squeeze3A_353 = vector.extract %slice3A_352[0] : i32 from vector<1xi32>
    %slice3A_354 = vector.extract_strided_slice %gather3A_283 {offsets = [2], sizes = [1], strides = [1]} : vector<16xi32> to vector<1xi32>
    %squeeze3A_355 = vector.extract %slice3A_354[0] : i32 from vector<1xi32>
    %shift_right_arithmetic3A_356 = arith.constant 7 : i32
    %shift_right_arithmetic3A_357 = arith.shrsi %squeeze3A_353, %shift_right_arithmetic3A_356 : i32
    %mul3A_358 = arith.constant 128 : i32
    %mul3A_359 = arith.muli %shift_right_arithmetic3A_357, %mul3A_358 : i32
    %multiple_of3A_360 = tpu.assume_multiple %mul3A_359, 128 : i32
    %dma_start3A_361 = arith.constant 64 : i32
    %dma_start3A_362 = arith.constant 0 : i32
    %dma_start3A_363 = tpu.memref_slice %arg11[%dma_start3A_361, %dma_start3A_362] : memref<256x128xf32, #tpu.memory_space<vmem>> -> memref<32x128xf32, #tpu.memory_space<vmem>>
    %dma_start3A_364 = arith.constant 0 : i32
    %dma_start3A_365 = tpu.memref_slice %arg4[%dma_start3A_364, %multiple_of3A_360] : memref<32x1000000xf32, #tpu.memory_space<hbm>> -> memref<32x128xf32, #tpu.memory_space<hbm>>
    %dma_start3A_366 = arith.constant 64 : i32
    %dma_start3A_367 = arith.constant 0 : i32
    %dma_start3A_368 = tpu.memref_slice %arg11[%dma_start3A_366, %dma_start3A_367] : memref<256x128xf32, #tpu.memory_space<vmem>> -> memref<32x128xf32, #tpu.memory_space<vmem>>
    %dma_start3A_369 = arith.constant 0 : i32
    %dma_start3A_370 = tpu.memref_slice %arg4[%dma_start3A_369, %multiple_of3A_360] : memref<32x1000000xf32, #tpu.memory_space<hbm>> -> memref<32x128xf32, #tpu.memory_space<hbm>>
    tpu.enqueue_dma source(%dma_start3A_370 : memref<32x128xf32, #tpu.memory_space<hbm>>) target(%dma_start3A_368 : memref<32x128xf32, #tpu.memory_space<vmem>>) target_semaphore(%arg17 : memref<!tpu.dma_semaphore, #tpu.memory_space<semaphore_mem>>)
    %shift_right_arithmetic3A_371 = arith.constant 3 : i32
    %shift_right_arithmetic3A_372 = arith.shrsi %squeeze3A_355, %shift_right_arithmetic3A_371 : i32
    %mul3A_373 = arith.constant 8 : i32
    %mul3A_374 = arith.muli %shift_right_arithmetic3A_372, %mul3A_373 : i32
    %multiple_of3A_375 = tpu.assume_multiple %mul3A_374, 8 : i32
    %dma_start3A_376 = arith.constant 16 : i32
    %dma_start3A_377 = arith.constant 0 : i32
    %dma_start3A_378 = tpu.memref_slice %arg13[%dma_start3A_376, %dma_start3A_377] : memref<64x32xf32, #tpu.memory_space<vmem>> -> memref<8x32xf32, #tpu.memory_space<vmem>>
    %dma_start3A_379 = arith.constant 0 : i32
    %dma_start3A_380 = tpu.memref_slice %arg5[%multiple_of3A_375, %dma_start3A_379] : memref<100000x32xf32, #tpu.memory_space<hbm>> -> memref<8x32xf32, #tpu.memory_space<hbm>>
    %dma_start3A_381 = arith.constant 16 : i32
    %dma_start3A_382 = arith.constant 0 : i32
    %dma_start3A_383 = tpu.memref_slice %arg13[%dma_start3A_381, %dma_start3A_382] : memref<64x32xf32, #tpu.memory_space<vmem>> -> memref<8x32xf32, #tpu.memory_space<vmem>>
    %dma_start3A_384 = arith.constant 0 : i32
    %dma_start3A_385 = tpu.memref_slice %arg5[%multiple_of3A_375, %dma_start3A_384] : memref<100000x32xf32, #tpu.memory_space<hbm>> -> memref<8x32xf32, #tpu.memory_space<hbm>>
    tpu.enqueue_dma source(%dma_start3A_385 : memref<8x32xf32, #tpu.memory_space<hbm>>) target(%dma_start3A_383 : memref<8x32xf32, #tpu.memory_space<vmem>>) target_semaphore(%arg19 : memref<!tpu.dma_semaphore, #tpu.memory_space<semaphore_mem>>)
    %slice3A_386 = vector.extract_strided_slice %gather3A_282 {offsets = [3], sizes = [1], strides = [1]} : vector<16xi32> to vector<1xi32>
    %squeeze3A_387 = vector.extract %slice3A_386[0] : i32 from vector<1xi32>
    %slice3A_388 = vector.extract_strided_slice %gather3A_283 {offsets = [3], sizes = [1], strides = [1]} : vector<16xi32> to vector<1xi32>
    %squeeze3A_389 = vector.extract %slice3A_388[0] : i32 from vector<1xi32>
    %shift_right_arithmetic3A_390 = arith.constant 7 : i32
    %shift_right_arithmetic3A_391 = arith.shrsi %squeeze3A_387, %shift_right_arithmetic3A_390 : i32
    %mul3A_392 = arith.constant 128 : i32
    %mul3A_393 = arith.muli %shift_right_arithmetic3A_391, %mul3A_392 : i32
    %multiple_of3A_394 = tpu.assume_multiple %mul3A_393, 128 : i32
    %dma_start3A_395 = arith.constant 96 : i32
    %dma_start3A_396 = arith.constant 0 : i32
    %dma_start3A_397 = tpu.memref_slice %arg11[%dma_start3A_395, %dma_start3A_396] : memref<256x128xf32, #tpu.memory_space<vmem>> -> memref<32x128xf32, #tpu.memory_space<vmem>>
    %dma_start3A_398 = arith.constant 0 : i32
    %dma_start3A_399 = tpu.memref_slice %arg4[%dma_start3A_398, %multiple_of3A_394] : memref<32x1000000xf32, #tpu.memory_space<hbm>> -> memref<32x128xf32, #tpu.memory_space<hbm>>
    %dma_start3A_400 = arith.constant 96 : i32
    %dma_start3A_401 = arith.constant 0 : i32
    %dma_start3A_402 = tpu.memref_slice %arg11[%dma_start3A_400, %dma_start3A_401] : memref<256x128xf32, #tpu.memory_space<vmem>> -> memref<32x128xf32, #tpu.memory_space<vmem>>
    %dma_start3A_403 = arith.constant 0 : i32
    %dma_start3A_404 = tpu.memref_slice %arg4[%dma_start3A_403, %multiple_of3A_394] : memref<32x1000000xf32, #tpu.memory_space<hbm>> -> memref<32x128xf32, #tpu.memory_space<hbm>>
    tpu.enqueue_dma source(%dma_start3A_404 : memref<32x128xf32, #tpu.memory_space<hbm>>) target(%dma_start3A_402 : memref<32x128xf32, #tpu.memory_space<vmem>>) target_semaphore(%arg17 : memref<!tpu.dma_semaphore, #tpu.memory_space<semaphore_mem>>)
    %shift_right_arithmetic3A_405 = arith.constant 3 : i32
    %shift_right_arithmetic3A_406 = arith.shrsi %squeeze3A_389, %shift_right_arithmetic3A_405 : i32
    %mul3A_407 = arith.constant 8 : i32
    %mul3A_408 = arith.muli %shift_right_arithmetic3A_406, %mul3A_407 : i32
    %multiple_of3A_409 = tpu.assume_multiple %mul3A_408, 8 : i32
    %dma_start3A_410 = arith.constant 24 : i32
    %dma_start3A_411 = arith.constant 0 : i32
    %dma_start3A_412 = tpu.memref_slice %arg13[%dma_start3A_410, %dma_start3A_411] : memref<64x32xf32, #tpu.memory_space<vmem>> -> memref<8x32xf32, #tpu.memory_space<vmem>>
    %dma_start3A_413 = arith.constant 0 : i32
    %dma_start3A_414 = tpu.memref_slice %arg5[%multiple_of3A_409, %dma_start3A_413] : memref<100000x32xf32, #tpu.memory_space<hbm>> -> memref<8x32xf32, #tpu.memory_space<hbm>>
    %dma_start3A_415 = arith.constant 24 : i32
    %dma_start3A_416 = arith.constant 0 : i32
    %dma_start3A_417 = tpu.memref_slice %arg13[%dma_start3A_415, %dma_start3A_416] : memref<64x32xf32, #tpu.memory_space<vmem>> -> memref<8x32xf32, #tpu.memory_space<vmem>>
    %dma_start3A_418 = arith.constant 0 : i32
    %dma_start3A_419 = tpu.memref_slice %arg5[%multiple_of3A_409, %dma_start3A_418] : memref<100000x32xf32, #tpu.memory_space<hbm>> -> memref<8x32xf32, #tpu.memory_space<hbm>>
    tpu.enqueue_dma source(%dma_start3A_419 : memref<8x32xf32, #tpu.memory_space<hbm>>) target(%dma_start3A_417 : memref<8x32xf32, #tpu.memory_space<vmem>>) target_semaphore(%arg19 : memref<!tpu.dma_semaphore, #tpu.memory_space<semaphore_mem>>)
    %slice3A_420 = vector.extract_strided_slice %gather3A_282 {offsets = [4], sizes = [1], strides = [1]} : vector<16xi32> to vector<1xi32>
    %squeeze3A_421 = vector.extract %slice3A_420[0] : i32 from vector<1xi32>
    %slice3A_422 = vector.extract_strided_slice %gather3A_283 {offsets = [4], sizes = [1], strides = [1]} : vector<16xi32> to vector<1xi32>
    %squeeze3A_423 = vector.extract %slice3A_422[0] : i32 from vector<1xi32>
    %shift_right_arithmetic3A_424 = arith.constant 7 : i32
    %shift_right_arithmetic3A_425 = arith.shrsi %squeeze3A_421, %shift_right_arithmetic3A_424 : i32
    %mul3A_426 = arith.constant 128 : i32
    %mul3A_427 = arith.muli %shift_right_arithmetic3A_425, %mul3A_426 : i32
    %multiple_of3A_428 = tpu.assume_multiple %mul3A_427, 128 : i32
    %dma_start3A_429 = arith.constant 128 : i32
    %dma_start3A_430 = arith.constant 0 : i32
    %dma_start3A_431 = tpu.memref_slice %arg11[%dma_start3A_429, %dma_start3A_430] : memref<256x128xf32, #tpu.memory_space<vmem>> -> memref<32x128xf32, #tpu.memory_space<vmem>>
    %dma_start3A_432 = arith.constant 0 : i32
    %dma_start3A_433 = tpu.memref_slice %arg4[%dma_start3A_432, %multiple_of3A_428] : memref<32x1000000xf32, #tpu.memory_space<hbm>> -> memref<32x128xf32, #tpu.memory_space<hbm>>
    %dma_start3A_434 = arith.constant 128 : i32
    %dma_start3A_435 = arith.constant 0 : i32
    %dma_start3A_436 = tpu.memref_slice %arg11[%dma_start3A_434, %dma_start3A_435] : memref<256x128xf32, #tpu.memory_space<vmem>> -> memref<32x128xf32, #tpu.memory_space<vmem>>
    %dma_start3A_437 = arith.constant 0 : i32
    %dma_start3A_438 = tpu.memref_slice %arg4[%dma_start3A_437, %multiple_of3A_428] : memref<32x1000000xf32, #tpu.memory_space<hbm>> -> memref<32x128xf32, #tpu.memory_space<hbm>>
    tpu.enqueue_dma source(%dma_start3A_438 : memref<32x128xf32, #tpu.memory_space<hbm>>) target(%dma_start3A_436 : memref<32x128xf32, #tpu.memory_space<vmem>>) target_semaphore(%arg17 : memref<!tpu.dma_semaphore, #tpu.memory_space<semaphore_mem>>)
    %shift_right_arithmetic3A_439 = arith.constant 3 : i32
    %shift_right_arithmetic3A_440 = arith.shrsi %squeeze3A_423, %shift_right_arithmetic3A_439 : i32
    %mul3A_441 = arith.constant 8 : i32
    %mul3A_442 = arith.muli %shift_right_arithmetic3A_440, %mul3A_441 : i32
    %multiple_of3A_443 = tpu.assume_multiple %mul3A_442, 8 : i32
    %dma_start3A_444 = arith.constant 32 : i32
    %dma_start3A_445 = arith.constant 0 : i32
    %dma_start3A_446 = tpu.memref_slice %arg13[%dma_start3A_444, %dma_start3A_445] : memref<64x32xf32, #tpu.memory_space<vmem>> -> memref<8x32xf32, #tpu.memory_space<vmem>>
    %dma_start3A_447 = arith.constant 0 : i32
    %dma_start3A_448 = tpu.memref_slice %arg5[%multiple_of3A_443, %dma_start3A_447] : memref<100000x32xf32, #tpu.memory_space<hbm>> -> memref<8x32xf32, #tpu.memory_space<hbm>>
    %dma_start3A_449 = arith.constant 32 : i32
    %dma_start3A_450 = arith.constant 0 : i32
    %dma_start3A_451 = tpu.memref_slice %arg13[%dma_start3A_449, %dma_start3A_450] : memref<64x32xf32, #tpu.memory_space<vmem>> -> memref<8x32xf32, #tpu.memory_space<vmem>>
    %dma_start3A_452 = arith.constant 0 : i32
    %dma_start3A_453 = tpu.memref_slice %arg5[%multiple_of3A_443, %dma_start3A_452] : memref<100000x32xf32, #tpu.memory_space<hbm>> -> memref<8x32xf32, #tpu.memory_space<hbm>>
    tpu.enqueue_dma source(%dma_start3A_453 : memref<8x32xf32, #tpu.memory_space<hbm>>) target(%dma_start3A_451 : memref<8x32xf32, #tpu.memory_space<vmem>>) target_semaphore(%arg19 : memref<!tpu.dma_semaphore, #tpu.memory_space<semaphore_mem>>)
    %slice3A_454 = vector.extract_strided_slice %gather3A_282 {offsets = [5], sizes = [1], strides = [1]} : vector<16xi32> to vector<1xi32>
    %squeeze3A_455 = vector.extract %slice3A_454[0] : i32 from vector<1xi32>
    %slice3A_456 = vector.extract_strided_slice %gather3A_283 {offsets = [5], sizes = [1], strides = [1]} : vector<16xi32> to vector<1xi32>
    %squeeze3A_457 = vector.extract %slice3A_456[0] : i32 from vector<1xi32>
    %shift_right_arithmetic3A_458 = arith.constant 7 : i32
    %shift_right_arithmetic3A_459 = arith.shrsi %squeeze3A_455, %shift_right_arithmetic3A_458 : i32
    %mul3A_460 = arith.constant 128 : i32
    %mul3A_461 = arith.muli %shift_right_arithmetic3A_459, %mul3A_460 : i32
    %multiple_of3A_462 = tpu.assume_multiple %mul3A_461, 128 : i32
    %dma_start3A_463 = arith.constant 160 : i32
    %dma_start3A_464 = arith.constant 0 : i32
    %dma_start3A_465 = tpu.memref_slice %arg11[%dma_start3A_463, %dma_start3A_464] : memref<256x128xf32, #tpu.memory_space<vmem>> -> memref<32x128xf32, #tpu.memory_space<vmem>>
    %dma_start3A_466 = arith.constant 0 : i32
    %dma_start3A_467 = tpu.memref_slice %arg4[%dma_start3A_466, %multiple_of3A_462] : memref<32x1000000xf32, #tpu.memory_space<hbm>> -> memref<32x128xf32, #tpu.memory_space<hbm>>
    %dma_start3A_468 = arith.constant 160 : i32
    %dma_start3A_469 = arith.constant 0 : i32
    %dma_start3A_470 = tpu.memref_slice %arg11[%dma_start3A_468, %dma_start3A_469] : memref<256x128xf32, #tpu.memory_space<vmem>> -> memref<32x128xf32, #tpu.memory_space<vmem>>
    %dma_start3A_471 = arith.constant 0 : i32
    %dma_start3A_472 = tpu.memref_slice %arg4[%dma_start3A_471, %multiple_of3A_462] : memref<32x1000000xf32, #tpu.memory_space<hbm>> -> memref<32x128xf32, #tpu.memory_space<hbm>>
    tpu.enqueue_dma source(%dma_start3A_472 : memref<32x128xf32, #tpu.memory_space<hbm>>) target(%dma_start3A_470 : memref<32x128xf32, #tpu.memory_space<vmem>>) target_semaphore(%arg17 : memref<!tpu.dma_semaphore, #tpu.memory_space<semaphore_mem>>)
    %shift_right_arithmetic3A_473 = arith.constant 3 : i32
    %shift_right_arithmetic3A_474 = arith.shrsi %squeeze3A_457, %shift_right_arithmetic3A_473 : i32
    %mul3A_475 = arith.constant 8 : i32
    %mul3A_476 = arith.muli %shift_right_arithmetic3A_474, %mul3A_475 : i32
    %multiple_of3A_477 = tpu.assume_multiple %mul3A_476, 8 : i32
    %dma_start3A_478 = arith.constant 40 : i32
    %dma_start3A_479 = arith.constant 0 : i32
    %dma_start3A_480 = tpu.memref_slice %arg13[%dma_start3A_478, %dma_start3A_479] : memref<64x32xf32, #tpu.memory_space<vmem>> -> memref<8x32xf32, #tpu.memory_space<vmem>>
    %dma_start3A_481 = arith.constant 0 : i32
    %dma_start3A_482 = tpu.memref_slice %arg5[%multiple_of3A_477, %dma_start3A_481] : memref<100000x32xf32, #tpu.memory_space<hbm>> -> memref<8x32xf32, #tpu.memory_space<hbm>>
    %dma_start3A_483 = arith.constant 40 : i32
    %dma_start3A_484 = arith.constant 0 : i32
    %dma_start3A_485 = tpu.memref_slice %arg13[%dma_start3A_483, %dma_start3A_484] : memref<64x32xf32, #tpu.memory_space<vmem>> -> memref<8x32xf32, #tpu.memory_space<vmem>>
    %dma_start3A_486 = arith.constant 0 : i32
    %dma_start3A_487 = tpu.memref_slice %arg5[%multiple_of3A_477, %dma_start3A_486] : memref<100000x32xf32, #tpu.memory_space<hbm>> -> memref<8x32xf32, #tpu.memory_space<hbm>>
    tpu.enqueue_dma source(%dma_start3A_487 : memref<8x32xf32, #tpu.memory_space<hbm>>) target(%dma_start3A_485 : memref<8x32xf32, #tpu.memory_space<vmem>>) target_semaphore(%arg19 : memref<!tpu.dma_semaphore, #tpu.memory_space<semaphore_mem>>)
    %slice3A_488 = vector.extract_strided_slice %gather3A_282 {offsets = [6], sizes = [1], strides = [1]} : vector<16xi32> to vector<1xi32>
    %squeeze3A_489 = vector.extract %slice3A_488[0] : i32 from vector<1xi32>
    %slice3A_490 = vector.extract_strided_slice %gather3A_283 {offsets = [6], sizes = [1], strides = [1]} : vector<16xi32> to vector<1xi32>
    %squeeze3A_491 = vector.extract %slice3A_490[0] : i32 from vector<1xi32>
    %shift_right_arithmetic3A_492 = arith.constant 7 : i32
    %shift_right_arithmetic3A_493 = arith.shrsi %squeeze3A_489, %shift_right_arithmetic3A_492 : i32
    %mul3A_494 = arith.constant 128 : i32
    %mul3A_495 = arith.muli %shift_right_arithmetic3A_493, %mul3A_494 : i32
    %multiple_of3A_496 = tpu.assume_multiple %mul3A_495, 128 : i32
    %dma_start3A_497 = arith.constant 192 : i32
    %dma_start3A_498 = arith.constant 0 : i32
    %dma_start3A_499 = tpu.memref_slice %arg11[%dma_start3A_497, %dma_start3A_498] : memref<256x128xf32, #tpu.memory_space<vmem>> -> memref<32x128xf32, #tpu.memory_space<vmem>>
    %dma_start3A_500 = arith.constant 0 : i32
    %dma_start3A_501 = tpu.memref_slice %arg4[%dma_start3A_500, %multiple_of3A_496] : memref<32x1000000xf32, #tpu.memory_space<hbm>> -> memref<32x128xf32, #tpu.memory_space<hbm>>
    %dma_start3A_502 = arith.constant 192 : i32
    %dma_start3A_503 = arith.constant 0 : i32
    %dma_start3A_504 = tpu.memref_slice %arg11[%dma_start3A_502, %dma_start3A_503] : memref<256x128xf32, #tpu.memory_space<vmem>> -> memref<32x128xf32, #tpu.memory_space<vmem>>
    %dma_start3A_505 = arith.constant 0 : i32
    %dma_start3A_506 = tpu.memref_slice %arg4[%dma_start3A_505, %multiple_of3A_496] : memref<32x1000000xf32, #tpu.memory_space<hbm>> -> memref<32x128xf32, #tpu.memory_space<hbm>>
    tpu.enqueue_dma source(%dma_start3A_506 : memref<32x128xf32, #tpu.memory_space<hbm>>) target(%dma_start3A_504 : memref<32x128xf32, #tpu.memory_space<vmem>>) target_semaphore(%arg17 : memref<!tpu.dma_semaphore, #tpu.memory_space<semaphore_mem>>)
    %shift_right_arithmetic3A_507 = arith.constant 3 : i32
    %shift_right_arithmetic3A_508 = arith.shrsi %squeeze3A_491, %shift_right_arithmetic3A_507 : i32
    %mul3A_509 = arith.constant 8 : i32
    %mul3A_510 = arith.muli %shift_right_arithmetic3A_508, %mul3A_509 : i32
    %multiple_of3A_511 = tpu.assume_multiple %mul3A_510, 8 : i32
    %dma_start3A_512 = arith.constant 48 : i32
    %dma_start3A_513 = arith.constant 0 : i32
    %dma_start3A_514 = tpu.memref_slice %arg13[%dma_start3A_512, %dma_start3A_513] : memref<64x32xf32, #tpu.memory_space<vmem>> -> memref<8x32xf32, #tpu.memory_space<vmem>>
    %dma_start3A_515 = arith.constant 0 : i32
    %dma_start3A_516 = tpu.memref_slice %arg5[%multiple_of3A_511, %dma_start3A_515] : memref<100000x32xf32, #tpu.memory_space<hbm>> -> memref<8x32xf32, #tpu.memory_space<hbm>>
    %dma_start3A_517 = arith.constant 48 : i32
    %dma_start3A_518 = arith.constant 0 : i32
    %dma_start3A_519 = tpu.memref_slice %arg13[%dma_start3A_517, %dma_start3A_518] : memref<64x32xf32, #tpu.memory_space<vmem>> -> memref<8x32xf32, #tpu.memory_space<vmem>>
    %dma_start3A_520 = arith.constant 0 : i32
    %dma_start3A_521 = tpu.memref_slice %arg5[%multiple_of3A_511, %dma_start3A_520] : memref<100000x32xf32, #tpu.memory_space<hbm>> -> memref<8x32xf32, #tpu.memory_space<hbm>>
    tpu.enqueue_dma source(%dma_start3A_521 : memref<8x32xf32, #tpu.memory_space<hbm>>) target(%dma_start3A_519 : memref<8x32xf32, #tpu.memory_space<vmem>>) target_semaphore(%arg19 : memref<!tpu.dma_semaphore, #tpu.memory_space<semaphore_mem>>)
    %slice3A_522 = vector.extract_strided_slice %gather3A_282 {offsets = [7], sizes = [1], strides = [1]} : vector<16xi32> to vector<1xi32>
    %squeeze3A_523 = vector.extract %slice3A_522[0] : i32 from vector<1xi32>
    %slice3A_524 = vector.extract_strided_slice %gather3A_283 {offsets = [7], sizes = [1], strides = [1]} : vector<16xi32> to vector<1xi32>
    %squeeze3A_525 = vector.extract %slice3A_524[0] : i32 from vector<1xi32>
    %shift_right_arithmetic3A_526 = arith.constant 7 : i32
    %shift_right_arithmetic3A_527 = arith.shrsi %squeeze3A_523, %shift_right_arithmetic3A_526 : i32
    %mul3A_528 = arith.constant 128 : i32
    %mul3A_529 = arith.muli %shift_right_arithmetic3A_527, %mul3A_528 : i32
    %multiple_of3A_530 = tpu.assume_multiple %mul3A_529, 128 : i32
    %dma_start3A_531 = arith.constant 224 : i32
    %dma_start3A_532 = arith.constant 0 : i32
    %dma_start3A_533 = tpu.memref_slice %arg11[%dma_start3A_531, %dma_start3A_532] : memref<256x128xf32, #tpu.memory_space<vmem>> -> memref<32x128xf32, #tpu.memory_space<vmem>>
    %dma_start3A_534 = arith.constant 0 : i32
    %dma_start3A_535 = tpu.memref_slice %arg4[%dma_start3A_534, %multiple_of3A_530] : memref<32x1000000xf32, #tpu.memory_space<hbm>> -> memref<32x128xf32, #tpu.memory_space<hbm>>
    %dma_start3A_536 = arith.constant 224 : i32
    %dma_start3A_537 = arith.constant 0 : i32
    %dma_start3A_538 = tpu.memref_slice %arg11[%dma_start3A_536, %dma_start3A_537] : memref<256x128xf32, #tpu.memory_space<vmem>> -> memref<32x128xf32, #tpu.memory_space<vmem>>
    %dma_start3A_539 = arith.constant 0 : i32
    %dma_start3A_540 = tpu.memref_slice %arg4[%dma_start3A_539, %multiple_of3A_530] : memref<32x1000000xf32, #tpu.memory_space<hbm>> -> memref<32x128xf32, #tpu.memory_space<hbm>>
    tpu.enqueue_dma source(%dma_start3A_540 : memref<32x128xf32, #tpu.memory_space<hbm>>) target(%dma_start3A_538 : memref<32x128xf32, #tpu.memory_space<vmem>>) target_semaphore(%arg17 : memref<!tpu.dma_semaphore, #tpu.memory_space<semaphore_mem>>)
    %shift_right_arithmetic3A_541 = arith.constant 3 : i32
    %shift_right_arithmetic3A_542 = arith.shrsi %squeeze3A_525, %shift_right_arithmetic3A_541 : i32
    %mul3A_543 = arith.constant 8 : i32
    %mul3A_544 = arith.muli %shift_right_arithmetic3A_542, %mul3A_543 : i32
    %multiple_of3A_545 = tpu.assume_multiple %mul3A_544, 8 : i32
    %dma_start3A_546 = arith.constant 56 : i32
    %dma_start3A_547 = arith.constant 0 : i32
    %dma_start3A_548 = tpu.memref_slice %arg13[%dma_start3A_546, %dma_start3A_547] : memref<64x32xf32, #tpu.memory_space<vmem>> -> memref<8x32xf32, #tpu.memory_space<vmem>>
    %dma_start3A_549 = arith.constant 0 : i32
    %dma_start3A_550 = tpu.memref_slice %arg5[%multiple_of3A_545, %dma_start3A_549] : memref<100000x32xf32, #tpu.memory_space<hbm>> -> memref<8x32xf32, #tpu.memory_space<hbm>>
    %dma_start3A_551 = arith.constant 56 : i32
    %dma_start3A_552 = arith.constant 0 : i32
    %dma_start3A_553 = tpu.memref_slice %arg13[%dma_start3A_551, %dma_start3A_552] : memref<64x32xf32, #tpu.memory_space<vmem>> -> memref<8x32xf32, #tpu.memory_space<vmem>>
    %dma_start3A_554 = arith.constant 0 : i32
    %dma_start3A_555 = tpu.memref_slice %arg5[%multiple_of3A_545, %dma_start3A_554] : memref<100000x32xf32, #tpu.memory_space<hbm>> -> memref<8x32xf32, #tpu.memory_space<hbm>>
    tpu.enqueue_dma source(%dma_start3A_555 : memref<8x32xf32, #tpu.memory_space<hbm>>) target(%dma_start3A_553 : memref<8x32xf32, #tpu.memory_space<vmem>>) target_semaphore(%arg19 : memref<!tpu.dma_semaphore, #tpu.memory_space<semaphore_mem>>)
    %dma_wait3A = arith.constant 0 : i32
    %dma_wait3A_556 = arith.constant 0 : i32
    %dma_wait3A_557 = tpu.memref_slice %arg10[%dma_wait3A, %dma_wait3A_556] : memref<256x128xf32, #tpu.memory_space<vmem>> -> memref<32x128xf32, #tpu.memory_space<vmem>>
    %dma_wait3A_558 = arith.constant 0 : i32
    %dma_wait3A_559 = arith.constant 0 : i32
    %dma_wait3A_560 = tpu.memref_slice %arg4[%dma_wait3A_558, %dma_wait3A_559] : memref<32x1000000xf32, #tpu.memory_space<hbm>> -> memref<32x128xf32, #tpu.memory_space<hbm>>
    %dma_wait3A_561 = arith.constant 0 : i32
    %dma_wait3A_562 = arith.constant 0 : i32
    %dma_wait3A_563 = tpu.memref_slice %arg10[%dma_wait3A_561, %dma_wait3A_562] : memref<256x128xf32, #tpu.memory_space<vmem>> -> memref<32x128xf32, #tpu.memory_space<vmem>>
    %dma_wait3A_564 = arith.constant 0 : i32
    %dma_wait3A_565 = arith.constant 0 : i32
    %dma_wait3A_566 = tpu.memref_slice %arg4[%dma_wait3A_564, %dma_wait3A_565] : memref<32x1000000xf32, #tpu.memory_space<hbm>> -> memref<32x128xf32, #tpu.memory_space<hbm>>
    tpu.wait_dma2 semaphore(%arg16 : memref<!tpu.dma_semaphore, #tpu.memory_space<semaphore_mem>>) src(%dma_wait3A_566 : memref<32x128xf32, #tpu.memory_space<hbm>>) dst(%dma_wait3A_563 : memref<32x128xf32, #tpu.memory_space<vmem>>)
    %dma_wait3A_567 = arith.constant 32 : i32
    %dma_wait3A_568 = arith.constant 0 : i32
    %dma_wait3A_569 = tpu.memref_slice %arg10[%dma_wait3A_567, %dma_wait3A_568] : memref<256x128xf32, #tpu.memory_space<vmem>> -> memref<32x128xf32, #tpu.memory_space<vmem>>
    %dma_wait3A_570 = arith.constant 0 : i32
    %dma_wait3A_571 = arith.constant 0 : i32
    %dma_wait3A_572 = tpu.memref_slice %arg4[%dma_wait3A_570, %dma_wait3A_571] : memref<32x1000000xf32, #tpu.memory_space<hbm>> -> memref<32x128xf32, #tpu.memory_space<hbm>>
    %dma_wait3A_573 = arith.constant 32 : i32
    %dma_wait3A_574 = arith.constant 0 : i32
    %dma_wait3A_575 = tpu.memref_slice %arg10[%dma_wait3A_573, %dma_wait3A_574] : memref<256x128xf32, #tpu.memory_space<vmem>> -> memref<32x128xf32, #tpu.memory_space<vmem>>
    %dma_wait3A_576 = arith.constant 0 : i32
    %dma_wait3A_577 = arith.constant 0 : i32
    %dma_wait3A_578 = tpu.memref_slice %arg4[%dma_wait3A_576, %dma_wait3A_577] : memref<32x1000000xf32, #tpu.memory_space<hbm>> -> memref<32x128xf32, #tpu.memory_space<hbm>>
    tpu.wait_dma2 semaphore(%arg16 : memref<!tpu.dma_semaphore, #tpu.memory_space<semaphore_mem>>) src(%dma_wait3A_578 : memref<32x128xf32, #tpu.memory_space<hbm>>) dst(%dma_wait3A_575 : memref<32x128xf32, #tpu.memory_space<vmem>>)
    %dma_wait3A_579 = arith.constant 64 : i32
    %dma_wait3A_580 = arith.constant 0 : i32
    %dma_wait3A_581 = tpu.memref_slice %arg10[%dma_wait3A_579, %dma_wait3A_580] : memref<256x128xf32, #tpu.memory_space<vmem>> -> memref<32x128xf32, #tpu.memory_space<vmem>>
    %dma_wait3A_582 = arith.constant 0 : i32
    %dma_wait3A_583 = arith.constant 0 : i32
    %dma_wait3A_584 = tpu.memref_slice %arg4[%dma_wait3A_582, %dma_wait3A_583] : memref<32x1000000xf32, #tpu.memory_space<hbm>> -> memref<32x128xf32, #tpu.memory_space<hbm>>
    %dma_wait3A_585 = arith.constant 64 : i32
    %dma_wait3A_586 = arith.constant 0 : i32
    %dma_wait3A_587 = tpu.memref_slice %arg10[%dma_wait3A_585, %dma_wait3A_586] : memref<256x128xf32, #tpu.memory_space<vmem>> -> memref<32x128xf32, #tpu.memory_space<vmem>>
    %dma_wait3A_588 = arith.constant 0 : i32
    %dma_wait3A_589 = arith.constant 0 : i32
    %dma_wait3A_590 = tpu.memref_slice %arg4[%dma_wait3A_588, %dma_wait3A_589] : memref<32x1000000xf32, #tpu.memory_space<hbm>> -> memref<32x128xf32, #tpu.memory_space<hbm>>
    tpu.wait_dma2 semaphore(%arg16 : memref<!tpu.dma_semaphore, #tpu.memory_space<semaphore_mem>>) src(%dma_wait3A_590 : memref<32x128xf32, #tpu.memory_space<hbm>>) dst(%dma_wait3A_587 : memref<32x128xf32, #tpu.memory_space<vmem>>)
    %dma_wait3A_591 = arith.constant 96 : i32
    %dma_wait3A_592 = arith.constant 0 : i32
    %dma_wait3A_593 = tpu.memref_slice %arg10[%dma_wait3A_591, %dma_wait3A_592] : memref<256x128xf32, #tpu.memory_space<vmem>> -> memref<32x128xf32, #tpu.memory_space<vmem>>
    %dma_wait3A_594 = arith.constant 0 : i32
    %dma_wait3A_595 = arith.constant 0 : i32
    %dma_wait3A_596 = tpu.memref_slice %arg4[%dma_wait3A_594, %dma_wait3A_595] : memref<32x1000000xf32, #tpu.memory_space<hbm>> -> memref<32x128xf32, #tpu.memory_space<hbm>>
    %dma_wait3A_597 = arith.constant 96 : i32
    %dma_wait3A_598 = arith.constant 0 : i32
    %dma_wait3A_599 = tpu.memref_slice %arg10[%dma_wait3A_597, %dma_wait3A_598] : memref<256x128xf32, #tpu.memory_space<vmem>> -> memref<32x128xf32, #tpu.memory_space<vmem>>
    %dma_wait3A_600 = arith.constant 0 : i32
    %dma_wait3A_601 = arith.constant 0 : i32
    %dma_wait3A_602 = tpu.memref_slice %arg4[%dma_wait3A_600, %dma_wait3A_601] : memref<32x1000000xf32, #tpu.memory_space<hbm>> -> memref<32x128xf32, #tpu.memory_space<hbm>>
    tpu.wait_dma2 semaphore(%arg16 : memref<!tpu.dma_semaphore, #tpu.memory_space<semaphore_mem>>) src(%dma_wait3A_602 : memref<32x128xf32, #tpu.memory_space<hbm>>) dst(%dma_wait3A_599 : memref<32x128xf32, #tpu.memory_space<vmem>>)
    %dma_wait3A_603 = arith.constant 128 : i32
    %dma_wait3A_604 = arith.constant 0 : i32
    %dma_wait3A_605 = tpu.memref_slice %arg10[%dma_wait3A_603, %dma_wait3A_604] : memref<256x128xf32, #tpu.memory_space<vmem>> -> memref<32x128xf32, #tpu.memory_space<vmem>>
    %dma_wait3A_606 = arith.constant 0 : i32
    %dma_wait3A_607 = arith.constant 0 : i32
    %dma_wait3A_608 = tpu.memref_slice %arg4[%dma_wait3A_606, %dma_wait3A_607] : memref<32x1000000xf32, #tpu.memory_space<hbm>> -> memref<32x128xf32, #tpu.memory_space<hbm>>
    %dma_wait3A_609 = arith.constant 128 : i32
    %dma_wait3A_610 = arith.constant 0 : i32
    %dma_wait3A_611 = tpu.memref_slice %arg10[%dma_wait3A_609, %dma_wait3A_610] : memref<256x128xf32, #tpu.memory_space<vmem>> -> memref<32x128xf32, #tpu.memory_space<vmem>>
    %dma_wait3A_612 = arith.constant 0 : i32
    %dma_wait3A_613 = arith.constant 0 : i32
    %dma_wait3A_614 = tpu.memref_slice %arg4[%dma_wait3A_612, %dma_wait3A_613] : memref<32x1000000xf32, #tpu.memory_space<hbm>> -> memref<32x128xf32, #tpu.memory_space<hbm>>
    tpu.wait_dma2 semaphore(%arg16 : memref<!tpu.dma_semaphore, #tpu.memory_space<semaphore_mem>>) src(%dma_wait3A_614 : memref<32x128xf32, #tpu.memory_space<hbm>>) dst(%dma_wait3A_611 : memref<32x128xf32, #tpu.memory_space<vmem>>)
    %dma_wait3A_615 = arith.constant 160 : i32
    %dma_wait3A_616 = arith.constant 0 : i32
    %dma_wait3A_617 = tpu.memref_slice %arg10[%dma_wait3A_615, %dma_wait3A_616] : memref<256x128xf32, #tpu.memory_space<vmem>> -> memref<32x128xf32, #tpu.memory_space<vmem>>
    %dma_wait3A_618 = arith.constant 0 : i32
    %dma_wait3A_619 = arith.constant 0 : i32
    %dma_wait3A_620 = tpu.memref_slice %arg4[%dma_wait3A_618, %dma_wait3A_619] : memref<32x1000000xf32, #tpu.memory_space<hbm>> -> memref<32x128xf32, #tpu.memory_space<hbm>>
    %dma_wait3A_621 = arith.constant 160 : i32
    %dma_wait3A_622 = arith.constant 0 : i32
    %dma_wait3A_623 = tpu.memref_slice %arg10[%dma_wait3A_621, %dma_wait3A_622] : memref<256x128xf32, #tpu.memory_space<vmem>> -> memref<32x128xf32, #tpu.memory_space<vmem>>
    %dma_wait3A_624 = arith.constant 0 : i32
    %dma_wait3A_625 = arith.constant 0 : i32
    %dma_wait3A_626 = tpu.memref_slice %arg4[%dma_wait3A_624, %dma_wait3A_625] : memref<32x1000000xf32, #tpu.memory_space<hbm>> -> memref<32x128xf32, #tpu.memory_space<hbm>>
    tpu.wait_dma2 semaphore(%arg16 : memref<!tpu.dma_semaphore, #tpu.memory_space<semaphore_mem>>) src(%dma_wait3A_626 : memref<32x128xf32, #tpu.memory_space<hbm>>) dst(%dma_wait3A_623 : memref<32x128xf32, #tpu.memory_space<vmem>>)
    %dma_wait3A_627 = arith.constant 192 : i32
    %dma_wait3A_628 = arith.constant 0 : i32
    %dma_wait3A_629 = tpu.memref_slice %arg10[%dma_wait3A_627, %dma_wait3A_628] : memref<256x128xf32, #tpu.memory_space<vmem>> -> memref<32x128xf32, #tpu.memory_space<vmem>>
    %dma_wait3A_630 = arith.constant 0 : i32
    %dma_wait3A_631 = arith.constant 0 : i32
    %dma_wait3A_632 = tpu.memref_slice %arg4[%dma_wait3A_630, %dma_wait3A_631] : memref<32x1000000xf32, #tpu.memory_space<hbm>> -> memref<32x128xf32, #tpu.memory_space<hbm>>
    %dma_wait3A_633 = arith.constant 192 : i32
    %dma_wait3A_634 = arith.constant 0 : i32
    %dma_wait3A_635 = tpu.memref_slice %arg10[%dma_wait3A_633, %dma_wait3A_634] : memref<256x128xf32, #tpu.memory_space<vmem>> -> memref<32x128xf32, #tpu.memory_space<vmem>>
    %dma_wait3A_636 = arith.constant 0 : i32
    %dma_wait3A_637 = arith.constant 0 : i32
    %dma_wait3A_638 = tpu.memref_slice %arg4[%dma_wait3A_636, %dma_wait3A_637] : memref<32x1000000xf32, #tpu.memory_space<hbm>> -> memref<32x128xf32, #tpu.memory_space<hbm>>
    tpu.wait_dma2 semaphore(%arg16 : memref<!tpu.dma_semaphore, #tpu.memory_space<semaphore_mem>>) src(%dma_wait3A_638 : memref<32x128xf32, #tpu.memory_space<hbm>>) dst(%dma_wait3A_635 : memref<32x128xf32, #tpu.memory_space<vmem>>)
    %dma_wait3A_639 = arith.constant 224 : i32
    %dma_wait3A_640 = arith.constant 0 : i32
    %dma_wait3A_641 = tpu.memref_slice %arg10[%dma_wait3A_639, %dma_wait3A_640] : memref<256x128xf32, #tpu.memory_space<vmem>> -> memref<32x128xf32, #tpu.memory_space<vmem>>
    %dma_wait3A_642 = arith.constant 0 : i32
    %dma_wait3A_643 = arith.constant 0 : i32
    %dma_wait3A_644 = tpu.memref_slice %arg4[%dma_wait3A_642, %dma_wait3A_643] : memref<32x1000000xf32, #tpu.memory_space<hbm>> -> memref<32x128xf32, #tpu.memory_space<hbm>>
    %dma_wait3A_645 = arith.constant 224 : i32
    %dma_wait3A_646 = arith.constant 0 : i32
    %dma_wait3A_647 = tpu.memref_slice %arg10[%dma_wait3A_645, %dma_wait3A_646] : memref<256x128xf32, #tpu.memory_space<vmem>> -> memref<32x128xf32, #tpu.memory_space<vmem>>
    %dma_wait3A_648 = arith.constant 0 : i32
    %dma_wait3A_649 = arith.constant 0 : i32
    %dma_wait3A_650 = tpu.memref_slice %arg4[%dma_wait3A_648, %dma_wait3A_649] : memref<32x1000000xf32, #tpu.memory_space<hbm>> -> memref<32x128xf32, #tpu.memory_space<hbm>>
    tpu.wait_dma2 semaphore(%arg16 : memref<!tpu.dma_semaphore, #tpu.memory_space<semaphore_mem>>) src(%dma_wait3A_650 : memref<32x128xf32, #tpu.memory_space<hbm>>) dst(%dma_wait3A_647 : memref<32x128xf32, #tpu.memory_space<vmem>>)
    %dma_wait3A_651 = arith.constant 0 : i32
    %dma_wait3A_652 = arith.constant 0 : i32
    %dma_wait3A_653 = tpu.memref_slice %arg5[%dma_wait3A_651, %dma_wait3A_652] : memref<100000x32xf32, #tpu.memory_space<hbm>> -> memref<64x32xf32, #tpu.memory_space<hbm>>
    %dma_wait3A_654 = arith.constant 0 : i32
    %dma_wait3A_655 = arith.constant 0 : i32
    %dma_wait3A_656 = tpu.memref_slice %arg5[%dma_wait3A_654, %dma_wait3A_655] : memref<100000x32xf32, #tpu.memory_space<hbm>> -> memref<64x32xf32, #tpu.memory_space<hbm>>
    tpu.wait_dma2 semaphore(%arg18 : memref<!tpu.dma_semaphore, #tpu.memory_space<semaphore_mem>>) src(%dma_wait3A_656 : memref<64x32xf32, #tpu.memory_space<hbm>>) dst(%arg12 : memref<64x32xf32, #tpu.memory_space<vmem>>)
    %slice3A_657 = vector.extract_strided_slice %scan3A_277#0 {offsets = [0], sizes = [1], strides = [1]} : vector<16xi32> to vector<1xi32>
    %squeeze3A_658 = vector.extract %slice3A_657[0] : i32 from vector<1xi32>
    %slice3A_659 = vector.extract_strided_slice %scan3A_277#1 {offsets = [0], sizes = [1], strides = [1]} : vector<16xi32> to vector<1xi32>
    %squeeze3A_660 = vector.extract %slice3A_659[0] : i32 from vector<1xi32>
    %and3A = arith.constant 127 : i32
    %and3A_661 = arith.andi %squeeze3A_658, %and3A : i32
    %broadcast_in_dim3A_662 = vector.broadcast %and3A_661 : i32 to vector<16xi32>
    %and3A_663 = arith.constant 7 : i32
    %and3A_664 = arith.andi %squeeze3A_660, %and3A_663 : i32
    %add3A_665 = arith.constant 0 : i32
    %add3A_666 = arith.addi %add3A_665, %and3A_664 : i32
    %broadcast_in_dim3A_667 = vector.broadcast %add3A_666 : i32 to vector<16xi32>
    %broadcast_in_dim3A_668 = arith.constant 496 : i32
    %broadcast_in_dim3A_669 = vector.broadcast %broadcast_in_dim3A_668 : i32 to vector<16xi32>
    %add3A_670 = arith.constant 0 : i32
    %add3A_671 = vector.broadcast %add3A_670 : i32 to vector<16xi32>
    %add3A_672 = arith.addi %iota3A, %add3A_671 : vector<16xi32>
    %broadcast_in_dim3A_673 = arith.constant 0 : i32
    %broadcast_in_dim3A_674 = vector.broadcast %broadcast_in_dim3A_673 : i32 to vector<16xi32>
    %add3A_675 = arith.addi %broadcast_in_dim3A_674, %iota3A : vector<16xi32>
    %gather3A_676 = tpu.vector_load_idx %arg10[%add3A_675, %broadcast_in_dim3A_662] : memref<256x128xf32, #tpu.memory_space<vmem>>[vector<16xi32>, vector<16xi32>], vector<16xf32>,
    tpu.vector_store_idx %arg14[%add3A_672, %broadcast_in_dim3A_669], %gather3A_676 : memref<32x512xf32, #tpu.memory_space<vmem>>[vector<16xi32>, vector<16xi32>], vector<16xf32>,
    %gather3A_677 = tpu.vector_load_idx %arg12[%broadcast_in_dim3A_667, %add3A_672] : memref<64x32xf32, #tpu.memory_space<vmem>>[vector<16xi32>, vector<16xi32>], vector<16xf32>,
    tpu.vector_store_idx %arg15[%add3A_672, %broadcast_in_dim3A_669], %gather3A_677 : memref<32x512xf32, #tpu.memory_space<vmem>>[vector<16xi32>, vector<16xi32>], vector<16xf32>,
    %add3A_678 = arith.constant 16 : i32
    %add3A_679 = vector.broadcast %add3A_678 : i32 to vector<16xi32>
    %add3A_680 = arith.addi %iota3A, %add3A_679 : vector<16xi32>
    %broadcast_in_dim3A_681 = arith.constant 16 : i32
    %broadcast_in_dim3A_682 = vector.broadcast %broadcast_in_dim3A_681 : i32 to vector<16xi32>
    %add3A_683 = arith.addi %broadcast_in_dim3A_682, %iota3A : vector<16xi32>
    %gather3A_684 = tpu.vector_load_idx %arg10[%add3A_683, %broadcast_in_dim3A_662] : memref<256x128xf32, #tpu.memory_space<vmem>>[vector<16xi32>, vector<16xi32>], vector<16xf32>,
    tpu.vector_store_idx %arg14[%add3A_680, %broadcast_in_dim3A_669], %gather3A_684 : memref<32x512xf32, #tpu.memory_space<vmem>>[vector<16xi32>, vector<16xi32>], vector<16xf32>,
    %gather3A_685 = tpu.vector_load_idx %arg12[%broadcast_in_dim3A_667, %add3A_680] : memref<64x32xf32, #tpu.memory_space<vmem>>[vector<16xi32>, vector<16xi32>], vector<16xf32>,
    tpu.vector_store_idx %arg15[%add3A_680, %broadcast_in_dim3A_669], %gather3A_685 : memref<32x512xf32, #tpu.memory_space<vmem>>[vector<16xi32>, vector<16xi32>], vector<16xf32>,
    %slice3A_686 = vector.extract_strided_slice %scan3A_277#0 {offsets = [1], sizes = [1], strides = [1]} : vector<16xi32> to vector<1xi32>
    %squeeze3A_687 = vector.extract %slice3A_686[0] : i32 from vector<1xi32>
    %slice3A_688 = vector.extract_strided_slice %scan3A_277#1 {offsets = [1], sizes = [1], strides = [1]} : vector<16xi32> to vector<1xi32>
    %squeeze3A_689 = vector.extract %slice3A_688[0] : i32 from vector<1xi32>
    %and3A_690 = arith.constant 127 : i32
    %and3A_691 = arith.andi %squeeze3A_687, %and3A_690 : i32
    %broadcast_in_dim3A_692 = vector.broadcast %and3A_691 : i32 to vector<16xi32>
    %and3A_693 = arith.constant 7 : i32
    %and3A_694 = arith.andi %squeeze3A_689, %and3A_693 : i32
    %add3A_695 = arith.constant 8 : i32
    %add3A_696 = arith.addi %add3A_695, %and3A_694 : i32
    %broadcast_in_dim3A_697 = vector.broadcast %add3A_696 : i32 to vector<16xi32>
    %broadcast_in_dim3A_698 = arith.constant 497 : i32
    %broadcast_in_dim3A_699 = vector.broadcast %broadcast_in_dim3A_698 : i32 to vector<16xi32>
    %add3A_700 = arith.constant 0 : i32
    %add3A_701 = vector.broadcast %add3A_700 : i32 to vector<16xi32>
    %add3A_702 = arith.addi %iota3A, %add3A_701 : vector<16xi32>
    %broadcast_in_dim3A_703 = arith.constant 32 : i32
    %broadcast_in_dim3A_704 = vector.broadcast %broadcast_in_dim3A_703 : i32 to vector<16xi32>
    %add3A_705 = arith.addi %broadcast_in_dim3A_704, %iota3A : vector<16xi32>
    %gather3A_706 = tpu.vector_load_idx %arg10[%add3A_705, %broadcast_in_dim3A_692] : memref<256x128xf32, #tpu.memory_space<vmem>>[vector<16xi32>, vector<16xi32>], vector<16xf32>,
    tpu.vector_store_idx %arg14[%add3A_702, %broadcast_in_dim3A_699], %gather3A_706 : memref<32x512xf32, #tpu.memory_space<vmem>>[vector<16xi32>, vector<16xi32>], vector<16xf32>,
    %gather3A_707 = tpu.vector_load_idx %arg12[%broadcast_in_dim3A_697, %add3A_702] : memref<64x32xf32, #tpu.memory_space<vmem>>[vector<16xi32>, vector<16xi32>], vector<16xf32>,
    tpu.vector_store_idx %arg15[%add3A_702, %broadcast_in_dim3A_699], %gather3A_707 : memref<32x512xf32, #tpu.memory_space<vmem>>[vector<16xi32>, vector<16xi32>], vector<16xf32>,
    %add3A_708 = arith.constant 16 : i32
    %add3A_709 = vector.broadcast %add3A_708 : i32 to vector<16xi32>
    %add3A_710 = arith.addi %iota3A, %add3A_709 : vector<16xi32>
    %broadcast_in_dim3A_711 = arith.constant 48 : i32
    %broadcast_in_dim3A_712 = vector.broadcast %broadcast_in_dim3A_711 : i32 to vector<16xi32>
    %add3A_713 = arith.addi %broadcast_in_dim3A_712, %iota3A : vector<16xi32>
    %gather3A_714 = tpu.vector_load_idx %arg10[%add3A_713, %broadcast_in_dim3A_692] : memref<256x128xf32, #tpu.memory_space<vmem>>[vector<16xi32>, vector<16xi32>], vector<16xf32>,
    tpu.vector_store_idx %arg14[%add3A_710, %broadcast_in_dim3A_699], %gather3A_714 : memref<32x512xf32, #tpu.memory_space<vmem>>[vector<16xi32>, vector<16xi32>], vector<16xf32>,
    %gather3A_715 = tpu.vector_load_idx %arg12[%broadcast_in_dim3A_697, %add3A_710] : memref<64x32xf32, #tpu.memory_space<vmem>>[vector<16xi32>, vector<16xi32>], vector<16xf32>,
    tpu.vector_store_idx %arg15[%add3A_710, %broadcast_in_dim3A_699], %gather3A_715 : memref<32x512xf32, #tpu.memory_space<vmem>>[vector<16xi32>, vector<16xi32>], vector<16xf32>,
    %slice3A_716 = vector.extract_strided_slice %scan3A_277#0 {offsets = [2], sizes = [1], strides = [1]} : vector<16xi32> to vector<1xi32>
    %squeeze3A_717 = vector.extract %slice3A_716[0] : i32 from vector<1xi32>
    %slice3A_718 = vector.extract_strided_slice %scan3A_277#1 {offsets = [2], sizes = [1], strides = [1]} : vector<16xi32> to vector<1xi32>
    %squeeze3A_719 = vector.extract %slice3A_718[0] : i32 from vector<1xi32>
    %and3A_720 = arith.constant 127 : i32
    %and3A_721 = arith.andi %squeeze3A_717, %and3A_720 : i32
    %broadcast_in_dim3A_722 = vector.broadcast %and3A_721 : i32 to vector<16xi32>
    %and3A_723 = arith.constant 7 : i32
    %and3A_724 = arith.andi %squeeze3A_719, %and3A_723 : i32
    %add3A_725 = arith.constant 16 : i32
    %add3A_726 = arith.addi %add3A_725, %and3A_724 : i32
    %broadcast_in_dim3A_727 = vector.broadcast %add3A_726 : i32 to vector<16xi32>
    %broadcast_in_dim3A_728 = arith.constant 498 : i32
    %broadcast_in_dim3A_729 = vector.broadcast %broadcast_in_dim3A_728 : i32 to vector<16xi32>
    %add3A_730 = arith.constant 0 : i32
    %add3A_731 = vector.broadcast %add3A_730 : i32 to vector<16xi32>
    %add3A_732 = arith.addi %iota3A, %add3A_731 : vector<16xi32>
    %broadcast_in_dim3A_733 = arith.constant 64 : i32
    %broadcast_in_dim3A_734 = vector.broadcast %broadcast_in_dim3A_733 : i32 to vector<16xi32>
    %add3A_735 = arith.addi %broadcast_in_dim3A_734, %iota3A : vector<16xi32>
    %gather3A_736 = tpu.vector_load_idx %arg10[%add3A_735, %broadcast_in_dim3A_722] : memref<256x128xf32, #tpu.memory_space<vmem>>[vector<16xi32>, vector<16xi32>], vector<16xf32>,
    tpu.vector_store_idx %arg14[%add3A_732, %broadcast_in_dim3A_729], %gather3A_736 : memref<32x512xf32, #tpu.memory_space<vmem>>[vector<16xi32>, vector<16xi32>], vector<16xf32>,
    %gather3A_737 = tpu.vector_load_idx %arg12[%broadcast_in_dim3A_727, %add3A_732] : memref<64x32xf32, #tpu.memory_space<vmem>>[vector<16xi32>, vector<16xi32>], vector<16xf32>,
    tpu.vector_store_idx %arg15[%add3A_732, %broadcast_in_dim3A_729], %gather3A_737 : memref<32x512xf32, #tpu.memory_space<vmem>>[vector<16xi32>, vector<16xi32>], vector<16xf32>,
    %add3A_738 = arith.constant 16 : i32
    %add3A_739 = vector.broadcast %add3A_738 : i32 to vector<16xi32>
    %add3A_740 = arith.addi %iota3A, %add3A_739 : vector<16xi32>
    %broadcast_in_dim3A_741 = arith.constant 80 : i32
    %broadcast_in_dim3A_742 = vector.broadcast %broadcast_in_dim3A_741 : i32 to vector<16xi32>
    %add3A_743 = arith.addi %broadcast_in_dim3A_742, %iota3A : vector<16xi32>
    %gather3A_744 = tpu.vector_load_idx %arg10[%add3A_743, %broadcast_in_dim3A_722] : memref<256x128xf32, #tpu.memory_space<vmem>>[vector<16xi32>, vector<16xi32>], vector<16xf32>,
    tpu.vector_store_idx %arg14[%add3A_740, %broadcast_in_dim3A_729], %gather3A_744 : memref<32x512xf32, #tpu.memory_space<vmem>>[vector<16xi32>, vector<16xi32>], vector<16xf32>,
    %gather3A_745 = tpu.vector_load_idx %arg12[%broadcast_in_dim3A_727, %add3A_740] : memref<64x32xf32, #tpu.memory_space<vmem>>[vector<16xi32>, vector<16xi32>], vector<16xf32>,
    tpu.vector_store_idx %arg15[%add3A_740, %broadcast_in_dim3A_729], %gather3A_745 : memref<32x512xf32, #tpu.memory_space<vmem>>[vector<16xi32>, vector<16xi32>], vector<16xf32>,
    %slice3A_746 = vector.extract_strided_slice %scan3A_277#0 {offsets = [3], sizes = [1], strides = [1]} : vector<16xi32> to vector<1xi32>
    %squeeze3A_747 = vector.extract %slice3A_746[0] : i32 from vector<1xi32>
    %slice3A_748 = vector.extract_strided_slice %scan3A_277#1 {offsets = [3], sizes = [1], strides = [1]} : vector<16xi32> to vector<1xi32>
    %squeeze3A_749 = vector.extract %slice3A_748[0] : i32 from vector<1xi32>
    %and3A_750 = arith.constant 127 : i32
    %and3A_751 = arith.andi %squeeze3A_747, %and3A_750 : i32
    %broadcast_in_dim3A_752 = vector.broadcast %and3A_751 : i32 to vector<16xi32>
    %and3A_753 = arith.constant 7 : i32
    %and3A_754 = arith.andi %squeeze3A_749, %and3A_753 : i32
    %add3A_755 = arith.constant 24 : i32
    %add3A_756 = arith.addi %add3A_755, %and3A_754 : i32
    %broadcast_in_dim3A_757 = vector.broadcast %add3A_756 : i32 to vector<16xi32>
    %broadcast_in_dim3A_758 = arith.constant 499 : i32
    %broadcast_in_dim3A_759 = vector.broadcast %broadcast_in_dim3A_758 : i32 to vector<16xi32>
    %add3A_760 = arith.constant 0 : i32
    %add3A_761 = vector.broadcast %add3A_760 : i32 to vector<16xi32>
    %add3A_762 = arith.addi %iota3A, %add3A_761 : vector<16xi32>
    %broadcast_in_dim3A_763 = arith.constant 96 : i32
    %broadcast_in_dim3A_764 = vector.broadcast %broadcast_in_dim3A_763 : i32 to vector<16xi32>
    %add3A_765 = arith.addi %broadcast_in_dim3A_764, %iota3A : vector<16xi32>
    %gather3A_766 = tpu.vector_load_idx %arg10[%add3A_765, %broadcast_in_dim3A_752] : memref<256x128xf32, #tpu.memory_space<vmem>>[vector<16xi32>, vector<16xi32>], vector<16xf32>,
    tpu.vector_store_idx %arg14[%add3A_762, %broadcast_in_dim3A_759], %gather3A_766 : memref<32x512xf32, #tpu.memory_space<vmem>>[vector<16xi32>, vector<16xi32>], vector<16xf32>,
    %gather3A_767 = tpu.vector_load_idx %arg12[%broadcast_in_dim3A_757, %add3A_762] : memref<64x32xf32, #tpu.memory_space<vmem>>[vector<16xi32>, vector<16xi32>], vector<16xf32>,
    tpu.vector_store_idx %arg15[%add3A_762, %broadcast_in_dim3A_759], %gather3A_767 : memref<32x512xf32, #tpu.memory_space<vmem>>[vector<16xi32>, vector<16xi32>], vector<16xf32>,
    %add3A_768 = arith.constant 16 : i32
    %add3A_769 = vector.broadcast %add3A_768 : i32 to vector<16xi32>
    %add3A_770 = arith.addi %iota3A, %add3A_769 : vector<16xi32>
    %broadcast_in_dim3A_771 = arith.constant 112 : i32
    %broadcast_in_dim3A_772 = vector.broadcast %broadcast_in_dim3A_771 : i32 to vector<16xi32>
    %add3A_773 = arith.addi %broadcast_in_dim3A_772, %iota3A : vector<16xi32>
    %gather3A_774 = tpu.vector_load_idx %arg10[%add3A_773, %broadcast_in_dim3A_752] : memref<256x128xf32, #tpu.memory_space<vmem>>[vector<16xi32>, vector<16xi32>], vector<16xf32>,
    tpu.vector_store_idx %arg14[%add3A_770, %broadcast_in_dim3A_759], %gather3A_774 : memref<32x512xf32, #tpu.memory_space<vmem>>[vector<16xi32>, vector<16xi32>], vector<16xf32>,
    %gather3A_775 = tpu.vector_load_idx %arg12[%broadcast_in_dim3A_757, %add3A_770] : memref<64x32xf32, #tpu.memory_space<vmem>>[vector<16xi32>, vector<16xi32>], vector<16xf32>,
    tpu.vector_store_idx %arg15[%add3A_770, %broadcast_in_dim3A_759], %gather3A_775 : memref<32x512xf32, #tpu.memory_space<vmem>>[vector<16xi32>, vector<16xi32>], vector<16xf32>,
    %slice3A_776 = vector.extract_strided_slice %scan3A_277#0 {offsets = [4], sizes = [1], strides = [1]} : vector<16xi32> to vector<1xi32>
    %squeeze3A_777 = vector.extract %slice3A_776[0] : i32 from vector<1xi32>
    %slice3A_778 = vector.extract_strided_slice %scan3A_277#1 {offsets = [4], sizes = [1], strides = [1]} : vector<16xi32> to vector<1xi32>
    %squeeze3A_779 = vector.extract %slice3A_778[0] : i32 from vector<1xi32>
    %and3A_780 = arith.constant 127 : i32
    %and3A_781 = arith.andi %squeeze3A_777, %and3A_780 : i32
    %broadcast_in_dim3A_782 = vector.broadcast %and3A_781 : i32 to vector<16xi32>
    %and3A_783 = arith.constant 7 : i32
    %and3A_784 = arith.andi %squeeze3A_779, %and3A_783 : i32
    %add3A_785 = arith.constant 32 : i32
    %add3A_786 = arith.addi %add3A_785, %and3A_784 : i32
    %broadcast_in_dim3A_787 = vector.broadcast %add3A_786 : i32 to vector<16xi32>
    %broadcast_in_dim3A_788 = arith.constant 500 : i32
    %broadcast_in_dim3A_789 = vector.broadcast %broadcast_in_dim3A_788 : i32 to vector<16xi32>
    %add3A_790 = arith.constant 0 : i32
    %add3A_791 = vector.broadcast %add3A_790 : i32 to vector<16xi32>
    %add3A_792 = arith.addi %iota3A, %add3A_791 : vector<16xi32>
    %broadcast_in_dim3A_793 = arith.constant 128 : i32
    %broadcast_in_dim3A_794 = vector.broadcast %broadcast_in_dim3A_793 : i32 to vector<16xi32>
    %add3A_795 = arith.addi %broadcast_in_dim3A_794, %iota3A : vector<16xi32>
    %gather3A_796 = tpu.vector_load_idx %arg10[%add3A_795, %broadcast_in_dim3A_782] : memref<256x128xf32, #tpu.memory_space<vmem>>[vector<16xi32>, vector<16xi32>], vector<16xf32>,
    tpu.vector_store_idx %arg14[%add3A_792, %broadcast_in_dim3A_789], %gather3A_796 : memref<32x512xf32, #tpu.memory_space<vmem>>[vector<16xi32>, vector<16xi32>], vector<16xf32>,
    %gather3A_797 = tpu.vector_load_idx %arg12[%broadcast_in_dim3A_787, %add3A_792] : memref<64x32xf32, #tpu.memory_space<vmem>>[vector<16xi32>, vector<16xi32>], vector<16xf32>,
    tpu.vector_store_idx %arg15[%add3A_792, %broadcast_in_dim3A_789], %gather3A_797 : memref<32x512xf32, #tpu.memory_space<vmem>>[vector<16xi32>, vector<16xi32>], vector<16xf32>,
    %add3A_798 = arith.constant 16 : i32
    %add3A_799 = vector.broadcast %add3A_798 : i32 to vector<16xi32>
    %add3A_800 = arith.addi %iota3A, %add3A_799 : vector<16xi32>
    %broadcast_in_dim3A_801 = arith.constant 144 : i32
    %broadcast_in_dim3A_802 = vector.broadcast %broadcast_in_dim3A_801 : i32 to vector<16xi32>
    %add3A_803 = arith.addi %broadcast_in_dim3A_802, %iota3A : vector<16xi32>
    %gather3A_804 = tpu.vector_load_idx %arg10[%add3A_803, %broadcast_in_dim3A_782] : memref<256x128xf32, #tpu.memory_space<vmem>>[vector<16xi32>, vector<16xi32>], vector<16xf32>,
    tpu.vector_store_idx %arg14[%add3A_800, %broadcast_in_dim3A_789], %gather3A_804 : memref<32x512xf32, #tpu.memory_space<vmem>>[vector<16xi32>, vector<16xi32>], vector<16xf32>,
    %gather3A_805 = tpu.vector_load_idx %arg12[%broadcast_in_dim3A_787, %add3A_800] : memref<64x32xf32, #tpu.memory_space<vmem>>[vector<16xi32>, vector<16xi32>], vector<16xf32>,
    tpu.vector_store_idx %arg15[%add3A_800, %broadcast_in_dim3A_789], %gather3A_805 : memref<32x512xf32, #tpu.memory_space<vmem>>[vector<16xi32>, vector<16xi32>], vector<16xf32>,
    %slice3A_806 = vector.extract_strided_slice %scan3A_277#0 {offsets = [5], sizes = [1], strides = [1]} : vector<16xi32> to vector<1xi32>
    %squeeze3A_807 = vector.extract %slice3A_806[0] : i32 from vector<1xi32>
    %slice3A_808 = vector.extract_strided_slice %scan3A_277#1 {offsets = [5], sizes = [1], strides = [1]} : vector<16xi32> to vector<1xi32>
    %squeeze3A_809 = vector.extract %slice3A_808[0] : i32 from vector<1xi32>
    %and3A_810 = arith.constant 127 : i32
    %and3A_811 = arith.andi %squeeze3A_807, %and3A_810 : i32
    %broadcast_in_dim3A_812 = vector.broadcast %and3A_811 : i32 to vector<16xi32>
    %and3A_813 = arith.constant 7 : i32
    %and3A_814 = arith.andi %squeeze3A_809, %and3A_813 : i32
    %add3A_815 = arith.constant 40 : i32
    %add3A_816 = arith.addi %add3A_815, %and3A_814 : i32
    %broadcast_in_dim3A_817 = vector.broadcast %add3A_816 : i32 to vector<16xi32>
    %broadcast_in_dim3A_818 = arith.constant 501 : i32
    %broadcast_in_dim3A_819 = vector.broadcast %broadcast_in_dim3A_818 : i32 to vector<16xi32>
    %add3A_820 = arith.constant 0 : i32
    %add3A_821 = vector.broadcast %add3A_820 : i32 to vector<16xi32>
    %add3A_822 = arith.addi %iota3A, %add3A_821 : vector<16xi32>
    %broadcast_in_dim3A_823 = arith.constant 160 : i32
    %broadcast_in_dim3A_824 = vector.broadcast %broadcast_in_dim3A_823 : i32 to vector<16xi32>
    %add3A_825 = arith.addi %broadcast_in_dim3A_824, %iota3A : vector<16xi32>
    %gather3A_826 = tpu.vector_load_idx %arg10[%add3A_825, %broadcast_in_dim3A_812] : memref<256x128xf32, #tpu.memory_space<vmem>>[vector<16xi32>, vector<16xi32>], vector<16xf32>,
    tpu.vector_store_idx %arg14[%add3A_822, %broadcast_in_dim3A_819], %gather3A_826 : memref<32x512xf32, #tpu.memory_space<vmem>>[vector<16xi32>, vector<16xi32>], vector<16xf32>,
    %gather3A_827 = tpu.vector_load_idx %arg12[%broadcast_in_dim3A_817, %add3A_822] : memref<64x32xf32, #tpu.memory_space<vmem>>[vector<16xi32>, vector<16xi32>], vector<16xf32>,
    tpu.vector_store_idx %arg15[%add3A_822, %broadcast_in_dim3A_819], %gather3A_827 : memref<32x512xf32, #tpu.memory_space<vmem>>[vector<16xi32>, vector<16xi32>], vector<16xf32>,
    %add3A_828 = arith.constant 16 : i32
    %add3A_829 = vector.broadcast %add3A_828 : i32 to vector<16xi32>
    %add3A_830 = arith.addi %iota3A, %add3A_829 : vector<16xi32>
    %broadcast_in_dim3A_831 = arith.constant 176 : i32
    %broadcast_in_dim3A_832 = vector.broadcast %broadcast_in_dim3A_831 : i32 to vector<16xi32>
    %add3A_833 = arith.addi %broadcast_in_dim3A_832, %iota3A : vector<16xi32>
    %gather3A_834 = tpu.vector_load_idx %arg10[%add3A_833, %broadcast_in_dim3A_812] : memref<256x128xf32, #tpu.memory_space<vmem>>[vector<16xi32>, vector<16xi32>], vector<16xf32>,
    tpu.vector_store_idx %arg14[%add3A_830, %broadcast_in_dim3A_819], %gather3A_834 : memref<32x512xf32, #tpu.memory_space<vmem>>[vector<16xi32>, vector<16xi32>], vector<16xf32>,
    %gather3A_835 = tpu.vector_load_idx %arg12[%broadcast_in_dim3A_817, %add3A_830] : memref<64x32xf32, #tpu.memory_space<vmem>>[vector<16xi32>, vector<16xi32>], vector<16xf32>,
    tpu.vector_store_idx %arg15[%add3A_830, %broadcast_in_dim3A_819], %gather3A_835 : memref<32x512xf32, #tpu.memory_space<vmem>>[vector<16xi32>, vector<16xi32>], vector<16xf32>,
    %slice3A_836 = vector.extract_strided_slice %scan3A_277#0 {offsets = [6], sizes = [1], strides = [1]} : vector<16xi32> to vector<1xi32>
    %squeeze3A_837 = vector.extract %slice3A_836[0] : i32 from vector<1xi32>
    %slice3A_838 = vector.extract_strided_slice %scan3A_277#1 {offsets = [6], sizes = [1], strides = [1]} : vector<16xi32> to vector<1xi32>
    %squeeze3A_839 = vector.extract %slice3A_838[0] : i32 from vector<1xi32>
    %and3A_840 = arith.constant 127 : i32
    %and3A_841 = arith.andi %squeeze3A_837, %and3A_840 : i32
    %broadcast_in_dim3A_842 = vector.broadcast %and3A_841 : i32 to vector<16xi32>
    %and3A_843 = arith.constant 7 : i32
    %and3A_844 = arith.andi %squeeze3A_839, %and3A_843 : i32
    %add3A_845 = arith.constant 48 : i32
    %add3A_846 = arith.addi %add3A_845, %and3A_844 : i32
    %broadcast_in_dim3A_847 = vector.broadcast %add3A_846 : i32 to vector<16xi32>
    %broadcast_in_dim3A_848 = arith.constant 502 : i32
    %broadcast_in_dim3A_849 = vector.broadcast %broadcast_in_dim3A_848 : i32 to vector<16xi32>
    %add3A_850 = arith.constant 0 : i32
    %add3A_851 = vector.broadcast %add3A_850 : i32 to vector<16xi32>
    %add3A_852 = arith.addi %iota3A, %add3A_851 : vector<16xi32>
    %broadcast_in_dim3A_853 = arith.constant 192 : i32
    %broadcast_in_dim3A_854 = vector.broadcast %broadcast_in_dim3A_853 : i32 to vector<16xi32>
    %add3A_855 = arith.addi %broadcast_in_dim3A_854, %iota3A : vector<16xi32>
    %gather3A_856 = tpu.vector_load_idx %arg10[%add3A_855, %broadcast_in_dim3A_842] : memref<256x128xf32, #tpu.memory_space<vmem>>[vector<16xi32>, vector<16xi32>], vector<16xf32>,
    tpu.vector_store_idx %arg14[%add3A_852, %broadcast_in_dim3A_849], %gather3A_856 : memref<32x512xf32, #tpu.memory_space<vmem>>[vector<16xi32>, vector<16xi32>], vector<16xf32>,
    %gather3A_857 = tpu.vector_load_idx %arg12[%broadcast_in_dim3A_847, %add3A_852] : memref<64x32xf32, #tpu.memory_space<vmem>>[vector<16xi32>, vector<16xi32>], vector<16xf32>,
    tpu.vector_store_idx %arg15[%add3A_852, %broadcast_in_dim3A_849], %gather3A_857 : memref<32x512xf32, #tpu.memory_space<vmem>>[vector<16xi32>, vector<16xi32>], vector<16xf32>,
    %add3A_858 = arith.constant 16 : i32
    %add3A_859 = vector.broadcast %add3A_858 : i32 to vector<16xi32>
    %add3A_860 = arith.addi %iota3A, %add3A_859 : vector<16xi32>
    %broadcast_in_dim3A_861 = arith.constant 208 : i32
    %broadcast_in_dim3A_862 = vector.broadcast %broadcast_in_dim3A_861 : i32 to vector<16xi32>
    %add3A_863 = arith.addi %broadcast_in_dim3A_862, %iota3A : vector<16xi32>
    %gather3A_864 = tpu.vector_load_idx %arg10[%add3A_863, %broadcast_in_dim3A_842] : memref<256x128xf32, #tpu.memory_space<vmem>>[vector<16xi32>, vector<16xi32>], vector<16xf32>,
    tpu.vector_store_idx %arg14[%add3A_860, %broadcast_in_dim3A_849], %gather3A_864 : memref<32x512xf32, #tpu.memory_space<vmem>>[vector<16xi32>, vector<16xi32>], vector<16xf32>,
    %gather3A_865 = tpu.vector_load_idx %arg12[%broadcast_in_dim3A_847, %add3A_860] : memref<64x32xf32, #tpu.memory_space<vmem>>[vector<16xi32>, vector<16xi32>], vector<16xf32>,
    tpu.vector_store_idx %arg15[%add3A_860, %broadcast_in_dim3A_849], %gather3A_865 : memref<32x512xf32, #tpu.memory_space<vmem>>[vector<16xi32>, vector<16xi32>], vector<16xf32>,
    %slice3A_866 = vector.extract_strided_slice %scan3A_277#0 {offsets = [7], sizes = [1], strides = [1]} : vector<16xi32> to vector<1xi32>
    %squeeze3A_867 = vector.extract %slice3A_866[0] : i32 from vector<1xi32>
    %slice3A_868 = vector.extract_strided_slice %scan3A_277#1 {offsets = [7], sizes = [1], strides = [1]} : vector<16xi32> to vector<1xi32>
    %squeeze3A_869 = vector.extract %slice3A_868[0] : i32 from vector<1xi32>
    %and3A_870 = arith.constant 127 : i32
    %and3A_871 = arith.andi %squeeze3A_867, %and3A_870 : i32
    %broadcast_in_dim3A_872 = vector.broadcast %and3A_871 : i32 to vector<16xi32>
    %and3A_873 = arith.constant 7 : i32
    %and3A_874 = arith.andi %squeeze3A_869, %and3A_873 : i32
    %add3A_875 = arith.constant 56 : i32
    %add3A_876 = arith.addi %add3A_875, %and3A_874 : i32
    %broadcast_in_dim3A_877 = vector.broadcast %add3A_876 : i32 to vector<16xi32>
    %broadcast_in_dim3A_878 = arith.constant 503 : i32
    %broadcast_in_dim3A_879 = vector.broadcast %broadcast_in_dim3A_878 : i32 to vector<16xi32>
    %add3A_880 = arith.constant 0 : i32
    %add3A_881 = vector.broadcast %add3A_880 : i32 to vector<16xi32>
    %add3A_882 = arith.addi %iota3A, %add3A_881 : vector<16xi32>
    %broadcast_in_dim3A_883 = arith.constant 224 : i32
    %broadcast_in_dim3A_884 = vector.broadcast %broadcast_in_dim3A_883 : i32 to vector<16xi32>
    %add3A_885 = arith.addi %broadcast_in_dim3A_884, %iota3A : vector<16xi32>
    %gather3A_886 = tpu.vector_load_idx %arg10[%add3A_885, %broadcast_in_dim3A_872] : memref<256x128xf32, #tpu.memory_space<vmem>>[vector<16xi32>, vector<16xi32>], vector<16xf32>,
    tpu.vector_store_idx %arg14[%add3A_882, %broadcast_in_dim3A_879], %gather3A_886 : memref<32x512xf32, #tpu.memory_space<vmem>>[vector<16xi32>, vector<16xi32>], vector<16xf32>,
    %gather3A_887 = tpu.vector_load_idx %arg12[%broadcast_in_dim3A_877, %add3A_882] : memref<64x32xf32, #tpu.memory_space<vmem>>[vector<16xi32>, vector<16xi32>], vector<16xf32>,
    tpu.vector_store_idx %arg15[%add3A_882, %broadcast_in_dim3A_879], %gather3A_887 : memref<32x512xf32, #tpu.memory_space<vmem>>[vector<16xi32>, vector<16xi32>], vector<16xf32>,
    %add3A_888 = arith.constant 16 : i32
    %add3A_889 = vector.broadcast %add3A_888 : i32 to vector<16xi32>
    %add3A_890 = arith.addi %iota3A, %add3A_889 : vector<16xi32>
    %broadcast_in_dim3A_891 = arith.constant 240 : i32
    %broadcast_in_dim3A_892 = vector.broadcast %broadcast_in_dim3A_891 : i32 to vector<16xi32>
    %add3A_893 = arith.addi %broadcast_in_dim3A_892, %iota3A : vector<16xi32>
    %gather3A_894 = tpu.vector_load_idx %arg10[%add3A_893, %broadcast_in_dim3A_872] : memref<256x128xf32, #tpu.memory_space<vmem>>[vector<16xi32>, vector<16xi32>], vector<16xf32>,
    tpu.vector_store_idx %arg14[%add3A_890, %broadcast_in_dim3A_879], %gather3A_894 : memref<32x512xf32, #tpu.memory_space<vmem>>[vector<16xi32>, vector<16xi32>], vector<16xf32>,
    %gather3A_895 = tpu.vector_load_idx %arg12[%broadcast_in_dim3A_877, %add3A_890] : memref<64x32xf32, #tpu.memory_space<vmem>>[vector<16xi32>, vector<16xi32>], vector<16xf32>,
    tpu.vector_store_idx %arg15[%add3A_890, %broadcast_in_dim3A_879], %gather3A_895 : memref<32x512xf32, #tpu.memory_space<vmem>>[vector<16xi32>, vector<16xi32>], vector<16xf32>,
    %dma_wait3A_896 = arith.constant 0 : i32
    %dma_wait3A_897 = arith.constant 0 : i32
    %dma_wait3A_898 = tpu.memref_slice %arg11[%dma_wait3A_896, %dma_wait3A_897] : memref<256x128xf32, #tpu.memory_space<vmem>> -> memref<32x128xf32, #tpu.memory_space<vmem>>
    %dma_wait3A_899 = arith.constant 0 : i32
    %dma_wait3A_900 = arith.constant 0 : i32
    %dma_wait3A_901 = tpu.memref_slice %arg4[%dma_wait3A_899, %dma_wait3A_900] : memref<32x1000000xf32, #tpu.memory_space<hbm>> -> memref<32x128xf32, #tpu.memory_space<hbm>>
    %dma_wait3A_902 = arith.constant 0 : i32
    %dma_wait3A_903 = arith.constant 0 : i32
    %dma_wait3A_904 = tpu.memref_slice %arg11[%dma_wait3A_902, %dma_wait3A_903] : memref<256x128xf32, #tpu.memory_space<vmem>> -> memref<32x128xf32, #tpu.memory_space<vmem>>
    %dma_wait3A_905 = arith.constant 0 : i32
    %dma_wait3A_906 = arith.constant 0 : i32
    %dma_wait3A_907 = tpu.memref_slice %arg4[%dma_wait3A_905, %dma_wait3A_906] : memref<32x1000000xf32, #tpu.memory_space<hbm>> -> memref<32x128xf32, #tpu.memory_space<hbm>>
    tpu.wait_dma2 semaphore(%arg17 : memref<!tpu.dma_semaphore, #tpu.memory_space<semaphore_mem>>) src(%dma_wait3A_907 : memref<32x128xf32, #tpu.memory_space<hbm>>) dst(%dma_wait3A_904 : memref<32x128xf32, #tpu.memory_space<vmem>>)
    %dma_wait3A_908 = arith.constant 32 : i32
    %dma_wait3A_909 = arith.constant 0 : i32
    %dma_wait3A_910 = tpu.memref_slice %arg11[%dma_wait3A_908, %dma_wait3A_909] : memref<256x128xf32, #tpu.memory_space<vmem>> -> memref<32x128xf32, #tpu.memory_space<vmem>>
    %dma_wait3A_911 = arith.constant 0 : i32
    %dma_wait3A_912 = arith.constant 0 : i32
    %dma_wait3A_913 = tpu.memref_slice %arg4[%dma_wait3A_911, %dma_wait3A_912] : memref<32x1000000xf32, #tpu.memory_space<hbm>> -> memref<32x128xf32, #tpu.memory_space<hbm>>
    %dma_wait3A_914 = arith.constant 32 : i32
    %dma_wait3A_915 = arith.constant 0 : i32
    %dma_wait3A_916 = tpu.memref_slice %arg11[%dma_wait3A_914, %dma_wait3A_915] : memref<256x128xf32, #tpu.memory_space<vmem>> -> memref<32x128xf32, #tpu.memory_space<vmem>>
    %dma_wait3A_917 = arith.constant 0 : i32
    %dma_wait3A_918 = arith.constant 0 : i32
    %dma_wait3A_919 = tpu.memref_slice %arg4[%dma_wait3A_917, %dma_wait3A_918] : memref<32x1000000xf32, #tpu.memory_space<hbm>> -> memref<32x128xf32, #tpu.memory_space<hbm>>
    tpu.wait_dma2 semaphore(%arg17 : memref<!tpu.dma_semaphore, #tpu.memory_space<semaphore_mem>>) src(%dma_wait3A_919 : memref<32x128xf32, #tpu.memory_space<hbm>>) dst(%dma_wait3A_916 : memref<32x128xf32, #tpu.memory_space<vmem>>)
    %dma_wait3A_920 = arith.constant 64 : i32
    %dma_wait3A_921 = arith.constant 0 : i32
    %dma_wait3A_922 = tpu.memref_slice %arg11[%dma_wait3A_920, %dma_wait3A_921] : memref<256x128xf32, #tpu.memory_space<vmem>> -> memref<32x128xf32, #tpu.memory_space<vmem>>
    %dma_wait3A_923 = arith.constant 0 : i32
    %dma_wait3A_924 = arith.constant 0 : i32
    %dma_wait3A_925 = tpu.memref_slice %arg4[%dma_wait3A_923, %dma_wait3A_924] : memref<32x1000000xf32, #tpu.memory_space<hbm>> -> memref<32x128xf32, #tpu.memory_space<hbm>>
    %dma_wait3A_926 = arith.constant 64 : i32
    %dma_wait3A_927 = arith.constant 0 : i32
    %dma_wait3A_928 = tpu.memref_slice %arg11[%dma_wait3A_926, %dma_wait3A_927] : memref<256x128xf32, #tpu.memory_space<vmem>> -> memref<32x128xf32, #tpu.memory_space<vmem>>
    %dma_wait3A_929 = arith.constant 0 : i32
    %dma_wait3A_930 = arith.constant 0 : i32
    %dma_wait3A_931 = tpu.memref_slice %arg4[%dma_wait3A_929, %dma_wait3A_930] : memref<32x1000000xf32, #tpu.memory_space<hbm>> -> memref<32x128xf32, #tpu.memory_space<hbm>>
    tpu.wait_dma2 semaphore(%arg17 : memref<!tpu.dma_semaphore, #tpu.memory_space<semaphore_mem>>) src(%dma_wait3A_931 : memref<32x128xf32, #tpu.memory_space<hbm>>) dst(%dma_wait3A_928 : memref<32x128xf32, #tpu.memory_space<vmem>>)
    %dma_wait3A_932 = arith.constant 96 : i32
    %dma_wait3A_933 = arith.constant 0 : i32
    %dma_wait3A_934 = tpu.memref_slice %arg11[%dma_wait3A_932, %dma_wait3A_933] : memref<256x128xf32, #tpu.memory_space<vmem>> -> memref<32x128xf32, #tpu.memory_space<vmem>>
    %dma_wait3A_935 = arith.constant 0 : i32
    %dma_wait3A_936 = arith.constant 0 : i32
    %dma_wait3A_937 = tpu.memref_slice %arg4[%dma_wait3A_935, %dma_wait3A_936] : memref<32x1000000xf32, #tpu.memory_space<hbm>> -> memref<32x128xf32, #tpu.memory_space<hbm>>
    %dma_wait3A_938 = arith.constant 96 : i32
    %dma_wait3A_939 = arith.constant 0 : i32
    %dma_wait3A_940 = tpu.memref_slice %arg11[%dma_wait3A_938, %dma_wait3A_939] : memref<256x128xf32, #tpu.memory_space<vmem>> -> memref<32x128xf32, #tpu.memory_space<vmem>>
    %dma_wait3A_941 = arith.constant 0 : i32
    %dma_wait3A_942 = arith.constant 0 : i32
    %dma_wait3A_943 = tpu.memref_slice %arg4[%dma_wait3A_941, %dma_wait3A_942] : memref<32x1000000xf32, #tpu.memory_space<hbm>> -> memref<32x128xf32, #tpu.memory_space<hbm>>
    tpu.wait_dma2 semaphore(%arg17 : memref<!tpu.dma_semaphore, #tpu.memory_space<semaphore_mem>>) src(%dma_wait3A_943 : memref<32x128xf32, #tpu.memory_space<hbm>>) dst(%dma_wait3A_940 : memref<32x128xf32, #tpu.memory_space<vmem>>)
    %dma_wait3A_944 = arith.constant 128 : i32
    %dma_wait3A_945 = arith.constant 0 : i32
    %dma_wait3A_946 = tpu.memref_slice %arg11[%dma_wait3A_944, %dma_wait3A_945] : memref<256x128xf32, #tpu.memory_space<vmem>> -> memref<32x128xf32, #tpu.memory_space<vmem>>
    %dma_wait3A_947 = arith.constant 0 : i32
    %dma_wait3A_948 = arith.constant 0 : i32
    %dma_wait3A_949 = tpu.memref_slice %arg4[%dma_wait3A_947, %dma_wait3A_948] : memref<32x1000000xf32, #tpu.memory_space<hbm>> -> memref<32x128xf32, #tpu.memory_space<hbm>>
    %dma_wait3A_950 = arith.constant 128 : i32
    %dma_wait3A_951 = arith.constant 0 : i32
    %dma_wait3A_952 = tpu.memref_slice %arg11[%dma_wait3A_950, %dma_wait3A_951] : memref<256x128xf32, #tpu.memory_space<vmem>> -> memref<32x128xf32, #tpu.memory_space<vmem>>
    %dma_wait3A_953 = arith.constant 0 : i32
    %dma_wait3A_954 = arith.constant 0 : i32
    %dma_wait3A_955 = tpu.memref_slice %arg4[%dma_wait3A_953, %dma_wait3A_954] : memref<32x1000000xf32, #tpu.memory_space<hbm>> -> memref<32x128xf32, #tpu.memory_space<hbm>>
    tpu.wait_dma2 semaphore(%arg17 : memref<!tpu.dma_semaphore, #tpu.memory_space<semaphore_mem>>) src(%dma_wait3A_955 : memref<32x128xf32, #tpu.memory_space<hbm>>) dst(%dma_wait3A_952 : memref<32x128xf32, #tpu.memory_space<vmem>>)
    %dma_wait3A_956 = arith.constant 160 : i32
    %dma_wait3A_957 = arith.constant 0 : i32
    %dma_wait3A_958 = tpu.memref_slice %arg11[%dma_wait3A_956, %dma_wait3A_957] : memref<256x128xf32, #tpu.memory_space<vmem>> -> memref<32x128xf32, #tpu.memory_space<vmem>>
    %dma_wait3A_959 = arith.constant 0 : i32
    %dma_wait3A_960 = arith.constant 0 : i32
    %dma_wait3A_961 = tpu.memref_slice %arg4[%dma_wait3A_959, %dma_wait3A_960] : memref<32x1000000xf32, #tpu.memory_space<hbm>> -> memref<32x128xf32, #tpu.memory_space<hbm>>
    %dma_wait3A_962 = arith.constant 160 : i32
    %dma_wait3A_963 = arith.constant 0 : i32
    %dma_wait3A_964 = tpu.memref_slice %arg11[%dma_wait3A_962, %dma_wait3A_963] : memref<256x128xf32, #tpu.memory_space<vmem>> -> memref<32x128xf32, #tpu.memory_space<vmem>>
    %dma_wait3A_965 = arith.constant 0 : i32
    %dma_wait3A_966 = arith.constant 0 : i32
    %dma_wait3A_967 = tpu.memref_slice %arg4[%dma_wait3A_965, %dma_wait3A_966] : memref<32x1000000xf32, #tpu.memory_space<hbm>> -> memref<32x128xf32, #tpu.memory_space<hbm>>
    tpu.wait_dma2 semaphore(%arg17 : memref<!tpu.dma_semaphore, #tpu.memory_space<semaphore_mem>>) src(%dma_wait3A_967 : memref<32x128xf32, #tpu.memory_space<hbm>>) dst(%dma_wait3A_964 : memref<32x128xf32, #tpu.memory_space<vmem>>)
    %dma_wait3A_968 = arith.constant 192 : i32
    %dma_wait3A_969 = arith.constant 0 : i32
    %dma_wait3A_970 = tpu.memref_slice %arg11[%dma_wait3A_968, %dma_wait3A_969] : memref<256x128xf32, #tpu.memory_space<vmem>> -> memref<32x128xf32, #tpu.memory_space<vmem>>
    %dma_wait3A_971 = arith.constant 0 : i32
    %dma_wait3A_972 = arith.constant 0 : i32
    %dma_wait3A_973 = tpu.memref_slice %arg4[%dma_wait3A_971, %dma_wait3A_972] : memref<32x1000000xf32, #tpu.memory_space<hbm>> -> memref<32x128xf32, #tpu.memory_space<hbm>>
    %dma_wait3A_974 = arith.constant 192 : i32
    %dma_wait3A_975 = arith.constant 0 : i32
    %dma_wait3A_976 = tpu.memref_slice %arg11[%dma_wait3A_974, %dma_wait3A_975] : memref<256x128xf32, #tpu.memory_space<vmem>> -> memref<32x128xf32, #tpu.memory_space<vmem>>
    %dma_wait3A_977 = arith.constant 0 : i32
    %dma_wait3A_978 = arith.constant 0 : i32
    %dma_wait3A_979 = tpu.memref_slice %arg4[%dma_wait3A_977, %dma_wait3A_978] : memref<32x1000000xf32, #tpu.memory_space<hbm>> -> memref<32x128xf32, #tpu.memory_space<hbm>>
    tpu.wait_dma2 semaphore(%arg17 : memref<!tpu.dma_semaphore, #tpu.memory_space<semaphore_mem>>) src(%dma_wait3A_979 : memref<32x128xf32, #tpu.memory_space<hbm>>) dst(%dma_wait3A_976 : memref<32x128xf32, #tpu.memory_space<vmem>>)
    %dma_wait3A_980 = arith.constant 224 : i32
    %dma_wait3A_981 = arith.constant 0 : i32
    %dma_wait3A_982 = tpu.memref_slice %arg11[%dma_wait3A_980, %dma_wait3A_981] : memref<256x128xf32, #tpu.memory_space<vmem>> -> memref<32x128xf32, #tpu.memory_space<vmem>>
    %dma_wait3A_983 = arith.constant 0 : i32
    %dma_wait3A_984 = arith.constant 0 : i32
    %dma_wait3A_985 = tpu.memref_slice %arg4[%dma_wait3A_983, %dma_wait3A_984] : memref<32x1000000xf32, #tpu.memory_space<hbm>> -> memref<32x128xf32, #tpu.memory_space<hbm>>
    %dma_wait3A_986 = arith.constant 224 : i32
    %dma_wait3A_987 = arith.constant 0 : i32
    %dma_wait3A_988 = tpu.memref_slice %arg11[%dma_wait3A_986, %dma_wait3A_987] : memref<256x128xf32, #tpu.memory_space<vmem>> -> memref<32x128xf32, #tpu.memory_space<vmem>>
    %dma_wait3A_989 = arith.constant 0 : i32
    %dma_wait3A_990 = arith.constant 0 : i32
    %dma_wait3A_991 = tpu.memref_slice %arg4[%dma_wait3A_989, %dma_wait3A_990] : memref<32x1000000xf32, #tpu.memory_space<hbm>> -> memref<32x128xf32, #tpu.memory_space<hbm>>
    tpu.wait_dma2 semaphore(%arg17 : memref<!tpu.dma_semaphore, #tpu.memory_space<semaphore_mem>>) src(%dma_wait3A_991 : memref<32x128xf32, #tpu.memory_space<hbm>>) dst(%dma_wait3A_988 : memref<32x128xf32, #tpu.memory_space<vmem>>)
    %dma_wait3A_992 = arith.constant 0 : i32
    %dma_wait3A_993 = arith.constant 0 : i32
    %dma_wait3A_994 = tpu.memref_slice %arg5[%dma_wait3A_992, %dma_wait3A_993] : memref<100000x32xf32, #tpu.memory_space<hbm>> -> memref<64x32xf32, #tpu.memory_space<hbm>>
    %dma_wait3A_995 = arith.constant 0 : i32
    %dma_wait3A_996 = arith.constant 0 : i32
    %dma_wait3A_997 = tpu.memref_slice %arg5[%dma_wait3A_995, %dma_wait3A_996] : memref<100000x32xf32, #tpu.memory_space<hbm>> -> memref<64x32xf32, #tpu.memory_space<hbm>>
    tpu.wait_dma2 semaphore(%arg19 : memref<!tpu.dma_semaphore, #tpu.memory_space<semaphore_mem>>) src(%dma_wait3A_997 : memref<64x32xf32, #tpu.memory_space<hbm>>) dst(%arg13 : memref<64x32xf32, #tpu.memory_space<vmem>>)
    %slice3A_998 = vector.extract_strided_slice %gather3A_282 {offsets = [0], sizes = [1], strides = [1]} : vector<16xi32> to vector<1xi32>
    %squeeze3A_999 = vector.extract %slice3A_998[0] : i32 from vector<1xi32>
    %slice3A_1000 = vector.extract_strided_slice %gather3A_283 {offsets = [0], sizes = [1], strides = [1]} : vector<16xi32> to vector<1xi32>
    %squeeze3A_1001 = vector.extract %slice3A_1000[0] : i32 from vector<1xi32>
    %and3A_1002 = arith.constant 127 : i32
    %and3A_1003 = arith.andi %squeeze3A_999, %and3A_1002 : i32
    %broadcast_in_dim3A_1004 = vector.broadcast %and3A_1003 : i32 to vector<16xi32>
    %and3A_1005 = arith.constant 7 : i32
    %and3A_1006 = arith.andi %squeeze3A_1001, %and3A_1005 : i32
    %add3A_1007 = arith.constant 0 : i32
    %add3A_1008 = arith.addi %add3A_1007, %and3A_1006 : i32
    %broadcast_in_dim3A_1009 = vector.broadcast %add3A_1008 : i32 to vector<16xi32>
    %broadcast_in_dim3A_1010 = arith.constant 504 : i32
    %broadcast_in_dim3A_1011 = vector.broadcast %broadcast_in_dim3A_1010 : i32 to vector<16xi32>
    %add3A_1012 = arith.constant 0 : i32
    %add3A_1013 = vector.broadcast %add3A_1012 : i32 to vector<16xi32>
    %add3A_1014 = arith.addi %iota3A, %add3A_1013 : vector<16xi32>
    %broadcast_in_dim3A_1015 = arith.constant 0 : i32
    %broadcast_in_dim3A_1016 = vector.broadcast %broadcast_in_dim3A_1015 : i32 to vector<16xi32>
    %add3A_1017 = arith.addi %broadcast_in_dim3A_1016, %iota3A : vector<16xi32>
    %gather3A_1018 = tpu.vector_load_idx %arg11[%add3A_1017, %broadcast_in_dim3A_1004] : memref<256x128xf32, #tpu.memory_space<vmem>>[vector<16xi32>, vector<16xi32>], vector<16xf32>,
    tpu.vector_store_idx %arg14[%add3A_1014, %broadcast_in_dim3A_1011], %gather3A_1018 : memref<32x512xf32, #tpu.memory_space<vmem>>[vector<16xi32>, vector<16xi32>], vector<16xf32>,
    %gather3A_1019 = tpu.vector_load_idx %arg13[%broadcast_in_dim3A_1009, %add3A_1014] : memref<64x32xf32, #tpu.memory_space<vmem>>[vector<16xi32>, vector<16xi32>], vector<16xf32>,
    tpu.vector_store_idx %arg15[%add3A_1014, %broadcast_in_dim3A_1011], %gather3A_1019 : memref<32x512xf32, #tpu.memory_space<vmem>>[vector<16xi32>, vector<16xi32>], vector<16xf32>,
    %add3A_1020 = arith.constant 16 : i32
    %add3A_1021 = vector.broadcast %add3A_1020 : i32 to vector<16xi32>
    %add3A_1022 = arith.addi %iota3A, %add3A_1021 : vector<16xi32>
    %broadcast_in_dim3A_1023 = arith.constant 16 : i32
    %broadcast_in_dim3A_1024 = vector.broadcast %broadcast_in_dim3A_1023 : i32 to vector<16xi32>
    %add3A_1025 = arith.addi %broadcast_in_dim3A_1024, %iota3A : vector<16xi32>
    %gather3A_1026 = tpu.vector_load_idx %arg11[%add3A_1025, %broadcast_in_dim3A_1004] : memref<256x128xf32, #tpu.memory_space<vmem>>[vector<16xi32>, vector<16xi32>], vector<16xf32>,
    tpu.vector_store_idx %arg14[%add3A_1022, %broadcast_in_dim3A_1011], %gather3A_1026 : memref<32x512xf32, #tpu.memory_space<vmem>>[vector<16xi32>, vector<16xi32>], vector<16xf32>,
    %gather3A_1027 = tpu.vector_load_idx %arg13[%broadcast_in_dim3A_1009, %add3A_1022] : memref<64x32xf32, #tpu.memory_space<vmem>>[vector<16xi32>, vector<16xi32>], vector<16xf32>,
    tpu.vector_store_idx %arg15[%add3A_1022, %broadcast_in_dim3A_1011], %gather3A_1027 : memref<32x512xf32, #tpu.memory_space<vmem>>[vector<16xi32>, vector<16xi32>], vector<16xf32>,
    %slice3A_1028 = vector.extract_strided_slice %gather3A_282 {offsets = [1], sizes = [1], strides = [1]} : vector<16xi32> to vector<1xi32>
    %squeeze3A_1029 = vector.extract %slice3A_1028[0] : i32 from vector<1xi32>
    %slice3A_1030 = vector.extract_strided_slice %gather3A_283 {offsets = [1], sizes = [1], strides = [1]} : vector<16xi32> to vector<1xi32>
    %squeeze3A_1031 = vector.extract %slice3A_1030[0] : i32 from vector<1xi32>
    %and3A_1032 = arith.constant 127 : i32
    %and3A_1033 = arith.andi %squeeze3A_1029, %and3A_1032 : i32
    %broadcast_in_dim3A_1034 = vector.broadcast %and3A_1033 : i32 to vector<16xi32>
    %and3A_1035 = arith.constant 7 : i32
    %and3A_1036 = arith.andi %squeeze3A_1031, %and3A_1035 : i32
    %add3A_1037 = arith.constant 8 : i32
    %add3A_1038 = arith.addi %add3A_1037, %and3A_1036 : i32
    %broadcast_in_dim3A_1039 = vector.broadcast %add3A_1038 : i32 to vector<16xi32>
    %broadcast_in_dim3A_1040 = arith.constant 505 : i32
    %broadcast_in_dim3A_1041 = vector.broadcast %broadcast_in_dim3A_1040 : i32 to vector<16xi32>
    %add3A_1042 = arith.constant 0 : i32
    %add3A_1043 = vector.broadcast %add3A_1042 : i32 to vector<16xi32>
    %add3A_1044 = arith.addi %iota3A, %add3A_1043 : vector<16xi32>
    %broadcast_in_dim3A_1045 = arith.constant 32 : i32
    %broadcast_in_dim3A_1046 = vector.broadcast %broadcast_in_dim3A_1045 : i32 to vector<16xi32>
    %add3A_1047 = arith.addi %broadcast_in_dim3A_1046, %iota3A : vector<16xi32>
    %gather3A_1048 = tpu.vector_load_idx %arg11[%add3A_1047, %broadcast_in_dim3A_1034] : memref<256x128xf32, #tpu.memory_space<vmem>>[vector<16xi32>, vector<16xi32>], vector<16xf32>,
    tpu.vector_store_idx %arg14[%add3A_1044, %broadcast_in_dim3A_1041], %gather3A_1048 : memref<32x512xf32, #tpu.memory_space<vmem>>[vector<16xi32>, vector<16xi32>], vector<16xf32>,
    %gather3A_1049 = tpu.vector_load_idx %arg13[%broadcast_in_dim3A_1039, %add3A_1044] : memref<64x32xf32, #tpu.memory_space<vmem>>[vector<16xi32>, vector<16xi32>], vector<16xf32>,
    tpu.vector_store_idx %arg15[%add3A_1044, %broadcast_in_dim3A_1041], %gather3A_1049 : memref<32x512xf32, #tpu.memory_space<vmem>>[vector<16xi32>, vector<16xi32>], vector<16xf32>,
    %add3A_1050 = arith.constant 16 : i32
    %add3A_1051 = vector.broadcast %add3A_1050 : i32 to vector<16xi32>
    %add3A_1052 = arith.addi %iota3A, %add3A_1051 : vector<16xi32>
    %broadcast_in_dim3A_1053 = arith.constant 48 : i32
    %broadcast_in_dim3A_1054 = vector.broadcast %broadcast_in_dim3A_1053 : i32 to vector<16xi32>
    %add3A_1055 = arith.addi %broadcast_in_dim3A_1054, %iota3A : vector<16xi32>
    %gather3A_1056 = tpu.vector_load_idx %arg11[%add3A_1055, %broadcast_in_dim3A_1034] : memref<256x128xf32, #tpu.memory_space<vmem>>[vector<16xi32>, vector<16xi32>], vector<16xf32>,
    tpu.vector_store_idx %arg14[%add3A_1052, %broadcast_in_dim3A_1041], %gather3A_1056 : memref<32x512xf32, #tpu.memory_space<vmem>>[vector<16xi32>, vector<16xi32>], vector<16xf32>,
    %gather3A_1057 = tpu.vector_load_idx %arg13[%broadcast_in_dim3A_1039, %add3A_1052] : memref<64x32xf32, #tpu.memory_space<vmem>>[vector<16xi32>, vector<16xi32>], vector<16xf32>,
    tpu.vector_store_idx %arg15[%add3A_1052, %broadcast_in_dim3A_1041], %gather3A_1057 : memref<32x512xf32, #tpu.memory_space<vmem>>[vector<16xi32>, vector<16xi32>], vector<16xf32>,
    %slice3A_1058 = vector.extract_strided_slice %gather3A_282 {offsets = [2], sizes = [1], strides = [1]} : vector<16xi32> to vector<1xi32>
    %squeeze3A_1059 = vector.extract %slice3A_1058[0] : i32 from vector<1xi32>
    %slice3A_1060 = vector.extract_strided_slice %gather3A_283 {offsets = [2], sizes = [1], strides = [1]} : vector<16xi32> to vector<1xi32>
    %squeeze3A_1061 = vector.extract %slice3A_1060[0] : i32 from vector<1xi32>
    %and3A_1062 = arith.constant 127 : i32
    %and3A_1063 = arith.andi %squeeze3A_1059, %and3A_1062 : i32
    %broadcast_in_dim3A_1064 = vector.broadcast %and3A_1063 : i32 to vector<16xi32>
    %and3A_1065 = arith.constant 7 : i32
    %and3A_1066 = arith.andi %squeeze3A_1061, %and3A_1065 : i32
    %add3A_1067 = arith.constant 16 : i32
    %add3A_1068 = arith.addi %add3A_1067, %and3A_1066 : i32
    %broadcast_in_dim3A_1069 = vector.broadcast %add3A_1068 : i32 to vector<16xi32>
    %broadcast_in_dim3A_1070 = arith.constant 506 : i32
    %broadcast_in_dim3A_1071 = vector.broadcast %broadcast_in_dim3A_1070 : i32 to vector<16xi32>
    %add3A_1072 = arith.constant 0 : i32
    %add3A_1073 = vector.broadcast %add3A_1072 : i32 to vector<16xi32>
    %add3A_1074 = arith.addi %iota3A, %add3A_1073 : vector<16xi32>
    %broadcast_in_dim3A_1075 = arith.constant 64 : i32
    %broadcast_in_dim3A_1076 = vector.broadcast %broadcast_in_dim3A_1075 : i32 to vector<16xi32>
    %add3A_1077 = arith.addi %broadcast_in_dim3A_1076, %iota3A : vector<16xi32>
    %gather3A_1078 = tpu.vector_load_idx %arg11[%add3A_1077, %broadcast_in_dim3A_1064] : memref<256x128xf32, #tpu.memory_space<vmem>>[vector<16xi32>, vector<16xi32>], vector<16xf32>,
    tpu.vector_store_idx %arg14[%add3A_1074, %broadcast_in_dim3A_1071], %gather3A_1078 : memref<32x512xf32, #tpu.memory_space<vmem>>[vector<16xi32>, vector<16xi32>], vector<16xf32>,
    %gather3A_1079 = tpu.vector_load_idx %arg13[%broadcast_in_dim3A_1069, %add3A_1074] : memref<64x32xf32, #tpu.memory_space<vmem>>[vector<16xi32>, vector<16xi32>], vector<16xf32>,
    tpu.vector_store_idx %arg15[%add3A_1074, %broadcast_in_dim3A_1071], %gather3A_1079 : memref<32x512xf32, #tpu.memory_space<vmem>>[vector<16xi32>, vector<16xi32>], vector<16xf32>,
    %add3A_1080 = arith.constant 16 : i32
    %add3A_1081 = vector.broadcast %add3A_1080 : i32 to vector<16xi32>
    %add3A_1082 = arith.addi %iota3A, %add3A_1081 : vector<16xi32>
    %broadcast_in_dim3A_1083 = arith.constant 80 : i32
    %broadcast_in_dim3A_1084 = vector.broadcast %broadcast_in_dim3A_1083 : i32 to vector<16xi32>
    %add3A_1085 = arith.addi %broadcast_in_dim3A_1084, %iota3A : vector<16xi32>
    %gather3A_1086 = tpu.vector_load_idx %arg11[%add3A_1085, %broadcast_in_dim3A_1064] : memref<256x128xf32, #tpu.memory_space<vmem>>[vector<16xi32>, vector<16xi32>], vector<16xf32>,
    tpu.vector_store_idx %arg14[%add3A_1082, %broadcast_in_dim3A_1071], %gather3A_1086 : memref<32x512xf32, #tpu.memory_space<vmem>>[vector<16xi32>, vector<16xi32>], vector<16xf32>,
    %gather3A_1087 = tpu.vector_load_idx %arg13[%broadcast_in_dim3A_1069, %add3A_1082] : memref<64x32xf32, #tpu.memory_space<vmem>>[vector<16xi32>, vector<16xi32>], vector<16xf32>,
    tpu.vector_store_idx %arg15[%add3A_1082, %broadcast_in_dim3A_1071], %gather3A_1087 : memref<32x512xf32, #tpu.memory_space<vmem>>[vector<16xi32>, vector<16xi32>], vector<16xf32>,
    %slice3A_1088 = vector.extract_strided_slice %gather3A_282 {offsets = [3], sizes = [1], strides = [1]} : vector<16xi32> to vector<1xi32>
    %squeeze3A_1089 = vector.extract %slice3A_1088[0] : i32 from vector<1xi32>
    %slice3A_1090 = vector.extract_strided_slice %gather3A_283 {offsets = [3], sizes = [1], strides = [1]} : vector<16xi32> to vector<1xi32>
    %squeeze3A_1091 = vector.extract %slice3A_1090[0] : i32 from vector<1xi32>
    %and3A_1092 = arith.constant 127 : i32
    %and3A_1093 = arith.andi %squeeze3A_1089, %and3A_1092 : i32
    %broadcast_in_dim3A_1094 = vector.broadcast %and3A_1093 : i32 to vector<16xi32>
    %and3A_1095 = arith.constant 7 : i32
    %and3A_1096 = arith.andi %squeeze3A_1091, %and3A_1095 : i32
    %add3A_1097 = arith.constant 24 : i32
    %add3A_1098 = arith.addi %add3A_1097, %and3A_1096 : i32
    %broadcast_in_dim3A_1099 = vector.broadcast %add3A_1098 : i32 to vector<16xi32>
    %broadcast_in_dim3A_1100 = arith.constant 507 : i32
    %broadcast_in_dim3A_1101 = vector.broadcast %broadcast_in_dim3A_1100 : i32 to vector<16xi32>
    %add3A_1102 = arith.constant 0 : i32
    %add3A_1103 = vector.broadcast %add3A_1102 : i32 to vector<16xi32>
    %add3A_1104 = arith.addi %iota3A, %add3A_1103 : vector<16xi32>
    %broadcast_in_dim3A_1105 = arith.constant 96 : i32
    %broadcast_in_dim3A_1106 = vector.broadcast %broadcast_in_dim3A_1105 : i32 to vector<16xi32>
    %add3A_1107 = arith.addi %broadcast_in_dim3A_1106, %iota3A : vector<16xi32>
    %gather3A_1108 = tpu.vector_load_idx %arg11[%add3A_1107, %broadcast_in_dim3A_1094] : memref<256x128xf32, #tpu.memory_space<vmem>>[vector<16xi32>, vector<16xi32>], vector<16xf32>,
    tpu.vector_store_idx %arg14[%add3A_1104, %broadcast_in_dim3A_1101], %gather3A_1108 : memref<32x512xf32, #tpu.memory_space<vmem>>[vector<16xi32>, vector<16xi32>], vector<16xf32>,
    %gather3A_1109 = tpu.vector_load_idx %arg13[%broadcast_in_dim3A_1099, %add3A_1104] : memref<64x32xf32, #tpu.memory_space<vmem>>[vector<16xi32>, vector<16xi32>], vector<16xf32>,
    tpu.vector_store_idx %arg15[%add3A_1104, %broadcast_in_dim3A_1101], %gather3A_1109 : memref<32x512xf32, #tpu.memory_space<vmem>>[vector<16xi32>, vector<16xi32>], vector<16xf32>,
    %add3A_1110 = arith.constant 16 : i32
    %add3A_1111 = vector.broadcast %add3A_1110 : i32 to vector<16xi32>
    %add3A_1112 = arith.addi %iota3A, %add3A_1111 : vector<16xi32>
    %broadcast_in_dim3A_1113 = arith.constant 112 : i32
    %broadcast_in_dim3A_1114 = vector.broadcast %broadcast_in_dim3A_1113 : i32 to vector<16xi32>
    %add3A_1115 = arith.addi %broadcast_in_dim3A_1114, %iota3A : vector<16xi32>
    %gather3A_1116 = tpu.vector_load_idx %arg11[%add3A_1115, %broadcast_in_dim3A_1094] : memref<256x128xf32, #tpu.memory_space<vmem>>[vector<16xi32>, vector<16xi32>], vector<16xf32>,
    tpu.vector_store_idx %arg14[%add3A_1112, %broadcast_in_dim3A_1101], %gather3A_1116 : memref<32x512xf32, #tpu.memory_space<vmem>>[vector<16xi32>, vector<16xi32>], vector<16xf32>,
    %gather3A_1117 = tpu.vector_load_idx %arg13[%broadcast_in_dim3A_1099, %add3A_1112] : memref<64x32xf32, #tpu.memory_space<vmem>>[vector<16xi32>, vector<16xi32>], vector<16xf32>,
    tpu.vector_store_idx %arg15[%add3A_1112, %broadcast_in_dim3A_1101], %gather3A_1117 : memref<32x512xf32, #tpu.memory_space<vmem>>[vector<16xi32>, vector<16xi32>], vector<16xf32>,
    %slice3A_1118 = vector.extract_strided_slice %gather3A_282 {offsets = [4], sizes = [1], strides = [1]} : vector<16xi32> to vector<1xi32>
    %squeeze3A_1119 = vector.extract %slice3A_1118[0] : i32 from vector<1xi32>
    %slice3A_1120 = vector.extract_strided_slice %gather3A_283 {offsets = [4], sizes = [1], strides = [1]} : vector<16xi32> to vector<1xi32>
    %squeeze3A_1121 = vector.extract %slice3A_1120[0] : i32 from vector<1xi32>
    %and3A_1122 = arith.constant 127 : i32
    %and3A_1123 = arith.andi %squeeze3A_1119, %and3A_1122 : i32
    %broadcast_in_dim3A_1124 = vector.broadcast %and3A_1123 : i32 to vector<16xi32>
    %and3A_1125 = arith.constant 7 : i32
    %and3A_1126 = arith.andi %squeeze3A_1121, %and3A_1125 : i32
    %add3A_1127 = arith.constant 32 : i32
    %add3A_1128 = arith.addi %add3A_1127, %and3A_1126 : i32
    %broadcast_in_dim3A_1129 = vector.broadcast %add3A_1128 : i32 to vector<16xi32>
    %broadcast_in_dim3A_1130 = arith.constant 508 : i32
    %broadcast_in_dim3A_1131 = vector.broadcast %broadcast_in_dim3A_1130 : i32 to vector<16xi32>
    %add3A_1132 = arith.constant 0 : i32
    %add3A_1133 = vector.broadcast %add3A_1132 : i32 to vector<16xi32>
    %add3A_1134 = arith.addi %iota3A, %add3A_1133 : vector<16xi32>
    %broadcast_in_dim3A_1135 = arith.constant 128 : i32
    %broadcast_in_dim3A_1136 = vector.broadcast %broadcast_in_dim3A_1135 : i32 to vector<16xi32>
    %add3A_1137 = arith.addi %broadcast_in_dim3A_1136, %iota3A : vector<16xi32>
    %gather3A_1138 = tpu.vector_load_idx %arg11[%add3A_1137, %broadcast_in_dim3A_1124] : memref<256x128xf32, #tpu.memory_space<vmem>>[vector<16xi32>, vector<16xi32>], vector<16xf32>,
    tpu.vector_store_idx %arg14[%add3A_1134, %broadcast_in_dim3A_1131], %gather3A_1138 : memref<32x512xf32, #tpu.memory_space<vmem>>[vector<16xi32>, vector<16xi32>], vector<16xf32>,
    %gather3A_1139 = tpu.vector_load_idx %arg13[%broadcast_in_dim3A_1129, %add3A_1134] : memref<64x32xf32, #tpu.memory_space<vmem>>[vector<16xi32>, vector<16xi32>], vector<16xf32>,
    tpu.vector_store_idx %arg15[%add3A_1134, %broadcast_in_dim3A_1131], %gather3A_1139 : memref<32x512xf32, #tpu.memory_space<vmem>>[vector<16xi32>, vector<16xi32>], vector<16xf32>,
    %add3A_1140 = arith.constant 16 : i32
    %add3A_1141 = vector.broadcast %add3A_1140 : i32 to vector<16xi32>
    %add3A_1142 = arith.addi %iota3A, %add3A_1141 : vector<16xi32>
    %broadcast_in_dim3A_1143 = arith.constant 144 : i32
    %broadcast_in_dim3A_1144 = vector.broadcast %broadcast_in_dim3A_1143 : i32 to vector<16xi32>
    %add3A_1145 = arith.addi %broadcast_in_dim3A_1144, %iota3A : vector<16xi32>
    %gather3A_1146 = tpu.vector_load_idx %arg11[%add3A_1145, %broadcast_in_dim3A_1124] : memref<256x128xf32, #tpu.memory_space<vmem>>[vector<16xi32>, vector<16xi32>], vector<16xf32>,
    tpu.vector_store_idx %arg14[%add3A_1142, %broadcast_in_dim3A_1131], %gather3A_1146 : memref<32x512xf32, #tpu.memory_space<vmem>>[vector<16xi32>, vector<16xi32>], vector<16xf32>,
    %gather3A_1147 = tpu.vector_load_idx %arg13[%broadcast_in_dim3A_1129, %add3A_1142] : memref<64x32xf32, #tpu.memory_space<vmem>>[vector<16xi32>, vector<16xi32>], vector<16xf32>,
    tpu.vector_store_idx %arg15[%add3A_1142, %broadcast_in_dim3A_1131], %gather3A_1147 : memref<32x512xf32, #tpu.memory_space<vmem>>[vector<16xi32>, vector<16xi32>], vector<16xf32>,
    %slice3A_1148 = vector.extract_strided_slice %gather3A_282 {offsets = [5], sizes = [1], strides = [1]} : vector<16xi32> to vector<1xi32>
    %squeeze3A_1149 = vector.extract %slice3A_1148[0] : i32 from vector<1xi32>
    %slice3A_1150 = vector.extract_strided_slice %gather3A_283 {offsets = [5], sizes = [1], strides = [1]} : vector<16xi32> to vector<1xi32>
    %squeeze3A_1151 = vector.extract %slice3A_1150[0] : i32 from vector<1xi32>
    %and3A_1152 = arith.constant 127 : i32
    %and3A_1153 = arith.andi %squeeze3A_1149, %and3A_1152 : i32
    %broadcast_in_dim3A_1154 = vector.broadcast %and3A_1153 : i32 to vector<16xi32>
    %and3A_1155 = arith.constant 7 : i32
    %and3A_1156 = arith.andi %squeeze3A_1151, %and3A_1155 : i32
    %add3A_1157 = arith.constant 40 : i32
    %add3A_1158 = arith.addi %add3A_1157, %and3A_1156 : i32
    %broadcast_in_dim3A_1159 = vector.broadcast %add3A_1158 : i32 to vector<16xi32>
    %broadcast_in_dim3A_1160 = arith.constant 509 : i32
    %broadcast_in_dim3A_1161 = vector.broadcast %broadcast_in_dim3A_1160 : i32 to vector<16xi32>
    %add3A_1162 = arith.constant 0 : i32
    %add3A_1163 = vector.broadcast %add3A_1162 : i32 to vector<16xi32>
    %add3A_1164 = arith.addi %iota3A, %add3A_1163 : vector<16xi32>
    %broadcast_in_dim3A_1165 = arith.constant 160 : i32
    %broadcast_in_dim3A_1166 = vector.broadcast %broadcast_in_dim3A_1165 : i32 to vector<16xi32>
    %add3A_1167 = arith.addi %broadcast_in_dim3A_1166, %iota3A : vector<16xi32>
    %gather3A_1168 = tpu.vector_load_idx %arg11[%add3A_1167, %broadcast_in_dim3A_1154] : memref<256x128xf32, #tpu.memory_space<vmem>>[vector<16xi32>, vector<16xi32>], vector<16xf32>,
    tpu.vector_store_idx %arg14[%add3A_1164, %broadcast_in_dim3A_1161], %gather3A_1168 : memref<32x512xf32, #tpu.memory_space<vmem>>[vector<16xi32>, vector<16xi32>], vector<16xf32>,
    %gather3A_1169 = tpu.vector_load_idx %arg13[%broadcast_in_dim3A_1159, %add3A_1164] : memref<64x32xf32, #tpu.memory_space<vmem>>[vector<16xi32>, vector<16xi32>], vector<16xf32>,
    tpu.vector_store_idx %arg15[%add3A_1164, %broadcast_in_dim3A_1161], %gather3A_1169 : memref<32x512xf32, #tpu.memory_space<vmem>>[vector<16xi32>, vector<16xi32>], vector<16xf32>,
    %add3A_1170 = arith.constant 16 : i32
    %add3A_1171 = vector.broadcast %add3A_1170 : i32 to vector<16xi32>
    %add3A_1172 = arith.addi %iota3A, %add3A_1171 : vector<16xi32>
    %broadcast_in_dim3A_1173 = arith.constant 176 : i32
    %broadcast_in_dim3A_1174 = vector.broadcast %broadcast_in_dim3A_1173 : i32 to vector<16xi32>
    %add3A_1175 = arith.addi %broadcast_in_dim3A_1174, %iota3A : vector<16xi32>
    %gather3A_1176 = tpu.vector_load_idx %arg11[%add3A_1175, %broadcast_in_dim3A_1154] : memref<256x128xf32, #tpu.memory_space<vmem>>[vector<16xi32>, vector<16xi32>], vector<16xf32>,
    tpu.vector_store_idx %arg14[%add3A_1172, %broadcast_in_dim3A_1161], %gather3A_1176 : memref<32x512xf32, #tpu.memory_space<vmem>>[vector<16xi32>, vector<16xi32>], vector<16xf32>,
    %gather3A_1177 = tpu.vector_load_idx %arg13[%broadcast_in_dim3A_1159, %add3A_1172] : memref<64x32xf32, #tpu.memory_space<vmem>>[vector<16xi32>, vector<16xi32>], vector<16xf32>,
    tpu.vector_store_idx %arg15[%add3A_1172, %broadcast_in_dim3A_1161], %gather3A_1177 : memref<32x512xf32, #tpu.memory_space<vmem>>[vector<16xi32>, vector<16xi32>], vector<16xf32>,
    %slice3A_1178 = vector.extract_strided_slice %gather3A_282 {offsets = [6], sizes = [1], strides = [1]} : vector<16xi32> to vector<1xi32>
    %squeeze3A_1179 = vector.extract %slice3A_1178[0] : i32 from vector<1xi32>
    %slice3A_1180 = vector.extract_strided_slice %gather3A_283 {offsets = [6], sizes = [1], strides = [1]} : vector<16xi32> to vector<1xi32>
    %squeeze3A_1181 = vector.extract %slice3A_1180[0] : i32 from vector<1xi32>
    %and3A_1182 = arith.constant 127 : i32
    %and3A_1183 = arith.andi %squeeze3A_1179, %and3A_1182 : i32
    %broadcast_in_dim3A_1184 = vector.broadcast %and3A_1183 : i32 to vector<16xi32>
    %and3A_1185 = arith.constant 7 : i32
    %and3A_1186 = arith.andi %squeeze3A_1181, %and3A_1185 : i32
    %add3A_1187 = arith.constant 48 : i32
    %add3A_1188 = arith.addi %add3A_1187, %and3A_1186 : i32
    %broadcast_in_dim3A_1189 = vector.broadcast %add3A_1188 : i32 to vector<16xi32>
    %broadcast_in_dim3A_1190 = arith.constant 510 : i32
    %broadcast_in_dim3A_1191 = vector.broadcast %broadcast_in_dim3A_1190 : i32 to vector<16xi32>
    %add3A_1192 = arith.constant 0 : i32
    %add3A_1193 = vector.broadcast %add3A_1192 : i32 to vector<16xi32>
    %add3A_1194 = arith.addi %iota3A, %add3A_1193 : vector<16xi32>
    %broadcast_in_dim3A_1195 = arith.constant 192 : i32
    %broadcast_in_dim3A_1196 = vector.broadcast %broadcast_in_dim3A_1195 : i32 to vector<16xi32>
    %add3A_1197 = arith.addi %broadcast_in_dim3A_1196, %iota3A : vector<16xi32>
    %gather3A_1198 = tpu.vector_load_idx %arg11[%add3A_1197, %broadcast_in_dim3A_1184] : memref<256x128xf32, #tpu.memory_space<vmem>>[vector<16xi32>, vector<16xi32>], vector<16xf32>,
    tpu.vector_store_idx %arg14[%add3A_1194, %broadcast_in_dim3A_1191], %gather3A_1198 : memref<32x512xf32, #tpu.memory_space<vmem>>[vector<16xi32>, vector<16xi32>], vector<16xf32>,
    %gather3A_1199 = tpu.vector_load_idx %arg13[%broadcast_in_dim3A_1189, %add3A_1194] : memref<64x32xf32, #tpu.memory_space<vmem>>[vector<16xi32>, vector<16xi32>], vector<16xf32>,
    tpu.vector_store_idx %arg15[%add3A_1194, %broadcast_in_dim3A_1191], %gather3A_1199 : memref<32x512xf32, #tpu.memory_space<vmem>>[vector<16xi32>, vector<16xi32>], vector<16xf32>,
    %add3A_1200 = arith.constant 16 : i32
    %add3A_1201 = vector.broadcast %add3A_1200 : i32 to vector<16xi32>
    %add3A_1202 = arith.addi %iota3A, %add3A_1201 : vector<16xi32>
    %broadcast_in_dim3A_1203 = arith.constant 208 : i32
    %broadcast_in_dim3A_1204 = vector.broadcast %broadcast_in_dim3A_1203 : i32 to vector<16xi32>
    %add3A_1205 = arith.addi %broadcast_in_dim3A_1204, %iota3A : vector<16xi32>
    %gather3A_1206 = tpu.vector_load_idx %arg11[%add3A_1205, %broadcast_in_dim3A_1184] : memref<256x128xf32, #tpu.memory_space<vmem>>[vector<16xi32>, vector<16xi32>], vector<16xf32>,
    tpu.vector_store_idx %arg14[%add3A_1202, %broadcast_in_dim3A_1191], %gather3A_1206 : memref<32x512xf32, #tpu.memory_space<vmem>>[vector<16xi32>, vector<16xi32>], vector<16xf32>,
    %gather3A_1207 = tpu.vector_load_idx %arg13[%broadcast_in_dim3A_1189, %add3A_1202] : memref<64x32xf32, #tpu.memory_space<vmem>>[vector<16xi32>, vector<16xi32>], vector<16xf32>,
    tpu.vector_store_idx %arg15[%add3A_1202, %broadcast_in_dim3A_1191], %gather3A_1207 : memref<32x512xf32, #tpu.memory_space<vmem>>[vector<16xi32>, vector<16xi32>], vector<16xf32>,
    %slice3A_1208 = vector.extract_strided_slice %gather3A_282 {offsets = [7], sizes = [1], strides = [1]} : vector<16xi32> to vector<1xi32>
    %squeeze3A_1209 = vector.extract %slice3A_1208[0] : i32 from vector<1xi32>
    %slice3A_1210 = vector.extract_strided_slice %gather3A_283 {offsets = [7], sizes = [1], strides = [1]} : vector<16xi32> to vector<1xi32>
    %squeeze3A_1211 = vector.extract %slice3A_1210[0] : i32 from vector<1xi32>
    %and3A_1212 = arith.constant 127 : i32
    %and3A_1213 = arith.andi %squeeze3A_1209, %and3A_1212 : i32
    %broadcast_in_dim3A_1214 = vector.broadcast %and3A_1213 : i32 to vector<16xi32>
    %and3A_1215 = arith.constant 7 : i32
    %and3A_1216 = arith.andi %squeeze3A_1211, %and3A_1215 : i32
    %add3A_1217 = arith.constant 56 : i32
    %add3A_1218 = arith.addi %add3A_1217, %and3A_1216 : i32
    %broadcast_in_dim3A_1219 = vector.broadcast %add3A_1218 : i32 to vector<16xi32>
    %broadcast_in_dim3A_1220 = arith.constant 511 : i32
    %broadcast_in_dim3A_1221 = vector.broadcast %broadcast_in_dim3A_1220 : i32 to vector<16xi32>
    %add3A_1222 = arith.constant 0 : i32
    %add3A_1223 = vector.broadcast %add3A_1222 : i32 to vector<16xi32>
    %add3A_1224 = arith.addi %iota3A, %add3A_1223 : vector<16xi32>
    %broadcast_in_dim3A_1225 = arith.constant 224 : i32
    %broadcast_in_dim3A_1226 = vector.broadcast %broadcast_in_dim3A_1225 : i32 to vector<16xi32>
    %add3A_1227 = arith.addi %broadcast_in_dim3A_1226, %iota3A : vector<16xi32>
    %gather3A_1228 = tpu.vector_load_idx %arg11[%add3A_1227, %broadcast_in_dim3A_1214] : memref<256x128xf32, #tpu.memory_space<vmem>>[vector<16xi32>, vector<16xi32>], vector<16xf32>,
    tpu.vector_store_idx %arg14[%add3A_1224, %broadcast_in_dim3A_1221], %gather3A_1228 : memref<32x512xf32, #tpu.memory_space<vmem>>[vector<16xi32>, vector<16xi32>], vector<16xf32>,
    %gather3A_1229 = tpu.vector_load_idx %arg13[%broadcast_in_dim3A_1219, %add3A_1224] : memref<64x32xf32, #tpu.memory_space<vmem>>[vector<16xi32>, vector<16xi32>], vector<16xf32>,
    tpu.vector_store_idx %arg15[%add3A_1224, %broadcast_in_dim3A_1221], %gather3A_1229 : memref<32x512xf32, #tpu.memory_space<vmem>>[vector<16xi32>, vector<16xi32>], vector<16xf32>,
    %add3A_1230 = arith.constant 16 : i32
    %add3A_1231 = vector.broadcast %add3A_1230 : i32 to vector<16xi32>
    %add3A_1232 = arith.addi %iota3A, %add3A_1231 : vector<16xi32>
    %broadcast_in_dim3A_1233 = arith.constant 240 : i32
    %broadcast_in_dim3A_1234 = vector.broadcast %broadcast_in_dim3A_1233 : i32 to vector<16xi32>
    %add3A_1235 = arith.addi %broadcast_in_dim3A_1234, %iota3A : vector<16xi32>
    %gather3A_1236 = tpu.vector_load_idx %arg11[%add3A_1235, %broadcast_in_dim3A_1214] : memref<256x128xf32, #tpu.memory_space<vmem>>[vector<16xi32>, vector<16xi32>], vector<16xf32>,
    tpu.vector_store_idx %arg14[%add3A_1232, %broadcast_in_dim3A_1221], %gather3A_1236 : memref<32x512xf32, #tpu.memory_space<vmem>>[vector<16xi32>, vector<16xi32>], vector<16xf32>,
    %gather3A_1237 = tpu.vector_load_idx %arg13[%broadcast_in_dim3A_1219, %add3A_1232] : memref<64x32xf32, #tpu.memory_space<vmem>>[vector<16xi32>, vector<16xi32>], vector<16xf32>,
    tpu.vector_store_idx %arg15[%add3A_1232, %broadcast_in_dim3A_1221], %gather3A_1237 : memref<32x512xf32, #tpu.memory_space<vmem>>[vector<16xi32>, vector<16xi32>], vector<16xf32>,
    "tpu.region"() ({
      %run_scoped3A = tpu.sem_alloc : memref<!tpu.dma_semaphore, #tpu.memory_space<semaphore_mem>>
      %dma_start3A_1238 = arith.constant 0 : i32
      %dma_start3A_1239 = tpu.memref_slice %arg6[%dma_start3A_1238, %multiple_of3A] : memref<32x16384xf32, #tpu.memory_space<hbm>> -> memref<32x512xf32, #tpu.memory_space<hbm>>
      %dma_start3A_1240 = arith.constant 0 : i32
      %dma_start3A_1241 = tpu.memref_slice %arg6[%dma_start3A_1240, %multiple_of3A] : memref<32x16384xf32, #tpu.memory_space<hbm>> -> memref<32x512xf32, #tpu.memory_space<hbm>>
      tpu.enqueue_dma source(%arg14 : memref<32x512xf32, #tpu.memory_space<vmem>>) target(%dma_start3A_1241 : memref<32x512xf32, #tpu.memory_space<hbm>>) target_semaphore(%run_scoped3A : memref<!tpu.dma_semaphore, #tpu.memory_space<semaphore_mem>>)
      %dma_wait3A_1242 = arith.constant 0 : i32
      %dma_wait3A_1243 = tpu.memref_slice %arg6[%dma_wait3A_1242, %multiple_of3A] : memref<32x16384xf32, #tpu.memory_space<hbm>> -> memref<32x512xf32, #tpu.memory_space<hbm>>
      %dma_wait3A_1244 = arith.constant 0 : i32
      %dma_wait3A_1245 = tpu.memref_slice %arg6[%dma_wait3A_1244, %multiple_of3A] : memref<32x16384xf32, #tpu.memory_space<hbm>> -> memref<32x512xf32, #tpu.memory_space<hbm>>
      tpu.wait_dma2 semaphore(%run_scoped3A : memref<!tpu.dma_semaphore, #tpu.memory_space<semaphore_mem>>) src(%arg14 : memref<32x512xf32, #tpu.memory_space<vmem>>) dst(%dma_wait3A_1245 : memref<32x512xf32, #tpu.memory_space<hbm>>)
      tpu.yield
    }) : () -> ()
    "tpu.region"() ({
      %run_scoped3A = tpu.sem_alloc : memref<!tpu.dma_semaphore, #tpu.memory_space<semaphore_mem>>
      %dma_start3A_1238 = arith.constant 0 : i32
      %dma_start3A_1239 = tpu.memref_slice %arg7[%dma_start3A_1238, %multiple_of3A] : memref<32x16384xf32, #tpu.memory_space<hbm>> -> memref<32x512xf32, #tpu.memory_space<hbm>>
      %dma_start3A_1240 = arith.constant 0 : i32
      %dma_start3A_1241 = tpu.memref_slice %arg7[%dma_start3A_1240, %multiple_of3A] : memref<32x16384xf32, #tpu.memory_space<hbm>> -> memref<32x512xf32, #tpu.memory_space<hbm>>
      tpu.enqueue_dma source(%arg15 : memref<32x512xf32, #tpu.memory_space<vmem>>) target(%dma_start3A_1241 : memref<32x512xf32, #tpu.memory_space<hbm>>) target_semaphore(%run_scoped3A : memref<!tpu.dma_semaphore, #tpu.memory_space<semaphore_mem>>)
      %dma_wait3A_1242 = arith.constant 0 : i32
      %dma_wait3A_1243 = tpu.memref_slice %arg7[%dma_wait3A_1242, %multiple_of3A] : memref<32x16384xf32, #tpu.memory_space<hbm>> -> memref<32x512xf32, #tpu.memory_space<hbm>>
      %dma_wait3A_1244 = arith.constant 0 : i32
      %dma_wait3A_1245 = tpu.memref_slice %arg7[%dma_wait3A_1244, %multiple_of3A] : memref<32x16384xf32, #tpu.memory_space<hbm>> -> memref<32x512xf32, #tpu.memory_space<hbm>>
      tpu.wait_dma2 semaphore(%run_scoped3A : memref<!tpu.dma_semaphore, #tpu.memory_space<semaphore_mem>>) src(%arg15 : memref<32x512xf32, #tpu.memory_space<vmem>>) dst(%dma_wait3A_1245 : memref<32x512xf32, #tpu.memory_space<hbm>>)
      tpu.yield
    }) : () -> ()
    return
  }
}

module attributes {stable_mosaic.version = 14 : i64} {
  func.func @_mlp_body(%arg0: i32, %arg1: memref<32x4096xf32, #tpu.memory_space<vmem>>, %arg2: memref<32x4096xf32, #tpu.memory_space<vmem>>, %arg3: memref<32x128xf32, #tpu.memory_space<vmem>>, %arg4: memref<32x128xf32, #tpu.memory_space<vmem>>, %arg5: memref<1x128xf32, #tpu.memory_space<vmem>>, %arg6: memref<1x128xf32, #tpu.memory_space<vmem>>, %arg7: memref<1x1xf32, #tpu.memory_space<vmem>>, %arg8: memref<4096xf32, #tpu.memory_space<vmem>>) attributes {dimension_semantics = [#tpu.dimension_semantics<arbitrary>], iteration_bounds = array<i64: 4>, scalar_prefetch = 0 : i64, scratch_operands = 0 : i64, tpu.core_type = #tpu.core_type<tc>, window_params = [{transform_indices = @transform_0, window_bounds = array<i64: 32, 4096>}, {transform_indices = @transform_1, window_bounds = array<i64: 32, 4096>}, {pipeline_mode = #tpu.pipeline_mode<synchronous>, transform_indices = @transform_2, window_bounds = array<i64: 32, 128>}, {pipeline_mode = #tpu.pipeline_mode<synchronous>, transform_indices = @transform_3, window_bounds = array<i64: 32, 128>}, {pipeline_mode = #tpu.pipeline_mode<synchronous>, transform_indices = @transform_4, window_bounds = array<i64: 1, 128>}, {pipeline_mode = #tpu.pipeline_mode<synchronous>, transform_indices = @transform_5, window_bounds = array<i64: 1, 128>}, {pipeline_mode = #tpu.pipeline_mode<synchronous>, transform_indices = @transform_6, window_bounds = array<i64: 1, 1>}, {transform_indices = @transform_7, window_bounds = array<i64: 4096>}]} {
    %get3A = arith.constant 0 : index
    %get3A_0 = arith.constant 0 : index
    %get3A_1 = vector.load %arg1[%get3A, %get3A_0] : memref<32x4096xf32, #tpu.memory_space<vmem>>, vector<32x4096xf32>
    %get3A_2 = arith.constant 0 : index
    %get3A_3 = arith.constant 0 : index
    %get3A_4 = vector.load %arg3[%get3A_2, %get3A_3] : memref<32x128xf32, #tpu.memory_space<vmem>>, vector<32x128xf32>
    %dot_general3A = arith.constant dense<0.000000e+00> : vector<4096x128xf32>
    %dot_general3A_5 = tpu.matmul %get3A_1, %get3A_4, %dot_general3A {dimension_numbers = #tpu.dot_dimension_numbers<[0], [0], [1], [1], [0, 1, 1, 1], [], []>, transpose_lhs_hint = false} : vector<32x4096xf32>, vector<32x128xf32>, vector<4096x128xf32> -> vector<4096x128xf32>
    %get3A_6 = arith.constant 0 : index
    %get3A_7 = arith.constant 0 : index
    %get3A_8 = vector.load %arg2[%get3A_6, %get3A_7] : memref<32x4096xf32, #tpu.memory_space<vmem>>, vector<32x4096xf32>
    %get3A_9 = arith.constant 0 : index
    %get3A_10 = arith.constant 0 : index
    %get3A_11 = vector.load %arg4[%get3A_9, %get3A_10] : memref<32x128xf32, #tpu.memory_space<vmem>>, vector<32x128xf32>
    %dot_general3A_12 = arith.constant dense<0.000000e+00> : vector<4096x128xf32>
    %dot_general3A_13 = tpu.matmul %get3A_8, %get3A_11, %dot_general3A_12 {dimension_numbers = #tpu.dot_dimension_numbers<[0], [0], [1], [1], [0, 1, 1, 1], [], []>, transpose_lhs_hint = false} : vector<32x4096xf32>, vector<32x128xf32>, vector<4096x128xf32> -> vector<4096x128xf32>
    %add3A = arith.addf %dot_general3A_5, %dot_general3A_13 : vector<4096x128xf32>
    %get3A_14 = arith.constant 0 : index
    %get3A_15 = arith.constant 0 : index
    %get3A_16 = vector.load %arg5[%get3A_14, %get3A_15] : memref<1x128xf32, #tpu.memory_space<vmem>>, vector<1x128xf32>
    %add3A_17 = vector.broadcast %get3A_16 : vector<1x128xf32> to vector<4096x128xf32>
    %add3A_18 = arith.addf %add3A, %add3A_17 : vector<4096x128xf32>
    %max3A = arith.constant 0.000000e+00 : f32
    %max3A_19 = vector.broadcast %max3A : f32 to vector<4096x128xf32>
    %max3A_20 = arith.maximumf %add3A_18, %max3A_19 : vector<4096x128xf32>
    %get3A_21 = arith.constant 0 : index
    %get3A_22 = arith.constant 0 : index
    %get3A_23 = vector.load %arg6[%get3A_21, %get3A_22] : memref<1x128xf32, #tpu.memory_space<vmem>>, vector<1x128xf32>
    %mul3A = vector.broadcast %get3A_23 : vector<1x128xf32> to vector<4096x128xf32>
    %mul3A_24 = arith.mulf %max3A_20, %mul3A : vector<4096x128xf32>
    %reduce_sum3A = arith.constant dense<0.000000e+00> : vector<4096xf32>
    %reduce_sum3A_25 = vector.multi_reduction <add>, %mul3A_24, %reduce_sum3A [1] : vector<4096x128xf32> to vector<4096xf32>
    %get3A_26 = arith.constant 0 : index
    %get3A_27 = arith.constant 0 : index
    %get3A_28 = vector.load %arg7[%get3A_26, %get3A_27] : memref<1x1xf32, #tpu.memory_space<vmem>>, vector<1x1xf32>
    %get3A_29 = vector.extract %get3A_28[0, 0] : f32 from vector<1x1xf32>
    %add3A_30 = vector.broadcast %get3A_29 : f32 to vector<4096xf32>
    %add3A_31 = arith.addf %reduce_sum3A_25, %add3A_30 : vector<4096xf32>
    %swap3A = arith.constant 0 : index
    %swap3A_32 = vector.load %arg8[%swap3A] : memref<4096xf32, #tpu.memory_space<vmem>>, vector<4096xf32>
    tpu.vector_store %arg8[%swap3A], %add3A_31 {strides = array<i32>} : memref<4096xf32, #tpu.memory_space<vmem>>, vector<4096xf32>,
    return
  }
  func.func @transform_0(%arg0: i32) -> (i32, i32) {
    %c0_i32 = arith.constant 0 : i32
    %c0_i32_0 = arith.constant 0 : i32
    return %c0_i32, %arg0 : i32, i32
  }
  func.func @transform_1(%arg0: i32) -> (i32, i32) {
    %c0_i32 = arith.constant 0 : i32
    %c0_i32_0 = arith.constant 0 : i32
    return %c0_i32, %arg0 : i32, i32
  }
  func.func @transform_2(%arg0: i32) -> (i32, i32) {
    %c0_i32 = arith.constant 0 : i32
    %c0_i32_0 = arith.constant 0 : i32
    %c0_i32_1 = arith.constant 0 : i32
    return %c0_i32, %c0_i32_0 : i32, i32
  }
  func.func @transform_3(%arg0: i32) -> (i32, i32) {
    %c0_i32 = arith.constant 0 : i32
    %c0_i32_0 = arith.constant 0 : i32
    %c0_i32_1 = arith.constant 0 : i32
    return %c0_i32, %c0_i32_0 : i32, i32
  }
  func.func @transform_4(%arg0: i32) -> (i32, i32) {
    %c0_i32 = arith.constant 0 : i32
    %c0_i32_0 = arith.constant 0 : i32
    %c0_i32_1 = arith.constant 0 : i32
    return %c0_i32, %c0_i32_0 : i32, i32
  }
  func.func @transform_5(%arg0: i32) -> (i32, i32) {
    %c0_i32 = arith.constant 0 : i32
    %c0_i32_0 = arith.constant 0 : i32
    %c0_i32_1 = arith.constant 0 : i32
    return %c0_i32, %c0_i32_0 : i32, i32
  }
  func.func @transform_6(%arg0: i32) -> (i32, i32) {
    %c0_i32 = arith.constant 0 : i32
    %c0_i32_0 = arith.constant 0 : i32
    %c0_i32_1 = arith.constant 0 : i32
    return %c0_i32, %c0_i32_0 : i32, i32
  }
  func.func @transform_7(%arg0: i32) -> i32 {
    %c0_i32 = arith.constant 0 : i32
    return %arg0 : i32
  }
}

</mosaic_0001>

<sc_bundles>
// kernel: kernel.4.cloned.1.call-start
scs
__scs_entry_jumppad:
0x0: {  	(pc) =	sbr.rel $0x88, $3  }
0x1: {  	(tag) =	ssettag $0x0;
	lr =	simm.s32 $0x1  }
0x2: {  	[smem:$0x3F99] =	sst lr;
	_ =	strace $0xD0000000  }
0x3: {  	_ = 	snop  }
0x4: {  	_ = 	snop  }
0x5: {  	_ = 	snop  }
0x6: {  	_ = 	snop  }
0x7: {  	_ = 	snop  }
__scs_overlays_trampoline_lowered:
0x8: {  	[smem:$0x3FA8] =	sst s0  }
0x9: {  	[smem:$0x3FA9] =	sst s1  }
0xa: {  	[smem:$0x3FAA] =	sst s2  }
0xb: {  	[smem:$0x3FAB] =	sst s3  }
0xc: {  	[smem:$0x3FAC] =	sst s4  }
0xd: {  	[smem:$0x3FAD] =	sst s5  }
0xe: {  	[smem:$0x3FAE] =	sst s6  }
0xf: {  	[smem:$0x3FAF] =	sst s7  }
0x10: {  	[smem:$0x3FB0] =	sst s8  }
0x11: {  	[smem:$0x3FB1] =	sst s9;
	s0 =	simm.s32 @!p0 $0x0  }
0x12: {  	s1 =	sld [smem:$0x3F97];
	s0 =	simm.s32 @p0 $0x1  }
0x13: {  	[smem:$0x3FB2] =	sst s0;
	s0 =	simm.s32 @!p1 $0x0  }
0x14: {  	s2 =	sld [smem:$0x3F96];
	s0 =	simm.s32 @p1 $0x1  }
0x15: {  	[smem:$0x3FB3] =	sst s0;
	s0 =	simm.s32 @!p2 $0x0  }
0x16: {  	s3 =	sld [smem:$0x3FDB];
	s0 =	simm.s32 @p2 $0x1  }
0x17: {  	s4 =	simm.s32 $0x1BF5;
	[smem:$0x3FB5] =	sst s0  }
0x18: {  	s0 =	sld [smem:$0x3F98];
	_ =	swait.ge [sflag:s4], $0x0  }
0x19: {  	s7 =	sld [smem:$0x3F99]  }
0x1a: {  	s8 =	sadd.s32 $0xFFFFE003, lr  }
0x1b: {  	s9 =	sadd.s32 $0xFFFFFEF7, lr;
	s5 =	simm.s32 $0xFFFFFFFF;
	p2 =	slt.u32 s8, $0xFFFFF086  }
0x1c: {  	p1 =	slt.u32 s9, $0xF7A;
	s5 =	simm.s32 @!p2 $0x0  }
0x1d: {  	s5 =	simm.s32 @p1 $0x1;
	p0 =	seq.s32 s7, s2  }
0x1e: {  	s7 =	smul.u32 @!p0 $0xF7A, s2;
	p2 =	seq.s32 @!p0 s5, $0x0  }
0x1f: {  	s9 =	smul.u32 $0xF7A, s1;
	s8 =	simm.s32 @!p0 $0x1BF5;
	p2 =	por !p2, p0  }
0x20: {  	[sflag:s8] =	ssyncset.s32 @!p0 $0xFFFFF086;
	s6 =	sadd.s32 @!p0 s3, s7;
	s7 =	simm.s32 @!p0 $0x108  }
0x21: {  	s3 =	sadd.s32 s3, s9;
	s6 =	sadd.s32 @!p0 $0x88, s6;
	s7 =	simm.s32 @p2 $0x1082  }
0x22: {  	[simem:s7], [sflag:s8] =	dma.local @!p0 [hbm:s6], $0xF7A  }
0x23: {  	s9 =	sor.u32 $0xD0000000, s2;
	s6 =	simm.s32 $0x108;
	_ =	swait.ge @!p0 [sflag:s8], $0x0  }
0x24: {  	s3 =	sadd.s32 $0x88, s3;
	s6 =	simm.s32 @!p1 $0x1082;
	[sflag:s4] =	ssyncset.s32 $0xFFFFF086  }
0x25: {  	[simem:s6], [sflag:s4] =	dma.local [hbm:s3], $0xF7A  }
0x26: {  	[smem:$0x3F99] =	sst s1;
	(tag) =	ssettag s2;
	_ =	strace s9  }
0x27: {  	s1 =	sld [smem:$0x3FA9]  }
0x28: {  	s2 =	sld [smem:$0x3FAA]  }
0x29: {  	s4 =	sld [smem:$0x3FAC]  }
0x2a: {  	p0 =	seq.s32 s5, $0x0;
	s5 =	sld [smem:$0x3FAD]  }
0x2b: {  	s6 =	sld [smem:$0x3FAE]  }
0x2c: {  	s7 =	sld [smem:$0x3FAF]  }
0x2d: {  	s3 =	simm.s32 $0x108;
	s8 =	sld [smem:$0x3FB0]  }
0x2e: {  	s3 =	simm.s32 @!p0 $0x1082;
	s9 =	sld [smem:$0x3FB1]  }
0x2f: {  	lr =	sadd.s32 s0, s3;
	s0 =	sld [smem:$0x3FA8]  }
0x30: {  	s3 =	sld [smem:$0x3FAB]  }
0x31: {  	[smem:$0x3FB4] =	sst s10  }
0x32: {  	s10 =	sld [smem:$0x3FB2];
	_ =	sdelay $0x3  }
0x33: {  	p0 =	seq.s32 s10, $0x1;
	s10 =	sld [smem:$0x3FB4];
	_ =	sdelay $0x3  }
0x34: {  	[smem:$0x3FB4] =	sst s10  }
0x35: {  	s10 =	sld [smem:$0x3FB3];
	_ =	sdelay $0x3  }
0x36: {  	p1 =	seq.s32 s10, $0x1;
	s10 =	sld [smem:$0x3FB4];
	_ =	sdelay $0x3  }
0x37: {  	[smem:$0x3FB4] =	sst s10  }
0x38: {  	s10 =	sld [smem:$0x3FB5]  }
0x39: {  	_ = 	snop;
	(pc) =	sbr.ind lr, $3  }
0x3a: {  	_ = 	snop  }
0x3b: {  	_ = 	snop  }
0x3c: {  	p2 =	seq.s32 s10, $0x1;
	s10 =	sld [smem:$0x3FB4]  }
0x3d: {  	_ =	shalt  }
0x3e: {  	_ =	shalt  }
0x3f: {  	_ =	shalt  }
0x40: {  	_ =	shalt  }
0x41: {  	_ =	shalt  }
0x42: {  	_ =	shalt  }
0x43: {  	_ =	shalt  }
0x44: {  	_ =	shalt  }
0x45: {  	_ =	shalt  }
0x46: {  	_ =	shalt  }
0x47: {  	_ =	shalt  }
0x48: {  	_ =	shalt  }
0x49: {  	_ =	shalt  }
0x4a: {  	_ =	shalt  }
0x4b: {  	_ =	shalt  }
0x4c: {  	_ =	shalt  }
0x4d: {  	_ =	shalt  }
0x4e: {  	_ =	shalt  }
0x4f: {  	_ =	shalt  }
0x50: {  	_ =	shalt  }
0x51: {  	_ =	shalt  }
0x52: {  	_ =	shalt  }
0x53: {  	_ =	shalt  }
0x54: {  	_ =	shalt  }
0x55: {  	_ =	shalt  }
0x56: {  	_ =	shalt  }
0x57: {  	_ =	shalt  }
0x58: {  	_ =	shalt  }
0x59: {  	_ =	shalt  }
0x5a: {  	_ =	shalt  }
0x5b: {  	_ =	shalt  }
0x5c: {  	_ =	shalt  }
0x5d: {  	_ =	shalt  }
0x5e: {  	_ =	shalt  }
0x5f: {  	_ =	shalt  }
0x60: {  	_ =	shalt  }
0x61: {  	_ =	shalt  }
0x62: {  	_ =	shalt  }
0x63: {  	_ =	shalt  }
0x64: {  	_ =	shalt  }
0x65: {  	_ =	shalt  }
0x66: {  	_ =	shalt  }
0x67: {  	_ =	shalt  }
0x68: {  	_ =	shalt  }
0x69: {  	_ =	shalt  }
0x6a: {  	_ =	shalt  }
0x6b: {  	_ =	shalt  }
0x6c: {  	_ =	shalt  }
0x6d: {  	_ =	shalt  }
0x6e: {  	_ =	shalt  }
0x6f: {  	_ =	shalt  }
0x70: {  	_ =	shalt  }
0x71: {  	_ =	shalt  }
0x72: {  	_ =	shalt  }
0x73: {  	_ =	shalt  }
0x74: {  	_ =	shalt  }
0x75: {  	_ =	shalt  }
0x76: {  	_ =	shalt  }
0x77: {  	_ =	shalt  }
0x78: {  	_ =	shalt  }
0x79: {  	_ =	shalt  }
0x7a: {  	_ =	shalt  }
0x7b: {  	_ =	shalt  }
0x7c: {  	_ =	shalt  }
0x7d: {  	_ =	shalt  }
0x7e: {  	_ =	shalt  }
0x7f: {  	_ =	shalt  }
0x80: {  	_ =	shalt  }
0x81: {  	_ =	shalt  }
0x82: {  	_ =	shalt  }
0x83: {  	_ =	shalt  }
0x84: {  	_ =	shalt  }
0x85: {  	_ =	shalt  }
0x86: {  	_ =	shalt  }
0x87: {  	_ =	shalt  }
.Lfunc_end0:
.L_simem_size_0:
called_computation_lowered:
.L_overlay_start_0:
0x88: {  	s2 =	sld [smem:$0x3FD9]  }
0x89: {  	s3 =	sld [smem:$0x3FFE];
	_ =	sdelay $0x1  }
0x8a: {  	s1 =	srdreg.scid  }
0x8b: {  	s0 =	sand.u32 $0x1, s1  }
0x8c: {  	s17 =	sshll.u32 s0, $0xA;
	s2 =	sadd.s32 s3, s2  }
0x8d: {  	s2 =	sadd.s32 s2, s17  }
0x8e: {  	[smem:$0x3FC0] =	sst s2  }
0x8f: {  	_ = 	snop  }
0x90: {  	s2 =	sld [smem:$0x3FC9]  }
0x91: {  	s18 =	sld [smem:$0x3FC8]  }
0x92: {  	s4 =	sld [smem:$0x3FC7];
	(tm) =	ssettm $0x1  }
0x93: {  	s5 =	sld [smem:$0x3FFB];
	_ =	sdelay $0x3  }
0x94: {  	_ =	strace s5  }
0x95: {  	s5 =	sld [smem:$0x3FFC];
	_ =	sdelay $0x3  }
0x96: {  	_ =	strace s5  }
0x97: {  	s5 =	sld [smem:$0x3FFD];
	_ =	sdelay $0x3  }
0x98: {  	_ =	strace s5  }
0x99: {  	_ =	strace $0x8FFFFFFF  }
0x9a: {  	s19 =	sld [smem:$0x3FDB];
	_ =	sdelay $0x1  }
0x9b: {  	s6 =	simm.s32 $_scs_section_size  }
0x9c: {  	s7 =	simm.s32 $_size__tile_overlayer_lowered;
	s8 =	simm.s32 $_tile_overlayer_lowered  }
0x9d: {  	s22 =	simm.s32 $0x1BFF;
	s21 =	sshll.u32 s8, $0x1;
	s5 =	sadd.s32 s6, s19  }
0x9e: {  	s9 =	simm.s32 $0x0;
	s20 =	sshll.u32 s7, $0x1;
	s7 =	sadd.s32 s21, s5  }
0x9f: {  	[timem:s9], [sflag:s22] =	dma.local [hbm:s7], s20  }
0xa0: {  	_ =	swait.ge [sflag:s22], s20  }
0xa1: {  	s6 =	ssub.s32 $0x0, s20;
	[sflag:s22] =	ssyncset.done $0x0  }
0xa2: {  	[sflag:s22] =	ssyncadd.s32 s6;
	_ =	sdelay $0x1  }
0xa3: {  	s23 =	simm.s32 $0x1B8B  }
0xa4: {  	_ =	swait.ge [sflag:s23], $0x1  }
0xa5: {  	[sflag:s23] =	ssyncset.done $0x0  }
0xa6: {  	s25 =	simm.s32 $0x1B8E;
	s24 =	sld [smem:$0x3FFE];
	[sflag:s23] =	ssyncadd.s32 $0xFFFFFFFF  }
0xa7: {  	s26 =	simm.s32 $execute0_lowered;
	[smem:$0x3FD2] =	sst s25  }
0xa8: {  	s7 =	sshll.u32 s26, $0x1;
	_ =	strace $0x80000046;
	[dreg:$0x1] =	wrdreg $0xFFFFFFFF  }
0xa9: {  	s28 =	simm.s32 $_size_execute0_lowered;
	s5 =	sadd.s32 s5, s7;
	[dreg:$0x0] =	wrdreg $0x0  }
0xaa: {  	s7 =	sshll.u32 s28, $0x1;
	[dreg:$0x2] =	wrdreg s5  }
0xab: {  	[dreg:$0x3] =	wrdreg s7  }
0xac: {  	[dreg:$0x4] =	wrdreg $0xC0  }
0xad: {  	_ =	task [dreg:s9], $0x5FFFF  }
0xae: {  	[dreg:$0x1] =	wrdreg $0xFFFFFFFF  }
0xaf: {  	[dreg:$0x0] =	wrdreg $0x60  }
0xb0: {  	[dreg:$0x2] =	wrdreg s2  }
0xb1: {  	[dreg:$0x3] =	wrdreg s18  }
0xb2: {  	[dreg:$0x4] =	wrdreg s4  }
0xb3: {  	[dreg:$0x5] =	wrdreg s24  }
0xb4: {  	[dreg:$0x6] =	wrdreg $0x9  }
0xb5: {  	_ =	task.clear_ibuf [dreg:s9], $0x7FFFF;
	_ =	strace $0x90000046  }
0xb6: {  	s29 =	simm.s32 $0x9;
	_ =	strace $0x80000048  }
0xb7: {  	_ =	swait.ge [sflag:s29], $0x1  }
0xb8: {  	[sflag:s29] =	ssyncadd.s32 $0xFFFFFFFF  }
0xb9: {  	_ =	strace $0x90000048  }
0xba: {  	_ =	sfence  }
0xbb: {  	s30 =	sld [smem:$0x0];
	_ =	sdelay $0x2  }
0xbc: {  	s31 =	sshll.u32 s1, $0xD;
	s1 =	sshrl.u32 s1, $0x2  }
0xbd: {  	s3 =	sand.u32 $0x4000, s31;
	s1 =	sadd.s32 s1, s30  }
0xbe: {  	s0 =	sor.u32 s3, s0;
	s1 =	sshll.u32 s1, $0x11  }
0xbf: {  	s0 =	sor.u32 s1, s0  }
0xc0: {  	s0 =	sadd.s32 $0x8F2B, s0  }
0xc1: {  	[sflag:s0] =	ssyncadd.remote.s32 $0x1  }
0xc2: {  	_ =	sfence.sel $0xFFFF  }
0xc3: {  	[dreg:$0x0] =	wrdreg $0xFFFFFFFF;
	(pc) =	sbr.abs _section_cstart, $3  }
0xc4: {  	[dreg:$0x1] =	wrdreg $0xFFFFFFFF  }
0xc5: {  	_ =	task.clear_ibuf [dreg:s9], $0x2FFFF;
	_ =	strace $0x9FFFFFFF  }
0xc6: {  	(tm) =	ssettm $0x7FFFFFFF  }
0xc7: {  	_ =	shalt  }
tec
execute0_lowered:
.L_overlay_start_1:
0x0: {  	(tag) =	ssettag $0x1  }
0x1: {  	v0 =	vlaneseq.u32  }
0x2: {  	v2 =	vimm.s32 $0x1380;
	vm14 =	vcmask $0x300;
	vm13 =	vcmask $0x704  }
0x3: {  	v3 =	vimm.s32 $0x3380;
	vm12 =	vcmask $0xB08;
	vm11 =	vcmask $0xF0C  }
0x4: {  	vm10 =	vcmask $0x1310;
	vm9 =	vcmask $0x1714;
	vm8 =	vcmask $0x1B18  }
0x5: {  	vm7 =	vcmask $0x1F1C;
	vm6 =	vcmask $0x2320;
	vm5 =	vcmask $0x2724  }
0x6: {  	vm4 =	vcmask $0x2B28;
	vm3 =	vcmask $0x2F2C;
	vm2 =	vcmask $0x3330  }
0x7: {  	vm1 =	vcmask $0x3734;
	vm0 =	vcmask $0x3B38;
	v6 =	vimm.s32 $0x1FF0  }
0x8: {  	v7 =	vimm.s32 $0x3FF0;
	v22 =	vimm.s32 $0x1FF1;
	v23 =	vimm.s32 $0x3FF1  }
0x9: {  	v24 =	vimm.s32 $0x1FF2;
	v25 =	vimm.s32 $0x3FF2;
	v26 =	vimm.s32 $0x1FF3  }
0xa: {  	v27 =	vimm.s32 $0x3FF3;
	v28 =	vimm.s32 $0x1FF4;
	v29 =	vimm.s32 $0x3FF4  }
0xb: {  	v30 =	vimm.s32 $0x1FF5;
	v31 =	vimm.s32 $0x3FF5;
	v32 =	vimm.s32 $0x1FF6  }
0xc: {  	v33 =	vimm.s32 $0x3FF6;
	v34 =	vimm.s32 $0x1FF7;
	v35 =	vimm.s32 $0x3FF7  }
0xd: {  	v36 =	vimm.s32 $0x1FF8;
	v37 =	vimm.s32 $0x3FF8;
	v38 =	vimm.s32 $0x1FF9  }
0xe: {  	v39 =	vimm.s32 $0x3FF9;
	v40 =	vimm.s32 $0x1FFA;
	v41 =	vimm.s32 $0x3FFA  }
0xf: {  	v42 =	vimm.s32 $0x1FFB;
	v43 =	vimm.s32 $0x3FFB;
	v44 =	vimm.s32 $0x1FFC  }
0x10: {  	v45 =	vimm.s32 $0x3FFC;
	v46 =	vimm.s32 $0x1FFD;
	v47 =	vimm.s32 $0x3FFD  }
0x11: {  	v48 =	vimm.s32 $0x1FFE;
	v49 =	vimm.s32 $0x3FFE;
	v50 =	vimm.s32 $0x1FFF  }
0x12: {  	v51 =	vimm.s32 $0x3FFF;
	v1 =	vmul.u32 $0x80, v0;
	v2 =	vsel vm14, $0x0, v2  }
0x13: {  	v3 =	vsel vm14, $0x2000, v3;
	v5 =	vor.u32 $0x10, v0;
	v8 =	vsel vm14, $0xC70, v6  }
0x14: {  	v7 =	vsel vm14, $0x2C70, v7;
	v22 =	vsel vm14, $0xC71, v22;
	v23 =	vsel vm14, $0x2C71, v23  }
0x15: {  	v24 =	vsel vm14, $0xC72, v24;
	v25 =	vsel vm14, $0x2C72, v25;
	v26 =	vsel vm14, $0xC73, v26  }
0x16: {  	v27 =	vsel vm14, $0x2C73, v27;
	v28 =	vsel vm14, $0xC74, v28;
	v29 =	vsel vm14, $0x2C74, v29  }
0x17: {  	v30 =	vsel vm14, $0xC75, v30;
	v31 =	vsel vm14, $0x2C75, v31;
	v32 =	vsel vm14, $0xC76, v32  }
0x18: {  	v33 =	vsel vm14, $0x2C76, v33;
	v34 =	vsel vm14, $0xC77, v34;
	v35 =	vsel vm14, $0x2C77, v35  }
0x19: {  	v36 =	vsel vm14, $0xC78, v36;
	v37 =	vsel vm14, $0x2C78, v37;
	v38 =	vsel vm14, $0xC79, v38  }
0x1a: {  	v39 =	vsel vm14, $0x2C79, v39;
	v40 =	vsel vm14, $0xC7A, v40;
	v41 =	vsel vm14, $0x2C7A, v41  }
0x1b: {  	v42 =	vsel vm14, $0xC7B, v42;
	v43 =	vsel vm14, $0x2C7B, v43;
	v44 =	vsel vm14, $0xC7C, v44  }
0x1c: {  	v45 =	vsel vm14, $0x2C7C, v45;
	v46 =	vsel vm14, $0xC7D, v46;
	v47 =	vsel vm14, $0x2C7D, v47  }
0x1d: {  	v48 =	vsel vm14, $0xC7E, v48;
	v49 =	vsel vm14, $0x2C7E, v49;
	v50 =	vsel vm14, $0xC7F, v50  }
0x1e: {  	v51 =	vsel vm14, $0x2C7F, v51;
	v2 =	vsel vm13, $0x80, v2;
	v3 =	vsel vm13, $0x2080, v3  }
0x1f: {  	v8 =	vsel vm13, $0xCF0, v8;
	v9 =	vsel vm13, $0x2CF0, v7;
	v22 =	vsel vm13, $0xCF1, v22  }
0x20: {  	v23 =	vsel vm13, $0x2CF1, v23;
	v24 =	vsel vm13, $0xCF2, v24;
	v25 =	vsel vm13, $0x2CF2, v25  }
0x21: {  	v26 =	vsel vm13, $0xCF3, v26;
	v27 =	vsel vm13, $0x2CF3, v27;
	v28 =	vsel vm13, $0xCF4, v28  }
0x22: {  	v29 =	vsel vm13, $0x2CF4, v29;
	v30 =	vsel vm13, $0xCF5, v30;
	v31 =	vsel vm13, $0x2CF5, v31  }
0x23: {  	v32 =	vsel vm13, $0xCF6, v32;
	v33 =	vsel vm13, $0x2CF6, v33;
	v34 =	vsel vm13, $0xCF7, v34  }
0x24: {  	v35 =	vsel vm13, $0x2CF7, v35;
	v36 =	vsel vm13, $0xCF8, v36;
	v37 =	vsel vm13, $0x2CF8, v37  }
0x25: {  	v38 =	vsel vm13, $0xCF9, v38;
	v39 =	vsel vm13, $0x2CF9, v39;
	v40 =	vsel vm13, $0xCFA, v40  }
0x26: {  	v41 =	vsel vm13, $0x2CFA, v41;
	v42 =	vsel vm13, $0xCFB, v42;
	v43 =	vsel vm13, $0x2CFB, v43  }
0x27: {  	v44 =	vsel vm13, $0xCFC, v44;
	v45 =	vsel vm13, $0x2CFC, v45;
	v46 =	vsel vm13, $0xCFD, v46  }
0x28: {  	v47 =	vsel vm13, $0x2CFD, v47;
	v48 =	vsel vm13, $0xCFE, v48;
	v49 =	vsel vm13, $0x2CFE, v49  }
0x29: {  	v50 =	vsel vm13, $0xCFF, v50;
	v51 =	vsel vm13, $0x2CFF, v51;
	v2 =	vsel vm12, $0x100, v2  }
0x2a: {  	v3 =	vsel vm12, $0x2100, v3;
	v6 =	vor.u32 $0x1000, v1;
	v7 =	vor.u32 $0x1800, v1  }
0x2b: {  	v10 =	vsel vm12, $0xD70, v8;
	v9 =	vsel vm12, $0x2D70, v9;
	v8 =	vor.u32 $0x2000, v1  }
0x2c: {  	v22 =	vsel vm12, $0xD71, v22;
	v23 =	vsel vm12, $0x2D71, v23;
	v24 =	vsel vm12, $0xD72, v24  }
0x2d: {  	v25 =	vsel vm12, $0x2D72, v25;
	v26 =	vsel vm12, $0xD73, v26;
	v27 =	vsel vm12, $0x2D73, v27  }
0x2e: {  	v28 =	vsel vm12, $0xD74, v28;
	v29 =	vsel vm12, $0x2D74, v29;
	v30 =	vsel vm12, $0xD75, v30  }
0x2f: {  	v31 =	vsel vm12, $0x2D75, v31;
	v32 =	vsel vm12, $0xD76, v32;
	v33 =	vsel vm12, $0x2D76, v33  }
0x30: {  	v34 =	vsel vm12, $0xD77, v34;
	v35 =	vsel vm12, $0x2D77, v35;
	v36 =	vsel vm12, $0xD78, v36  }
0x31: {  	v37 =	vsel vm12, $0x2D78, v37;
	v38 =	vsel vm12, $0xD79, v38;
	v39 =	vsel vm12, $0x2D79, v39  }
0x32: {  	v40 =	vsel vm12, $0xD7A, v40;
	v41 =	vsel vm12, $0x2D7A, v41;
	v42 =	vsel vm12, $0xD7B, v42  }
0x33: {  	v43 =	vsel vm12, $0x2D7B, v43;
	v44 =	vsel vm12, $0xD7C, v44;
	v45 =	vsel vm12, $0x2D7C, v45  }
0x34: {  	v46 =	vsel vm12, $0xD7D, v46;
	v47 =	vsel vm12, $0x2D7D, v47;
	v48 =	vsel vm12, $0xD7E, v48  }
0x35: {  	v49 =	vsel vm12, $0x2D7E, v49;
	v50 =	vsel vm12, $0xD7F, v50;
	v51 =	vsel vm12, $0x2D7F, v51  }
0x36: {  	v2 =	vsel vm11, $0x180, v2;
	v3 =	vsel vm11, $0x2180, v3;
	v10 =	vsel vm11, $0xDF0, v10  }
0x37: {  	v11 =	vsel vm11, $0x2DF0, v9;
	v9 =	vor.u32 $0x2800, v1;
	v22 =	vsel vm11, $0xDF1, v22  }
0x38: {  	v23 =	vsel vm11, $0x2DF1, v23;
	v24 =	vsel vm11, $0xDF2, v24;
	v25 =	vsel vm11, $0x2DF2, v25  }
0x39: {  	v26 =	vsel vm11, $0xDF3, v26;
	v27 =	vsel vm11, $0x2DF3, v27;
	v28 =	vsel vm11, $0xDF4, v28  }
0x3a: {  	v29 =	vsel vm11, $0x2DF4, v29;
	v30 =	vsel vm11, $0xDF5, v30;
	v31 =	vsel vm11, $0x2DF5, v31  }
0x3b: {  	v32 =	vsel vm11, $0xDF6, v32;
	v33 =	vsel vm11, $0x2DF6, v33;
	v34 =	vsel vm11, $0xDF7, v34  }
0x3c: {  	v35 =	vsel vm11, $0x2DF7, v35;
	v36 =	vsel vm11, $0xDF8, v36;
	v37 =	vsel vm11, $0x2DF8, v37  }
0x3d: {  	v38 =	vsel vm11, $0xDF9, v38;
	v39 =	vsel vm11, $0x2DF9, v39;
	v40 =	vsel vm11, $0xDFA, v40  }
0x3e: {  	v41 =	vsel vm11, $0x2DFA, v41;
	v42 =	vsel vm11, $0xDFB, v42;
	v43 =	vsel vm11, $0x2DFB, v43  }
0x3f: {  	v44 =	vsel vm11, $0xDFC, v44;
	v45 =	vsel vm11, $0x2DFC, v45;
	v46 =	vsel vm11, $0xDFD, v46  }
0x40: {  	v47 =	vsel vm11, $0x2DFD, v47;
	v48 =	vsel vm11, $0xDFE, v48;
	v49 =	vsel vm11, $0x2DFE, v49  }
0x41: {  	v50 =	vsel vm11, $0xDFF, v50;
	v51 =	vsel vm11, $0x2DFF, v51;
	v2 =	vsel vm10, $0x200, v2  }
0x42: {  	v3 =	vsel vm10, $0x2200, v3;
	v12 =	vsel vm10, $0xE70, v10;
	v11 =	vsel vm10, $0x2E70, v11  }
0x43: {  	v10 =	vor.u32 $0x3000, v1;
	v22 =	vsel vm10, $0xE71, v22;
	v23 =	vsel vm10, $0x2E71, v23  }
0x44: {  	v24 =	vsel vm10, $0xE72, v24;
	v25 =	vsel vm10, $0x2E72, v25;
	v26 =	vsel vm10, $0xE73, v26  }
0x45: {  	v27 =	vsel vm10, $0x2E73, v27;
	v28 =	vsel vm10, $0xE74, v28;
	v29 =	vsel vm10, $0x2E74, v29  }
0x46: {  	v30 =	vsel vm10, $0xE75, v30;
	v31 =	vsel vm10, $0x2E75, v31;
	v32 =	vsel vm10, $0xE76, v32  }
0x47: {  	v33 =	vsel vm10, $0x2E76, v33;
	v34 =	vsel vm10, $0xE77, v34;
	v35 =	vsel vm10, $0x2E77, v35  }
0x48: {  	v36 =	vsel vm10, $0xE78, v36;
	v37 =	vsel vm10, $0x2E78, v37;
	v38 =	vsel vm10, $0xE79, v38  }
0x49: {  	v39 =	vsel vm10, $0x2E79, v39;
	v40 =	vsel vm10, $0xE7A, v40;
	v41 =	vsel vm10, $0x2E7A, v41  }
0x4a: {  	v42 =	vsel vm10, $0xE7B, v42;
	v43 =	vsel vm10, $0x2E7B, v43;
	v44 =	vsel vm10, $0xE7C, v44  }
0x4b: {  	v45 =	vsel vm10, $0x2E7C, v45;
	v46 =	vsel vm10, $0xE7D, v46;
	v47 =	vsel vm10, $0x2E7D, v47  }
0x4c: {  	v48 =	vsel vm10, $0xE7E, v48;
	v49 =	vsel vm10, $0x2E7E, v49;
	v50 =	vsel vm10, $0xE7F, v50  }
0x4d: {  	v51 =	vsel vm10, $0x2E7F, v51;
	v2 =	vsel vm9, $0x280, v2;
	v3 =	vsel vm9, $0x2280, v3  }
0x4e: {  	v12 =	vsel vm9, $0xEF0, v12;
	v13 =	vsel vm9, $0x2EF0, v11;
	v11 =	vor.u32 $0x3800, v1  }
0x4f: {  	v22 =	vsel vm9, $0xEF1, v22;
	v23 =	vsel vm9, $0x2EF1, v23;
	v24 =	vsel vm9, $0xEF2, v24  }
0x50: {  	v25 =	vsel vm9, $0x2EF2, v25;
	v26 =	vsel vm9, $0xEF3, v26;
	v27 =	vsel vm9, $0x2EF3, v27  }
0x51: {  	v28 =	vsel vm9, $0xEF4, v28;
	v29 =	vsel vm9, $0x2EF4, v29;
	v30 =	vsel vm9, $0xEF5, v30  }
0x52: {  	v31 =	vsel vm9, $0x2EF5, v31;
	v32 =	vsel vm9, $0xEF6, v32;
	v33 =	vsel vm9, $0x2EF6, v33  }
0x53: {  	v34 =	vsel vm9, $0xEF7, v34;
	v35 =	vsel vm9, $0x2EF7, v35;
	v36 =	vsel vm9, $0xEF8, v36  }
0x54: {  	v37 =	vsel vm9, $0x2EF8, v37;
	v38 =	vsel vm9, $0xEF9, v38;
	v39 =	vsel vm9, $0x2EF9, v39  }
0x55: {  	v40 =	vsel vm9, $0xEFA, v40;
	v41 =	vsel vm9, $0x2EFA, v41;
	v42 =	vsel vm9, $0xEFB, v42  }
0x56: {  	v43 =	vsel vm9, $0x2EFB, v43;
	v44 =	vsel vm9, $0xEFC, v44;
	v45 =	vsel vm9, $0x2EFC, v45  }
0x57: {  	v46 =	vsel vm9, $0xEFD, v46;
	v47 =	vsel vm9, $0x2EFD, v47;
	v48 =	vsel vm9, $0xEFE, v48  }
0x58: {  	v49 =	vsel vm9, $0x2EFE, v49;
	v50 =	vsel vm9, $0xEFF, v50;
	v51 =	vsel vm9, $0x2EFF, v51  }
0x59: {  	v2 =	vsel vm8, $0x300, v2;
	v3 =	vsel vm8, $0x2300, v3;
	v14 =	vsel vm8, $0xF70, v12  }
0x5a: {  	v13 =	vsel vm8, $0x2F70, v13;
	v12 =	vor.u32 $0x4000, v1;
	v22 =	vsel vm8, $0xF71, v22  }
0x5b: {  	v23 =	vsel vm8, $0x2F71, v23;
	v24 =	vsel vm8, $0xF72, v24;
	v25 =	vsel vm8, $0x2F72, v25  }
0x5c: {  	v26 =	vsel vm8, $0xF73, v26;
	v27 =	vsel vm8, $0x2F73, v27;
	v28 =	vsel vm8, $0xF74, v28  }
0x5d: {  	v29 =	vsel vm8, $0x2F74, v29;
	v30 =	vsel vm8, $0xF75, v30;
	v31 =	vsel vm8, $0x2F75, v31  }
0x5e: {  	v32 =	vsel vm8, $0xF76, v32;
	v33 =	vsel vm8, $0x2F76, v33;
	v34 =	vsel vm8, $0xF77, v34  }
0x5f: {  	v35 =	vsel vm8, $0x2F77, v35;
	v36 =	vsel vm8, $0xF78, v36;
	v37 =	vsel vm8, $0x2F78, v37  }
0x60: {  	v38 =	vsel vm8, $0xF79, v38;
	v39 =	vsel vm8, $0x2F79, v39;
	v40 =	vsel vm8, $0xF7A, v40  }
0x61: {  	v41 =	vsel vm8, $0x2F7A, v41;
	v42 =	vsel vm8, $0xF7B, v42;
	v43 =	vsel vm8, $0x2F7B, v43  }
0x62: {  	v44 =	vsel vm8, $0xF7C, v44;
	v45 =	vsel vm8, $0x2F7C, v45;
	v46 =	vsel vm8, $0xF7D, v46  }
0x63: {  	v47 =	vsel vm8, $0x2F7D, v47;
	v48 =	vsel vm8, $0xF7E, v48;
	v49 =	vsel vm8, $0x2F7E, v49  }
0x64: {  	v50 =	vsel vm8, $0xF7F, v50;
	v51 =	vsel vm8, $0x2F7F, v51;
	v2 =	vsel vm7, $0x380, v2  }
0x65: {  	v3 =	vsel vm7, $0x2380, v3;
	v14 =	vsel vm7, $0xFF0, v14;
	v15 =	vsel vm7, $0x2FF0, v13  }
0x66: {  	v13 =	vor.u32 $0x4800, v1;
	v22 =	vsel vm7, $0xFF1, v22;
	v23 =	vsel vm7, $0x2FF1, v23  }
0x67: {  	v24 =	vsel vm7, $0xFF2, v24;
	v25 =	vsel vm7, $0x2FF2, v25;
	v26 =	vsel vm7, $0xFF3, v26  }
0x68: {  	v27 =	vsel vm7, $0x2FF3, v27;
	v28 =	vsel vm7, $0xFF4, v28;
	v29 =	vsel vm7, $0x2FF4, v29  }
0x69: {  	v30 =	vsel vm7, $0xFF5, v30;
	v31 =	vsel vm7, $0x2FF5, v31;
	v32 =	vsel vm7, $0xFF6, v32  }
0x6a: {  	v33 =	vsel vm7, $0x2FF6, v33;
	v34 =	vsel vm7, $0xFF7, v34;
	v35 =	vsel vm7, $0x2FF7, v35  }
0x6b: {  	v36 =	vsel vm7, $0xFF8, v36;
	v37 =	vsel vm7, $0x2FF8, v37;
	v38 =	vsel vm7, $0xFF9, v38  }
0x6c: {  	v39 =	vsel vm7, $0x2FF9, v39;
	v40 =	vsel vm7, $0xFFA, v40;
	v41 =	vsel vm7, $0x2FFA, v41  }
0x6d: {  	v42 =	vsel vm7, $0xFFB, v42;
	v43 =	vsel vm7, $0x2FFB, v43;
	v44 =	vsel vm7, $0xFFC, v44  }
0x6e: {  	v45 =	vsel vm7, $0x2FFC, v45;
	v46 =	vsel vm7, $0xFFD, v46;
	v47 =	vsel vm7, $0x2FFD, v47  }
0x6f: {  	v48 =	vsel vm7, $0xFFE, v48;
	v49 =	vsel vm7, $0x2FFE, v49;
	v50 =	vsel vm7, $0xFFF, v50  }
0x70: {  	v51 =	vsel vm7, $0x2FFF, v51;
	v2 =	vsel vm6, $0x1000, v2;
	v3 =	vsel vm6, $0x3000, v3  }
0x71: {  	v16 =	vsel vm6, $0x1C70, v14;
	v15 =	vsel vm6, $0x3C70, v15;
	v14 =	vor.u32 $0x5000, v1  }
0x72: {  	v22 =	vsel vm6, $0x1C71, v22;
	v23 =	vsel vm6, $0x3C71, v23;
	v24 =	vsel vm6, $0x1C72, v24  }
0x73: {  	v25 =	vsel vm6, $0x3C72, v25;
	v26 =	vsel vm6, $0x1C73, v26;
	v27 =	vsel vm6, $0x3C73, v27  }
0x74: {  	v28 =	vsel vm6, $0x1C74, v28;
	v29 =	vsel vm6, $0x3C74, v29;
	v30 =	vsel vm6, $0x1C75, v30  }
0x75: {  	v31 =	vsel vm6, $0x3C75, v31;
	v32 =	vsel vm6, $0x1C76, v32;
	v33 =	vsel vm6, $0x3C76, v33  }
0x76: {  	v34 =	vsel vm6, $0x1C77, v34;
	v35 =	vsel vm6, $0x3C77, v35;
	v36 =	vsel vm6, $0x1C78, v36  }
0x77: {  	v37 =	vsel vm6, $0x3C78, v37;
	v38 =	vsel vm6, $0x1C79, v38;
	v39 =	vsel vm6, $0x3C79, v39  }
0x78: {  	v40 =	vsel vm6, $0x1C7A, v40;
	v41 =	vsel vm6, $0x3C7A, v41;
	v42 =	vsel vm6, $0x1C7B, v42  }
0x79: {  	v43 =	vsel vm6, $0x3C7B, v43;
	v44 =	vsel vm6, $0x1C7C, v44;
	v45 =	vsel vm6, $0x3C7C, v45  }
0x7a: {  	v46 =	vsel vm6, $0x1C7D, v46;
	v47 =	vsel vm6, $0x3C7D, v47;
	v48 =	vsel vm6, $0x1C7E, v48  }
0x7b: {  	v49 =	vsel vm6, $0x3C7E, v49;
	v50 =	vsel vm6, $0x1C7F, v50;
	v51 =	vsel vm6, $0x3C7F, v51  }
0x7c: {  	v2 =	vsel vm5, $0x1080, v2;
	v3 =	vsel vm5, $0x3080, v3;
	v16 =	vsel vm5, $0x1CF0, v16  }
0x7d: {  	v17 =	vsel vm5, $0x3CF0, v15;
	v15 =	vor.u32 $0x5800, v1;
	v22 =	vsel vm5, $0x1CF1, v22  }
0x7e: {  	v23 =	vsel vm5, $0x3CF1, v23;
	v24 =	vsel vm5, $0x1CF2, v24;
	v25 =	vsel vm5, $0x3CF2, v25  }
0x7f: {  	v26 =	vsel vm5, $0x1CF3, v26;
	v27 =	vsel vm5, $0x3CF3, v27;
	v28 =	vsel vm5, $0x1CF4, v28  }
0x80: {  	v29 =	vsel vm5, $0x3CF4, v29;
	v30 =	vsel vm5, $0x1CF5, v30;
	v31 =	vsel vm5, $0x3CF5, v31  }
0x81: {  	v32 =	vsel vm5, $0x1CF6, v32;
	v33 =	vsel vm5, $0x3CF6, v33;
	v34 =	vsel vm5, $0x1CF7, v34  }
0x82: {  	v35 =	vsel vm5, $0x3CF7, v35;
	v36 =	vsel vm5, $0x1CF8, v36;
	v37 =	vsel vm5, $0x3CF8, v37  }
0x83: {  	v38 =	vsel vm5, $0x1CF9, v38;
	v39 =	vsel vm5, $0x3CF9, v39;
	v40 =	vsel vm5, $0x1CFA, v40  }
0x84: {  	v41 =	vsel vm5, $0x3CFA, v41;
	v42 =	vsel vm5, $0x1CFB, v42;
	v43 =	vsel vm5, $0x3CFB, v43  }
0x85: {  	v44 =	vsel vm5, $0x1CFC, v44;
	v45 =	vsel vm5, $0x3CFC, v45;
	v46 =	vsel vm5, $0x1CFD, v46  }
0x86: {  	v47 =	vsel vm5, $0x3CFD, v47;
	v48 =	vsel vm5, $0x1CFE, v48;
	v49 =	vsel vm5, $0x3CFE, v49  }
0x87: {  	v50 =	vsel vm5, $0x1CFF, v50;
	v51 =	vsel vm5, $0x3CFF, v51;
	v2 =	vsel vm4, $0x1100, v2  }
0x88: {  	v3 =	vsel vm4, $0x3100, v3;
	v18 =	vsel vm4, $0x1D70, v16;
	v17 =	vsel vm4, $0x3D70, v17  }
0x89: {  	v16 =	vor.u32 $0x6000, v1;
	v22 =	vsel vm4, $0x1D71, v22;
	v23 =	vsel vm4, $0x3D71, v23  }
0x8a: {  	v24 =	vsel vm4, $0x1D72, v24;
	v25 =	vsel vm4, $0x3D72, v25;
	v26 =	vsel vm4, $0x1D73, v26  }
0x8b: {  	v27 =	vsel vm4, $0x3D73, v27;
	v28 =	vsel vm4, $0x1D74, v28;
	v29 =	vsel vm4, $0x3D74, v29  }
0x8c: {  	v30 =	vsel vm4, $0x1D75, v30;
	v31 =	vsel vm4, $0x3D75, v31;
	v32 =	vsel vm4, $0x1D76, v32  }
0x8d: {  	v33 =	vsel vm4, $0x3D76, v33;
	v34 =	vsel vm4, $0x1D77, v34;
	v35 =	vsel vm4, $0x3D77, v35  }
0x8e: {  	v36 =	vsel vm4, $0x1D78, v36;
	v37 =	vsel vm4, $0x3D78, v37;
	v38 =	vsel vm4, $0x1D79, v38  }
0x8f: {  	v39 =	vsel vm4, $0x3D79, v39;
	v40 =	vsel vm4, $0x1D7A, v40;
	v41 =	vsel vm4, $0x3D7A, v41  }
0x90: {  	v42 =	vsel vm4, $0x1D7B, v42;
	v43 =	vsel vm4, $0x3D7B, v43;
	v44 =	vsel vm4, $0x1D7C, v44  }
0x91: {  	v45 =	vsel vm4, $0x3D7C, v45;
	v46 =	vsel vm4, $0x1D7D, v46;
	v47 =	vsel vm4, $0x3D7D, v47  }
0x92: {  	v48 =	vsel vm4, $0x1D7E, v48;
	v49 =	vsel vm4, $0x3D7E, v49;
	v50 =	vsel vm4, $0x1D7F, v50  }
0x93: {  	v51 =	vsel vm4, $0x3D7F, v51;
	v2 =	vsel vm3, $0x1180, v2;
	v3 =	vsel vm3, $0x3180, v3  }
0x94: {  	v18 =	vsel vm3, $0x1DF0, v18;
	v19 =	vsel vm3, $0x3DF0, v17;
	v17 =	vor.u32 $0x6800, v1  }
0x95: {  	v22 =	vsel vm3, $0x1DF1, v22;
	v23 =	vsel vm3, $0x3DF1, v23;
	v24 =	vsel vm3, $0x1DF2, v24  }
0x96: {  	v25 =	vsel vm3, $0x3DF2, v25;
	v26 =	vsel vm3, $0x1DF3, v26;
	v27 =	vsel vm3, $0x3DF3, v27  }
0x97: {  	v28 =	vsel vm3, $0x1DF4, v28;
	v29 =	vsel vm3, $0x3DF4, v29;
	v30 =	vsel vm3, $0x1DF5, v30  }
0x98: {  	v31 =	vsel vm3, $0x3DF5, v31;
	v32 =	vsel vm3, $0x1DF6, v32;
	v33 =	vsel vm3, $0x3DF6, v33  }
0x99: {  	v34 =	vsel vm3, $0x1DF7, v34;
	v35 =	vsel vm3, $0x3DF7, v35;
	v36 =	vsel vm3, $0x1DF8, v36  }
0x9a: {  	v37 =	vsel vm3, $0x3DF8, v37;
	v38 =	vsel vm3, $0x1DF9, v38;
	v39 =	vsel vm3, $0x3DF9, v39  }
0x9b: {  	v40 =	vsel vm3, $0x1DFA, v40;
	v41 =	vsel vm3, $0x3DFA, v41;
	v42 =	vsel vm3, $0x1DFB, v42  }
0x9c: {  	v43 =	vsel vm3, $0x3DFB, v43;
	v44 =	vsel vm3, $0x1DFC, v44;
	v45 =	vsel vm3, $0x3DFC, v45  }
0x9d: {  	v46 =	vsel vm3, $0x1DFD, v46;
	v47 =	vsel vm3, $0x3DFD, v47;
	v48 =	vsel vm3, $0x1DFE, v48  }
0x9e: {  	v49 =	vsel vm3, $0x3DFE, v49;
	v50 =	vsel vm3, $0x1DFF, v50;
	v51 =	vsel vm3, $0x3DFF, v51  }
0x9f: {  	v2 =	vsel vm2, $0x1200, v2;
	v4 =	vsel vm2, $0x3200, v3;
	v3 =	vor.u32 $0x800, v1  }
0xa0: {  	v20 =	vsel vm2, $0x1E70, v18;
	v19 =	vsel vm2, $0x3E70, v19;
	v18 =	vor.u32 $0x7000, v1  }
0xa1: {  	v22 =	vsel vm2, $0x1E71, v22;
	v23 =	vsel vm2, $0x3E71, v23;
	v24 =	vsel vm2, $0x1E72, v24  }
0xa2: {  	v25 =	vsel vm2, $0x3E72, v25;
	v26 =	vsel vm2, $0x1E73, v26;
	v27 =	vsel vm2, $0x3E73, v27  }
0xa3: {  	v28 =	vsel vm2, $0x1E74, v28;
	v29 =	vsel vm2, $0x3E74, v29;
	v30 =	vsel vm2, $0x1E75, v30  }
0xa4: {  	v31 =	vsel vm2, $0x3E75, v31;
	v32 =	vsel vm2, $0x1E76, v32;
	v33 =	vsel vm2, $0x3E76, v33  }
0xa5: {  	v34 =	vsel vm2, $0x1E77, v34;
	v35 =	vsel vm2, $0x3E77, v35;
	v36 =	vsel vm2, $0x1E78, v36  }
0xa6: {  	v37 =	vsel vm2, $0x3E78, v37;
	v38 =	vsel vm2, $0x1E79, v38;
	v39 =	vsel vm2, $0x3E79, v39  }
0xa7: {  	v40 =	vsel vm2, $0x1E7A, v40;
	v41 =	vsel vm2, $0x3E7A, v41;
	v42 =	vsel vm2, $0x1E7B, v42  }
0xa8: {  	v43 =	vsel vm2, $0x3E7B, v43;
	v44 =	vsel vm2, $0x1E7C, v44;
	v45 =	vsel vm2, $0x3E7C, v45  }
0xa9: {  	v46 =	vsel vm2, $0x1E7D, v46;
	v47 =	vsel vm2, $0x3E7D, v47;
	v48 =	vsel vm2, $0x1E7E, v48  }
0xaa: {  	v49 =	vsel vm2, $0x3E7E, v49;
	v50 =	vsel vm2, $0x1E7F, v50;
	v51 =	vsel vm2, $0x3E7F, v51  }
0xab: {  	v2 =	vsel vm1, $0x1280, v2;
	v4 =	vsel vm1, $0x3280, v4;
	v20 =	vsel vm1, $0x1EF0, v20  }
0xac: {  	v21 =	vsel vm1, $0x3EF0, v19;
	v19 =	vor.u32 $0x7800, v1;
	v22 =	vsel vm1, $0x1EF1, v22  }
0xad: {  	v23 =	vsel vm1, $0x3EF1, v23;
	v24 =	vsel vm1, $0x1EF2, v24;
	v25 =	vsel vm1, $0x3EF2, v25  }
0xae: {  	v26 =	vsel vm1, $0x1EF3, v26;
	v27 =	vsel vm1, $0x3EF3, v27;
	v28 =	vsel vm1, $0x1EF4, v28  }
0xaf: {  	s0 =	rddreg [dreg:$0x0];
	v29 =	vsel vm1, $0x3EF4, v29;
	v30 =	vsel vm1, $0x1EF5, v30;
	v31 =	vsel vm1, $0x3EF5, v31  }
0xb0: {  	s1 =	rddreg [dreg:$0x1];
	v32 =	vsel vm1, $0x1EF6, v32;
	v33 =	vsel vm1, $0x3EF6, v33;
	v34 =	vsel vm1, $0x1EF7, v34  }
0xb1: {  	s2 =	rddreg [dreg:$0x3];
	s4 =	srdreg.scid;
	s3 =	simm.s32 $0x0;
	v35 =	vsel vm1, $0x3EF7, v35;
	v36 =	vsel vm1, $0x1EF8, v36;
	v37 =	vsel vm1, $0x3EF8, v37  }
0xb2: {  	s5 =	stileid.u32;
	s11 =	simm.s32 $0x7A1400;
	s13 =	simm.s32 $0x400;
	v38 =	vsel vm1, $0x1EF9, v38;
	v39 =	vsel vm1, $0x3EF9, v39;
	v40 =	vsel vm1, $0x1EFA, v40  }
0xb3: {  	s14 =	simm.s32 $0x10400;
	s8 =	simm.s32 $0x10C00;
	s9 =	simm.s32 $0x3400;
	v41 =	vsel vm1, $0x3EFA, v41;
	v42 =	vsel vm1, $0x1EFB, v42;
	v43 =	vsel vm1, $0x3EFB, v43  }
0xb4: {  	s10 =	simm.s32 $0x11000;
	s12 =	simm.s32 $0x4400;
	s15 =	simm.s32 $0x11400;
	v44 =	vsel vm1, $0x1EFC, v44;
	v45 =	vsel vm1, $0x3EFC, v45;
	v46 =	vsel vm1, $0x1EFD, v46  }
0xb5: {  	s16 =	simm.s32 $0x5400;
	s17 =	simm.s32 $0x11800;
	s18 =	simm.s32 $0x6400;
	v47 =	vsel vm1, $0x3EFD, v47;
	v48 =	vsel vm1, $0x1EFE, v48;
	v49 =	vsel vm1, $0x3EFE, v49  }
0xb6: {  	s19 =	simm.s32 $0x11C00;
	s20 =	simm.s32 $0x7400;
	s22 =	simm.s32 $0x12000;
	v50 =	vsel vm1, $0x1EFF, v50;
	v51 =	vsel vm1, $0x3EFF, v51;
	v2 =	vsel vm0, $0x1300, v2  }
0xb7: {  	s30 =	simm.s32 $0x8400;
	s31 =	simm.s32 $0x12400;
	s21 =	simm.s32 $0x1;
	v4 =	vsel vm0, $0x3300, v4;
	v20 =	vsel vm0, $0x1F70, v20;
	v21 =	vsel vm0, $0x3F70, v21  }
0xb8: {  	s23 =	simm.s32 $0x14400;
	s4 =	sand.u32 $0x1, s4;
	[smem:$0x7FF] =	sst s3;
	v22 =	vsel vm0, $0x1F71, v22;
	v23 =	vsel vm0, $0x3F71, v23;
	v24 =	vsel vm0, $0x1F72, v24  }
0xb9: {  	s5 =	sshll.u32 s5, $0xA;
	s6 =	sshll.u32 s4, $0x9;
	s24 =	ssub.s32 $0x2, s4;
	v25 =	vsel vm0, $0x3F72, v25;
	v26 =	vsel vm0, $0x1F73, v26;
	v27 =	vsel vm0, $0x3F73, v27  }
0xba: {  	_ =	strace $0x80000047;
	s5 =	sor.u32 s6, s5;
	s7 =	sshrl.u32 s24, $0x1;
	v28 =	vsel vm0, $0x1F74, v28;
	v29 =	vsel vm0, $0x3F74, v29;
	v30 =	vsel vm0, $0x1F75, v30  }
0xbb: {  	s4 =	sadd.s32 $0x1400, s2;
	s2 =	sadd.s32 s5, s2;
	s6 =	ssub.s32 s24, s7;
	v31 =	vsel vm0, $0x3F75, v31;
	v32 =	vsel vm0, $0x1F76, v32;
	v33 =	vsel vm0, $0x3F76, v33  }
0xbc: {  	s5 =	sshrl.u32 s5, $0x3;
	s7 =	simm.s32 $0x2400;
	s25 =	sadd.s32 $0x187E00, s2;
	v34 =	vsel vm0, $0x1F77, v34;
	v35 =	vsel vm0, $0x3F77, v35;
	v36 =	vsel vm0, $0x1F78, v36  }
0xbd: {  	s24 =	simm.s32 $0x18400;
	s0 =	sadd.s32 s0, s5;
	[dreg:$0x5] =	wrdreg s25;
	v37 =	vsel vm0, $0x3F78, v37;
	v38 =	vsel vm0, $0x1F79, v38;
	v39 =	vsel vm0, $0x3F79, v39  }
0xbe: {  	s26 =	sadd.s32 s1, s5;
	s28 =	sadd.s32 $0x197E00, s2;
	[dreg:$0x6] =	wrdreg s0;
	v40 =	vsel vm0, $0x1F7A, v40;
	v41 =	vsel vm0, $0x3F7A, v41;
	v42 =	vsel vm0, $0x1F7B, v42  }
0xbf: {  	s29 =	smax.u32 s6, $0x1;
	s1 =	simm.s32 $0x5;
	[dreg:$0x7] =	wrdreg s26;
	v43 =	vsel vm0, $0x3F7B, v43;
	v44 =	vsel vm0, $0x1F7C, v44;
	v45 =	vsel vm0, $0x3F7C, v45  }
0xc0: {  	s5 =	simm.s32 $0x1400;
	s6 =	simm.s32 $0x10800;
	[dreg:$0x8] =	wrdreg s28;
	v46 =	vsel vm0, $0x1F7D, v46;
	v47 =	vsel vm0, $0x3F7D, v47;
	v48 =	vsel vm0, $0x1F7E, v48  }
0xc1: {  	s2 =	simm.s32 $0x0;
	[dreg:$0x9] =	wrdreg s29;
	s25 =	simm.s32 $0x2;
	v49 =	vsel vm0, $0x3F7E, v49;
	v50 =	vsel vm0, $0x1F7F, v50;
	v51 =	vsel vm0, $0x3F7F, v51  }
.LBB2_1:
0xc2: {  	[dreg:$0xa] =	wrdreg s2  }
0xc3: {  	s0 =	rddreg [dreg:$0x6]  }
0xc4: {  	[tilespmem:s3], [sflag:$0x5] =	stream.linear.gather [hbm4b:s0+s3], $0x200, $0x38;
	[tilespmem:$0x1C400] =	vst v63  }
0xc5: {  	_ =	swait.ge [sflag:s1], $0x200  }
0xc6: {  	[sflag:s1] =	ssyncset.done $0x0  }
0xc7: {  	s29 =	simm.s32 $0x200;
	s26 =	rddreg [dreg:$0x7];
	[sflag:s1] =	ssyncadd.s32 $0xFFFFFE00  }
0xc8: {  	[tilespmem:s29], [sflag:$0x5] =	stream.linear.gather [hbm4b:s26+s3], $0x200, $0x38;
	[tilespmem:$0x1C400] =	vst v63  }
0xc9: {  	_ =	swait.ge [sflag:s1], $0x200  }
0xca: {  	[sflag:s1] =	ssyncset.done $0x0  }
0xcb: {  	[sflag:s1] =	ssyncadd.s32 $0xFFFFFE00  }
0xcc: {  	v53 =	vld.idx.msk [tilespmem:v0+s3+$0x0], $0xffff;
	_ =	sdelay $0x1  }
0xcd: {  	v52 =	vld.idx.msk [tilespmem:v0+s29+$0x0], $0xffff;
	_ =	sdelay $0x2  }
0xce: {  	(v2sf) =	vpush v53, $0x0;
	_ =	sdelay $0x1  }
0xcf: {  	v54 =	vshll.u32 v52, $0x4  }
0xd0: {  	(v2sf) =	vpush v54, $0x0;
	_ =	sdelay $0x2  }
0xd1: {  	(v2sf) =	vpush v53, $0x1;
	_ =	sdelay $0x4  }
0xd2: {  	(v2sf) =	vpush v54, $0x1;
	_ =	sdelay $0x3  }
0xd3: {  	s26 =	spop (v2sf);
	(v2sf) =	vpush v53, $0x2;
	_ =	sdelay $0x1  }
0xd4: {  	s1 =	rddreg [dreg:$0x2];
	s0 =	sand.u32 $0xFFFFF80, s26  }
0xd5: {  	s29 =	spop (v2sf);
	s0 =	sadd.s32 s1, s0  }
0xd6: {  	(v2sf) =	vpush v54, $0x2;
	[tilespmem:s13], [sflag:$0x1] =	stream.strided.gather [hbm4b:s0+s13], $0x1000, s11, s13, $0x38;
	[tilespmem:$0x1C400] =	vst v63  }
0xd7: {  	s0 =	sand.u32 $0xFFFFF80, s29  }
0xd8: {  	s2 =	spop (v2sf);
	s0 =	sadd.s32 s4, s0  }
0xd9: {  	[tilespmem:s14], [sflag:$0x3] =	stream.linear.gather [hbm4b:s0+s3], $0x400, $0x38;
	[tilespmem:$0x1C400] =	vst v63  }
0xda: {  	(v2sf) =	vpush v53, $0x3;
	s0 =	sand.u32 $0xFFFFF80, s2  }
0xdb: {  	s0 =	sadd.s32 s1, s0  }
0xdc: {  	[tilespmem:s5], [sflag:$0x1] =	stream.strided.gather [hbm4b:s0+s13], $0x1000, s11, s13, $0x38;
	[tilespmem:$0x1C400] =	vst v63  }
0xdd: {  	s5 =	spop (v2sf)  }
0xde: {  	(v2sf) =	vpush v54, $0x3;
	s0 =	sand.u32 $0xFFFFF80, s5  }
0xdf: {  	s0 =	sadd.s32 s4, s0  }
0xe0: {  	[tilespmem:s6], [sflag:$0x3] =	stream.linear.gather [hbm4b:s0+s3], $0x400, $0x38;
	[tilespmem:$0x1C400] =	vst v63  }
0xe1: {  	s6 =	spop (v2sf)  }
0xe2: {  	(v2sf) =	vpush v53, $0x4;
	s0 =	sand.u32 $0xFFFFF80, s6  }
0xe3: {  	s0 =	sadd.s32 s1, s0  }
0xe4: {  	[tilespmem:s7], [sflag:$0x1] =	stream.strided.gather [hbm4b:s0+s13], $0x1000, s11, s13, $0x38;
	[tilespmem:$0x1C400] =	vst v63  }
0xe5: {  	s7 =	spop (v2sf)  }
0xe6: {  	(v2sf) =	vpush v54, $0x4;
	s0 =	sand.u32 $0xFFFFF80, s7  }
0xe7: {  	s0 =	sadd.s32 s4, s0  }
0xe8: {  	[tilespmem:s8], [sflag:$0x3] =	stream.linear.gather [hbm4b:s0+s3], $0x400, $0x38;
	[tilespmem:$0x1C400] =	vst v63  }
0xe9: {  	s8 =	spop (v2sf)  }
0xea: {  	(v2sf) =	vpush v53, $0x5;
	s0 =	sand.u32 $0xFFFFF80, s8  }
0xeb: {  	s0 =	sadd.s32 s1, s0  }
0xec: {  	[tilespmem:s9], [sflag:$0x1] =	stream.strided.gather [hbm4b:s0+s13], $0x1000, s11, s13, $0x38;
	[tilespmem:$0x1C400] =	vst v63  }
0xed: {  	s9 =	spop (v2sf)  }
0xee: {  	(v2sf) =	vpush v54, $0x5;
	s0 =	sand.u32 $0xFFFFF80, s9  }
0xef: {  	s0 =	sadd.s32 s4, s0  }
0xf0: {  	[tilespmem:s10], [sflag:$0x3] =	stream.linear.gather [hbm4b:s0+s3], $0x400, $0x38;
	[tilespmem:$0x1C400] =	vst v63  }
0xf1: {  	s10 =	spop (v2sf)  }
0xf2: {  	(v2sf) =	vpush v53, $0x6;
	s0 =	sand.u32 $0xFFFFF80, s10  }
0xf3: {  	s0 =	sadd.s32 s1, s0  }
0xf4: {  	[tilespmem:s12], [sflag:$0x1] =	stream.strided.gather [hbm4b:s0+s13], $0x1000, s11, s13, $0x38;
	[tilespmem:$0x1C400] =	vst v63  }
0xf5: {  	s12 =	spop (v2sf)  }
0xf6: {  	(v2sf) =	vpush v54, $0x6;
	s0 =	sand.u32 $0xFFFFF80, s12  }
0xf7: {  	s0 =	sadd.s32 s4, s0  }
0xf8: {  	[tilespmem:s15], [sflag:$0x3] =	stream.linear.gather [hbm4b:s0+s3], $0x400, $0x38;
	[tilespmem:$0x1C400] =	vst v63  }
0xf9: {  	s15 =	spop (v2sf)  }
0xfa: {  	(v2sf) =	vpush v53, $0x7;
	s0 =	sand.u32 $0xFFFFF80, s15  }
0xfb: {  	s0 =	sadd.s32 s1, s0  }
0xfc: {  	[tilespmem:s16], [sflag:$0x1] =	stream.strided.gather [hbm4b:s0+s13], $0x1000, s11, s13, $0x38;
	[tilespmem:$0x1C400] =	vst v63  }
0xfd: {  	s16 =	spop (v2sf)  }
0xfe: {  	(v2sf) =	vpush v54, $0x7;
	s0 =	sand.u32 $0xFFFFF80, s16  }
0xff: {  	s0 =	sadd.s32 s4, s0  }
0x100: {  	[tilespmem:s17], [sflag:$0x3] =	stream.linear.gather [hbm4b:s0+s3], $0x400, $0x38;
	[tilespmem:$0x1C400] =	vst v63  }
0x101: {  	s17 =	spop (v2sf)  }
0x102: {  	s0 =	sand.u32 $0xFFFFF80, s17  }
0x103: {  	s0 =	sadd.s32 s1, s0  }
0x104: {  	[tilespmem:s18], [sflag:$0x1] =	stream.strided.gather [hbm4b:s0+s13], $0x1000, s11, s13, $0x38;
	[tilespmem:$0x1C400] =	vst v63  }
0x105: {  	s18 =	spop (v2sf)  }
0x106: {  	s0 =	sand.u32 $0xFFFFF80, s18  }
0x107: {  	s0 =	sadd.s32 s4, s0  }
0x108: {  	[tilespmem:s19], [sflag:$0x3] =	stream.linear.gather [hbm4b:s0+s3], $0x400, $0x38;
	[tilespmem:$0x1C400] =	vst v63  }
0x109: {  	s26 =	spop (v2sf)  }
0x10a: {  	s0 =	sand.u32 $0xFFFFF80, s26  }
0x10b: {  	s0 =	sadd.s32 s1, s0  }
0x10c: {  	[tilespmem:s20], [sflag:$0x1] =	stream.strided.gather [hbm4b:s0+s13], $0x1000, s11, s13, $0x38;
	[tilespmem:$0x1C400] =	vst v63  }
0x10d: {  	s29 =	spop (v2sf)  }
0x10e: {  	s0 =	sand.u32 $0xFFFFF80, s29  }
0x10f: {  	s28 =	simm.s32 $0x0;
	s0 =	sadd.s32 s4, s0  }
0x110: {  	[tilespmem:s22], [sflag:$0x3] =	stream.linear.gather [hbm4b:s0+s3], $0x400, $0x38;
	[tilespmem:$0x1C400] =	vst v63  }
.LBB2_2:
0x111: {  	s0 =	sadd.s32 $0x8, s28  }
0x112: {  	v54 =	vadd.s32 s0, v0;
	_ =	sdelay $0x4  }
0x113: {  	s6 =	simm.s32 $0x200;
	v55 =	vld.idx.msk [tilespmem:v54+s3+$0x0], $0xffff  }
0x114: {  	v54 =	vld.idx.msk [tilespmem:v54+s6+$0x0], $0xffff;
	_ =	sdelay $0x3  }
0x115: {  	(v2sf) =	vpush v55, $0x0  }
0x116: {  	(v2sf) =	vpush v54, $0x0;
	_ =	sdelay $0x2  }
0x117: {  	(v2sf) =	vpush v55, $0x1;
	_ =	sdelay $0x2  }
0x118: {  	(v2sf) =	vpush v54, $0x1;
	_ =	sdelay $0x7  }
0x119: {  	s5 =	spop (v2sf);
	(v2sf) =	vpush v55, $0x2  }
0x11a: {  	s2 =	spop (v2sf);
	(v2sf) =	vpush v54, $0x2;
	_ =	sdelay $0x2  }
0x11b: {  	s8 =	spop (v2sf);
	(v2sf) =	vpush v55, $0x3;
	_ =	sdelay $0x2  }
0x11c: {  	[dreg:$0x1b] =	wrdreg s5;
	s1 =	sand.u32 $0xFFFFF80, s5;
	s5 =	spop (v2sf);
	(v2sf) =	vpush v54, $0x3  }
0x11d: {  	[dreg:$0x19] =	wrdreg s0  }
0x11e: {  	s0 =	rddreg [dreg:$0x2]  }
0x11f: {  	s1 =	sadd.s32 s0, s1;
	s7 =	sshll.u32 s2, $0x4  }
0x120: {  	[tilespmem:s30], [sflag:$0x2] =	stream.strided.gather [hbm4b:s1+s13], $0x1000, s11, s13, $0x38;
	[tilespmem:$0x1C400] =	vst v63  }
0x121: {  	s1 =	sand.u32 $0xFFFFF80, s7  }
0x122: {  	s1 =	sadd.s32 s4, s1  }
0x123: {  	[tilespmem:s31], [sflag:$0x4] =	stream.linear.gather [hbm4b:s1+s3], $0x400, $0x38;
	[tilespmem:$0x1C400] =	vst v63  }
0x124: {  	s9 =	simm.s32 $0x9400;
	s1 =	sand.u32 $0xFFFFF80, s8;
	s15 =	spop (v2sf);
	(v2sf) =	vpush v55, $0x4  }
0x125: {  	s10 =	sshll.u32 s5, $0x4;
	s1 =	sadd.s32 s0, s1;
	s16 =	spop (v2sf);
	(v2sf) =	vpush v54, $0x4  }
0x126: {  	[tilespmem:s9], [sflag:$0x2] =	stream.strided.gather [hbm4b:s1+s13], $0x1000, s11, s13, $0x38;
	[tilespmem:$0x1C400] =	vst v63  }
0x127: {  	s1 =	sand.u32 $0xFFFFF80, s10  }
0x128: {  	s12 =	simm.s32 $0x12800;
	s1 =	sadd.s32 s4, s1;
	s20 =	spop (v2sf);
	(v2sf) =	vpush v55, $0x5  }
0x129: {  	[tilespmem:s12], [sflag:$0x4] =	stream.linear.gather [hbm4b:s1+s3], $0x400, $0x38;
	[tilespmem:$0x1C400] =	vst v63  }
0x12a: {  	s17 =	simm.s32 $0xA400;
	s1 =	sand.u32 $0xFFFFF80, s15  }
0x12b: {  	s1 =	sadd.s32 s0, s1;
	s18 =	sshll.u32 s16, $0x4;
	s22 =	spop (v2sf);
	(v2sf) =	vpush v54, $0x5  }
0x12c: {  	[tilespmem:s17], [sflag:$0x2] =	stream.strided.gather [hbm4b:s1+s13], $0x1000, s11, s13, $0x38;
	[tilespmem:$0x1C400] =	vst v63  }
0x12d: {  	s1 =	sand.u32 $0xFFFFF80, s18  }
0x12e: {  	s19 =	simm.s32 $0x12C00;
	s1 =	sadd.s32 s4, s1  }
0x12f: {  	[tilespmem:s19], [sflag:$0x4] =	stream.linear.gather [hbm4b:s1+s3], $0x400, $0x38;
	[tilespmem:$0x1C400] =	vst v63  }
0x130: {  	s26 =	simm.s32 $0xB400;
	[dreg:$0x1a] =	wrdreg s2;
	s1 =	sand.u32 $0xFFFFF80, s20  }
0x131: {  	[dreg:$0x18] =	wrdreg s8;
	s2 =	sshll.u32 s22, $0x4;
	s1 =	sadd.s32 s0, s1  }
0x132: {  	[tilespmem:s26], [sflag:$0x2] =	stream.strided.gather [hbm4b:s1+s13], $0x1000, s11, s13, $0x38;
	[tilespmem:$0x1C400] =	vst v63  }
0x133: {  	[dreg:$0x17] =	wrdreg s5;
	s1 =	sand.u32 $0xFFFFF80, s2;
	s7 =	spop (v2sf);
	(v2sf) =	vpush v55, $0x6  }
0x134: {  	s5 =	simm.s32 $0x13000;
	s1 =	sadd.s32 s4, s1;
	s8 =	spop (v2sf);
	(v2sf) =	vpush v54, $0x6  }
0x135: {  	[tilespmem:s5], [sflag:$0x4] =	stream.linear.gather [hbm4b:s1+s3], $0x400, $0x38;
	[tilespmem:$0x1C400] =	vst v63  }
0x136: {  	s9 =	simm.s32 $0xC400;
	[dreg:$0x15] =	wrdreg s15;
	s1 =	sand.u32 $0xFFFFF80, s7  }
0x137: {  	s1 =	sadd.s32 s0, s1;
	s10 =	sshll.u32 s8, $0x4;
	s15 =	spop (v2sf)  }
0x138: {  	(v2sf) =	vpush v55, $0x7;
	[tilespmem:s9], [sflag:$0x2] =	stream.strided.gather [hbm4b:s1+s13], $0x1000, s11, s13, $0x38;
	[tilespmem:$0x1C400] =	vst v63  }
0x139: {  	s12 =	simm.s32 $0x13400;
	s1 =	sand.u32 $0xFFFFF80, s10  }
0x13a: {  	[dreg:$0x16] =	wrdreg s16;
	s16 =	spop (v2sf);
	(v2sf) =	vpush v54, $0x7;
	s1 =	sadd.s32 s4, s1  }
0x13b: {  	[tilespmem:s12], [sflag:$0x4] =	stream.linear.gather [hbm4b:s1+s3], $0x400, $0x38;
	[tilespmem:$0x1C400] =	vst v63  }
0x13c: {  	s1 =	sand.u32 $0xFFFFF80, s15  }
0x13d: {  	s17 =	simm.s32 $0xD400;
	s18 =	sshll.u32 s16, $0x4;
	s1 =	sadd.s32 s0, s1  }
0x13e: {  	[tilespmem:s17], [sflag:$0x2] =	stream.strided.gather [hbm4b:s1+s13], $0x1000, s11, s13, $0x38;
	[tilespmem:$0x1C400] =	vst v63  }
0x13f: {  	[dreg:$0x13] =	wrdreg s20;
	s1 =	sand.u32 $0xFFFFF80, s18  }
0x140: {  	[dreg:$0x14] =	wrdreg s22;
	s19 =	simm.s32 $0x13800;
	s1 =	sadd.s32 s4, s1  }
0x141: {  	[tilespmem:s19], [sflag:$0x4] =	stream.linear.gather [hbm4b:s1+s3], $0x400, $0x38;
	[tilespmem:$0x1C400] =	vst v63  }
0x142: {  	s26 =	simm.s32 $0xE400;
	[dreg:$0x11] =	wrdreg s7;
	s20 =	spop (v2sf)  }
0x143: {  	[dreg:$0x12] =	wrdreg s8;
	s1 =	sand.u32 $0xFFFFF80, s20;
	s22 =	spop (v2sf)  }
0x144: {  	[dreg:$0xf] =	wrdreg s15;
	s1 =	sadd.s32 s0, s1;
	s7 =	sshll.u32 s22, $0x4  }
0x145: {  	[tilespmem:s26], [sflag:$0x2] =	stream.strided.gather [hbm4b:s1+s13], $0x1000, s11, s13, $0x38;
	[tilespmem:$0x1C400] =	vst v63  }
0x146: {  	s8 =	simm.s32 $0x13C00;
	[dreg:$0x10] =	wrdreg s16;
	s1 =	sand.u32 $0xFFFFF80, s7  }
0x147: {  	s12 =	simm.s32 $0xF400;
	s9 =	spop (v2sf);
	s1 =	sadd.s32 s4, s1  }
0x148: {  	[tilespmem:s8], [sflag:$0x4] =	stream.linear.gather [hbm4b:s1+s3], $0x400, $0x38;
	[tilespmem:$0x1C400] =	vst v63  }
0x149: {  	[dreg:$0xe] =	wrdreg s20;
	s10 =	spop (v2sf);
	s1 =	sand.u32 $0xFFFFF80, s9  }
0x14a: {  	[dreg:$0xd] =	wrdreg s22;
	s15 =	sshll.u32 s10, $0x4;
	s1 =	sadd.s32 s0, s1  }
0x14b: {  	[tilespmem:s12], [sflag:$0x2] =	stream.strided.gather [hbm4b:s1+s13], $0x1000, s11, s13, $0x38;
	[tilespmem:$0x1C400] =	vst v63  }
0x14c: {  	[dreg:$0xc] =	wrdreg s9;
	s1 =	sand.u32 $0xFFFFF80, s15  }
0x14d: {  	s16 =	simm.s32 $0x14000;
	[dreg:$0xb] =	wrdreg s10;
	s1 =	sadd.s32 s4, s1  }
0x14e: {  	[tilespmem:s16], [sflag:$0x4] =	stream.linear.gather [hbm4b:s1+s3], $0x400, $0x38;
	[tilespmem:$0x1C400] =	vst v63  }
0x14f: {  	_ =	swait.ge [sflag:s21], $0x1000  }
0x150: {  	[sflag:s21] =	ssyncset.done $0x0  }
0x151: {  	[sflag:s21] =	ssyncadd.s32 $0xFFFFF000  }
0x152: {  	_ =	swait.ge [sflag:s21], $0x1000  }
0x153: {  	[sflag:s21] =	ssyncset.done $0x0  }
0x154: {  	[sflag:s21] =	ssyncadd.s32 $0xFFFFF000  }
0x155: {  	_ =	swait.ge [sflag:s21], $0x1000  }
0x156: {  	[sflag:s21] =	ssyncset.done $0x0  }
0x157: {  	[sflag:s21] =	ssyncadd.s32 $0xFFFFF000  }
0x158: {  	_ =	swait.ge [sflag:s21], $0x1000  }
0x159: {  	[sflag:s21] =	ssyncset.done $0x0  }
0x15a: {  	[sflag:s21] =	ssyncadd.s32 $0xFFFFF000  }
0x15b: {  	_ =	swait.ge [sflag:s21], $0x1000  }
0x15c: {  	[sflag:s21] =	ssyncset.done $0x0  }
0x15d: {  	[sflag:s21] =	ssyncadd.s32 $0xFFFFF000  }
0x15e: {  	_ =	swait.ge [sflag:s21], $0x1000  }
0x15f: {  	[sflag:s21] =	ssyncset.done $0x0  }
0x160: {  	[sflag:s21] =	ssyncadd.s32 $0xFFFFF000  }
0x161: {  	_ =	swait.ge [sflag:s21], $0x1000  }
0x162: {  	[sflag:s21] =	ssyncset.done $0x0  }
0x163: {  	[sflag:s21] =	ssyncadd.s32 $0xFFFFF000  }
0x164: {  	_ =	swait.ge [sflag:s21], $0x1000  }
0x165: {  	[sflag:s21] =	ssyncset.done $0x0  }
0x166: {  	s17 =	simm.s32 $0x3;
	[sflag:s21] =	ssyncadd.s32 $0xFFFFF000  }
0x167: {  	_ =	swait.ge [sflag:s17], $0x2000  }
0x168: {  	(v2sf) =	vpush v53, $0x0;
	_ =	sdelay $0x4  }
0x169: {  	(v2sf) =	vpush v52, $0x0;
	_ =	sdelay $0x9  }
0x16a: {  	s18 =	spop (v2sf)  }
0x16b: {  	s1 =	sand.u32 $0x7F, s18  }
0x16c: {  	v61 =	vor.u32 s1, v1  }
0x16d: {  	v62 =	vmov s28  }
0x16e: {  	v56 =	vshll.u32 v62, $0x3  }
0x16f: {  	v56 =	vand.u32 $0xC00, v56;
	v55 =	vand.u32 $0x70, v62;
	[sflag:s17] =	ssyncset.done $0x0;
	s19 =	spop (v2sf)  }
0x170: {  	v55 =	vor.u32 v55, v56;
	[sflag:s17] =	ssyncadd.s32 $0xFFFFE000;
	s2 =	sand.u32 $0x7, s19  }
0x171: {  	v56 =	vor.u32 v2, v55;
	s2 =	sshll.u32 s2, $0x7;
	v54 =	vld.idx.msk [tilespmem:v61+s13+$0x0], $0xffff  }
0x172: {  	v57 =	vor.u32 s2, v0  }
0x173: {  	(v2sf) =	vpush v53, $0x1;
	_ =	sdelay $0x2  }
0x174: {  	[tilespmem:v56+s23+$0x0] =	vst.idx.msk $0xffff, v54  }
0x175: {  	(v2sf) =	vpush v52, $0x1;
	v54 =	vld.idx.msk [tilespmem:v57+s14+$0x0], $0xffff  }
0x176: {  	v63 =	vor.u32 s1, v3;
	_ =	sdelay $0x3  }
0x177: {  	[tilespmem:v56+s24+$0x0] =	vst.idx.msk $0xffff, v54  }
0x178: {  	v55 =	vor.u32 v4, v55;
	v54 =	vld.idx.msk [tilespmem:v63+s13+$0x0], $0xffff  }
0x179: {  	v60 =	vor.u32 s2, v5;
	_ =	sdelay $0x3  }
0x17a: {  	s20 =	spop (v2sf);
	[tilespmem:v55+s23+$0x0] =	vst.idx.msk $0xffff, v54  }
0x17b: {  	s1 =	sand.u32 $0x7F, s20;
	v54 =	vld.idx.msk [tilespmem:v60+s14+$0x0], $0xffff  }
0x17c: {  	s22 =	sadd.s32 $0x1, s28;
	v61 =	vor.u32 s1, v6  }
0x17d: {  	v62 =	vmov s22  }
0x17e: {  	v58 =	vshll.u32 v62, $0x3;
	s26 =	spop (v2sf)  }
0x17f: {  	v58 =	vand.u32 $0xC00, v58;
	v57 =	vand.u32 $0x71, v62;
	s2 =	sand.u32 $0x7, s26  }
0x180: {  	s2 =	sshll.u32 s2, $0x7;
	v63 =	vor.u32 v57, v58;
	[tilespmem:v55+s24+$0x0] =	vst.idx.msk $0xffff, v54  }
0x181: {  	s2 =	sor.u32 $0x400, s2;
	v60 =	vor.u32 v2, v63;
	v55 =	vld.idx.msk [tilespmem:v61+s13+$0x0], $0xffff  }
0x182: {  	v61 =	vor.u32 s2, v0  }
0x183: {  	(v2sf) =	vpush v53, $0x2;
	_ =	sdelay $0x2  }
0x184: {  	[tilespmem:v60+s23+$0x0] =	vst.idx.msk $0xffff, v55  }
0x185: {  	(v2sf) =	vpush v52, $0x2;
	v55 =	vld.idx.msk [tilespmem:v61+s14+$0x0], $0xffff  }
0x186: {  	v62 =	vor.u32 s1, v7;
	_ =	sdelay $0x3  }
0x187: {  	[tilespmem:v60+s24+$0x0] =	vst.idx.msk $0xffff, v55  }
0x188: {  	v54 =	vor.u32 v4, v63;
	v55 =	vld.idx.msk [tilespmem:v62+s13+$0x0], $0xffff  }
0x189: {  	v63 =	vor.u32 s2, v5;
	_ =	sdelay $0x3  }
0x18a: {  	s2 =	spop (v2sf);
	[tilespmem:v54+s23+$0x0] =	vst.idx.msk $0xffff, v55  }
0x18b: {  	s1 =	sand.u32 $0x7F, s2;
	v55 =	vld.idx.msk [tilespmem:v63+s14+$0x0], $0xffff  }
0x18c: {  	s5 =	sadd.s32 $0x2, s28;
	v60 =	vor.u32 s1, v8  }
0x18d: {  	v61 =	vmov s5  }
0x18e: {  	s7 =	spop (v2sf);
	v62 =	vshll.u32 v61, $0x3  }
0x18f: {  	s2 =	sand.u32 $0x7, s7;
	v57 =	vand.u32 $0x72, v61;
	v58 =	vand.u32 $0xC00, v62  }
0x190: {  	s2 =	sshll.u32 s2, $0x7;
	v63 =	vor.u32 v57, v58;
	[tilespmem:v54+s24+$0x0] =	vst.idx.msk $0xffff, v55  }
0x191: {  	s2 =	sor.u32 $0x800, s2;
	v55 =	vld.idx.msk [tilespmem:v60+s13+$0x0], $0xffff;
	v60 =	vor.u32 v2, v63  }
0x192: {  	v61 =	vor.u32 s2, v0  }
0x193: {  	(v2sf) =	vpush v53, $0x3;
	_ =	sdelay $0x2  }
0x194: {  	[tilespmem:v60+s23+$0x0] =	vst.idx.msk $0xffff, v55  }
0x195: {  	(v2sf) =	vpush v52, $0x3;
	v55 =	vld.idx.msk [tilespmem:v61+s14+$0x0], $0xffff  }
0x196: {  	v62 =	vor.u32 s1, v9;
	_ =	sdelay $0x3  }
0x197: {  	[tilespmem:v60+s24+$0x0] =	vst.idx.msk $0xffff, v55  }
0x198: {  	v54 =	vor.u32 v4, v63;
	v55 =	vld.idx.msk [tilespmem:v62+s13+$0x0], $0xffff  }
0x199: {  	v63 =	vor.u32 s2, v5;
	_ =	sdelay $0x3  }
0x19a: {  	s8 =	spop (v2sf);
	[tilespmem:v54+s23+$0x0] =	vst.idx.msk $0xffff, v55  }
0x19b: {  	s1 =	sand.u32 $0x7F, s8;
	v55 =	vld.idx.msk [tilespmem:v63+s14+$0x0], $0xffff  }
0x19c: {  	s9 =	sadd.s32 $0x3, s28;
	v60 =	vor.u32 s1, v10  }
0x19d: {  	v61 =	vmov s9  }
0x19e: {  	s10 =	spop (v2sf);
	v62 =	vshll.u32 v61, $0x3  }
0x19f: {  	s2 =	sand.u32 $0x7, s10;
	v57 =	vand.u32 $0x73, v61;
	v58 =	vand.u32 $0xC00, v62  }
0x1a0: {  	s2 =	sshll.u32 s2, $0x7;
	v63 =	vor.u32 v57, v58;
	[tilespmem:v54+s24+$0x0] =	vst.idx.msk $0xffff, v55  }
0x1a1: {  	s2 =	sor.u32 $0xC00, s2;
	v55 =	vld.idx.msk [tilespmem:v60+s13+$0x0], $0xffff;
	v60 =	vor.u32 v2, v63  }
0x1a2: {  	v61 =	vor.u32 s2, v0  }
0x1a3: {  	(v2sf) =	vpush v53, $0x4;
	_ =	sdelay $0x2  }
0x1a4: {  	[tilespmem:v60+s23+$0x0] =	vst.idx.msk $0xffff, v55  }
0x1a5: {  	(v2sf) =	vpush v52, $0x4;
	v55 =	vld.idx.msk [tilespmem:v61+s14+$0x0], $0xffff  }
0x1a6: {  	v62 =	vor.u32 s1, v11;
	_ =	sdelay $0x3  }
0x1a7: {  	[tilespmem:v60+s24+$0x0] =	vst.idx.msk $0xffff, v55  }
0x1a8: {  	v54 =	vor.u32 v4, v63;
	v55 =	vld.idx.msk [tilespmem:v62+s13+$0x0], $0xffff  }
0x1a9: {  	v63 =	vor.u32 s2, v5;
	_ =	sdelay $0x3  }
0x1aa: {  	s12 =	spop (v2sf);
	[tilespmem:v54+s23+$0x0] =	vst.idx.msk $0xffff, v55  }
0x1ab: {  	s1 =	sand.u32 $0x7F, s12;
	v55 =	vld.idx.msk [tilespmem:v63+s14+$0x0], $0xffff  }
0x1ac: {  	s15 =	sadd.s32 $0x4, s28;
	v60 =	vor.u32 s1, v12  }
0x1ad: {  	v61 =	vmov s15  }
0x1ae: {  	s16 =	spop (v2sf);
	v62 =	vshll.u32 v61, $0x3  }
0x1af: {  	s2 =	sand.u32 $0x7, s16;
	v57 =	vand.u32 $0x74, v61;
	v58 =	vand.u32 $0xC00, v62  }
0x1b0: {  	s2 =	sshll.u32 s2, $0x7;
	v63 =	vor.u32 v57, v58;
	[tilespmem:v54+s24+$0x0] =	vst.idx.msk $0xffff, v55  }
0x1b1: {  	s2 =	sor.u32 $0x1000, s2;
	v55 =	vld.idx.msk [tilespmem:v60+s13+$0x0], $0xffff;
	v60 =	vor.u32 v2, v63  }
0x1b2: {  	v61 =	vor.u32 s2, v0  }
0x1b3: {  	(v2sf) =	vpush v53, $0x5;
	_ =	sdelay $0x2  }
0x1b4: {  	[tilespmem:v60+s23+$0x0] =	vst.idx.msk $0xffff, v55  }
0x1b5: {  	(v2sf) =	vpush v52, $0x5;
	v55 =	vld.idx.msk [tilespmem:v61+s14+$0x0], $0xffff  }
0x1b6: {  	v62 =	vor.u32 s1, v13;
	_ =	sdelay $0x3  }
0x1b7: {  	[tilespmem:v60+s24+$0x0] =	vst.idx.msk $0xffff, v55  }
0x1b8: {  	v54 =	vor.u32 v4, v63;
	v55 =	vld.idx.msk [tilespmem:v62+s13+$0x0], $0xffff  }
0x1b9: {  	v63 =	vor.u32 s2, v5;
	_ =	sdelay $0x3  }
0x1ba: {  	s17 =	spop (v2sf);
	[tilespmem:v54+s23+$0x0] =	vst.idx.msk $0xffff, v55  }
0x1bb: {  	s1 =	sand.u32 $0x7F, s17;
	v55 =	vld.idx.msk [tilespmem:v63+s14+$0x0], $0xffff  }
0x1bc: {  	s18 =	sadd.s32 $0x5, s28;
	v60 =	vor.u32 s1, v14  }
0x1bd: {  	v61 =	vmov s18  }
0x1be: {  	s19 =	spop (v2sf);
	v62 =	vshll.u32 v61, $0x3  }
0x1bf: {  	s2 =	sand.u32 $0x7, s19;
	v57 =	vand.u32 $0x75, v61;
	v58 =	vand.u32 $0xC00, v62  }
0x1c0: {  	s2 =	sshll.u32 s2, $0x7;
	v63 =	vor.u32 v57, v58;
	[tilespmem:v54+s24+$0x0] =	vst.idx.msk $0xffff, v55  }
0x1c1: {  	s2 =	sor.u32 $0x1400, s2;
	v55 =	vld.idx.msk [tilespmem:v60+s13+$0x0], $0xffff;
	v60 =	vor.u32 v2, v63  }
0x1c2: {  	v61 =	vor.u32 s2, v0  }
0x1c3: {  	(v2sf) =	vpush v53, $0x6;
	_ =	sdelay $0x2  }
0x1c4: {  	[tilespmem:v60+s23+$0x0] =	vst.idx.msk $0xffff, v55  }
0x1c5: {  	(v2sf) =	vpush v52, $0x6;
	v55 =	vld.idx.msk [tilespmem:v61+s14+$0x0], $0xffff  }
0x1c6: {  	v62 =	vor.u32 s1, v15;
	_ =	sdelay $0x3  }
0x1c7: {  	[tilespmem:v60+s24+$0x0] =	vst.idx.msk $0xffff, v55  }
0x1c8: {  	v54 =	vor.u32 v4, v63;
	v55 =	vld.idx.msk [tilespmem:v62+s13+$0x0], $0xffff  }
0x1c9: {  	v63 =	vor.u32 s2, v5;
	_ =	sdelay $0x3  }
0x1ca: {  	s20 =	spop (v2sf);
	[tilespmem:v54+s23+$0x0] =	vst.idx.msk $0xffff, v55  }
0x1cb: {  	s1 =	sand.u32 $0x7F, s20;
	v55 =	vld.idx.msk [tilespmem:v63+s14+$0x0], $0xffff  }
0x1cc: {  	s22 =	sadd.s32 $0x6, s28;
	v60 =	vor.u32 s1, v16  }
0x1cd: {  	v61 =	vmov s22  }
0x1ce: {  	s26 =	spop (v2sf);
	v62 =	vshll.u32 v61, $0x3  }
0x1cf: {  	s2 =	sand.u32 $0x7, s26;
	v57 =	vand.u32 $0x76, v61;
	v58 =	vand.u32 $0xC00, v62  }
0x1d0: {  	s2 =	sshll.u32 s2, $0x7;
	[tilespmem:v54+s24+$0x0] =	vst.idx.msk $0xffff, v55;
	v54 =	vor.u32 v57, v58  }
0x1d1: {  	s2 =	sor.u32 $0x1800, s2;
	v55 =	vld.idx.msk [tilespmem:v60+s13+$0x0], $0xffff;
	v63 =	vor.u32 v2, v54  }
0x1d2: {  	v60 =	vor.u32 s2, v0  }
0x1d3: {  	(v2sf) =	vpush v53, $0x7;
	_ =	sdelay $0x2  }
0x1d4: {  	[tilespmem:v63+s23+$0x0] =	vst.idx.msk $0xffff, v55  }
0x1d5: {  	(v2sf) =	vpush v52, $0x7;
	v61 =	vld.idx.msk [tilespmem:v60+s14+$0x0], $0xffff  }
0x1d6: {  	v62 =	vor.u32 s1, v17;
	_ =	sdelay $0x3  }
0x1d7: {  	[tilespmem:v63+s24+$0x0] =	vst.idx.msk $0xffff, v61  }
0x1d8: {  	v63 =	vor.u32 v4, v54;
	v52 =	vld.idx.msk [tilespmem:v62+s13+$0x0], $0xffff  }
0x1d9: {  	v59 =	vor.u32 s2, v5;
	_ =	sdelay $0x3  }
0x1da: {  	s2 =	spop (v2sf);
	[tilespmem:v63+s23+$0x0] =	vst.idx.msk $0xffff, v52  }
0x1db: {  	s1 =	sand.u32 $0x7F, s2;
	v52 =	vld.idx.msk [tilespmem:v59+s14+$0x0], $0xffff  }
0x1dc: {  	s5 =	sadd.s32 $0x7, s28;
	v60 =	vor.u32 s1, v18  }
0x1dd: {  	v61 =	vmov s5  }
0x1de: {  	s7 =	spop (v2sf);
	v62 =	vshll.u32 v61, $0x3  }
0x1df: {  	s2 =	sand.u32 $0x7, s7;
	v55 =	vand.u32 $0x77, v61;
	v56 =	vand.u32 $0xC00, v62  }
0x1e0: {  	s2 =	sshll.u32 s2, $0x7;
	[tilespmem:v63+s24+$0x0] =	vst.idx.msk $0xffff, v52;
	v63 =	vor.u32 v55, v56  }
0x1e1: {  	s2 =	sor.u32 $0x1C00, s2;
	v53 =	vld.idx.msk [tilespmem:v60+s13+$0x0], $0xffff;
	v57 =	vor.u32 v2, v63  }
0x1e2: {  	v58 =	vor.u32 s2, v0;
	_ =	sdelay $0x3  }
0x1e3: {  	[tilespmem:v57+s23+$0x0] =	vst.idx.msk $0xffff, v53  }
0x1e4: {  	v53 =	vld.idx.msk [tilespmem:v58+s14+$0x0], $0xffff  }
0x1e5: {  	v59 =	vor.u32 s1, v19;
	_ =	sdelay $0x3  }
0x1e6: {  	[tilespmem:v57+s24+$0x0] =	vst.idx.msk $0xffff, v53  }
0x1e7: {  	v52 =	vor.u32 v4, v63;
	v53 =	vld.idx.msk [tilespmem:v59+s13+$0x0], $0xffff  }
0x1e8: {  	v60 =	vor.u32 s2, v5;
	_ =	sdelay $0x3  }
0x1e9: {  	[tilespmem:v52+s23+$0x0] =	vst.idx.msk $0xffff, v53  }
0x1ea: {  	s5 =	sadd.s32 $0x10, s28;
	v53 =	vld.idx.msk [tilespmem:v60+s14+$0x0], $0xffff  }
0x1eb: {  	v61 =	vor.u32 s5, v0;
	_ =	sdelay $0x3  }
0x1ec: {  	[tilespmem:v52+s24+$0x0] =	vst.idx.msk $0xffff, v53  }
0x1ed: {  	v52 =	vld.idx.msk [tilespmem:v61+s6+$0x0], $0xffff  }
0x1ee: {  	v53 =	vld.idx.msk [tilespmem:v61+s3+$0x0], $0xffff;
	_ =	sdelay $0x3  }
0x1ef: {  	(v2sf) =	vpush v52, $0x0  }
0x1f0: {  	(v2sf) =	vpush v53, $0x0;
	_ =	sdelay $0x2  }
0x1f1: {  	(v2sf) =	vpush v52, $0x1  }
0x1f2: {  	(v2sf) =	vpush v53, $0x1;
	_ =	sdelay $0x9  }
0x1f3: {  	s18 =	spop (v2sf);
	(v2sf) =	vpush v52, $0x2  }
0x1f4: {  	s22 =	spop (v2sf);
	(v2sf) =	vpush v53, $0x2;
	_ =	sdelay $0x2  }
0x1f5: {  	s8 =	sand.u32 $0xFFFFF80, s22;
	s17 =	spop (v2sf);
	(v2sf) =	vpush v52, $0x3  }
0x1f6: {  	s9 =	sshll.u32 s18, $0x4;
	s1 =	sadd.s32 s0, s8;
	s19 =	spop (v2sf)  }
0x1f7: {  	(v2sf) =	vpush v53, $0x3;
	[tilespmem:s13], [sflag:$0x1] =	stream.strided.gather [hbm4b:s1+s13], $0x1000, s11, s13, $0x38;
	[tilespmem:$0x1C400] =	vst v63  }
0x1f8: {  	s1 =	sand.u32 $0xFFFFF80, s9  }
0x1f9: {  	s10 =	sand.u32 $0xFFFFF80, s19;
	s1 =	sadd.s32 s4, s1  }
0x1fa: {  	[tilespmem:s14], [sflag:$0x3] =	stream.linear.gather [hbm4b:s1+s3], $0x400, $0x38;
	[tilespmem:$0x1C400] =	vst v63  }
0x1fb: {  	s12 =	simm.s32 $0x1400;
	s15 =	sshll.u32 s17, $0x4;
	s1 =	sadd.s32 s0, s10  }
0x1fc: {  	[tilespmem:s12], [sflag:$0x1] =	stream.strided.gather [hbm4b:s1+s13], $0x1000, s11, s13, $0x38;
	[tilespmem:$0x1C400] =	vst v63  }
0x1fd: {  	s1 =	sand.u32 $0xFFFFF80, s15  }
0x1fe: {  	s16 =	simm.s32 $0x10800;
	s1 =	sadd.s32 s4, s1  }
0x1ff: {  	[tilespmem:s16], [sflag:$0x3] =	stream.linear.gather [hbm4b:s1+s3], $0x400, $0x38;
	[tilespmem:$0x1C400] =	vst v63  }
0x200: {  	s15 =	spop (v2sf);
	(v2sf) =	vpush v52, $0x4  }
0x201: {  	s16 =	spop (v2sf);
	(v2sf) =	vpush v53, $0x4;
	_ =	sdelay $0x2  }
0x202: {  	s9 =	spop (v2sf);
	(v2sf) =	vpush v52, $0x5;
	_ =	sdelay $0x1  }
0x203: {  	s10 =	spop (v2sf);
	(v2sf) =	vpush v53, $0x5  }
0x204: {  	s20 =	sand.u32 $0xFFFFF80, s16  }
0x205: {  	s26 =	simm.s32 $0x2400;
	s6 =	sshll.u32 s15, $0x4;
	s1 =	sadd.s32 s0, s20  }
0x206: {  	[tilespmem:s26], [sflag:$0x1] =	stream.strided.gather [hbm4b:s1+s13], $0x1000, s11, s13, $0x38;
	[tilespmem:$0x1C400] =	vst v63  }
0x207: {  	s1 =	sand.u32 $0xFFFFF80, s6  }
0x208: {  	s7 =	simm.s32 $0x10C00;
	s8 =	sand.u32 $0xFFFFF80, s10;
	s1 =	sadd.s32 s4, s1  }
0x209: {  	[tilespmem:s7], [sflag:$0x3] =	stream.linear.gather [hbm4b:s1+s3], $0x400, $0x38;
	[tilespmem:$0x1C400] =	vst v63  }
0x20a: {  	s12 =	simm.s32 $0x3400;
	s20 =	sshll.u32 s9, $0x4;
	s1 =	sadd.s32 s0, s8  }
0x20b: {  	[tilespmem:s12], [sflag:$0x1] =	stream.strided.gather [hbm4b:s1+s13], $0x1000, s11, s13, $0x38;
	[tilespmem:$0x1C400] =	vst v63  }
0x20c: {  	s1 =	sand.u32 $0xFFFFF80, s20;
	s7 =	spop (v2sf);
	(v2sf) =	vpush v52, $0x6  }
0x20d: {  	s26 =	simm.s32 $0x11000;
	s1 =	sadd.s32 s4, s1;
	s8 =	spop (v2sf);
	(v2sf) =	vpush v53, $0x6  }
0x20e: {  	[tilespmem:s26], [sflag:$0x3] =	stream.linear.gather [hbm4b:s1+s3], $0x400, $0x38;
	[tilespmem:$0x1C400] =	vst v63  }
0x20f: {  	s6 =	simm.s32 $0x4400;
	s2 =	sand.u32 $0xFFFFF80, s8  }
0x210: {  	s12 =	sshll.u32 s7, $0x4;
	s1 =	sadd.s32 s0, s2;
	s2 =	spop (v2sf)  }
0x211: {  	[tilespmem:s6], [sflag:$0x1] =	stream.strided.gather [hbm4b:s1+s13], $0x1000, s11, s13, $0x38;
	[tilespmem:$0x1C400] =	vst v63  }
0x212: {  	s1 =	sand.u32 $0xFFFFF80, s12;
	s6 =	spop (v2sf)  }
0x213: {  	s20 =	simm.s32 $0x11400;
	(v2sf) =	vpush v52, $0x7;
	s1 =	sadd.s32 s4, s1;
	s26 =	sand.u32 $0xFFFFF80, s6  }
0x214: {  	[tilespmem:s20], [sflag:$0x3] =	stream.linear.gather [hbm4b:s1+s3], $0x400, $0x38;
	[tilespmem:$0x1C400] =	vst v63  }
0x215: {  	s12 =	simm.s32 $0x5400;
	(v2sf) =	vpush v53, $0x7;
	s1 =	sadd.s32 s0, s26  }
0x216: {  	[tilespmem:s12], [sflag:$0x1] =	stream.strided.gather [hbm4b:s1+s13], $0x1000, s11, s13, $0x38;
	[tilespmem:$0x1C400] =	vst v63  }
0x217: {  	s12 =	sshll.u32 s2, $0x4  }
0x218: {  	s1 =	sand.u32 $0xFFFFF80, s12  }
0x219: {  	s20 =	simm.s32 $0x11800;
	s1 =	sadd.s32 s4, s1  }
0x21a: {  	[tilespmem:s20], [sflag:$0x3] =	stream.linear.gather [hbm4b:s1+s3], $0x400, $0x38;
	[tilespmem:$0x1C400] =	vst v63  }
0x21b: {  	s29 =	spop (v2sf)  }
0x21c: {  	s1 =	spop (v2sf)  }
0x21d: {  	s26 =	sand.u32 $0xFFFFF80, s1  }
0x21e: {  	s20 =	simm.s32 $0x6400;
	s12 =	sadd.s32 s0, s26  }
0x21f: {  	[tilespmem:s20], [sflag:$0x1] =	stream.strided.gather [hbm4b:s12+s13], $0x1000, s11, s13, $0x38;
	[tilespmem:$0x1C400] =	vst v63  }
0x220: {  	s20 =	sshll.u32 s29, $0x4  }
0x221: {  	s12 =	sand.u32 $0xFFFFF80, s20  }
0x222: {  	s26 =	simm.s32 $0x11C00;
	s20 =	spop (v2sf);
	s12 =	sadd.s32 s4, s12  }
0x223: {  	[tilespmem:s26], [sflag:$0x3] =	stream.linear.gather [hbm4b:s12+s3], $0x400, $0x38;
	[tilespmem:$0x1C400] =	vst v63  }
0x224: {  	s12 =	spop (v2sf)  }
0x225: {  	s26 =	sand.u32 $0xFFFFF80, s12  }
0x226: {  	s26 =	sadd.s32 s0, s26;
	s0 =	simm.s32 $0x7400  }
0x227: {  	[tilespmem:s0], [sflag:$0x1] =	stream.strided.gather [hbm4b:s26+s13], $0x1000, s11, s13, $0x38;
	[tilespmem:$0x1C400] =	vst v63  }
0x228: {  	s0 =	sshll.u32 s20, $0x4  }
0x229: {  	s26 =	sand.u32 $0xFFFFF80, s0  }
0x22a: {  	s0 =	simm.s32 $0x12000;
	s26 =	sadd.s32 s4, s26  }
0x22b: {  	[tilespmem:s0], [sflag:$0x3] =	stream.linear.gather [hbm4b:s26+s3], $0x400, $0x38;
	[tilespmem:$0x1C400] =	vst v63  }
0x22c: {  	_ =	swait.ge [sflag:s25], $0x1000  }
0x22d: {  	[sflag:s25] =	ssyncset.done $0x0  }
0x22e: {  	[sflag:s25] =	ssyncadd.s32 $0xFFFFF000  }
0x22f: {  	_ =	swait.ge [sflag:s25], $0x1000  }
0x230: {  	[sflag:s25] =	ssyncset.done $0x0  }
0x231: {  	[sflag:s25] =	ssyncadd.s32 $0xFFFFF000  }
0x232: {  	_ =	swait.ge [sflag:s25], $0x1000  }
0x233: {  	[sflag:s25] =	ssyncset.done $0x0  }
0x234: {  	[sflag:s25] =	ssyncadd.s32 $0xFFFFF000  }
0x235: {  	_ =	swait.ge [sflag:s25], $0x1000  }
0x236: {  	[sflag:s25] =	ssyncset.done $0x0  }
0x237: {  	[sflag:s25] =	ssyncadd.s32 $0xFFFFF000  }
0x238: {  	_ =	swait.ge [sflag:s25], $0x1000  }
0x239: {  	[sflag:s25] =	ssyncset.done $0x0  }
0x23a: {  	[sflag:s25] =	ssyncadd.s32 $0xFFFFF000  }
0x23b: {  	_ =	swait.ge [sflag:s25], $0x1000  }
0x23c: {  	[sflag:s25] =	ssyncset.done $0x0  }
0x23d: {  	[sflag:s25] =	ssyncadd.s32 $0xFFFFF000  }
0x23e: {  	_ =	swait.ge [sflag:s25], $0x1000  }
0x23f: {  	[sflag:s25] =	ssyncset.done $0x0  }
0x240: {  	[sflag:s25] =	ssyncadd.s32 $0xFFFFF000  }
0x241: {  	_ =	swait.ge [sflag:s25], $0x1000  }
0x242: {  	s26 =	rddreg [dreg:$0x1b]  }
0x243: {  	[sflag:s25] =	ssyncset.done $0x0;
	s0 =	sand.u32 $0x7F, s26;
	s26 =	rddreg [dreg:$0x19]  }
0x244: {  	[sflag:s25] =	ssyncadd.s32 $0xFFFFF000;
	v62 =	vor.u32 s0, v1;
	v63 =	vmov s26;
	s26 =	simm.s32 $0x4  }
0x245: {  	_ =	swait.ge [sflag:s26], $0x2000  }
0x246: {  	v60 =	vshll.u32 v63, $0x3;
	[sflag:s26] =	ssyncset.done $0x0  }
0x247: {  	v55 =	vand.u32 $0x78, v63;
	v56 =	vand.u32 $0xC00, v60;
	[sflag:s26] =	ssyncadd.s32 $0xFFFFE000;
	s26 =	rddreg [dreg:$0x1a]  }
0x248: {  	v55 =	vor.u32 v55, v56;
	s26 =	sand.u32 $0x7, s26  }
0x249: {  	v56 =	vor.u32 v2, v55;
	v54 =	vld.idx.msk [tilespmem:v62+s30+$0x0], $0xffff;
	s26 =	sshll.u32 s26, $0x7  }
0x24a: {  	v61 =	vor.u32 s26, v0;
	_ =	sdelay $0x3  }
0x24b: {  	[tilespmem:v56+s23+$0x0] =	vst.idx.msk $0xffff, v54  }
0x24c: {  	v54 =	vld.idx.msk [tilespmem:v61+s31+$0x0], $0xffff  }
0x24d: {  	v62 =	vor.u32 s0, v3;
	_ =	sdelay $0x3  }
0x24e: {  	[tilespmem:v56+s24+$0x0] =	vst.idx.msk $0xffff, v54  }
0x24f: {  	v55 =	vor.u32 v4, v55;
	v54 =	vld.idx.msk [tilespmem:v62+s30+$0x0], $0xffff  }
0x250: {  	v63 =	vor.u32 s26, v5;
	_ =	sdelay $0x3  }
0x251: {  	s26 =	rddreg [dreg:$0x18];
	[tilespmem:v55+s23+$0x0] =	vst.idx.msk $0xffff, v54  }
0x252: {  	s0 =	sand.u32 $0x7F, s26;
	v54 =	vld.idx.msk [tilespmem:v63+s31+$0x0], $0xffff  }
0x253: {  	s26 =	sadd.s32 $0x9, s28;
	v60 =	vor.u32 s0, v6  }
0x254: {  	v61 =	vmov s26  }
0x255: {  	s26 =	rddreg [dreg:$0x17];
	v62 =	vshll.u32 v61, $0x3  }
0x256: {  	s26 =	sand.u32 $0x7, s26;
	v57 =	vand.u32 $0x79, v61;
	v58 =	vand.u32 $0xC00, v62  }
0x257: {  	s26 =	sshll.u32 s26, $0x7;
	v63 =	vor.u32 v57, v58;
	[tilespmem:v55+s24+$0x0] =	vst.idx.msk $0xffff, v54  }
0x258: {  	s26 =	sor.u32 $0x400, s26;
	v55 =	vld.idx.msk [tilespmem:v60+s30+$0x0], $0xffff;
	v60 =	vor.u32 v2, v63  }
0x259: {  	v61 =	vor.u32 s26, v0;
	_ =	sdelay $0x3  }
0x25a: {  	[tilespmem:v60+s23+$0x0] =	vst.idx.msk $0xffff, v55  }
0x25b: {  	v55 =	vld.idx.msk [tilespmem:v61+s31+$0x0], $0xffff  }
0x25c: {  	v62 =	vor.u32 s0, v7;
	_ =	sdelay $0x3  }
0x25d: {  	[tilespmem:v60+s24+$0x0] =	vst.idx.msk $0xffff, v55  }
0x25e: {  	v54 =	vor.u32 v4, v63;
	v55 =	vld.idx.msk [tilespmem:v62+s30+$0x0], $0xffff  }
0x25f: {  	v63 =	vor.u32 s26, v5;
	_ =	sdelay $0x3  }
0x260: {  	s26 =	rddreg [dreg:$0x15];
	[tilespmem:v54+s23+$0x0] =	vst.idx.msk $0xffff, v55  }
0x261: {  	s0 =	sand.u32 $0x7F, s26;
	v55 =	vld.idx.msk [tilespmem:v63+s31+$0x0], $0xffff  }
0x262: {  	s26 =	sadd.s32 $0xA, s28;
	v60 =	vor.u32 s0, v8  }
0x263: {  	v61 =	vmov s26  }
0x264: {  	s26 =	rddreg [dreg:$0x16];
	v62 =	vshll.u32 v61, $0x3  }
0x265: {  	s26 =	sand.u32 $0x7, s26;
	v57 =	vand.u32 $0x7A, v61;
	v58 =	vand.u32 $0xC00, v62  }
0x266: {  	s26 =	sshll.u32 s26, $0x7;
	v63 =	vor.u32 v57, v58;
	[tilespmem:v54+s24+$0x0] =	vst.idx.msk $0xffff, v55  }
0x267: {  	s26 =	sor.u32 $0x800, s26;
	v55 =	vld.idx.msk [tilespmem:v60+s30+$0x0], $0xffff;
	v60 =	vor.u32 v2, v63  }
0x268: {  	v61 =	vor.u32 s26, v0;
	_ =	sdelay $0x3  }
0x269: {  	[tilespmem:v60+s23+$0x0] =	vst.idx.msk $0xffff, v55  }
0x26a: {  	v55 =	vld.idx.msk [tilespmem:v61+s31+$0x0], $0xffff  }
0x26b: {  	v62 =	vor.u32 s0, v9;
	_ =	sdelay $0x3  }
0x26c: {  	[tilespmem:v60+s24+$0x0] =	vst.idx.msk $0xffff, v55  }
0x26d: {  	v54 =	vor.u32 v4, v63;
	v55 =	vld.idx.msk [tilespmem:v62+s30+$0x0], $0xffff  }
0x26e: {  	v63 =	vor.u32 s26, v5;
	_ =	sdelay $0x3  }
0x26f: {  	s26 =	rddreg [dreg:$0x13];
	[tilespmem:v54+s23+$0x0] =	vst.idx.msk $0xffff, v55  }
0x270: {  	s0 =	sand.u32 $0x7F, s26;
	v55 =	vld.idx.msk [tilespmem:v63+s31+$0x0], $0xffff  }
0x271: {  	s26 =	sadd.s32 $0xB, s28;
	v60 =	vor.u32 s0, v10  }
0x272: {  	v61 =	vmov s26  }
0x273: {  	s26 =	rddreg [dreg:$0x14];
	v62 =	vshll.u32 v61, $0x3  }
0x274: {  	s26 =	sand.u32 $0x7, s26;
	v57 =	vand.u32 $0x7B, v61;
	v58 =	vand.u32 $0xC00, v62  }
0x275: {  	s26 =	sshll.u32 s26, $0x7;
	v63 =	vor.u32 v57, v58;
	[tilespmem:v54+s24+$0x0] =	vst.idx.msk $0xffff, v55  }
0x276: {  	s26 =	sor.u32 $0xC00, s26;
	v55 =	vld.idx.msk [tilespmem:v60+s30+$0x0], $0xffff;
	v60 =	vor.u32 v2, v63  }
0x277: {  	v61 =	vor.u32 s26, v0;
	_ =	sdelay $0x3  }
0x278: {  	[tilespmem:v60+s23+$0x0] =	vst.idx.msk $0xffff, v55  }
0x279: {  	v55 =	vld.idx.msk [tilespmem:v61+s31+$0x0], $0xffff  }
0x27a: {  	v62 =	vor.u32 s0, v11;
	_ =	sdelay $0x3  }
0x27b: {  	[tilespmem:v60+s24+$0x0] =	vst.idx.msk $0xffff, v55  }
0x27c: {  	v54 =	vor.u32 v4, v63;
	v55 =	vld.idx.msk [tilespmem:v62+s30+$0x0], $0xffff  }
0x27d: {  	v63 =	vor.u32 s26, v5;
	_ =	sdelay $0x3  }
0x27e: {  	s26 =	rddreg [dreg:$0x11];
	[tilespmem:v54+s23+$0x0] =	vst.idx.msk $0xffff, v55  }
0x27f: {  	s0 =	sand.u32 $0x7F, s26;
	v55 =	vld.idx.msk [tilespmem:v63+s31+$0x0], $0xffff  }
0x280: {  	s26 =	sadd.s32 $0xC, s28;
	v60 =	vor.u32 s0, v12  }
0x281: {  	v61 =	vmov s26  }
0x282: {  	s26 =	rddreg [dreg:$0x12];
	v62 =	vshll.u32 v61, $0x3  }
0x283: {  	s26 =	sand.u32 $0x7, s26;
	v57 =	vand.u32 $0x7C, v61;
	v58 =	vand.u32 $0xC00, v62  }
0x284: {  	s26 =	sshll.u32 s26, $0x7;
	v63 =	vor.u32 v57, v58;
	[tilespmem:v54+s24+$0x0] =	vst.idx.msk $0xffff, v55  }
0x285: {  	s26 =	sor.u32 $0x1000, s26;
	v55 =	vld.idx.msk [tilespmem:v60+s30+$0x0], $0xffff;
	v60 =	vor.u32 v2, v63  }
0x286: {  	v61 =	vor.u32 s26, v0;
	_ =	sdelay $0x3  }
0x287: {  	[tilespmem:v60+s23+$0x0] =	vst.idx.msk $0xffff, v55  }
0x288: {  	v55 =	vld.idx.msk [tilespmem:v61+s31+$0x0], $0xffff  }
0x289: {  	v62 =	vor.u32 s0, v13;
	_ =	sdelay $0x3  }
0x28a: {  	[tilespmem:v60+s24+$0x0] =	vst.idx.msk $0xffff, v55  }
0x28b: {  	v54 =	vor.u32 v4, v63;
	v55 =	vld.idx.msk [tilespmem:v62+s30+$0x0], $0xffff  }
0x28c: {  	v63 =	vor.u32 s26, v5;
	_ =	sdelay $0x3  }
0x28d: {  	s26 =	rddreg [dreg:$0xf];
	[tilespmem:v54+s23+$0x0] =	vst.idx.msk $0xffff, v55  }
0x28e: {  	s0 =	sand.u32 $0x7F, s26;
	v55 =	vld.idx.msk [tilespmem:v63+s31+$0x0], $0xffff  }
0x28f: {  	s26 =	sadd.s32 $0xD, s28;
	v60 =	vor.u32 s0, v14  }
0x290: {  	v61 =	vmov s26  }
0x291: {  	s26 =	rddreg [dreg:$0x10];
	v62 =	vshll.u32 v61, $0x3  }
0x292: {  	s26 =	sand.u32 $0x7, s26;
	v57 =	vand.u32 $0x7D, v61;
	v58 =	vand.u32 $0xC00, v62  }
0x293: {  	s26 =	sshll.u32 s26, $0x7;
	v63 =	vor.u32 v57, v58;
	[tilespmem:v54+s24+$0x0] =	vst.idx.msk $0xffff, v55  }
0x294: {  	s26 =	sor.u32 $0x1400, s26;
	v55 =	vld.idx.msk [tilespmem:v60+s30+$0x0], $0xffff;
	v60 =	vor.u32 v2, v63  }
0x295: {  	v61 =	vor.u32 s26, v0;
	_ =	sdelay $0x3  }
0x296: {  	[tilespmem:v60+s23+$0x0] =	vst.idx.msk $0xffff, v55  }
0x297: {  	v55 =	vld.idx.msk [tilespmem:v61+s31+$0x0], $0xffff  }
0x298: {  	v62 =	vor.u32 s0, v15;
	_ =	sdelay $0x3  }
0x299: {  	[tilespmem:v60+s24+$0x0] =	vst.idx.msk $0xffff, v55  }
0x29a: {  	v54 =	vor.u32 v4, v63;
	v55 =	vld.idx.msk [tilespmem:v62+s30+$0x0], $0xffff  }
0x29b: {  	v63 =	vor.u32 s26, v5;
	_ =	sdelay $0x3  }
0x29c: {  	s26 =	rddreg [dreg:$0xe];
	[tilespmem:v54+s23+$0x0] =	vst.idx.msk $0xffff, v55  }
0x29d: {  	s0 =	sand.u32 $0x7F, s26;
	v55 =	vld.idx.msk [tilespmem:v63+s31+$0x0], $0xffff  }
0x29e: {  	s26 =	sadd.s32 $0xE, s28;
	v60 =	vor.u32 s0, v16  }
0x29f: {  	v61 =	vmov s26  }
0x2a0: {  	s26 =	rddreg [dreg:$0xd];
	v62 =	vshll.u32 v61, $0x3  }
0x2a1: {  	s26 =	sand.u32 $0x7, s26;
	v57 =	vand.u32 $0x7E, v61;
	v58 =	vand.u32 $0xC00, v62  }
0x2a2: {  	s26 =	sshll.u32 s26, $0x7;
	v63 =	vor.u32 v57, v58;
	[tilespmem:v54+s24+$0x0] =	vst.idx.msk $0xffff, v55  }
0x2a3: {  	s26 =	sor.u32 $0x1800, s26;
	v55 =	vld.idx.msk [tilespmem:v60+s30+$0x0], $0xffff;
	v60 =	vor.u32 v2, v63  }
0x2a4: {  	v61 =	vor.u32 s26, v0;
	_ =	sdelay $0x3  }
0x2a5: {  	[tilespmem:v60+s23+$0x0] =	vst.idx.msk $0xffff, v55  }
0x2a6: {  	v55 =	vld.idx.msk [tilespmem:v61+s31+$0x0], $0xffff  }
0x2a7: {  	v62 =	vor.u32 s0, v17;
	_ =	sdelay $0x3  }
0x2a8: {  	[tilespmem:v60+s24+$0x0] =	vst.idx.msk $0xffff, v55  }
0x2a9: {  	v54 =	vor.u32 v4, v63;
	v55 =	vld.idx.msk [tilespmem:v62+s30+$0x0], $0xffff  }
0x2aa: {  	v63 =	vor.u32 s26, v5;
	_ =	sdelay $0x3  }
0x2ab: {  	s26 =	rddreg [dreg:$0xc];
	[tilespmem:v54+s23+$0x0] =	vst.idx.msk $0xffff, v55  }
0x2ac: {  	s0 =	sand.u32 $0x7F, s26;
	v55 =	vld.idx.msk [tilespmem:v63+s31+$0x0], $0xffff  }
0x2ad: {  	s26 =	sadd.s32 $0xF, s28;
	v60 =	vor.u32 s0, v18  }
0x2ae: {  	v61 =	vmov s26  }
0x2af: {  	s26 =	rddreg [dreg:$0xb];
	v62 =	vshll.u32 v61, $0x3  }
0x2b0: {  	s26 =	sand.u32 $0x7, s26;
	v57 =	vand.u32 $0x7F, v61;
	v58 =	vand.u32 $0xC00, v62  }
0x2b1: {  	s26 =	sshll.u32 s26, $0x7;
	v63 =	vor.u32 v57, v58;
	[tilespmem:v54+s24+$0x0] =	vst.idx.msk $0xffff, v55  }
0x2b2: {  	s26 =	sor.u32 $0x1C00, s26;
	v55 =	vld.idx.msk [tilespmem:v60+s30+$0x0], $0xffff;
	v60 =	vor.u32 v2, v63  }
0x2b3: {  	v61 =	vor.u32 s26, v0;
	_ =	sdelay $0x3  }
0x2b4: {  	[tilespmem:v60+s23+$0x0] =	vst.idx.msk $0xffff, v55  }
0x2b5: {  	v55 =	vld.idx.msk [tilespmem:v61+s31+$0x0], $0xffff  }
0x2b6: {  	v62 =	vor.u32 s0, v19;
	_ =	sdelay $0x3  }
0x2b7: {  	[tilespmem:v60+s24+$0x0] =	vst.idx.msk $0xffff, v55  }
0x2b8: {  	v54 =	vor.u32 v4, v63;
	v55 =	vld.idx.msk [tilespmem:v62+s30+$0x0], $0xffff  }
0x2b9: {  	v63 =	vor.u32 s26, v5;
	_ =	sdelay $0x3  }
0x2ba: {  	[tilespmem:v54+s23+$0x0] =	vst.idx.msk $0xffff, v55  }
0x2bb: {  	p0 =	sne.s32 s28, $0x1E0;
	v55 =	vld.idx.msk [tilespmem:v63+s31+$0x0], $0xffff  }
.Ltmp0:
0x2bc: {  	_ = 	snop;
	(pc) =	sbr.rel @p0 .LBB2_2-.Ltmp0, $2  }
0x2bd: {  	_ =	sdelay $0x2  }
0x2be: {  	s28 =	smov.u32 s5;
	[tilespmem:v54+s24+$0x0] =	vst.idx.msk $0xffff, v55  }
0x2bf: {  	v52 =	vadd.s32 $0x1F8, v0;
	_ =	sdelay $0x4  }
0x2c0: {  	v53 =	vld.idx.msk [tilespmem:v52+s3+$0x0], $0xffff  }
0x2c1: {  	s0 =	simm.s32 $0x200  }
0x2c2: {  	v52 =	vld.idx.msk [tilespmem:v52+s0+$0x0], $0xffff;
	_ =	sdelay $0x2  }
0x2c3: {  	(v2sf) =	vpush v53, $0x0;
	_ =	sdelay $0x1  }
0x2c4: {  	(v2sf) =	vpush v52, $0x0;
	_ =	sdelay $0x3  }
0x2c5: {  	(v2sf) =	vpush v53, $0x1;
	_ =	sdelay $0x2  }
0x2c6: {  	(v2sf) =	vpush v52, $0x1;
	_ =	sdelay $0x5  }
0x2c7: {  	s28 =	spop (v2sf);
	(v2sf) =	vpush v53, $0x2;
	_ =	sdelay $0x1  }
0x2c8: {  	[smem:$0x7F3] =	sst s28;
	s5 =	spop (v2sf);
	(v2sf) =	vpush v52, $0x2  }
0x2c9: {  	s26 =	sand.u32 $0xFFFFF80, s28;
	s28 =	rddreg [dreg:$0x2]  }
0x2ca: {  	s26 =	sadd.s32 s28, s26;
	s0 =	sshll.u32 s5, $0x4  }
0x2cb: {  	[tilespmem:s30], [sflag:$0x2] =	stream.strided.gather [hbm4b:s26+s13], $0x1000, s11, s13, $0x38;
	[tilespmem:$0x1C400] =	vst v63  }
0x2cc: {  	[smem:$0x7F4] =	sst s5;
	s5 =	spop (v2sf);
	s26 =	sand.u32 $0xFFFFF80, s0  }
0x2cd: {  	[smem:$0x7F5] =	sst s5;
	s0 =	sand.u32 $0xFFFFF80, s5;
	s26 =	sadd.s32 s4, s26  }
0x2ce: {  	(v2sf) =	vpush v53, $0x3;
	[tilespmem:s31], [sflag:$0x4] =	stream.linear.gather [hbm4b:s26+s3], $0x400, $0x38;
	[tilespmem:$0x1C400] =	vst v63  }
0x2cf: {  	s5 =	spop (v2sf);
	s0 =	sadd.s32 s28, s0;
	s26 =	simm.s32 $0x9400  }
0x2d0: {  	(v2sf) =	vpush v52, $0x3;
	[tilespmem:s26], [sflag:$0x2] =	stream.strided.gather [hbm4b:s0+s13], $0x1000, s11, s13, $0x38;
	[tilespmem:$0x1C400] =	vst v63  }
0x2d1: {  	s26 =	sshll.u32 s5, $0x4  }
0x2d2: {  	s0 =	sand.u32 $0xFFFFF80, s26  }
0x2d3: {  	[smem:$0x7F6] =	sst s5;
	s5 =	simm.s32 $0x12800;
	s0 =	sadd.s32 s4, s0  }
0x2d4: {  	[tilespmem:s5], [sflag:$0x4] =	stream.linear.gather [hbm4b:s0+s3], $0x400, $0x38;
	[tilespmem:$0x1C400] =	vst v63  }
0x2d5: {  	s5 =	spop (v2sf)  }
0x2d6: {  	s26 =	simm.s32 $0xA400;
	(v2sf) =	vpush v53, $0x4;
	s0 =	sand.u32 $0xFFFFF80, s5  }
0x2d7: {  	[smem:$0x7F7] =	sst s5;
	s5 =	spop (v2sf);
	s0 =	sadd.s32 s28, s0  }
0x2d8: {  	(v2sf) =	vpush v52, $0x4;
	[tilespmem:s26], [sflag:$0x2] =	stream.strided.gather [hbm4b:s0+s13], $0x1000, s11, s13, $0x38;
	[tilespmem:$0x1C400] =	vst v63  }
0x2d9: {  	s26 =	sshll.u32 s5, $0x4  }
0x2da: {  	s0 =	sand.u32 $0xFFFFF80, s26  }
0x2db: {  	[smem:$0x7F8] =	sst s5;
	s5 =	simm.s32 $0x12C00;
	s0 =	sadd.s32 s4, s0  }
0x2dc: {  	[tilespmem:s5], [sflag:$0x4] =	stream.linear.gather [hbm4b:s0+s3], $0x400, $0x38;
	[tilespmem:$0x1C400] =	vst v63  }
0x2dd: {  	s5 =	spop (v2sf)  }
0x2de: {  	s26 =	simm.s32 $0xB400;
	(v2sf) =	vpush v53, $0x5;
	s0 =	sand.u32 $0xFFFFF80, s5  }
0x2df: {  	[smem:$0x7F9] =	sst s5;
	s5 =	spop (v2sf);
	s0 =	sadd.s32 s28, s0  }
0x2e0: {  	(v2sf) =	vpush v52, $0x5;
	[tilespmem:s26], [sflag:$0x2] =	stream.strided.gather [hbm4b:s0+s13], $0x1000, s11, s13, $0x38;
	[tilespmem:$0x1C400] =	vst v63  }
0x2e1: {  	s26 =	sshll.u32 s5, $0x4  }
0x2e2: {  	s0 =	sand.u32 $0xFFFFF80, s26  }
0x2e3: {  	[smem:$0x7FA] =	sst s5;
	s5 =	simm.s32 $0x13000;
	s0 =	sadd.s32 s4, s0  }
0x2e4: {  	[tilespmem:s5], [sflag:$0x4] =	stream.linear.gather [hbm4b:s0+s3], $0x400, $0x38;
	[tilespmem:$0x1C400] =	vst v63  }
0x2e5: {  	s26 =	spop (v2sf)  }
0x2e6: {  	s5 =	simm.s32 $0xC400;
	(v2sf) =	vpush v53, $0x6;
	s0 =	sand.u32 $0xFFFFF80, s26  }
0x2e7: {  	[smem:$0x7FB] =	sst s26;
	s26 =	spop (v2sf);
	s0 =	sadd.s32 s28, s0  }
0x2e8: {  	(v2sf) =	vpush v52, $0x6;
	[tilespmem:s5], [sflag:$0x2] =	stream.strided.gather [hbm4b:s0+s13], $0x1000, s11, s13, $0x38;
	[tilespmem:$0x1C400] =	vst v63  }
0x2e9: {  	s0 =	sshll.u32 s26, $0x4  }
0x2ea: {  	s0 =	sand.u32 $0xFFFFF80, s0  }
0x2eb: {  	s5 =	simm.s32 $0x13400;
	s0 =	sadd.s32 s4, s0  }
0x2ec: {  	[tilespmem:s5], [sflag:$0x4] =	stream.linear.gather [hbm4b:s0+s3], $0x400, $0x38;
	[tilespmem:$0x1C400] =	vst v63  }
0x2ed: {  	[smem:$0x7FC] =	sst s26;
	s26 =	spop (v2sf)  }
0x2ee: {  	s5 =	simm.s32 $0xD400;
	(v2sf) =	vpush v53, $0x7;
	s0 =	sand.u32 $0xFFFFF80, s26  }
0x2ef: {  	[dreg:$0x1f] =	wrdreg s26;
	s26 =	spop (v2sf);
	s0 =	sadd.s32 s28, s0  }
0x2f0: {  	(v2sf) =	vpush v52, $0x7;
	[tilespmem:s5], [sflag:$0x2] =	stream.strided.gather [hbm4b:s0+s13], $0x1000, s11, s13, $0x38;
	[tilespmem:$0x1C400] =	vst v63  }
0x2f1: {  	s0 =	sshll.u32 s26, $0x4  }
0x2f2: {  	s0 =	sand.u32 $0xFFFFF80, s0  }
0x2f3: {  	s5 =	simm.s32 $0x13800;
	s0 =	sadd.s32 s4, s0  }
0x2f4: {  	[tilespmem:s5], [sflag:$0x4] =	stream.linear.gather [hbm4b:s0+s3], $0x400, $0x38;
	[tilespmem:$0x1C400] =	vst v63  }
0x2f5: {  	[smem:$0x7FD] =	sst s26;
	s26 =	spop (v2sf)  }
0x2f6: {  	s5 =	simm.s32 $0xE400;
	s0 =	sand.u32 $0xFFFFF80, s26  }
0x2f7: {  	[dreg:$0x1d] =	wrdreg s26;
	s26 =	spop (v2sf);
	s0 =	sadd.s32 s28, s0  }
0x2f8: {  	[tilespmem:s5], [sflag:$0x2] =	stream.strided.gather [hbm4b:s0+s13], $0x1000, s11, s13, $0x38;
	[tilespmem:$0x1C400] =	vst v63  }
0x2f9: {  	s0 =	sshll.u32 s26, $0x4  }
0x2fa: {  	s0 =	sand.u32 $0xFFFFF80, s0  }
0x2fb: {  	s5 =	simm.s32 $0x13C00;
	s0 =	sadd.s32 s4, s0  }
0x2fc: {  	[tilespmem:s5], [sflag:$0x4] =	stream.linear.gather [hbm4b:s0+s3], $0x400, $0x38;
	[tilespmem:$0x1C400] =	vst v63  }
0x2fd: {  	[dreg:$0x1e] =	wrdreg s26;
	s26 =	spop (v2sf)  }
0x2fe: {  	s5 =	sand.u32 $0xFFFFF80, s26  }
0x2ff: {  	s0 =	sadd.s32 s28, s5;
	s28 =	simm.s32 $0xF400;
	s5 =	spop (v2sf)  }
0x300: {  	[tilespmem:s28], [sflag:$0x2] =	stream.strided.gather [hbm4b:s0+s13], $0x1000, s11, s13, $0x38;
	[tilespmem:$0x1C400] =	vst v63  }
0x301: {  	s0 =	sshll.u32 s5, $0x4  }
0x302: {  	s0 =	sand.u32 $0xFFFFF80, s0  }
0x303: {  	[dreg:$0x1c] =	wrdreg s5;
	s28 =	simm.s32 $0x14000;
	s0 =	sadd.s32 s4, s0  }
0x304: {  	[tilespmem:s28], [sflag:$0x4] =	stream.linear.gather [hbm4b:s0+s3], $0x400, $0x38;
	[tilespmem:$0x1C400] =	vst v63  }
0x305: {  	_ =	swait.ge [sflag:s21], $0x1000  }
0x306: {  	[sflag:s21] =	ssyncset.done $0x0  }
0x307: {  	[sflag:s21] =	ssyncadd.s32 $0xFFFFF000  }
0x308: {  	_ =	swait.ge [sflag:s21], $0x1000  }
0x309: {  	[sflag:s21] =	ssyncset.done $0x0  }
0x30a: {  	[sflag:s21] =	ssyncadd.s32 $0xFFFFF000  }
0x30b: {  	_ =	swait.ge [sflag:s21], $0x1000  }
0x30c: {  	[sflag:s21] =	ssyncset.done $0x0  }
0x30d: {  	[sflag:s21] =	ssyncadd.s32 $0xFFFFF000  }
0x30e: {  	_ =	swait.ge [sflag:s21], $0x1000  }
0x30f: {  	[sflag:s21] =	ssyncset.done $0x0  }
0x310: {  	[sflag:s21] =	ssyncadd.s32 $0xFFFFF000  }
0x311: {  	_ =	swait.ge [sflag:s21], $0x1000  }
0x312: {  	[sflag:s21] =	ssyncset.done $0x0  }
0x313: {  	[sflag:s21] =	ssyncadd.s32 $0xFFFFF000  }
0x314: {  	_ =	swait.ge [sflag:s21], $0x1000  }
0x315: {  	[sflag:s21] =	ssyncset.done $0x0  }
0x316: {  	[sflag:s21] =	ssyncadd.s32 $0xFFFFF000  }
0x317: {  	_ =	swait.ge [sflag:s21], $0x1000  }
0x318: {  	[sflag:s21] =	ssyncset.done $0x0  }
0x319: {  	[sflag:s21] =	ssyncadd.s32 $0xFFFFF000  }
0x31a: {  	s22 =	sand.u32 $0x7F, s22;
	_ =	swait.ge [sflag:s21], $0x1000  }
0x31b: {  	v56 =	vor.u32 s22, v1;
	[sflag:s21] =	ssyncset.done $0x0  }
0x31c: {  	s28 =	simm.s32 $0x3;
	[sflag:s21] =	ssyncadd.s32 $0xFFFFF000  }
0x31d: {  	_ =	swait.ge [sflag:s28], $0x2000  }
0x31e: {  	[sflag:s28] =	ssyncset.done $0x0  }
0x31f: {  	s18 =	sand.u32 $0x7, s18;
	[sflag:s28] =	ssyncadd.s32 $0xFFFFE000  }
0x320: {  	s18 =	sshll.u32 s18, $0x7;
	v52 =	vld.idx.msk [tilespmem:v56+s13+$0x0], $0xffff  }
0x321: {  	v57 =	vor.u32 s18, v0;
	_ =	sdelay $0x3  }
0x322: {  	[tilespmem:v20+s23+$0x0] =	vst.idx.msk $0xffff, v52  }
0x323: {  	v52 =	vld.idx.msk [tilespmem:v57+s14+$0x0], $0xffff  }
0x324: {  	v58 =	vor.u32 s22, v3;
	_ =	sdelay $0x3  }
0x325: {  	[tilespmem:v20+s24+$0x0] =	vst.idx.msk $0xffff, v52  }
0x326: {  	v52 =	vld.idx.msk [tilespmem:v58+s13+$0x0], $0xffff  }
0x327: {  	v59 =	vor.u32 s18, v5;
	_ =	sdelay $0x3  }
0x328: {  	[tilespmem:v21+s23+$0x0] =	vst.idx.msk $0xffff, v52  }
0x329: {  	s22 =	sand.u32 $0x7F, s19;
	v52 =	vld.idx.msk [tilespmem:v59+s14+$0x0], $0xffff  }
0x32a: {  	v60 =	vor.u32 s22, v6;
	_ =	sdelay $0x2  }
0x32b: {  	s17 =	sand.u32 $0x7, s17  }
0x32c: {  	s17 =	sshll.u32 s17, $0x7;
	[tilespmem:v21+s24+$0x0] =	vst.idx.msk $0xffff, v52  }
0x32d: {  	s17 =	sor.u32 $0x400, s17;
	v52 =	vld.idx.msk [tilespmem:v60+s13+$0x0], $0xffff  }
0x32e: {  	v61 =	vor.u32 s17, v0;
	_ =	sdelay $0x3  }
0x32f: {  	[tilespmem:v22+s23+$0x0] =	vst.idx.msk $0xffff, v52  }
0x330: {  	v52 =	vld.idx.msk [tilespmem:v61+s14+$0x0], $0xffff  }
0x331: {  	v62 =	vor.u32 s22, v7;
	_ =	sdelay $0x3  }
0x332: {  	[tilespmem:v22+s24+$0x0] =	vst.idx.msk $0xffff, v52  }
0x333: {  	v52 =	vld.idx.msk [tilespmem:v62+s13+$0x0], $0xffff  }
0x334: {  	v63 =	vor.u32 s17, v5;
	_ =	sdelay $0x3  }
0x335: {  	[tilespmem:v23+s23+$0x0] =	vst.idx.msk $0xffff, v52  }
0x336: {  	s28 =	sand.u32 $0x7F, s16;
	v52 =	vld.idx.msk [tilespmem:v63+s14+$0x0], $0xffff  }
0x337: {  	v56 =	vor.u32 s28, v8;
	_ =	sdelay $0x2  }
0x338: {  	s15 =	sand.u32 $0x7, s15  }
0x339: {  	s15 =	sshll.u32 s15, $0x7;
	[tilespmem:v23+s24+$0x0] =	vst.idx.msk $0xffff, v52  }
0x33a: {  	s15 =	sor.u32 $0x800, s15;
	v52 =	vld.idx.msk [tilespmem:v56+s13+$0x0], $0xffff  }
0x33b: {  	v57 =	vor.u32 s15, v0;
	_ =	sdelay $0x3  }
0x33c: {  	[tilespmem:v24+s23+$0x0] =	vst.idx.msk $0xffff, v52  }
0x33d: {  	v52 =	vld.idx.msk [tilespmem:v57+s14+$0x0], $0xffff  }
0x33e: {  	v58 =	vor.u32 s28, v9;
	_ =	sdelay $0x3  }
0x33f: {  	[tilespmem:v24+s24+$0x0] =	vst.idx.msk $0xffff, v52  }
0x340: {  	v52 =	vld.idx.msk [tilespmem:v58+s13+$0x0], $0xffff  }
0x341: {  	v59 =	vor.u32 s15, v5;
	_ =	sdelay $0x3  }
0x342: {  	[tilespmem:v25+s23+$0x0] =	vst.idx.msk $0xffff, v52  }
0x343: {  	s5 =	sand.u32 $0x7F, s10;
	v52 =	vld.idx.msk [tilespmem:v59+s14+$0x0], $0xffff  }
0x344: {  	v60 =	vor.u32 s5, v10;
	_ =	sdelay $0x2  }
0x345: {  	s9 =	sand.u32 $0x7, s9  }
0x346: {  	s9 =	sshll.u32 s9, $0x7;
	[tilespmem:v25+s24+$0x0] =	vst.idx.msk $0xffff, v52  }
0x347: {  	s9 =	sor.u32 $0xC00, s9;
	v52 =	vld.idx.msk [tilespmem:v60+s13+$0x0], $0xffff  }
0x348: {  	v61 =	vor.u32 s9, v0;
	_ =	sdelay $0x3  }
0x349: {  	[tilespmem:v26+s23+$0x0] =	vst.idx.msk $0xffff, v52  }
0x34a: {  	v52 =	vld.idx.msk [tilespmem:v61+s14+$0x0], $0xffff  }
0x34b: {  	v62 =	vor.u32 s5, v11;
	_ =	sdelay $0x3  }
0x34c: {  	[tilespmem:v26+s24+$0x0] =	vst.idx.msk $0xffff, v52  }
0x34d: {  	v52 =	vld.idx.msk [tilespmem:v62+s13+$0x0], $0xffff  }
0x34e: {  	v63 =	vor.u32 s9, v5;
	_ =	sdelay $0x3  }
0x34f: {  	[tilespmem:v27+s23+$0x0] =	vst.idx.msk $0xffff, v52  }
0x350: {  	s9 =	sand.u32 $0x7F, s8;
	v52 =	vld.idx.msk [tilespmem:v63+s14+$0x0], $0xffff  }
0x351: {  	v56 =	vor.u32 s9, v12;
	_ =	sdelay $0x2  }
0x352: {  	s7 =	sand.u32 $0x7, s7  }
0x353: {  	s7 =	sshll.u32 s7, $0x7;
	[tilespmem:v27+s24+$0x0] =	vst.idx.msk $0xffff, v52  }
0x354: {  	s7 =	sor.u32 $0x1000, s7;
	v52 =	vld.idx.msk [tilespmem:v56+s13+$0x0], $0xffff  }
0x355: {  	v57 =	vor.u32 s7, v0;
	_ =	sdelay $0x3  }
0x356: {  	[tilespmem:v28+s23+$0x0] =	vst.idx.msk $0xffff, v52  }
0x357: {  	v52 =	vld.idx.msk [tilespmem:v57+s14+$0x0], $0xffff  }
0x358: {  	v58 =	vor.u32 s9, v13;
	_ =	sdelay $0x3  }
0x359: {  	[tilespmem:v28+s24+$0x0] =	vst.idx.msk $0xffff, v52  }
0x35a: {  	v52 =	vld.idx.msk [tilespmem:v58+s13+$0x0], $0xffff  }
0x35b: {  	v59 =	vor.u32 s7, v5;
	_ =	sdelay $0x3  }
0x35c: {  	[tilespmem:v29+s23+$0x0] =	vst.idx.msk $0xffff, v52  }
0x35d: {  	s10 =	sand.u32 $0x7F, s6;
	v52 =	vld.idx.msk [tilespmem:v59+s14+$0x0], $0xffff  }
0x35e: {  	v60 =	vor.u32 s10, v14;
	_ =	sdelay $0x2  }
0x35f: {  	s2 =	sand.u32 $0x7, s2  }
0x360: {  	s2 =	sshll.u32 s2, $0x7;
	[tilespmem:v29+s24+$0x0] =	vst.idx.msk $0xffff, v52  }
0x361: {  	s2 =	sor.u32 $0x1400, s2;
	v52 =	vld.idx.msk [tilespmem:v60+s13+$0x0], $0xffff  }
0x362: {  	v61 =	vor.u32 s2, v0;
	_ =	sdelay $0x3  }
0x363: {  	[tilespmem:v30+s23+$0x0] =	vst.idx.msk $0xffff, v52  }
0x364: {  	v52 =	vld.idx.msk [tilespmem:v61+s14+$0x0], $0xffff  }
0x365: {  	v62 =	vor.u32 s10, v15;
	_ =	sdelay $0x3  }
0x366: {  	[tilespmem:v30+s24+$0x0] =	vst.idx.msk $0xffff, v52  }
0x367: {  	v52 =	vld.idx.msk [tilespmem:v62+s13+$0x0], $0xffff  }
0x368: {  	v63 =	vor.u32 s2, v5;
	_ =	sdelay $0x3  }
0x369: {  	[tilespmem:v31+s23+$0x0] =	vst.idx.msk $0xffff, v52  }
0x36a: {  	s15 =	sand.u32 $0x7F, s1;
	v52 =	vld.idx.msk [tilespmem:v63+s14+$0x0], $0xffff  }
0x36b: {  	v56 =	vor.u32 s15, v16;
	_ =	sdelay $0x2  }
0x36c: {  	s16 =	sand.u32 $0x7, s29  }
0x36d: {  	s1 =	sshll.u32 s16, $0x7;
	[tilespmem:v31+s24+$0x0] =	vst.idx.msk $0xffff, v52  }
0x36e: {  	s1 =	sor.u32 $0x1800, s1;
	v52 =	vld.idx.msk [tilespmem:v56+s13+$0x0], $0xffff  }
0x36f: {  	v57 =	vor.u32 s1, v0;
	_ =	sdelay $0x3  }
0x370: {  	[tilespmem:v32+s23+$0x0] =	vst.idx.msk $0xffff, v52  }
0x371: {  	v52 =	vld.idx.msk [tilespmem:v57+s14+$0x0], $0xffff  }
0x372: {  	v58 =	vor.u32 s15, v17;
	_ =	sdelay $0x3  }
0x373: {  	[tilespmem:v32+s24+$0x0] =	vst.idx.msk $0xffff, v52  }
0x374: {  	v52 =	vld.idx.msk [tilespmem:v58+s13+$0x0], $0xffff  }
0x375: {  	v59 =	vor.u32 s1, v5;
	_ =	sdelay $0x3  }
0x376: {  	[tilespmem:v33+s23+$0x0] =	vst.idx.msk $0xffff, v52  }
0x377: {  	s17 =	sand.u32 $0x7F, s12;
	v52 =	vld.idx.msk [tilespmem:v59+s14+$0x0], $0xffff  }
0x378: {  	v60 =	vor.u32 s17, v18;
	_ =	sdelay $0x2  }
0x379: {  	s18 =	sand.u32 $0x7, s20  }
0x37a: {  	s1 =	sshll.u32 s18, $0x7;
	[tilespmem:v33+s24+$0x0] =	vst.idx.msk $0xffff, v52  }
0x37b: {  	s1 =	sor.u32 $0x1C00, s1;
	v52 =	vld.idx.msk [tilespmem:v60+s13+$0x0], $0xffff  }
0x37c: {  	v61 =	vor.u32 s1, v0;
	_ =	sdelay $0x3  }
0x37d: {  	[tilespmem:v34+s23+$0x0] =	vst.idx.msk $0xffff, v52  }
0x37e: {  	v52 =	vld.idx.msk [tilespmem:v61+s14+$0x0], $0xffff  }
0x37f: {  	v62 =	vor.u32 s17, v19;
	_ =	sdelay $0x3  }
0x380: {  	[tilespmem:v34+s24+$0x0] =	vst.idx.msk $0xffff, v52  }
0x381: {  	v52 =	vld.idx.msk [tilespmem:v62+s13+$0x0], $0xffff  }
0x382: {  	v63 =	vor.u32 s1, v5;
	_ =	sdelay $0x3  }
0x383: {  	[tilespmem:v35+s23+$0x0] =	vst.idx.msk $0xffff, v52  }
0x384: {  	v52 =	vld.idx.msk [tilespmem:v63+s14+$0x0], $0xffff;
	_ =	sdelay $0x4  }
0x385: {  	[tilespmem:v35+s24+$0x0] =	vst.idx.msk $0xffff, v52  }
0x386: {  	_ =	swait.ge [sflag:s25], $0x1000  }
0x387: {  	[sflag:s25] =	ssyncset.done $0x0  }
0x388: {  	[sflag:s25] =	ssyncadd.s32 $0xFFFFF000  }
0x389: {  	_ =	swait.ge [sflag:s25], $0x1000  }
0x38a: {  	[sflag:s25] =	ssyncset.done $0x0  }
0x38b: {  	[sflag:s25] =	ssyncadd.s32 $0xFFFFF000  }
0x38c: {  	_ =	swait.ge [sflag:s25], $0x1000  }
0x38d: {  	[sflag:s25] =	ssyncset.done $0x0  }
0x38e: {  	[sflag:s25] =	ssyncadd.s32 $0xFFFFF000  }
0x38f: {  	_ =	swait.ge [sflag:s25], $0x1000  }
0x390: {  	[sflag:s25] =	ssyncset.done $0x0  }
0x391: {  	[sflag:s25] =	ssyncadd.s32 $0xFFFFF000  }
0x392: {  	_ =	swait.ge [sflag:s25], $0x1000  }
0x393: {  	[sflag:s25] =	ssyncset.done $0x0  }
0x394: {  	[sflag:s25] =	ssyncadd.s32 $0xFFFFF000  }
0x395: {  	_ =	swait.ge [sflag:s25], $0x1000  }
0x396: {  	[sflag:s25] =	ssyncset.done $0x0  }
0x397: {  	[sflag:s25] =	ssyncadd.s32 $0xFFFFF000  }
0x398: {  	_ =	swait.ge [sflag:s25], $0x1000  }
0x399: {  	[sflag:s25] =	ssyncset.done $0x0  }
0x39a: {  	[sflag:s25] =	ssyncadd.s32 $0xFFFFF000  }
0x39b: {  	_ =	swait.ge [sflag:s25], $0x1000  }
0x39c: {  	s19 =	sld [smem:$0x7F3];
	_ =	sdelay $0x1  }
0x39d: {  	[sflag:s25] =	ssyncset.done $0x0  }
0x39e: {  	s20 =	simm.s32 $0x4;
	[sflag:s25] =	ssyncadd.s32 $0xFFFFF000;
	s0 =	sand.u32 $0x7F, s19  }
0x39f: {  	_ =	swait.ge [sflag:s20], $0x2000;
	v56 =	vor.u32 s0, v1  }
0x3a0: {  	s22 =	sld [smem:$0x7F4];
	_ =	sdelay $0x1  }
0x3a1: {  	[sflag:s20] =	ssyncset.done $0x0  }
0x3a2: {  	[sflag:s20] =	ssyncadd.s32 $0xFFFFE000;
	s1 =	sand.u32 $0x7, s22  }
0x3a3: {  	s1 =	sshll.u32 s1, $0x7;
	v52 =	vld.idx.msk [tilespmem:v56+s30+$0x0], $0xffff  }
0x3a4: {  	v57 =	vor.u32 s1, v0;
	_ =	sdelay $0x3  }
0x3a5: {  	[tilespmem:v36+s23+$0x0] =	vst.idx.msk $0xffff, v52  }
0x3a6: {  	v52 =	vld.idx.msk [tilespmem:v57+s31+$0x0], $0xffff  }
0x3a7: {  	v58 =	vor.u32 s0, v3;
	_ =	sdelay $0x3  }
0x3a8: {  	[tilespmem:v36+s24+$0x0] =	vst.idx.msk $0xffff, v52  }
0x3a9: {  	v52 =	vld.idx.msk [tilespmem:v58+s30+$0x0], $0xffff  }
0x3aa: {  	v59 =	vor.u32 s1, v5;
	_ =	sdelay $0x1  }
0x3ab: {  	s28 =	sld [smem:$0x7F5];
	_ =	sdelay $0x1  }
0x3ac: {  	[tilespmem:v37+s23+$0x0] =	vst.idx.msk $0xffff, v52  }
0x3ad: {  	s0 =	sand.u32 $0x7F, s28;
	v52 =	vld.idx.msk [tilespmem:v59+s31+$0x0], $0xffff  }
0x3ae: {  	s29 =	sld [smem:$0x7F6];
	v60 =	vor.u32 s0, v6;
	_ =	sdelay $0x2  }
0x3af: {  	s1 =	sand.u32 $0x7, s29  }
0x3b0: {  	s1 =	sshll.u32 s1, $0x7;
	[tilespmem:v37+s24+$0x0] =	vst.idx.msk $0xffff, v52  }
0x3b1: {  	s1 =	sor.u32 $0x400, s1;
	v52 =	vld.idx.msk [tilespmem:v60+s30+$0x0], $0xffff  }
0x3b2: {  	v61 =	vor.u32 s1, v0;
	_ =	sdelay $0x3  }
0x3b3: {  	[tilespmem:v38+s23+$0x0] =	vst.idx.msk $0xffff, v52  }
0x3b4: {  	v52 =	vld.idx.msk [tilespmem:v61+s31+$0x0], $0xffff  }
0x3b5: {  	v62 =	vor.u32 s0, v7;
	_ =	sdelay $0x3  }
0x3b6: {  	[tilespmem:v38+s24+$0x0] =	vst.idx.msk $0xffff, v52  }
0x3b7: {  	v52 =	vld.idx.msk [tilespmem:v62+s30+$0x0], $0xffff  }
0x3b8: {  	v63 =	vor.u32 s1, v5;
	_ =	sdelay $0x1  }
0x3b9: {  	s2 =	sld [smem:$0x7F7];
	_ =	sdelay $0x1  }
0x3ba: {  	[tilespmem:v39+s23+$0x0] =	vst.idx.msk $0xffff, v52  }
0x3bb: {  	s0 =	sand.u32 $0x7F, s2;
	v52 =	vld.idx.msk [tilespmem:v63+s31+$0x0], $0xffff  }
0x3bc: {  	s5 =	sld [smem:$0x7F8];
	v56 =	vor.u32 s0, v8;
	_ =	sdelay $0x2  }
0x3bd: {  	s1 =	sand.u32 $0x7, s5  }
0x3be: {  	s1 =	sshll.u32 s1, $0x7;
	[tilespmem:v39+s24+$0x0] =	vst.idx.msk $0xffff, v52  }
0x3bf: {  	s1 =	sor.u32 $0x800, s1;
	v52 =	vld.idx.msk [tilespmem:v56+s30+$0x0], $0xffff  }
0x3c0: {  	v57 =	vor.u32 s1, v0;
	_ =	sdelay $0x3  }
0x3c1: {  	[tilespmem:v40+s23+$0x0] =	vst.idx.msk $0xffff, v52  }
0x3c2: {  	v52 =	vld.idx.msk [tilespmem:v57+s31+$0x0], $0xffff  }
0x3c3: {  	v58 =	vor.u32 s0, v9;
	_ =	sdelay $0x3  }
0x3c4: {  	[tilespmem:v40+s24+$0x0] =	vst.idx.msk $0xffff, v52  }
0x3c5: {  	v52 =	vld.idx.msk [tilespmem:v58+s30+$0x0], $0xffff  }
0x3c6: {  	v59 =	vor.u32 s1, v5;
	_ =	sdelay $0x1  }
0x3c7: {  	s6 =	sld [smem:$0x7F9];
	_ =	sdelay $0x1  }
0x3c8: {  	[tilespmem:v41+s23+$0x0] =	vst.idx.msk $0xffff, v52  }
0x3c9: {  	s0 =	sand.u32 $0x7F, s6;
	v52 =	vld.idx.msk [tilespmem:v59+s31+$0x0], $0xffff  }
0x3ca: {  	s7 =	sld [smem:$0x7FA];
	v60 =	vor.u32 s0, v10;
	_ =	sdelay $0x2  }
0x3cb: {  	s1 =	sand.u32 $0x7, s7  }
0x3cc: {  	s1 =	sshll.u32 s1, $0x7;
	[tilespmem:v41+s24+$0x0] =	vst.idx.msk $0xffff, v52  }
0x3cd: {  	s1 =	sor.u32 $0xC00, s1;
	v52 =	vld.idx.msk [tilespmem:v60+s30+$0x0], $0xffff  }
0x3ce: {  	v61 =	vor.u32 s1, v0;
	_ =	sdelay $0x3  }
0x3cf: {  	[tilespmem:v42+s23+$0x0] =	vst.idx.msk $0xffff, v52  }
0x3d0: {  	v52 =	vld.idx.msk [tilespmem:v61+s31+$0x0], $0xffff  }
0x3d1: {  	v62 =	vor.u32 s0, v11;
	_ =	sdelay $0x3  }
0x3d2: {  	[tilespmem:v42+s24+$0x0] =	vst.idx.msk $0xffff, v52  }
0x3d3: {  	v52 =	vld.idx.msk [tilespmem:v62+s30+$0x0], $0xffff  }
0x3d4: {  	v63 =	vor.u32 s1, v5;
	_ =	sdelay $0x1  }
0x3d5: {  	s8 =	sld [smem:$0x7FB];
	_ =	sdelay $0x1  }
0x3d6: {  	[tilespmem:v43+s23+$0x0] =	vst.idx.msk $0xffff, v52  }
0x3d7: {  	s0 =	sand.u32 $0x7F, s8;
	v52 =	vld.idx.msk [tilespmem:v63+s31+$0x0], $0xffff  }
0x3d8: {  	s9 =	sld [smem:$0x7FC];
	v56 =	vor.u32 s0, v12;
	_ =	sdelay $0x2  }
0x3d9: {  	s1 =	sand.u32 $0x7, s9  }
0x3da: {  	s1 =	sshll.u32 s1, $0x7;
	[tilespmem:v43+s24+$0x0] =	vst.idx.msk $0xffff, v52  }
0x3db: {  	s1 =	sor.u32 $0x1000, s1;
	v52 =	vld.idx.msk [tilespmem:v56+s30+$0x0], $0xffff  }
0x3dc: {  	v57 =	vor.u32 s1, v0;
	_ =	sdelay $0x3  }
0x3dd: {  	[tilespmem:v44+s23+$0x0] =	vst.idx.msk $0xffff, v52  }
0x3de: {  	v52 =	vld.idx.msk [tilespmem:v57+s31+$0x0], $0xffff  }
0x3df: {  	v58 =	vor.u32 s0, v13;
	_ =	sdelay $0x3  }
0x3e0: {  	[tilespmem:v44+s24+$0x0] =	vst.idx.msk $0xffff, v52  }
0x3e1: {  	v52 =	vld.idx.msk [tilespmem:v58+s30+$0x0], $0xffff  }
0x3e2: {  	v59 =	vor.u32 s1, v5;
	_ =	sdelay $0x3  }
0x3e3: {  	s10 =	rddreg [dreg:$0x1f];
	[tilespmem:v45+s23+$0x0] =	vst.idx.msk $0xffff, v52  }
0x3e4: {  	s0 =	sand.u32 $0x7F, s10;
	v52 =	vld.idx.msk [tilespmem:v59+s31+$0x0], $0xffff  }
0x3e5: {  	s12 =	sld [smem:$0x7FD];
	v60 =	vor.u32 s0, v14;
	_ =	sdelay $0x2  }
0x3e6: {  	s1 =	sand.u32 $0x7, s12  }
0x3e7: {  	s1 =	sshll.u32 s1, $0x7;
	[tilespmem:v45+s24+$0x0] =	vst.idx.msk $0xffff, v52  }
0x3e8: {  	s1 =	sor.u32 $0x1400, s1;
	v52 =	vld.idx.msk [tilespmem:v60+s30+$0x0], $0xffff  }
0x3e9: {  	v61 =	vor.u32 s1, v0;
	_ =	sdelay $0x3  }
0x3ea: {  	[tilespmem:v46+s23+$0x0] =	vst.idx.msk $0xffff, v52  }
0x3eb: {  	v52 =	vld.idx.msk [tilespmem:v61+s31+$0x0], $0xffff  }
0x3ec: {  	v62 =	vor.u32 s0, v15;
	_ =	sdelay $0x3  }
0x3ed: {  	[tilespmem:v46+s24+$0x0] =	vst.idx.msk $0xffff, v52  }
0x3ee: {  	v52 =	vld.idx.msk [tilespmem:v62+s30+$0x0], $0xffff  }
0x3ef: {  	v63 =	vor.u32 s1, v5;
	_ =	sdelay $0x3  }
0x3f0: {  	s15 =	rddreg [dreg:$0x1d];
	[tilespmem:v47+s23+$0x0] =	vst.idx.msk $0xffff, v52  }
0x3f1: {  	s0 =	sand.u32 $0x7F, s15;
	v52 =	vld.idx.msk [tilespmem:v63+s31+$0x0], $0xffff  }
0x3f2: {  	v56 =	vor.u32 s0, v16;
	_ =	sdelay $0x1  }
0x3f3: {  	s16 =	rddreg [dreg:$0x1e]  }
0x3f4: {  	s1 =	sand.u32 $0x7, s16  }
0x3f5: {  	s1 =	sshll.u32 s1, $0x7;
	[tilespmem:v47+s24+$0x0] =	vst.idx.msk $0xffff, v52  }
0x3f6: {  	s1 =	sor.u32 $0x1800, s1;
	v52 =	vld.idx.msk [tilespmem:v56+s30+$0x0], $0xffff  }
0x3f7: {  	v57 =	vor.u32 s1, v0;
	_ =	sdelay $0x3  }
0x3f8: {  	[tilespmem:v48+s23+$0x0] =	vst.idx.msk $0xffff, v52  }
0x3f9: {  	v52 =	vld.idx.msk [tilespmem:v57+s31+$0x0], $0xffff  }
0x3fa: {  	v58 =	vor.u32 s0, v17;
	_ =	sdelay $0x3  }
0x3fb: {  	[tilespmem:v48+s24+$0x0] =	vst.idx.msk $0xffff, v52  }
0x3fc: {  	v52 =	vld.idx.msk [tilespmem:v58+s30+$0x0], $0xffff  }
0x3fd: {  	v59 =	vor.u32 s1, v5;
	_ =	sdelay $0x3  }
0x3fe: {  	[tilespmem:v49+s23+$0x0] =	vst.idx.msk $0xffff, v52  }
0x3ff: {  	s17 =	sand.u32 $0x7F, s26;
	v52 =	vld.idx.msk [tilespmem:v59+s31+$0x0], $0xffff  }
0x400: {  	v60 =	vor.u32 s17, v18;
	_ =	sdelay $0x1  }
0x401: {  	s18 =	rddreg [dreg:$0x1c]  }
0x402: {  	s1 =	sand.u32 $0x7, s18  }
0x403: {  	s1 =	sshll.u32 s1, $0x7;
	[tilespmem:v49+s24+$0x0] =	vst.idx.msk $0xffff, v52  }
0x404: {  	s1 =	sor.u32 $0x1C00, s1;
	v52 =	vld.idx.msk [tilespmem:v60+s30+$0x0], $0xffff  }
0x405: {  	v61 =	vor.u32 s1, v0;
	_ =	sdelay $0x3  }
0x406: {  	[tilespmem:v50+s23+$0x0] =	vst.idx.msk $0xffff, v52  }
0x407: {  	v52 =	vld.idx.msk [tilespmem:v61+s31+$0x0], $0xffff  }
0x408: {  	v62 =	vor.u32 s17, v19;
	_ =	sdelay $0x3  }
0x409: {  	[tilespmem:v50+s24+$0x0] =	vst.idx.msk $0xffff, v52  }
0x40a: {  	v52 =	vld.idx.msk [tilespmem:v62+s30+$0x0], $0xffff  }
0x40b: {  	v63 =	vor.u32 s1, v5;
	_ =	sdelay $0x3  }
0x40c: {  	[tilespmem:v51+s23+$0x0] =	vst.idx.msk $0xffff, v52  }
0x40d: {  	v52 =	vld.idx.msk [tilespmem:v63+s31+$0x0], $0xffff;
	_ =	sdelay $0x3  }
0x40e: {  	s19 =	rddreg [dreg:$0x5]  }
0x40f: {  	s20 =	simm.s32 $0x1000;
	s22 =	simm.s32 $0x20000;
	s1 =	simm.s32 $0x5;
	[tilespmem:v51+s24+$0x0] =	vst.idx.msk $0xffff, v52  }
0x410: {  	[hbm4b:s19+s20] =	stream.strided.scatter [tilespmem:s23], [sflag:$0x5], $0x4000, s22, s20, $0x38;
	[tilespmem:$0x1C400] =	vst v63  }
0x411: {  	_ =	swait.ge [sflag:s1], $0x4000  }
0x412: {  	[sflag:s1] =	ssyncset.done $0x0  }
0x413: {  	s26 =	rddreg [dreg:$0x8];
	[sflag:s1] =	ssyncadd.s32 $0xFFFFC000  }
0x414: {  	[hbm4b:s26+s20] =	stream.strided.scatter [tilespmem:s24], [sflag:$0x5], $0x4000, s22, s20, $0x38;
	[tilespmem:$0x1C400] =	vst v63  }
0x415: {  	_ =	swait.ge [sflag:s1], $0x4000  }
0x416: {  	s28 =	rddreg [dreg:$0xa]  }
0x417: {  	s29 =	rddreg [dreg:$0x9];
	s2 =	sadd.s32 $0x1, s28  }
0x418: {  	s5 =	simm.s32 $0x1400;
	s6 =	simm.s32 $0x10800;
	p0 =	sne.s32 s2, s29  }
.Ltmp1:
0x419: {  	s7 =	simm.s32 $0x2400;
	s8 =	simm.s32 $0x10C00;
	(pc) =	sbr.rel @p0 .LBB2_1-.Ltmp1, $4  }
0x41a: {  	s9 =	simm.s32 $0x3400;
	s10 =	simm.s32 $0x11000;
	s12 =	simm.s32 $0x4400  }
0x41b: {  	s15 =	simm.s32 $0x11400;
	s16 =	simm.s32 $0x5400;
	s18 =	simm.s32 $0x6400  }
0x41c: {  	s17 =	simm.s32 $0x11800;
	s19 =	simm.s32 $0x11C00;
	[sflag:s1] =	ssyncset.done $0x0  }
0x41d: {  	s20 =	simm.s32 $0x7400;
	s22 =	simm.s32 $0x12000;
	[sflag:s1] =	ssyncadd.s32 $0xFFFFC000  }
0x41e: {  	_ =	sfence.sel $0x180000  }
0x41f: {  	[bflag:$0x0] =	sbarrier.arrive $0xFFFF  }
0x420: {  	_ =	strace $0x90000047  }
0x421: {  	s0 =	stileid.u32;
	[bflag:$0x2] =	sbarrier.arrive $0xFFFF  }
0x422: {  	p0 =	sne.s32 s0, $0x0;
	s0 =	rddreg [dreg:$0x4]  }
0x423: {  	s0 =	sadd.s32 @!p0 $0x100000, s0  }
0x424: {  	[sflag:s0] =	ssyncadd.tile.s32 @!p0 $0x1;
	_ =	shalt  }
.Lfunc_end2:
_tile_overlayer_lowered:
.L_overlay_start_2:
0x425: {  	(tag) =	ssettag $0x2  }
0x426: {  	s0 =	rddreg [dreg:$0x0];
	s2 =	stileid.u32  }
0x427: {  	s1 =	rddreg [dreg:$0x1];
	p0 =	sne.s32 s2, $0x0  }
0x428: {  	s3 =	rddreg [dreg:$0x2];
	[bflag:$0x3] =	sbarrier.arrive $0xFFFF;
	s2 =	simm.s32 @!p0 $0x1C05  }
0x429: {  	[timem:s3], [sflag:s2] =	dma.local @!p0 [hbm:s0], s1  }
0x42a: {  	s0 =	simm.s32 @!p0 $0x5  }
0x42b: {  	_ =	swait.ge @!p0 [sflag:s0], s1  }
0x42c: {  	s1 =	ssub.s32 @!p0 $0x0, s1;
	[sflag:s0] =	ssyncset.done @!p0 $0x0  }
0x42d: {  	[sflag:s0] =	ssyncadd.s32 @!p0 s1  }
0x42e: {  	[bflag:$0x3] =	sbarrier.arrive $0xFFFF  }
0x42f: {  	_ =	shalt  }

</sc_bundles>
